<compile_context>
chip_gen: v7x
topology: tpu7x:2x2x1
jax: 0.10.2.dev20260603
libtpu: 0.0.44.dev20260713+nightly
codegen_flags: <defaults>
</compile_context>

<pallas_src>
import math

import jax
import jax.numpy as jnp
from jax import lax
from jax.experimental import pallas as pl
from jax.experimental.pallas import tpu as pltpu
from jax.experimental.pallas import tpu_sc as plsc

N = 10000
F = 128
H = 128
C = 40
E = 320000
K = 20
NP = 10112
RPT = NP // 16
CH = 112
EPT = 21504
EPAD = EPT * 16
NG = 12
FW = 128
_CHUNKS = [(i * CH, min(CH, RPT - i * CH)) for i in range((RPT + CH - 1) // CH)]


def _coef_table():
    import numpy as np
    t = np.zeros((16, 128), np.float32)
    for k in range(K + 1):
        if k % 2 == 0:
            s = float((-1) ** (k // 2))
            co = 48 * (k // 16)
            t[k % 16, co + 0:co + 16] = s * 3.0 ** k / math.factorial(k)
            t[k % 16, co + 16:co + 32] = s * 2.0 ** k / math.factorial(k)
            t[k % 16, co + 32:co + 48] = s * 1.0 ** k / math.factorial(k)
    return jnp.asarray(t)


def _sc_deg_body(dstp, deg_out, dbuf, onesb, stg, degslab):
    c = lax.axis_index("c")
    w = lax.axis_index("s")
    row0 = w * RPT
    zero16 = jnp.zeros((16,), jnp.float32)
    one16 = jnp.ones((16,), jnp.float32)

    def _fill(i, _):
        for v in range(8):
            onesb[i, pl.ds(16 * v, 16)] = one16
            stg[i, pl.ds(16 * v, 16)] = zero16
        return 0
    lax.fori_loop(0, 128, _fill, 0)

    for base, nr in _CHUNKS:
        pltpu.sync_copy(stg.at[pl.ds(0, nr)],
                        degslab.at[pl.ds(row0 + base, nr)])
    plsc.subcore_barrier()

    def _group(g, _):
        gg = (w * NG + g) * 32 + 16
        pltpu.sync_copy(dstp.at[pl.ds(gg, 16)], dbuf)

        def _chunk(j, _):
            pltpu.sync_copy(onesb.at[pl.ds(0, CH)], degslab.at[dbuf.at[j]],
                            add=True)
            return 0
        lax.fori_loop(0, 16, _chunk, 0)
        return 0
    lax.fori_loop(0, NG, _group, 0)
    plsc.subcore_barrier()

    @pl.when(c == 0)
    def _():
        for base, nr in _CHUNKS:
            pltpu.sync_copy(degslab.at[pl.ds(row0 + base, nr)],
                            stg.at[pl.ds(0, nr)])
            pltpu.sync_copy(stg.at[pl.ds(0, nr)],
                            deg_out.at[pl.ds(row0 + base, nr)])


def _sc_deg(dstp):
    mesh = plsc.VectorSubcoreMesh(core_axis_name="c", subcore_axis_name="s")
    return pl.kernel(
        _sc_deg_body,
        out_type=jax.ShapeDtypeStruct((NP, FW), jnp.float32),
        mesh=mesh,
        scratch_types=[
            pltpu.VMEM((16, CH), jnp.int32),
            pltpu.VMEM((128, FW), jnp.float32),
            pltpu.VMEM((128, FW), jnp.float32),
            pltpu.VMEM_SHARED((NP, FW), jnp.float32),
        ],
    )(dstp)


def _tc1_body(x_ref, w0_ref, b0_ref, deg_ref, us_ref, acc_ref):
    z = lax.dot_general(x_ref[...], w0_ref[...], (((1,), (1,)), ((), ())),
                        preferred_element_type=jnp.float32) + b0_ref[...]
    d = jnp.maximum(deg_ref[:, 0:1], 1.0)
    dinv = lax.rsqrt(d)
    rdeg = jnp.broadcast_to(1.0 / d, (NP, 16))
    dinvr = jnp.broadcast_to(dinv, (NP, 16))
    zeros48 = jnp.zeros((NP, 48), jnp.float32)
    zeros16 = jnp.zeros((NP, 16), jnp.float32)
    for h, sl in ((0, slice(0, 64)), (1, slice(64, 128))):
        zh = z[:, sl] * dinv
        us_ref[h * NP:(h + 1) * NP, 0:64] = zh
        us_ref[h * NP:(h + 1) * NP, 64:80] = dinvr
        us_ref[h * NP:(h + 1) * NP, 80:128] = zeros48
        acc_ref[h * NP:(h + 1) * NP, 0:64] = zh
        acc_ref[h * NP:(h + 1) * NP, 64:80] = dinvr
        acc_ref[h * NP:(h + 1) * NP, 80:96] = dinvr
        acc_ref[h * NP:(h + 1) * NP, 96:112] = rdeg
        acc_ref[h * NP:(h + 1) * NP, 112:128] = zeros16


def _tc1(x_pad, W0, b0r, degrep):
    full = lambda shape: pl.BlockSpec(shape, lambda: tuple(0 for _ in shape))
    return pl.pallas_call(
        _tc1_body,
        in_specs=[full((NP, F)), full((H, F)), full((1, H)), full((NP, FW))],
        out_specs=[full((2 * NP, FW)), full((2 * NP, FW))],
        out_shape=[
            jax.ShapeDtypeStruct((2 * NP, FW), jnp.float32),
            jax.ShapeDtypeStruct((2 * NP, FW), jnp.float32),
        ],
    )(x_pad, W0, b0r, degrep)


def _sc_body(usinit, accinit, ixp, ctab,
             acc_out, us,
             ibuf, b0, b1, b2, ctb,
             outslab, sem, sg0, sg1, sg2, ss0, ss1, ss2):
    c = lax.axis_index("c")
    w = lax.axis_index("s")
    row0 = w * RPT
    zero16 = jnp.zeros((16,), jnp.float32)

    pltpu.sync_copy(ctab, ctb)

    for base, nr in _CHUNKS:
        pltpu.sync_copy(usinit.at[pl.ds(c * NP + row0 + base, nr)],
                        b0.at[pl.ds(0, nr)])
        pltpu.sync_copy(b0.at[pl.ds(0, nr)],
                        us.at[pl.ds(c * NP + row0 + base, nr)])
        pltpu.sync_copy(accinit.at[pl.ds(c * NP + row0 + base, nr)],
                        b1.at[pl.ds(0, nr)])
        pltpu.sync_copy(b1.at[pl.ds(0, nr)],
                        acc_out.at[pl.ds(c * NP + row0 + base, nr)])

    def _prop(k, _):
        def _zrow(i, _):
            for v in range(8):
                b0[i, pl.ds(16 * v, 16)] = zero16
            return 0
        lax.fori_loop(0, CH, _zrow, 0)
        for base, nr in _CHUNKS:
            pltpu.async_copy(b0.at[pl.ds(0, nr)],
                             outslab.at[pl.ds(row0 + base, nr)], sem)
        for base, nr in _CHUNKS:
            pltpu.make_async_copy(b0.at[pl.ds(0, nr)],
                                  outslab.at[pl.ds(row0 + base, nr)], sem).wait()
        plsc.subcore_barrier()

        def _g(sidx, j, buf, gsem):
            pltpu.async_copy(us.at[sidx.at[j]], buf, gsem)

        def _wg(sidx, buf, gsem):
            pltpu.make_async_copy(us.at[sidx.at[0]], buf, gsem).wait()

        def _s(didx, j, buf, ssem):
            pltpu.async_copy(buf, outslab.at[didx.at[16 + j]], ssem, add=True)

        def _ws(didx, buf, ssem):
            pltpu.make_async_copy(buf, outslab.at[didx.at[16]], ssem).wait()

        coff = c * NP

        def _group(g, _):
            gg = (w * NG + g) * 32
            pltpu.sync_copy(ixp.at[pl.ds(gg, 32)], ibuf)

            def _adjrow(i, _):
                for v in range(7):
                    ibuf[i, pl.ds(16 * v, 16)] = ibuf[i, pl.ds(16 * v, 16)] + coff
                return 0
            lax.fori_loop(0, 16, _adjrow, 0)

            _g(ibuf, 0, b0, sg0)
            _g(ibuf, 1, b1, sg1)
            _wg(ibuf, b0, sg0)
            _s(ibuf, 0, b0, ss0)
            _g(ibuf, 2, b2, sg2)
            _wg(ibuf, b1, sg1)
            _s(ibuf, 1, b1, ss1)
            _ws(ibuf, b0, ss0)
            _g(ibuf, 3, b0, sg0)

            def _tri(t, _):
                j = 3 * t + 2
                _wg(ibuf, b2, sg2)
                _s(ibuf, j, b2, ss2)
                _ws(ibuf, b1, ss1)
                _g(ibuf, j + 2, b1, sg1)
                _wg(ibuf, b0, sg0)
                _s(ibuf, j + 1, b0, ss0)
                _ws(ibuf, b2, ss2)
                _g(ibuf, j + 3, b2, sg2)
                _wg(ibuf, b1, sg1)
                _s(ibuf, j + 2, b1, ss1)
                _ws(ibuf, b0, ss0)
                _g(ibuf, j + 4, b0, sg0)
                return 0
            lax.fori_loop(0, 4, _tri, 0)
            _wg(ibuf, b2, sg2)
            _s(ibuf, 14, b2, ss2)
            _ws(ibuf, b1, ss1)
            _wg(ibuf, b0, sg0)
            _s(ibuf, 15, b0, ss0)
            _ws(ibuf, b2, ss2)
            _ws(ibuf, b0, ss0)
            return 0
        lax.fori_loop(0, NG, _group, 0)
        plsc.subcore_barrier()

        rowk = k % 16
        co = (k // 16) * 48
        c3v = ctb[rowk, pl.ds(co, 16)]
        c2v = ctb[rowk, pl.ds(co + 16, 16)]
        c1v = ctb[rowk, pl.ds(co + 32, 16)]
        for base, nr in _CHUNKS:
            pltpu.async_copy(outslab.at[pl.ds(row0 + base, nr)],
                             b0.at[pl.ds(0, nr)], sg0)
            pltpu.async_copy(acc_out.at[pl.ds(c * NP + row0 + base, nr)],
                             b1.at[pl.ds(0, nr)], sg1)
            pltpu.make_async_copy(outslab.at[pl.ds(row0 + base, nr)],
                                  b0.at[pl.ds(0, nr)], sg0).wait()
            pltpu.make_async_copy(acc_out.at[pl.ds(c * NP + row0 + base, nr)],
                                  b1.at[pl.ds(0, nr)], sg1).wait()

            def _post_row(r, _):
                rv = b1[r, pl.ds(96, 16)]
                for v in range(4):
                    t = b0[r, pl.ds(16 * v, 16)] * rv
                    b0[r, pl.ds(16 * v, 16)] = t
                    b1[r, pl.ds(16 * v, 16)] = b1[r, pl.ds(16 * v, 16)] + c3v * t
                t = b0[r, pl.ds(64, 16)] * rv
                b0[r, pl.ds(64, 16)] = t
                b1[r, pl.ds(64, 16)] = b1[r, pl.ds(64, 16)] + c2v * t
                b1[r, pl.ds(80, 16)] = b1[r, pl.ds(80, 16)] + c1v * t
                return 0
            lax.fori_loop(0, nr, _post_row, 0)
            pltpu.async_copy(b0.at[pl.ds(0, nr)],
                             us.at[pl.ds(c * NP + row0 + base, nr)], ss0)
            pltpu.async_copy(b1.at[pl.ds(0, nr)],
                             acc_out.at[pl.ds(c * NP + row0 + base, nr)], ss1)
            pltpu.make_async_copy(b0.at[pl.ds(0, nr)],
                                  us.at[pl.ds(c * NP + row0 + base, nr)], ss0).wait()
            pltpu.make_async_copy(b1.at[pl.ds(0, nr)],
                                  acc_out.at[pl.ds(c * NP + row0 + base, nr)], ss1).wait()
        return 0
    lax.fori_loop(1, K + 1, _prop, 0)


def _sc_call(usinit, accinit, ixp, ctab):
    mesh = plsc.VectorSubcoreMesh(core_axis_name="c", subcore_axis_name="s")
    f32 = jnp.float32
    return pl.kernel(
        _sc_body,
        out_type=(
            jax.ShapeDtypeStruct((2 * NP, FW), f32),
            jax.ShapeDtypeStruct((2 * NP, FW), f32),
        ),
        mesh=mesh,
        scratch_types=[
            pltpu.VMEM((32, CH), jnp.int32),
            pltpu.VMEM((CH, FW), f32),
            pltpu.VMEM((CH, FW), f32),
            pltpu.VMEM((CH, FW), f32),
            pltpu.VMEM((16, 128), f32),
            pltpu.VMEM_SHARED((NP, FW), f32),
            pltpu.SemaphoreType.DMA,
            pltpu.SemaphoreType.DMA,
            pltpu.SemaphoreType.DMA,
            pltpu.SemaphoreType.DMA,
            pltpu.SemaphoreType.DMA,
            pltpu.SemaphoreType.DMA,
            pltpu.SemaphoreType.DMA,
        ],
    )(usinit, accinit, ixp, ctab)


def _tc2_body(a0_ref, a1_ref, W1_ref, W2_ref, b1_ref, b2_ref,
              Wm0_ref, bm0_ref, Wm1_ref, bm1_ref, Wm2_ref, bm2_ref,
              Wm3_ref, bm3_ref, out_ref):
    dg = lambda a, b: lax.dot_general(a, b, (((1,), (1,)), ((), ())),
                                      preferred_element_type=jnp.float32)
    a0 = a0_ref[...]
    a1 = a1_ref[...]
    sq = lax.rsqrt(a0[:, 96:97])
    S = jnp.concatenate([a0[:, 0:64], a1[:, 0:64]], axis=1) * sq
    h = dg(dg(S, W1_ref[...]), W2_ref[...])
    w2b1 = dg(b1_ref[...], W2_ref[...])
    h = h + (a0[:, 64:65] * sq) * w2b1 + (a0[:, 80:81] * sq) * b2_ref[...]
    h = jnp.maximum(dg(h, Wm0_ref[...]) + bm0_ref[...], 0.0)
    h = jnp.maximum(dg(h, Wm1_ref[...]) + bm1_ref[...], 0.0)
    h = jnp.maximum(dg(h, Wm2_ref[...]) + bm2_ref[...], 0.0)
    lg = dg(h, Wm3_ref[...]) + bm3_ref[...]
    m = jnp.max(lg, axis=1, keepdims=True)
    s = jnp.sum(jnp.exp(lg - m), axis=1, keepdims=True)
    out_ref[...] = lg - m - jnp.log(s)


def _tc2(a0, a1, W1, W2, b1r, b2r, Wm0, bm0r, Wm1, bm1r, Wm2, bm2r, Wm3, bm3r):
    full = lambda shape: pl.BlockSpec(shape, lambda i: tuple(0 for _ in shape))
    return pl.pallas_call(
        _tc2_body,
        grid=(25,),
        in_specs=[
            pl.BlockSpec((400, FW), lambda i: (i, 0)),
            pl.BlockSpec((400, FW), lambda i: (i, 0)),
            full((H, H)), full((H, H)), full((1, H)), full((1, H)),
            full((H, H)), full((1, H)), full((H, H)), full((1, H)),
            full((H, H)), full((1, H)), full((C, H)), full((1, C)),
        ],
        out_specs=pl.BlockSpec((400, C), lambda i: (i, 0)),
        out_shape=jax.ShapeDtypeStruct((N, C), jnp.float32),
    )(a0, a1, W1, W2, b1r, b2r, Wm0, bm0r, Wm1, bm1r, Wm2, bm2r, Wm3, bm3r)


def kernel(x_in, edge_index, Wc0, bc0, Wc1, bc1, Wc2, bc2,
           Wm0, bm0, Wm1, bm1, Wm2, bm2, Wm3, bm3):
    f32 = jnp.float32
    src = edge_index[0]
    dst = edge_index[1]
    npad = EPAD - E
    pad_src = (jnp.arange(npad, dtype=jnp.int32) * 1009) % N
    pad_dst = N + (jnp.arange(npad, dtype=jnp.int32) % 16)
    srcp = jnp.concatenate([src, pad_src]).reshape(EPAD // (16 * CH), 16, CH)
    dstp = jnp.concatenate([dst, pad_dst]).reshape(EPAD // (16 * CH), 16, CH)
    ixp = jnp.concatenate([srcp, dstp], axis=1).reshape(2 * EPAD // CH, CH)

    degrep = _sc_deg(ixp)

    x_pad = jnp.concatenate([x_in, jnp.zeros((NP - N, F), f32)], axis=0)
    usinit, accinit = _tc1(x_pad, Wc0, bc0.reshape(1, H), degrep)

    ctab = _coef_table()
    acc, _ = _sc_call(usinit, accinit, ixp, ctab)

    out = _tc2(acc[0:NP], acc[NP:2 * NP],
               Wc1, Wc2, bc1.reshape(1, H), bc2.reshape(1, H),
               Wm0, bm0.reshape(1, H), Wm1, bm1.reshape(1, H),
               Wm2, bm2.reshape(1, H), Wm3, bm3.reshape(1, C))
    return out

# --- scband reference (transcript-rebuilt; emitter-appended) ---
"""Pipeline reference for scband-unitary-gcn-62457414418476 (READ-ONLY COPY).

The authoritative reference and input builder live on the scoring server;
editing this copy changes nothing except your own understanding.
"""

import jax, jax.numpy as jnp
import numpy as np

N = 10000
F = 128
H = 128
C = 40
E = 320000
T = 20


def _lin(k, din, dout):
    kw, kb = jax.random.split(k)
    W = jax.random.normal(kw, (dout, din), dtype=jnp.float32) / jnp.sqrt(float(din))
    b = jnp.zeros((dout,), dtype=jnp.float32)
    return W, b


def setup_inputs(seed: int = 0):
    key = jax.random.key(seed)
    ks = jax.random.split(key, 10)
    x_in = jax.random.normal(ks[0], (N, F), dtype=jnp.float32)
    edge_index = jax.random.randint(ks[1], (2, E), 0, N, dtype=jnp.int32)
    Wc0, bc0 = _lin(ks[2], F, H)
    Wc1, bc1 = _lin(ks[3], H, H)
    Wc2, bc2 = _lin(ks[4], H, H)
    Wm0, bm0 = _lin(ks[5], H, H)
    Wm1, bm1 = _lin(ks[6], H, H)
    Wm2, bm2 = _lin(ks[7], H, H)
    Wm3, bm3 = _lin(ks[8], H, C)
    return {"x_in": x_in, "edge_index": edge_index,
            "Wc0": Wc0, "bc0": bc0, "Wc1": Wc1, "bc1": bc1, "Wc2": Wc2, "bc2": bc2,
            "Wm0": Wm0, "bm0": bm0, "Wm1": Wm1, "bm1": bm1,
            "Wm2": Wm2, "bm2": bm2, "Wm3": Wm3, "bm3": bm3}


def reference(x_in, edge_index, Wc0, bc0, Wc1, bc1, Wc2, bc2,
              Wm0, bm0, Wm1, bm1, Wm2, bm2, Wm3, bm3):
    src = edge_index[0]
    dst = edge_index[1]
    deg = jax.ops.segment_sum(jnp.ones((E,), jnp.float32), dst, num_segments=N)
    deg = jnp.maximum(deg, 1.0)
    dinv = 1.0 / jnp.sqrt(deg)
    norm = dinv[src] * dinv[dst]

    def prop(h):
        # symmetric-normalized adjacency message passing (gather + scatter-add)
        return jax.ops.segment_sum(h[src] * norm[:, None], dst, num_segments=N)

    def unitary_layer(xr, xi, W, b):
        # complex linear with real weights; bias adds to real part
        hr = xr @ W.T + b
        hi = xi @ W.T
        # unitary propagation exp(i * A_hat) h via truncated Taylor series (T terms)
        out_r, out_i = hr, hi
        tr, ti = hr, hi
        for t in range(1, T + 1):
            ar = prop(tr)
            ai = prop(ti)
            tr = -ai / float(t)
            ti = ar / float(t)
            out_r = out_r + tr
            out_i = out_i + ti
        return out_r, out_i

    xr = x_in
    xi = jnp.zeros_like(x_in)
    for (W, b) in ((Wc0, bc0), (Wc1, bc1), (Wc2, bc2)):
        xr, xi = unitary_layer(xr, xi, W, b)

    h = xr  # take real part
    h = jax.nn.relu(h @ Wm0.T + bm0)
    h = jax.nn.relu(h @ Wm1.T + bm1)
    h = jax.nn.relu(h @ Wm2.T + bm2)
    logits = h @ Wm3.T + bm3
    return jax.nn.log_softmax(logits, axis=1)

if __name__ == "__main__":
    import jax
    _d = setup_inputs()
    print(jax.jit(kernel)(*tuple(_d.values())))

</pallas_src>

<mosaic_0001>
#map = affine_map<(d0, d1) -> (0, 0)>
module attributes {stable_mosaic.version = 14 : i64} {
  func.func @_sc_deg_body(%arg0: i32, %arg1: i32, %arg2: memref<6144x112xi32, #tpu.memory_space<hbm>>, %arg3: memref<10112x128xf32, #tpu.memory_space<hbm>>, %arg4: memref<16x112xi32, #tpu.memory_space<vmem>>, %arg5: memref<128x128xf32, #tpu.memory_space<vmem>>, %arg6: memref<128x128xf32, #tpu.memory_space<vmem>>, %arg7: memref<10112x128xf32, #tpu.memory_space<vmem_shared>>) attributes {dimension_semantics = [#tpu.dimension_semantics<core_parallel>, #tpu.dimension_semantics<subcore_parallel>], iteration_bounds = array<i64: 2, 16>, scalar_prefetch = 0 : i64, scratch_operands = 4 : i64, tpu.core_type = #tpu.core_type<sc_vector_subcore>, window_params = [{transform_indices = #map}, {transform_indices = #map}]} {
    %mul3A = arith.constant 632 : i32
    %mul3A_0 = arith.muli %arg1, %mul3A : i32
    %broadcast_in_dim3A = arith.constant 0.000000e+00 : f32
    %broadcast_in_dim3A_1 = vector.broadcast %broadcast_in_dim3A : f32 to vector<16xf32>
    %broadcast_in_dim3A_2 = arith.constant 1.000000e+00 : f32
    %broadcast_in_dim3A_3 = vector.broadcast %broadcast_in_dim3A_2 : f32 to vector<16xf32>
    %scan3A = arith.constant 0 : i32
    %scan3A_4 = arith.constant 0 : i32
    %scan3A_5 = arith.constant 128 : i32
    %scan3A_6 = arith.addi %scan3A_4, %scan3A_5 : i32
    %scan3A_7 = arith.constant 1 : i32
    %scan3A_8 = scf.for %scan3A_31 = %scan3A_4 to %scan3A_6 step %scan3A_7 iter_args(%scan3A_32 = %scan3A) -> (i32)  : i32 {
      %swap3A = arith.index_cast %scan3A_31 : i32 to index
      %swap3A_33 = arith.constant 0 : index
      %swap3A_34 = tpu.vector_load %arg5[%swap3A, %swap3A_33] {strides = array<i32>} : memref<128x128xf32, #tpu.memory_space<vmem>>, vector<1x16xf32>,
      %swap3A_35 = vector.shape_cast %swap3A_34 : vector<1x16xf32> to vector<16xf32>
      %swap3A_36 = vector.shape_cast %broadcast_in_dim3A_3 : vector<16xf32> to vector<1x16xf32>
      tpu.vector_store %arg5[%swap3A, %swap3A_33], %swap3A_36 {strides = array<i32>} : memref<128x128xf32, #tpu.memory_space<vmem>>, vector<1x16xf32>,
      %swap3A_37 = arith.index_cast %scan3A_31 : i32 to index
      %swap3A_38 = arith.constant 0 : index
      %swap3A_39 = tpu.vector_load %arg6[%swap3A_37, %swap3A_38] {strides = array<i32>} : memref<128x128xf32, #tpu.memory_space<vmem>>, vector<1x16xf32>,
      %swap3A_40 = vector.shape_cast %swap3A_39 : vector<1x16xf32> to vector<16xf32>
      %swap3A_41 = vector.shape_cast %broadcast_in_dim3A_1 : vector<16xf32> to vector<1x16xf32>
      tpu.vector_store %arg6[%swap3A_37, %swap3A_38], %swap3A_41 {strides = array<i32>} : memref<128x128xf32, #tpu.memory_space<vmem>>, vector<1x16xf32>,
      %swap3A_42 = arith.index_cast %scan3A_31 : i32 to index
      %swap3A_43 = arith.constant 16 : index
      %swap3A_44 = tpu.vector_load %arg5[%swap3A_42, %swap3A_43] {strides = array<i32>} : memref<128x128xf32, #tpu.memory_space<vmem>>, vector<1x16xf32>,
      %swap3A_45 = vector.shape_cast %swap3A_44 : vector<1x16xf32> to vector<16xf32>
      %swap3A_46 = vector.shape_cast %broadcast_in_dim3A_3 : vector<16xf32> to vector<1x16xf32>
      tpu.vector_store %arg5[%swap3A_42, %swap3A_43], %swap3A_46 {strides = array<i32>} : memref<128x128xf32, #tpu.memory_space<vmem>>, vector<1x16xf32>,
      %swap3A_47 = arith.index_cast %scan3A_31 : i32 to index
      %swap3A_48 = arith.constant 16 : index
      %swap3A_49 = tpu.vector_load %arg6[%swap3A_47, %swap3A_48] {strides = array<i32>} : memref<128x128xf32, #tpu.memory_space<vmem>>, vector<1x16xf32>,
      %swap3A_50 = vector.shape_cast %swap3A_49 : vector<1x16xf32> to vector<16xf32>
      %swap3A_51 = vector.shape_cast %broadcast_in_dim3A_1 : vector<16xf32> to vector<1x16xf32>
      tpu.vector_store %arg6[%swap3A_47, %swap3A_48], %swap3A_51 {strides = array<i32>} : memref<128x128xf32, #tpu.memory_space<vmem>>, vector<1x16xf32>,
      %swap3A_52 = arith.index_cast %scan3A_31 : i32 to index
      %swap3A_53 = arith.constant 32 : index
      %swap3A_54 = tpu.vector_load %arg5[%swap3A_52, %swap3A_53] {strides = array<i32>} : memref<128x128xf32, #tpu.memory_space<vmem>>, vector<1x16xf32>,
      %swap3A_55 = vector.shape_cast %swap3A_54 : vector<1x16xf32> to vector<16xf32>
      %swap3A_56 = vector.shape_cast %broadcast_in_dim3A_3 : vector<16xf32> to vector<1x16xf32>
      tpu.vector_store %arg5[%swap3A_52, %swap3A_53], %swap3A_56 {strides = array<i32>} : memref<128x128xf32, #tpu.memory_space<vmem>>, vector<1x16xf32>,
      %swap3A_57 = arith.index_cast %scan3A_31 : i32 to index
      %swap3A_58 = arith.constant 32 : index
      %swap3A_59 = tpu.vector_load %arg6[%swap3A_57, %swap3A_58] {strides = array<i32>} : memref<128x128xf32, #tpu.memory_space<vmem>>, vector<1x16xf32>,
      %swap3A_60 = vector.shape_cast %swap3A_59 : vector<1x16xf32> to vector<16xf32>
      %swap3A_61 = vector.shape_cast %broadcast_in_dim3A_1 : vector<16xf32> to vector<1x16xf32>
      tpu.vector_store %arg6[%swap3A_57, %swap3A_58], %swap3A_61 {strides = array<i32>} : memref<128x128xf32, #tpu.memory_space<vmem>>, vector<1x16xf32>,
      %swap3A_62 = arith.index_cast %scan3A_31 : i32 to index
      %swap3A_63 = arith.constant 48 : index
      %swap3A_64 = tpu.vector_load %arg5[%swap3A_62, %swap3A_63] {strides = array<i32>} : memref<128x128xf32, #tpu.memory_space<vmem>>, vector<1x16xf32>,
      %swap3A_65 = vector.shape_cast %swap3A_64 : vector<1x16xf32> to vector<16xf32>
      %swap3A_66 = vector.shape_cast %broadcast_in_dim3A_3 : vector<16xf32> to vector<1x16xf32>
      tpu.vector_store %arg5[%swap3A_62, %swap3A_63], %swap3A_66 {strides = array<i32>} : memref<128x128xf32, #tpu.memory_space<vmem>>, vector<1x16xf32>,
      %swap3A_67 = arith.index_cast %scan3A_31 : i32 to index
      %swap3A_68 = arith.constant 48 : index
      %swap3A_69 = tpu.vector_load %arg6[%swap3A_67, %swap3A_68] {strides = array<i32>} : memref<128x128xf32, #tpu.memory_space<vmem>>, vector<1x16xf32>,
      %swap3A_70 = vector.shape_cast %swap3A_69 : vector<1x16xf32> to vector<16xf32>
      %swap3A_71 = vector.shape_cast %broadcast_in_dim3A_1 : vector<16xf32> to vector<1x16xf32>
      tpu.vector_store %arg6[%swap3A_67, %swap3A_68], %swap3A_71 {strides = array<i32>} : memref<128x128xf32, #tpu.memory_space<vmem>>, vector<1x16xf32>,
      %swap3A_72 = arith.index_cast %scan3A_31 : i32 to index
      %swap3A_73 = arith.constant 64 : index
      %swap3A_74 = tpu.vector_load %arg5[%swap3A_72, %swap3A_73] {strides = array<i32>} : memref<128x128xf32, #tpu.memory_space<vmem>>, vector<1x16xf32>,
      %swap3A_75 = vector.shape_cast %swap3A_74 : vector<1x16xf32> to vector<16xf32>
      %swap3A_76 = vector.shape_cast %broadcast_in_dim3A_3 : vector<16xf32> to vector<1x16xf32>
      tpu.vector_store %arg5[%swap3A_72, %swap3A_73], %swap3A_76 {strides = array<i32>} : memref<128x128xf32, #tpu.memory_space<vmem>>, vector<1x16xf32>,
      %swap3A_77 = arith.index_cast %scan3A_31 : i32 to index
      %swap3A_78 = arith.constant 64 : index
      %swap3A_79 = tpu.vector_load %arg6[%swap3A_77, %swap3A_78] {strides = array<i32>} : memref<128x128xf32, #tpu.memory_space<vmem>>, vector<1x16xf32>,
      %swap3A_80 = vector.shape_cast %swap3A_79 : vector<1x16xf32> to vector<16xf32>
      %swap3A_81 = vector.shape_cast %broadcast_in_dim3A_1 : vector<16xf32> to vector<1x16xf32>
      tpu.vector_store %arg6[%swap3A_77, %swap3A_78], %swap3A_81 {strides = array<i32>} : memref<128x128xf32, #tpu.memory_space<vmem>>, vector<1x16xf32>,
      %swap3A_82 = arith.index_cast %scan3A_31 : i32 to index
      %swap3A_83 = arith.constant 80 : index
      %swap3A_84 = tpu.vector_load %arg5[%swap3A_82, %swap3A_83] {strides = array<i32>} : memref<128x128xf32, #tpu.memory_space<vmem>>, vector<1x16xf32>,
      %swap3A_85 = vector.shape_cast %swap3A_84 : vector<1x16xf32> to vector<16xf32>
      %swap3A_86 = vector.shape_cast %broadcast_in_dim3A_3 : vector<16xf32> to vector<1x16xf32>
      tpu.vector_store %arg5[%swap3A_82, %swap3A_83], %swap3A_86 {strides = array<i32>} : memref<128x128xf32, #tpu.memory_space<vmem>>, vector<1x16xf32>,
      %swap3A_87 = arith.index_cast %scan3A_31 : i32 to index
      %swap3A_88 = arith.constant 80 : index
      %swap3A_89 = tpu.vector_load %arg6[%swap3A_87, %swap3A_88] {strides = array<i32>} : memref<128x128xf32, #tpu.memory_space<vmem>>, vector<1x16xf32>,
      %swap3A_90 = vector.shape_cast %swap3A_89 : vector<1x16xf32> to vector<16xf32>
      %swap3A_91 = vector.shape_cast %broadcast_in_dim3A_1 : vector<16xf32> to vector<1x16xf32>
      tpu.vector_store %arg6[%swap3A_87, %swap3A_88], %swap3A_91 {strides = array<i32>} : memref<128x128xf32, #tpu.memory_space<vmem>>, vector<1x16xf32>,
      %swap3A_92 = arith.index_cast %scan3A_31 : i32 to index
      %swap3A_93 = arith.constant 96 : index
      %swap3A_94 = tpu.vector_load %arg5[%swap3A_92, %swap3A_93] {strides = array<i32>} : memref<128x128xf32, #tpu.memory_space<vmem>>, vector<1x16xf32>,
      %swap3A_95 = vector.shape_cast %swap3A_94 : vector<1x16xf32> to vector<16xf32>
      %swap3A_96 = vector.shape_cast %broadcast_in_dim3A_3 : vector<16xf32> to vector<1x16xf32>
      tpu.vector_store %arg5[%swap3A_92, %swap3A_93], %swap3A_96 {strides = array<i32>} : memref<128x128xf32, #tpu.memory_space<vmem>>, vector<1x16xf32>,
      %swap3A_97 = arith.index_cast %scan3A_31 : i32 to index
      %swap3A_98 = arith.constant 96 : index
      %swap3A_99 = tpu.vector_load %arg6[%swap3A_97, %swap3A_98] {strides = array<i32>} : memref<128x128xf32, #tpu.memory_space<vmem>>, vector<1x16xf32>,
      %swap3A_100 = vector.shape_cast %swap3A_99 : vector<1x16xf32> to vector<16xf32>
      %swap3A_101 = vector.shape_cast %broadcast_in_dim3A_1 : vector<16xf32> to vector<1x16xf32>
      tpu.vector_store %arg6[%swap3A_97, %swap3A_98], %swap3A_101 {strides = array<i32>} : memref<128x128xf32, #tpu.memory_space<vmem>>, vector<1x16xf32>,
      %swap3A_102 = arith.index_cast %scan3A_31 : i32 to index
      %swap3A_103 = arith.constant 112 : index
      %swap3A_104 = tpu.vector_load %arg5[%swap3A_102, %swap3A_103] {strides = array<i32>} : memref<128x128xf32, #tpu.memory_space<vmem>>, vector<1x16xf32>,
      %swap3A_105 = vector.shape_cast %swap3A_104 : vector<1x16xf32> to vector<16xf32>
      %swap3A_106 = vector.shape_cast %broadcast_in_dim3A_3 : vector<16xf32> to vector<1x16xf32>
      tpu.vector_store %arg5[%swap3A_102, %swap3A_103], %swap3A_106 {strides = array<i32>} : memref<128x128xf32, #tpu.memory_space<vmem>>, vector<1x16xf32>,
      %swap3A_107 = arith.index_cast %scan3A_31 : i32 to index
      %swap3A_108 = arith.constant 112 : index
      %swap3A_109 = tpu.vector_load %arg6[%swap3A_107, %swap3A_108] {strides = array<i32>} : memref<128x128xf32, #tpu.memory_space<vmem>>, vector<1x16xf32>,
      %swap3A_110 = vector.shape_cast %swap3A_109 : vector<1x16xf32> to vector<16xf32>
      %swap3A_111 = vector.shape_cast %broadcast_in_dim3A_1 : vector<16xf32> to vector<1x16xf32>
      tpu.vector_store %arg6[%swap3A_107, %swap3A_108], %swap3A_111 {strides = array<i32>} : memref<128x128xf32, #tpu.memory_space<vmem>>, vector<1x16xf32>,
      %scan3A_112 = arith.constant 0 : i32
      scf.yield %scan3A_112 : i32
    }
    %scan3A_9 = arith.constant 128 : i32
    %add3A = arith.constant 0 : i32
    %add3A_10 = arith.addi %mul3A_0, %add3A : i32
    "tpu.region"() ({
      %run_scoped3A = tpu.sem_alloc : memref<!tpu.dma_semaphore, #tpu.memory_space<semaphore_mem>>
      %dma_start3A = arith.constant 0 : i32
      %dma_start3A_31 = arith.constant 0 : i32
      %dma_start3A_32 = tpu.memref_slice %arg6[%dma_start3A, %dma_start3A_31] : memref<128x128xf32, #tpu.memory_space<vmem>> -> memref<112x128xf32, #tpu.memory_space<vmem>>
      %dma_start3A_33 = arith.constant 0 : i32
      %dma_start3A_34 = tpu.memref_slice %arg7[%add3A_10, %dma_start3A_33] : memref<10112x128xf32, #tpu.memory_space<vmem_shared>> -> memref<112x128xf32, #tpu.memory_space<vmem_shared>>
      %dma_start3A_35 = arith.constant 0 : i32
      %dma_start3A_36 = tpu.memref_slice %arg7[%add3A_10, %dma_start3A_35] : memref<10112x128xf32, #tpu.memory_space<vmem_shared>> -> memref<112x128xf32, #tpu.memory_space<vmem_shared>>
      %dma_start3A_37 = arith.constant 0 : i32
      %dma_start3A_38 = arith.constant 0 : i32
      %dma_start3A_39 = tpu.memref_slice %arg6[%dma_start3A_37, %dma_start3A_38] : memref<128x128xf32, #tpu.memory_space<vmem>> -> memref<112x128xf32, #tpu.memory_space<vmem>>
      tpu.enqueue_dma source(%dma_start3A_39 : memref<112x128xf32, #tpu.memory_space<vmem>>) target(%dma_start3A_36 : memref<112x128xf32, #tpu.memory_space<vmem_shared>>) target_semaphore(%run_scoped3A : memref<!tpu.dma_semaphore, #tpu.memory_space<semaphore_mem>>)
      %dma_wait3A = arith.constant 0 : i32
      %dma_wait3A_40 = arith.constant 0 : i32
      %dma_wait3A_41 = tpu.memref_slice %arg6[%dma_wait3A, %dma_wait3A_40] : memref<128x128xf32, #tpu.memory_space<vmem>> -> memref<112x128xf32, #tpu.memory_space<vmem>>
      %dma_wait3A_42 = arith.constant 0 : i32
      %dma_wait3A_43 = tpu.memref_slice %arg7[%add3A_10, %dma_wait3A_42] : memref<10112x128xf32, #tpu.memory_space<vmem_shared>> -> memref<112x128xf32, #tpu.memory_space<vmem_shared>>
      %dma_wait3A_44 = arith.constant 0 : i32
      %dma_wait3A_45 = tpu.memref_slice %arg7[%add3A_10, %dma_wait3A_44] : memref<10112x128xf32, #tpu.memory_space<vmem_shared>> -> memref<112x128xf32, #tpu.memory_space<vmem_shared>>
      %dma_wait3A_46 = arith.constant 0 : i32
      %dma_wait3A_47 = arith.constant 0 : i32
      %dma_wait3A_48 = tpu.memref_slice %arg6[%dma_wait3A_46, %dma_wait3A_47] : memref<128x128xf32, #tpu.memory_space<vmem>> -> memref<112x128xf32, #tpu.memory_space<vmem>>
      tpu.wait_dma2 semaphore(%run_scoped3A : memref<!tpu.dma_semaphore, #tpu.memory_space<semaphore_mem>>) src(%dma_wait3A_48 : memref<112x128xf32, #tpu.memory_space<vmem>>) dst(%dma_wait3A_45 : memref<112x128xf32, #tpu.memory_space<vmem_shared>>)
      tpu.yield
    }) : () -> ()
    %add3A_11 = arith.constant 112 : i32
    %add3A_12 = arith.addi %mul3A_0, %add3A_11 : i32
    "tpu.region"() ({
      %run_scoped3A = tpu.sem_alloc : memref<!tpu.dma_semaphore, #tpu.memory_space<semaphore_mem>>
      %dma_start3A = arith.constant 0 : i32
      %dma_start3A_31 = arith.constant 0 : i32
      %dma_start3A_32 = tpu.memref_slice %arg6[%dma_start3A, %dma_start3A_31] : memref<128x128xf32, #tpu.memory_space<vmem>> -> memref<112x128xf32, #tpu.memory_space<vmem>>
      %dma_start3A_33 = arith.constant 0 : i32
      %dma_start3A_34 = tpu.memref_slice %arg7[%add3A_12, %dma_start3A_33] : memref<10112x128xf32, #tpu.memory_space<vmem_shared>> -> memref<112x128xf32, #tpu.memory_space<vmem_shared>>
      %dma_start3A_35 = arith.constant 0 : i32
      %dma_start3A_36 = tpu.memref_slice %arg7[%add3A_12, %dma_start3A_35] : memref<10112x128xf32, #tpu.memory_space<vmem_shared>> -> memref<112x128xf32, #tpu.memory_space<vmem_shared>>
      %dma_start3A_37 = arith.constant 0 : i32
      %dma_start3A_38 = arith.constant 0 : i32
      %dma_start3A_39 = tpu.memref_slice %arg6[%dma_start3A_37, %dma_start3A_38] : memref<128x128xf32, #tpu.memory_space<vmem>> -> memref<112x128xf32, #tpu.memory_space<vmem>>
      tpu.enqueue_dma source(%dma_start3A_39 : memref<112x128xf32, #tpu.memory_space<vmem>>) target(%dma_start3A_36 : memref<112x128xf32, #tpu.memory_space<vmem_shared>>) target_semaphore(%run_scoped3A : memref<!tpu.dma_semaphore, #tpu.memory_space<semaphore_mem>>)
      %dma_wait3A = arith.constant 0 : i32
      %dma_wait3A_40 = arith.constant 0 : i32
      %dma_wait3A_41 = tpu.memref_slice %arg6[%dma_wait3A, %dma_wait3A_40] : memref<128x128xf32, #tpu.memory_space<vmem>> -> memref<112x128xf32, #tpu.memory_space<vmem>>
      %dma_wait3A_42 = arith.constant 0 : i32
      %dma_wait3A_43 = tpu.memref_slice %arg7[%add3A_12, %dma_wait3A_42] : memref<10112x128xf32, #tpu.memory_space<vmem_shared>> -> memref<112x128xf32, #tpu.memory_space<vmem_shared>>
      %dma_wait3A_44 = arith.constant 0 : i32
      %dma_wait3A_45 = tpu.memref_slice %arg7[%add3A_12, %dma_wait3A_44] : memref<10112x128xf32, #tpu.memory_space<vmem_shared>> -> memref<112x128xf32, #tpu.memory_space<vmem_shared>>
      %dma_wait3A_46 = arith.constant 0 : i32
      %dma_wait3A_47 = arith.constant 0 : i32
      %dma_wait3A_48 = tpu.memref_slice %arg6[%dma_wait3A_46, %dma_wait3A_47] : memref<128x128xf32, #tpu.memory_space<vmem>> -> memref<112x128xf32, #tpu.memory_space<vmem>>
      tpu.wait_dma2 semaphore(%run_scoped3A : memref<!tpu.dma_semaphore, #tpu.memory_space<semaphore_mem>>) src(%dma_wait3A_48 : memref<112x128xf32, #tpu.memory_space<vmem>>) dst(%dma_wait3A_45 : memref<112x128xf32, #tpu.memory_space<vmem_shared>>)
      tpu.yield
    }) : () -> ()
    %add3A_13 = arith.constant 224 : i32
    %add3A_14 = arith.addi %mul3A_0, %add3A_13 : i32
    "tpu.region"() ({
      %run_scoped3A = tpu.sem_alloc : memref<!tpu.dma_semaphore, #tpu.memory_space<semaphore_mem>>
      %dma_start3A = arith.constant 0 : i32
      %dma_start3A_31 = arith.constant 0 : i32
      %dma_start3A_32 = tpu.memref_slice %arg6[%dma_start3A, %dma_start3A_31] : memref<128x128xf32, #tpu.memory_space<vmem>> -> memref<112x128xf32, #tpu.memory_space<vmem>>
      %dma_start3A_33 = arith.constant 0 : i32
      %dma_start3A_34 = tpu.memref_slice %arg7[%add3A_14, %dma_start3A_33] : memref<10112x128xf32, #tpu.memory_space<vmem_shared>> -> memref<112x128xf32, #tpu.memory_space<vmem_shared>>
      %dma_start3A_35 = arith.constant 0 : i32
      %dma_start3A_36 = tpu.memref_slice %arg7[%add3A_14, %dma_start3A_35] : memref<10112x128xf32, #tpu.memory_space<vmem_shared>> -> memref<112x128xf32, #tpu.memory_space<vmem_shared>>
      %dma_start3A_37 = arith.constant 0 : i32
      %dma_start3A_38 = arith.constant 0 : i32
      %dma_start3A_39 = tpu.memref_slice %arg6[%dma_start3A_37, %dma_start3A_38] : memref<128x128xf32, #tpu.memory_space<vmem>> -> memref<112x128xf32, #tpu.memory_space<vmem>>
      tpu.enqueue_dma source(%dma_start3A_39 : memref<112x128xf32, #tpu.memory_space<vmem>>) target(%dma_start3A_36 : memref<112x128xf32, #tpu.memory_space<vmem_shared>>) target_semaphore(%run_scoped3A : memref<!tpu.dma_semaphore, #tpu.memory_space<semaphore_mem>>)
      %dma_wait3A = arith.constant 0 : i32
      %dma_wait3A_40 = arith.constant 0 : i32
      %dma_wait3A_41 = tpu.memref_slice %arg6[%dma_wait3A, %dma_wait3A_40] : memref<128x128xf32, #tpu.memory_space<vmem>> -> memref<112x128xf32, #tpu.memory_space<vmem>>
      %dma_wait3A_42 = arith.constant 0 : i32
      %dma_wait3A_43 = tpu.memref_slice %arg7[%add3A_14, %dma_wait3A_42] : memref<10112x128xf32, #tpu.memory_space<vmem_shared>> -> memref<112x128xf32, #tpu.memory_space<vmem_shared>>
      %dma_wait3A_44 = arith.constant 0 : i32
      %dma_wait3A_45 = tpu.memref_slice %arg7[%add3A_14, %dma_wait3A_44] : memref<10112x128xf32, #tpu.memory_space<vmem_shared>> -> memref<112x128xf32, #tpu.memory_space<vmem_shared>>
      %dma_wait3A_46 = arith.constant 0 : i32
      %dma_wait3A_47 = arith.constant 0 : i32
      %dma_wait3A_48 = tpu.memref_slice %arg6[%dma_wait3A_46, %dma_wait3A_47] : memref<128x128xf32, #tpu.memory_space<vmem>> -> memref<112x128xf32, #tpu.memory_space<vmem>>
      tpu.wait_dma2 semaphore(%run_scoped3A : memref<!tpu.dma_semaphore, #tpu.memory_space<semaphore_mem>>) src(%dma_wait3A_48 : memref<112x128xf32, #tpu.memory_space<vmem>>) dst(%dma_wait3A_45 : memref<112x128xf32, #tpu.memory_space<vmem_shared>>)
      tpu.yield
    }) : () -> ()
    %add3A_15 = arith.constant 336 : i32
    %add3A_16 = arith.addi %mul3A_0, %add3A_15 : i32
    "tpu.region"() ({
      %run_scoped3A = tpu.sem_alloc : memref<!tpu.dma_semaphore, #tpu.memory_space<semaphore_mem>>
      %dma_start3A = arith.constant 0 : i32
      %dma_start3A_31 = arith.constant 0 : i32
      %dma_start3A_32 = tpu.memref_slice %arg6[%dma_start3A, %dma_start3A_31] : memref<128x128xf32, #tpu.memory_space<vmem>> -> memref<112x128xf32, #tpu.memory_space<vmem>>
      %dma_start3A_33 = arith.constant 0 : i32
      %dma_start3A_34 = tpu.memref_slice %arg7[%add3A_16, %dma_start3A_33] : memref<10112x128xf32, #tpu.memory_space<vmem_shared>> -> memref<112x128xf32, #tpu.memory_space<vmem_shared>>
      %dma_start3A_35 = arith.constant 0 : i32
      %dma_start3A_36 = tpu.memref_slice %arg7[%add3A_16, %dma_start3A_35] : memref<10112x128xf32, #tpu.memory_space<vmem_shared>> -> memref<112x128xf32, #tpu.memory_space<vmem_shared>>
      %dma_start3A_37 = arith.constant 0 : i32
      %dma_start3A_38 = arith.constant 0 : i32
      %dma_start3A_39 = tpu.memref_slice %arg6[%dma_start3A_37, %dma_start3A_38] : memref<128x128xf32, #tpu.memory_space<vmem>> -> memref<112x128xf32, #tpu.memory_space<vmem>>
      tpu.enqueue_dma source(%dma_start3A_39 : memref<112x128xf32, #tpu.memory_space<vmem>>) target(%dma_start3A_36 : memref<112x128xf32, #tpu.memory_space<vmem_shared>>) target_semaphore(%run_scoped3A : memref<!tpu.dma_semaphore, #tpu.memory_space<semaphore_mem>>)
      %dma_wait3A = arith.constant 0 : i32
      %dma_wait3A_40 = arith.constant 0 : i32
      %dma_wait3A_41 = tpu.memref_slice %arg6[%dma_wait3A, %dma_wait3A_40] : memref<128x128xf32, #tpu.memory_space<vmem>> -> memref<112x128xf32, #tpu.memory_space<vmem>>
      %dma_wait3A_42 = arith.constant 0 : i32
      %dma_wait3A_43 = tpu.memref_slice %arg7[%add3A_16, %dma_wait3A_42] : memref<10112x128xf32, #tpu.memory_space<vmem_shared>> -> memref<112x128xf32, #tpu.memory_space<vmem_shared>>
      %dma_wait3A_44 = arith.constant 0 : i32
      %dma_wait3A_45 = tpu.memref_slice %arg7[%add3A_16, %dma_wait3A_44] : memref<10112x128xf32, #tpu.memory_space<vmem_shared>> -> memref<112x128xf32, #tpu.memory_space<vmem_shared>>
      %dma_wait3A_46 = arith.constant 0 : i32
      %dma_wait3A_47 = arith.constant 0 : i32
      %dma_wait3A_48 = tpu.memref_slice %arg6[%dma_wait3A_46, %dma_wait3A_47] : memref<128x128xf32, #tpu.memory_space<vmem>> -> memref<112x128xf32, #tpu.memory_space<vmem>>
      tpu.wait_dma2 semaphore(%run_scoped3A : memref<!tpu.dma_semaphore, #tpu.memory_space<semaphore_mem>>) src(%dma_wait3A_48 : memref<112x128xf32, #tpu.memory_space<vmem>>) dst(%dma_wait3A_45 : memref<112x128xf32, #tpu.memory_space<vmem_shared>>)
      tpu.yield
    }) : () -> ()
    %add3A_17 = arith.constant 448 : i32
    %add3A_18 = arith.addi %mul3A_0, %add3A_17 : i32
    "tpu.region"() ({
      %run_scoped3A = tpu.sem_alloc : memref<!tpu.dma_semaphore, #tpu.memory_space<semaphore_mem>>
      %dma_start3A = arith.constant 0 : i32
      %dma_start3A_31 = arith.constant 0 : i32
      %dma_start3A_32 = tpu.memref_slice %arg6[%dma_start3A, %dma_start3A_31] : memref<128x128xf32, #tpu.memory_space<vmem>> -> memref<112x128xf32, #tpu.memory_space<vmem>>
      %dma_start3A_33 = arith.constant 0 : i32
      %dma_start3A_34 = tpu.memref_slice %arg7[%add3A_18, %dma_start3A_33] : memref<10112x128xf32, #tpu.memory_space<vmem_shared>> -> memref<112x128xf32, #tpu.memory_space<vmem_shared>>
      %dma_start3A_35 = arith.constant 0 : i32
      %dma_start3A_36 = tpu.memref_slice %arg7[%add3A_18, %dma_start3A_35] : memref<10112x128xf32, #tpu.memory_space<vmem_shared>> -> memref<112x128xf32, #tpu.memory_space<vmem_shared>>
      %dma_start3A_37 = arith.constant 0 : i32
      %dma_start3A_38 = arith.constant 0 : i32
      %dma_start3A_39 = tpu.memref_slice %arg6[%dma_start3A_37, %dma_start3A_38] : memref<128x128xf32, #tpu.memory_space<vmem>> -> memref<112x128xf32, #tpu.memory_space<vmem>>
      tpu.enqueue_dma source(%dma_start3A_39 : memref<112x128xf32, #tpu.memory_space<vmem>>) target(%dma_start3A_36 : memref<112x128xf32, #tpu.memory_space<vmem_shared>>) target_semaphore(%run_scoped3A : memref<!tpu.dma_semaphore, #tpu.memory_space<semaphore_mem>>)
      %dma_wait3A = arith.constant 0 : i32
      %dma_wait3A_40 = arith.constant 0 : i32
      %dma_wait3A_41 = tpu.memref_slice %arg6[%dma_wait3A, %dma_wait3A_40] : memref<128x128xf32, #tpu.memory_space<vmem>> -> memref<112x128xf32, #tpu.memory_space<vmem>>
      %dma_wait3A_42 = arith.constant 0 : i32
      %dma_wait3A_43 = tpu.memref_slice %arg7[%add3A_18, %dma_wait3A_42] : memref<10112x128xf32, #tpu.memory_space<vmem_shared>> -> memref<112x128xf32, #tpu.memory_space<vmem_shared>>
      %dma_wait3A_44 = arith.constant 0 : i32
      %dma_wait3A_45 = tpu.memref_slice %arg7[%add3A_18, %dma_wait3A_44] : memref<10112x128xf32, #tpu.memory_space<vmem_shared>> -> memref<112x128xf32, #tpu.memory_space<vmem_shared>>
      %dma_wait3A_46 = arith.constant 0 : i32
      %dma_wait3A_47 = arith.constant 0 : i32
      %dma_wait3A_48 = tpu.memref_slice %arg6[%dma_wait3A_46, %dma_wait3A_47] : memref<128x128xf32, #tpu.memory_space<vmem>> -> memref<112x128xf32, #tpu.memory_space<vmem>>
      tpu.wait_dma2 semaphore(%run_scoped3A : memref<!tpu.dma_semaphore, #tpu.memory_space<semaphore_mem>>) src(%dma_wait3A_48 : memref<112x128xf32, #tpu.memory_space<vmem>>) dst(%dma_wait3A_45 : memref<112x128xf32, #tpu.memory_space<vmem_shared>>)
      tpu.yield
    }) : () -> ()
    %add3A_19 = arith.constant 560 : i32
    %add3A_20 = arith.addi %mul3A_0, %add3A_19 : i32
    "tpu.region"() ({
      %run_scoped3A = tpu.sem_alloc : memref<!tpu.dma_semaphore, #tpu.memory_space<semaphore_mem>>
      %dma_start3A = arith.constant 0 : i32
      %dma_start3A_31 = arith.constant 0 : i32
      %dma_start3A_32 = tpu.memref_slice %arg6[%dma_start3A, %dma_start3A_31] : memref<128x128xf32, #tpu.memory_space<vmem>> -> memref<72x128xf32, #tpu.memory_space<vmem>>
      %dma_start3A_33 = arith.constant 0 : i32
      %dma_start3A_34 = tpu.memref_slice %arg7[%add3A_20, %dma_start3A_33] : memref<10112x128xf32, #tpu.memory_space<vmem_shared>> -> memref<72x128xf32, #tpu.memory_space<vmem_shared>>
      %dma_start3A_35 = arith.constant 0 : i32
      %dma_start3A_36 = tpu.memref_slice %arg7[%add3A_20, %dma_start3A_35] : memref<10112x128xf32, #tpu.memory_space<vmem_shared>> -> memref<72x128xf32, #tpu.memory_space<vmem_shared>>
      %dma_start3A_37 = arith.constant 0 : i32
      %dma_start3A_38 = arith.constant 0 : i32
      %dma_start3A_39 = tpu.memref_slice %arg6[%dma_start3A_37, %dma_start3A_38] : memref<128x128xf32, #tpu.memory_space<vmem>> -> memref<72x128xf32, #tpu.memory_space<vmem>>
      tpu.enqueue_dma source(%dma_start3A_39 : memref<72x128xf32, #tpu.memory_space<vmem>>) target(%dma_start3A_36 : memref<72x128xf32, #tpu.memory_space<vmem_shared>>) target_semaphore(%run_scoped3A : memref<!tpu.dma_semaphore, #tpu.memory_space<semaphore_mem>>)
      %dma_wait3A = arith.constant 0 : i32
      %dma_wait3A_40 = arith.constant 0 : i32
      %dma_wait3A_41 = tpu.memref_slice %arg6[%dma_wait3A, %dma_wait3A_40] : memref<128x128xf32, #tpu.memory_space<vmem>> -> memref<72x128xf32, #tpu.memory_space<vmem>>
      %dma_wait3A_42 = arith.constant 0 : i32
      %dma_wait3A_43 = tpu.memref_slice %arg7[%add3A_20, %dma_wait3A_42] : memref<10112x128xf32, #tpu.memory_space<vmem_shared>> -> memref<72x128xf32, #tpu.memory_space<vmem_shared>>
      %dma_wait3A_44 = arith.constant 0 : i32
      %dma_wait3A_45 = tpu.memref_slice %arg7[%add3A_20, %dma_wait3A_44] : memref<10112x128xf32, #tpu.memory_space<vmem_shared>> -> memref<72x128xf32, #tpu.memory_space<vmem_shared>>
      %dma_wait3A_46 = arith.constant 0 : i32
      %dma_wait3A_47 = arith.constant 0 : i32
      %dma_wait3A_48 = tpu.memref_slice %arg6[%dma_wait3A_46, %dma_wait3A_47] : memref<128x128xf32, #tpu.memory_space<vmem>> -> memref<72x128xf32, #tpu.memory_space<vmem>>
      tpu.wait_dma2 semaphore(%run_scoped3A : memref<!tpu.dma_semaphore, #tpu.memory_space<semaphore_mem>>) src(%dma_wait3A_48 : memref<72x128xf32, #tpu.memory_space<vmem>>) dst(%dma_wait3A_45 : memref<72x128xf32, #tpu.memory_space<vmem_shared>>)
      tpu.yield
    }) : () -> ()
    %barrier3A = arith.constant 0 : index
    tpu.barrier barrier_id(%barrier3A)
    %scan3A_21 = arith.constant 0 : i32
    %scan3A_22 = arith.constant 0 : i32
    %scan3A_23 = arith.constant 12 : i32
    %scan3A_24 = arith.addi %scan3A_22, %scan3A_23 : i32
    %scan3A_25 = arith.constant 1 : i32
    %scan3A_26 = scf.for %scan3A_31 = %scan3A_22 to %scan3A_24 step %scan3A_25 iter_args(%scan3A_32 = %scan3A_21) -> (i32)  : i32 {
      %mul3A_33 = arith.constant 12 : i32
      %mul3A_34 = arith.muli %arg1, %mul3A_33 : i32
      %add3A_35 = arith.addi %mul3A_34, %scan3A_31 : i32
      %mul3A_36 = arith.constant 32 : i32
      %mul3A_37 = arith.muli %add3A_35, %mul3A_36 : i32
      %add3A_38 = arith.constant 16 : i32
      %add3A_39 = arith.addi %mul3A_37, %add3A_38 : i32
      "tpu.region"() ({
        %run_scoped3A = tpu.sem_alloc : memref<!tpu.dma_semaphore, #tpu.memory_space<semaphore_mem>>
        %dma_start3A = arith.constant 0 : i32
        %dma_start3A_48 = tpu.memref_slice %arg2[%add3A_39, %dma_start3A] : memref<6144x112xi32, #tpu.memory_space<hbm>> -> memref<16x112xi32, #tpu.memory_space<hbm>>
        %dma_start3A_49 = arith.constant 0 : i32
        %dma_start3A_50 = tpu.memref_slice %arg2[%add3A_39, %dma_start3A_49] : memref<6144x112xi32, #tpu.memory_space<hbm>> -> memref<16x112xi32, #tpu.memory_space<hbm>>
        tpu.enqueue_dma source(%dma_start3A_50 : memref<16x112xi32, #tpu.memory_space<hbm>>) target(%arg4 : memref<16x112xi32, #tpu.memory_space<vmem>>) target_semaphore(%run_scoped3A : memref<!tpu.dma_semaphore, #tpu.memory_space<semaphore_mem>>)
        %dma_wait3A = arith.constant 0 : i32
        %dma_wait3A_51 = tpu.memref_slice %arg2[%add3A_39, %dma_wait3A] : memref<6144x112xi32, #tpu.memory_space<hbm>> -> memref<16x112xi32, #tpu.memory_space<hbm>>
        %dma_wait3A_52 = arith.constant 0 : i32
        %dma_wait3A_53 = tpu.memref_slice %arg2[%add3A_39, %dma_wait3A_52] : memref<6144x112xi32, #tpu.memory_space<hbm>> -> memref<16x112xi32, #tpu.memory_space<hbm>>
        tpu.wait_dma2 semaphore(%run_scoped3A : memref<!tpu.dma_semaphore, #tpu.memory_space<semaphore_mem>>) src(%dma_wait3A_53 : memref<16x112xi32, #tpu.memory_space<hbm>>) dst(%arg4 : memref<16x112xi32, #tpu.memory_space<vmem>>)
        tpu.yield
      }) : () -> ()
      %scan3A_40 = arith.constant 0 : i32
      %scan3A_41 = arith.constant 0 : i32
      %scan3A_42 = arith.constant 16 : i32
      %scan3A_43 = arith.addi %scan3A_41, %scan3A_42 : i32
      %scan3A_44 = arith.constant 1 : i32
      %scan3A_45 = scf.for %scan3A_48 = %scan3A_41 to %scan3A_43 step %scan3A_44 iter_args(%scan3A_49 = %scan3A_40) -> (i32)  : i32 {
        "tpu.region"() ({
          %run_scoped3A = tpu.sem_alloc : memref<!tpu.dma_semaphore, #tpu.memory_space<semaphore_mem>>
          %dma_start3A = arith.constant 0 : i32
          %dma_start3A_51 = arith.constant 0 : i32
          %dma_start3A_52 = tpu.memref_slice %arg5[%dma_start3A, %dma_start3A_51] : memref<128x128xf32, #tpu.memory_space<vmem>> -> memref<112x128xf32, #tpu.memory_space<vmem>>
          %dma_start3A_53 = arith.constant 0 : i32
          %dma_start3A_54 = tpu.memref_slice %arg4[%scan3A_48, %dma_start3A_53] : memref<16x112xi32, #tpu.memory_space<vmem>> -> memref<1x112xi32, #tpu.memory_space<vmem>>
          %dma_start3A_55 = tpu.memref_squeeze %dma_start3A_54 : memref<1x112xi32, #tpu.memory_space<vmem>> -> memref<112xi32, #tpu.memory_space<vmem>>
          %dma_start3A_56 = arith.constant 0 : i32
          %dma_start3A_57 = arith.constant 0 : i32
          %dma_start3A_58 = tpu.memref_slice %arg7[%dma_start3A_56, %dma_start3A_57] : memref<10112x128xf32, #tpu.memory_space<vmem_shared>> -> memref<10112x128xf32, #tpu.memory_space<vmem_shared>>
          tpu.enqueue_indirect_dma source(%dma_start3A_52 : memref<112x128xf32, #tpu.memory_space<vmem>>) target(%dma_start3A_58 : memref<10112x128xf32, #tpu.memory_space<vmem_shared>>) offsets(%dma_start3A_55 : memref<112xi32, #tpu.memory_space<vmem>>) semaphore(%run_scoped3A : memref<!tpu.dma_semaphore, #tpu.memory_space<semaphore_mem>>) {add = true}
          %dma_wait3A = arith.constant 0 : i32
          %dma_wait3A_59 = arith.constant 0 : i32
          %dma_wait3A_60 = tpu.memref_slice %arg5[%dma_wait3A, %dma_wait3A_59] : memref<128x128xf32, #tpu.memory_space<vmem>> -> memref<112x128xf32, #tpu.memory_space<vmem>>
          %dma_wait3A_61 = arith.constant 0 : i32
          %dma_wait3A_62 = tpu.memref_slice %arg4[%scan3A_48, %dma_wait3A_61] : memref<16x112xi32, #tpu.memory_space<vmem>> -> memref<1x112xi32, #tpu.memory_space<vmem>>
          %dma_wait3A_63 = tpu.memref_squeeze %dma_wait3A_62 : memref<1x112xi32, #tpu.memory_space<vmem>> -> memref<112xi32, #tpu.memory_space<vmem>>
          %dma_wait3A_64 = arith.constant 0 : i32
          %dma_wait3A_65 = arith.constant 0 : i32
          %dma_wait3A_66 = tpu.memref_slice %arg7[%dma_wait3A_64, %dma_wait3A_65] : memref<10112x128xf32, #tpu.memory_space<vmem_shared>> -> memref<10112x128xf32, #tpu.memory_space<vmem_shared>>
          tpu.wait_indirect_dma semaphore(%run_scoped3A : memref<!tpu.dma_semaphore, #tpu.memory_space<semaphore_mem>>) src(%dma_wait3A_60 : memref<112x128xf32, #tpu.memory_space<vmem>>) dst(%dma_wait3A_66 : memref<10112x128xf32, #tpu.memory_space<vmem_shared>>)
          tpu.yield
        }) : () -> ()
        %scan3A_50 = arith.constant 0 : i32
        scf.yield %scan3A_50 : i32
      }
      %scan3A_46 = arith.constant 16 : i32
      %scan3A_47 = arith.constant 0 : i32
      scf.yield %scan3A_47 : i32
    }
    %scan3A_27 = arith.constant 12 : i32
    %barrier3A_28 = arith.constant 0 : index
    tpu.barrier barrier_id(%barrier3A_28)
    %eq3A = arith.constant 0 : i32
    %eq3A_29 = arith.cmpi eq, %arg0, %eq3A : i32
    %convert_element_type3A = arith.extui %eq3A_29 : i1 to i32
    %cond3A = arith.constant 0 : i32
    %cond3A_30 = arith.cmpi ne, %convert_element_type3A, %cond3A : i32
    scf.if %cond3A_30 {
      %add3A_31 = arith.constant 0 : i32
      %add3A_32 = arith.addi %mul3A_0, %add3A_31 : i32
      "tpu.region"() ({
        %run_scoped3A = tpu.sem_alloc : memref<!tpu.dma_semaphore, #tpu.memory_space<semaphore_mem>>
        %dma_start3A = arith.constant 0 : i32
        %dma_start3A_55 = arith.constant 0 : i32
        %dma_start3A_56 = tpu.memref_slice %arg6[%dma_start3A, %dma_start3A_55] : memref<128x128xf32, #tpu.memory_space<vmem>> -> memref<112x128xf32, #tpu.memory_space<vmem>>
        %dma_start3A_57 = arith.constant 0 : i32
        %dma_start3A_58 = tpu.memref_slice %arg7[%add3A_32, %dma_start3A_57] : memref<10112x128xf32, #tpu.memory_space<vmem_shared>> -> memref<112x128xf32, #tpu.memory_space<vmem_shared>>
        %dma_start3A_59 = arith.constant 0 : i32
        %dma_start3A_60 = arith.constant 0 : i32
        %dma_start3A_61 = tpu.memref_slice %arg6[%dma_start3A_59, %dma_start3A_60] : memref<128x128xf32, #tpu.memory_space<vmem>> -> memref<112x128xf32, #tpu.memory_space<vmem>>
        %dma_start3A_62 = arith.constant 0 : i32
        %dma_start3A_63 = tpu.memref_slice %arg7[%add3A_32, %dma_start3A_62] : memref<10112x128xf32, #tpu.memory_space<vmem_shared>> -> memref<112x128xf32, #tpu.memory_space<vmem_shared>>
        tpu.enqueue_dma source(%dma_start3A_63 : memref<112x128xf32, #tpu.memory_space<vmem_shared>>) target(%dma_start3A_61 : memref<112x128xf32, #tpu.memory_space<vmem>>) target_semaphore(%run_scoped3A : memref<!tpu.dma_semaphore, #tpu.memory_space<semaphore_mem>>)
        %dma_wait3A = arith.constant 0 : i32
        %dma_wait3A_64 = arith.constant 0 : i32
        %dma_wait3A_65 = tpu.memref_slice %arg6[%dma_wait3A, %dma_wait3A_64] : memref<128x128xf32, #tpu.memory_space<vmem>> -> memref<112x128xf32, #tpu.memory_space<vmem>>
        %dma_wait3A_66 = arith.constant 0 : i32
        %dma_wait3A_67 = tpu.memref_slice %arg7[%add3A_32, %dma_wait3A_66] : memref<10112x128xf32, #tpu.memory_space<vmem_shared>> -> memref<112x128xf32, #tpu.memory_space<vmem_shared>>
        %dma_wait3A_68 = arith.constant 0 : i32
        %dma_wait3A_69 = arith.constant 0 : i32
        %dma_wait3A_70 = tpu.memref_slice %arg6[%dma_wait3A_68, %dma_wait3A_69] : memref<128x128xf32, #tpu.memory_space<vmem>> -> memref<112x128xf32, #tpu.memory_space<vmem>>
        %dma_wait3A_71 = arith.constant 0 : i32
        %dma_wait3A_72 = tpu.memref_slice %arg7[%add3A_32, %dma_wait3A_71] : memref<10112x128xf32, #tpu.memory_space<vmem_shared>> -> memref<112x128xf32, #tpu.memory_space<vmem_shared>>
        tpu.wait_dma2 semaphore(%run_scoped3A : memref<!tpu.dma_semaphore, #tpu.memory_space<semaphore_mem>>) src(%dma_wait3A_72 : memref<112x128xf32, #tpu.memory_space<vmem_shared>>) dst(%dma_wait3A_70 : memref<112x128xf32, #tpu.memory_space<vmem>>)
        tpu.yield
      }) : () -> ()
      %add3A_33 = arith.constant 0 : i32
      %add3A_34 = arith.addi %mul3A_0, %add3A_33 : i32
      "tpu.region"() ({
        %run_scoped3A = tpu.sem_alloc : memref<!tpu.dma_semaphore, #tpu.memory_space<semaphore_mem>>
        %dma_start3A = arith.constant 0 : i32
        %dma_start3A_55 = arith.constant 0 : i32
        %dma_start3A_56 = tpu.memref_slice %arg6[%dma_start3A, %dma_start3A_55] : memref<128x128xf32, #tpu.memory_space<vmem>> -> memref<112x128xf32, #tpu.memory_space<vmem>>
        %dma_start3A_57 = arith.constant 0 : i32
        %dma_start3A_58 = tpu.memref_slice %arg3[%add3A_34, %dma_start3A_57] : memref<10112x128xf32, #tpu.memory_space<hbm>> -> memref<112x128xf32, #tpu.memory_space<hbm>>
        %dma_start3A_59 = arith.constant 0 : i32
        %dma_start3A_60 = tpu.memref_slice %arg3[%add3A_34, %dma_start3A_59] : memref<10112x128xf32, #tpu.memory_space<hbm>> -> memref<112x128xf32, #tpu.memory_space<hbm>>
        %dma_start3A_61 = arith.constant 0 : i32
        %dma_start3A_62 = arith.constant 0 : i32
        %dma_start3A_63 = tpu.memref_slice %arg6[%dma_start3A_61, %dma_start3A_62] : memref<128x128xf32, #tpu.memory_space<vmem>> -> memref<112x128xf32, #tpu.memory_space<vmem>>
        tpu.enqueue_dma source(%dma_start3A_63 : memref<112x128xf32, #tpu.memory_space<vmem>>) target(%dma_start3A_60 : memref<112x128xf32, #tpu.memory_space<hbm>>) target_semaphore(%run_scoped3A : memref<!tpu.dma_semaphore, #tpu.memory_space<semaphore_mem>>)
        %dma_wait3A = arith.constant 0 : i32
        %dma_wait3A_64 = arith.constant 0 : i32
        %dma_wait3A_65 = tpu.memref_slice %arg6[%dma_wait3A, %dma_wait3A_64] : memref<128x128xf32, #tpu.memory_space<vmem>> -> memref<112x128xf32, #tpu.memory_space<vmem>>
        %dma_wait3A_66 = arith.constant 0 : i32
        %dma_wait3A_67 = tpu.memref_slice %arg3[%add3A_34, %dma_wait3A_66] : memref<10112x128xf32, #tpu.memory_space<hbm>> -> memref<112x128xf32, #tpu.memory_space<hbm>>
        %dma_wait3A_68 = arith.constant 0 : i32
        %dma_wait3A_69 = tpu.memref_slice %arg3[%add3A_34, %dma_wait3A_68] : memref<10112x128xf32, #tpu.memory_space<hbm>> -> memref<112x128xf32, #tpu.memory_space<hbm>>
        %dma_wait3A_70 = arith.constant 0 : i32
        %dma_wait3A_71 = arith.constant 0 : i32
        %dma_wait3A_72 = tpu.memref_slice %arg6[%dma_wait3A_70, %dma_wait3A_71] : memref<128x128xf32, #tpu.memory_space<vmem>> -> memref<112x128xf32, #tpu.memory_space<vmem>>
        tpu.wait_dma2 semaphore(%run_scoped3A : memref<!tpu.dma_semaphore, #tpu.memory_space<semaphore_mem>>) src(%dma_wait3A_72 : memref<112x128xf32, #tpu.memory_space<vmem>>) dst(%dma_wait3A_69 : memref<112x128xf32, #tpu.memory_space<hbm>>)
        tpu.yield
      }) : () -> ()
      %add3A_35 = arith.constant 112 : i32
      %add3A_36 = arith.addi %mul3A_0, %add3A_35 : i32
      "tpu.region"() ({
        %run_scoped3A = tpu.sem_alloc : memref<!tpu.dma_semaphore, #tpu.memory_space<semaphore_mem>>
        %dma_start3A = arith.constant 0 : i32
        %dma_start3A_55 = arith.constant 0 : i32
        %dma_start3A_56 = tpu.memref_slice %arg6[%dma_start3A, %dma_start3A_55] : memref<128x128xf32, #tpu.memory_space<vmem>> -> memref<112x128xf32, #tpu.memory_space<vmem>>
        %dma_start3A_57 = arith.constant 0 : i32
        %dma_start3A_58 = tpu.memref_slice %arg7[%add3A_36, %dma_start3A_57] : memref<10112x128xf32, #tpu.memory_space<vmem_shared>> -> memref<112x128xf32, #tpu.memory_space<vmem_shared>>
        %dma_start3A_59 = arith.constant 0 : i32
        %dma_start3A_60 = arith.constant 0 : i32
        %dma_start3A_61 = tpu.memref_slice %arg6[%dma_start3A_59, %dma_start3A_60] : memref<128x128xf32, #tpu.memory_space<vmem>> -> memref<112x128xf32, #tpu.memory_space<vmem>>
        %dma_start3A_62 = arith.constant 0 : i32
        %dma_start3A_63 = tpu.memref_slice %arg7[%add3A_36, %dma_start3A_62] : memref<10112x128xf32, #tpu.memory_space<vmem_shared>> -> memref<112x128xf32, #tpu.memory_space<vmem_shared>>
        tpu.enqueue_dma source(%dma_start3A_63 : memref<112x128xf32, #tpu.memory_space<vmem_shared>>) target(%dma_start3A_61 : memref<112x128xf32, #tpu.memory_space<vmem>>) target_semaphore(%run_scoped3A : memref<!tpu.dma_semaphore, #tpu.memory_space<semaphore_mem>>)
        %dma_wait3A = arith.constant 0 : i32
        %dma_wait3A_64 = arith.constant 0 : i32
        %dma_wait3A_65 = tpu.memref_slice %arg6[%dma_wait3A, %dma_wait3A_64] : memref<128x128xf32, #tpu.memory_space<vmem>> -> memref<112x128xf32, #tpu.memory_space<vmem>>
        %dma_wait3A_66 = arith.constant 0 : i32
        %dma_wait3A_67 = tpu.memref_slice %arg7[%add3A_36, %dma_wait3A_66] : memref<10112x128xf32, #tpu.memory_space<vmem_shared>> -> memref<112x128xf32, #tpu.memory_space<vmem_shared>>
        %dma_wait3A_68 = arith.constant 0 : i32
        %dma_wait3A_69 = arith.constant 0 : i32
        %dma_wait3A_70 = tpu.memref_slice %arg6[%dma_wait3A_68, %dma_wait3A_69] : memref<128x128xf32, #tpu.memory_space<vmem>> -> memref<112x128xf32, #tpu.memory_space<vmem>>
        %dma_wait3A_71 = arith.constant 0 : i32
        %dma_wait3A_72 = tpu.memref_slice %arg7[%add3A_36, %dma_wait3A_71] : memref<10112x128xf32, #tpu.memory_space<vmem_shared>> -> memref<112x128xf32, #tpu.memory_space<vmem_shared>>
        tpu.wait_dma2 semaphore(%run_scoped3A : memref<!tpu.dma_semaphore, #tpu.memory_space<semaphore_mem>>) src(%dma_wait3A_72 : memref<112x128xf32, #tpu.memory_space<vmem_shared>>) dst(%dma_wait3A_70 : memref<112x128xf32, #tpu.memory_space<vmem>>)
        tpu.yield
      }) : () -> ()
      %add3A_37 = arith.constant 112 : i32
      %add3A_38 = arith.addi %mul3A_0, %add3A_37 : i32
      "tpu.region"() ({
        %run_scoped3A = tpu.sem_alloc : memref<!tpu.dma_semaphore, #tpu.memory_space<semaphore_mem>>
        %dma_start3A = arith.constant 0 : i32
        %dma_start3A_55 = arith.constant 0 : i32
        %dma_start3A_56 = tpu.memref_slice %arg6[%dma_start3A, %dma_start3A_55] : memref<128x128xf32, #tpu.memory_space<vmem>> -> memref<112x128xf32, #tpu.memory_space<vmem>>
        %dma_start3A_57 = arith.constant 0 : i32
        %dma_start3A_58 = tpu.memref_slice %arg3[%add3A_38, %dma_start3A_57] : memref<10112x128xf32, #tpu.memory_space<hbm>> -> memref<112x128xf32, #tpu.memory_space<hbm>>
        %dma_start3A_59 = arith.constant 0 : i32
        %dma_start3A_60 = tpu.memref_slice %arg3[%add3A_38, %dma_start3A_59] : memref<10112x128xf32, #tpu.memory_space<hbm>> -> memref<112x128xf32, #tpu.memory_space<hbm>>
        %dma_start3A_61 = arith.constant 0 : i32
        %dma_start3A_62 = arith.constant 0 : i32
        %dma_start3A_63 = tpu.memref_slice %arg6[%dma_start3A_61, %dma_start3A_62] : memref<128x128xf32, #tpu.memory_space<vmem>> -> memref<112x128xf32, #tpu.memory_space<vmem>>
        tpu.enqueue_dma source(%dma_start3A_63 : memref<112x128xf32, #tpu.memory_space<vmem>>) target(%dma_start3A_60 : memref<112x128xf32, #tpu.memory_space<hbm>>) target_semaphore(%run_scoped3A : memref<!tpu.dma_semaphore, #tpu.memory_space<semaphore_mem>>)
        %dma_wait3A = arith.constant 0 : i32
        %dma_wait3A_64 = arith.constant 0 : i32
        %dma_wait3A_65 = tpu.memref_slice %arg6[%dma_wait3A, %dma_wait3A_64] : memref<128x128xf32, #tpu.memory_space<vmem>> -> memref<112x128xf32, #tpu.memory_space<vmem>>
        %dma_wait3A_66 = arith.constant 0 : i32
        %dma_wait3A_67 = tpu.memref_slice %arg3[%add3A_38, %dma_wait3A_66] : memref<10112x128xf32, #tpu.memory_space<hbm>> -> memref<112x128xf32, #tpu.memory_space<hbm>>
        %dma_wait3A_68 = arith.constant 0 : i32
        %dma_wait3A_69 = tpu.memref_slice %arg3[%add3A_38, %dma_wait3A_68] : memref<10112x128xf32, #tpu.memory_space<hbm>> -> memref<112x128xf32, #tpu.memory_space<hbm>>
        %dma_wait3A_70 = arith.constant 0 : i32
        %dma_wait3A_71 = arith.constant 0 : i32
        %dma_wait3A_72 = tpu.memref_slice %arg6[%dma_wait3A_70, %dma_wait3A_71] : memref<128x128xf32, #tpu.memory_space<vmem>> -> memref<112x128xf32, #tpu.memory_space<vmem>>
        tpu.wait_dma2 semaphore(%run_scoped3A : memref<!tpu.dma_semaphore, #tpu.memory_space<semaphore_mem>>) src(%dma_wait3A_72 : memref<112x128xf32, #tpu.memory_space<vmem>>) dst(%dma_wait3A_69 : memref<112x128xf32, #tpu.memory_space<hbm>>)
        tpu.yield
      }) : () -> ()
      %add3A_39 = arith.constant 224 : i32
      %add3A_40 = arith.addi %mul3A_0, %add3A_39 : i32
      "tpu.region"() ({
        %run_scoped3A = tpu.sem_alloc : memref<!tpu.dma_semaphore, #tpu.memory_space<semaphore_mem>>
        %dma_start3A = arith.constant 0 : i32
        %dma_start3A_55 = arith.constant 0 : i32
        %dma_start3A_56 = tpu.memref_slice %arg6[%dma_start3A, %dma_start3A_55] : memref<128x128xf32, #tpu.memory_space<vmem>> -> memref<112x128xf32, #tpu.memory_space<vmem>>
        %dma_start3A_57 = arith.constant 0 : i32
        %dma_start3A_58 = tpu.memref_slice %arg7[%add3A_40, %dma_start3A_57] : memref<10112x128xf32, #tpu.memory_space<vmem_shared>> -> memref<112x128xf32, #tpu.memory_space<vmem_shared>>
        %dma_start3A_59 = arith.constant 0 : i32
        %dma_start3A_60 = arith.constant 0 : i32
        %dma_start3A_61 = tpu.memref_slice %arg6[%dma_start3A_59, %dma_start3A_60] : memref<128x128xf32, #tpu.memory_space<vmem>> -> memref<112x128xf32, #tpu.memory_space<vmem>>
        %dma_start3A_62 = arith.constant 0 : i32
        %dma_start3A_63 = tpu.memref_slice %arg7[%add3A_40, %dma_start3A_62] : memref<10112x128xf32, #tpu.memory_space<vmem_shared>> -> memref<112x128xf32, #tpu.memory_space<vmem_shared>>
        tpu.enqueue_dma source(%dma_start3A_63 : memref<112x128xf32, #tpu.memory_space<vmem_shared>>) target(%dma_start3A_61 : memref<112x128xf32, #tpu.memory_space<vmem>>) target_semaphore(%run_scoped3A : memref<!tpu.dma_semaphore, #tpu.memory_space<semaphore_mem>>)
        %dma_wait3A = arith.constant 0 : i32
        %dma_wait3A_64 = arith.constant 0 : i32
        %dma_wait3A_65 = tpu.memref_slice %arg6[%dma_wait3A, %dma_wait3A_64] : memref<128x128xf32, #tpu.memory_space<vmem>> -> memref<112x128xf32, #tpu.memory_space<vmem>>
        %dma_wait3A_66 = arith.constant 0 : i32
        %dma_wait3A_67 = tpu.memref_slice %arg7[%add3A_40, %dma_wait3A_66] : memref<10112x128xf32, #tpu.memory_space<vmem_shared>> -> memref<112x128xf32, #tpu.memory_space<vmem_shared>>
        %dma_wait3A_68 = arith.constant 0 : i32
        %dma_wait3A_69 = arith.constant 0 : i32
        %dma_wait3A_70 = tpu.memref_slice %arg6[%dma_wait3A_68, %dma_wait3A_69] : memref<128x128xf32, #tpu.memory_space<vmem>> -> memref<112x128xf32, #tpu.memory_space<vmem>>
        %dma_wait3A_71 = arith.constant 0 : i32
        %dma_wait3A_72 = tpu.memref_slice %arg7[%add3A_40, %dma_wait3A_71] : memref<10112x128xf32, #tpu.memory_space<vmem_shared>> -> memref<112x128xf32, #tpu.memory_space<vmem_shared>>
        tpu.wait_dma2 semaphore(%run_scoped3A : memref<!tpu.dma_semaphore, #tpu.memory_space<semaphore_mem>>) src(%dma_wait3A_72 : memref<112x128xf32, #tpu.memory_space<vmem_shared>>) dst(%dma_wait3A_70 : memref<112x128xf32, #tpu.memory_space<vmem>>)
        tpu.yield
      }) : () -> ()
      %add3A_41 = arith.constant 224 : i32
      %add3A_42 = arith.addi %mul3A_0, %add3A_41 : i32
      "tpu.region"() ({
        %run_scoped3A = tpu.sem_alloc : memref<!tpu.dma_semaphore, #tpu.memory_space<semaphore_mem>>
        %dma_start3A = arith.constant 0 : i32
        %dma_start3A_55 = arith.constant 0 : i32
        %dma_start3A_56 = tpu.memref_slice %arg6[%dma_start3A, %dma_start3A_55] : memref<128x128xf32, #tpu.memory_space<vmem>> -> memref<112x128xf32, #tpu.memory_space<vmem>>
        %dma_start3A_57 = arith.constant 0 : i32
        %dma_start3A_58 = tpu.memref_slice %arg3[%add3A_42, %dma_start3A_57] : memref<10112x128xf32, #tpu.memory_space<hbm>> -> memref<112x128xf32, #tpu.memory_space<hbm>>
        %dma_start3A_59 = arith.constant 0 : i32
        %dma_start3A_60 = tpu.memref_slice %arg3[%add3A_42, %dma_start3A_59] : memref<10112x128xf32, #tpu.memory_space<hbm>> -> memref<112x128xf32, #tpu.memory_space<hbm>>
        %dma_start3A_61 = arith.constant 0 : i32
        %dma_start3A_62 = arith.constant 0 : i32
        %dma_start3A_63 = tpu.memref_slice %arg6[%dma_start3A_61, %dma_start3A_62] : memref<128x128xf32, #tpu.memory_space<vmem>> -> memref<112x128xf32, #tpu.memory_space<vmem>>
        tpu.enqueue_dma source(%dma_start3A_63 : memref<112x128xf32, #tpu.memory_space<vmem>>) target(%dma_start3A_60 : memref<112x128xf32, #tpu.memory_space<hbm>>) target_semaphore(%run_scoped3A : memref<!tpu.dma_semaphore, #tpu.memory_space<semaphore_mem>>)
        %dma_wait3A = arith.constant 0 : i32
        %dma_wait3A_64 = arith.constant 0 : i32
        %dma_wait3A_65 = tpu.memref_slice %arg6[%dma_wait3A, %dma_wait3A_64] : memref<128x128xf32, #tpu.memory_space<vmem>> -> memref<112x128xf32, #tpu.memory_space<vmem>>
        %dma_wait3A_66 = arith.constant 0 : i32
        %dma_wait3A_67 = tpu.memref_slice %arg3[%add3A_42, %dma_wait3A_66] : memref<10112x128xf32, #tpu.memory_space<hbm>> -> memref<112x128xf32, #tpu.memory_space<hbm>>
        %dma_wait3A_68 = arith.constant 0 : i32
        %dma_wait3A_69 = tpu.memref_slice %arg3[%add3A_42, %dma_wait3A_68] : memref<10112x128xf32, #tpu.memory_space<hbm>> -> memref<112x128xf32, #tpu.memory_space<hbm>>
        %dma_wait3A_70 = arith.constant 0 : i32
        %dma_wait3A_71 = arith.constant 0 : i32
        %dma_wait3A_72 = tpu.memref_slice %arg6[%dma_wait3A_70, %dma_wait3A_71] : memref<128x128xf32, #tpu.memory_space<vmem>> -> memref<112x128xf32, #tpu.memory_space<vmem>>
        tpu.wait_dma2 semaphore(%run_scoped3A : memref<!tpu.dma_semaphore, #tpu.memory_space<semaphore_mem>>) src(%dma_wait3A_72 : memref<112x128xf32, #tpu.memory_space<vmem>>) dst(%dma_wait3A_69 : memref<112x128xf32, #tpu.memory_space<hbm>>)
        tpu.yield
      }) : () -> ()
      %add3A_43 = arith.constant 336 : i32
      %add3A_44 = arith.addi %mul3A_0, %add3A_43 : i32
      "tpu.region"() ({
        %run_scoped3A = tpu.sem_alloc : memref<!tpu.dma_semaphore, #tpu.memory_space<semaphore_mem>>
        %dma_start3A = arith.constant 0 : i32
        %dma_start3A_55 = arith.constant 0 : i32
        %dma_start3A_56 = tpu.memref_slice %arg6[%dma_start3A, %dma_start3A_55] : memref<128x128xf32, #tpu.memory_space<vmem>> -> memref<112x128xf32, #tpu.memory_space<vmem>>
        %dma_start3A_57 = arith.constant 0 : i32
        %dma_start3A_58 = tpu.memref_slice %arg7[%add3A_44, %dma_start3A_57] : memref<10112x128xf32, #tpu.memory_space<vmem_shared>> -> memref<112x128xf32, #tpu.memory_space<vmem_shared>>
        %dma_start3A_59 = arith.constant 0 : i32
        %dma_start3A_60 = arith.constant 0 : i32
        %dma_start3A_61 = tpu.memref_slice %arg6[%dma_start3A_59, %dma_start3A_60] : memref<128x128xf32, #tpu.memory_space<vmem>> -> memref<112x128xf32, #tpu.memory_space<vmem>>
        %dma_start3A_62 = arith.constant 0 : i32
        %dma_start3A_63 = tpu.memref_slice %arg7[%add3A_44, %dma_start3A_62] : memref<10112x128xf32, #tpu.memory_space<vmem_shared>> -> memref<112x128xf32, #tpu.memory_space<vmem_shared>>
        tpu.enqueue_dma source(%dma_start3A_63 : memref<112x128xf32, #tpu.memory_space<vmem_shared>>) target(%dma_start3A_61 : memref<112x128xf32, #tpu.memory_space<vmem>>) target_semaphore(%run_scoped3A : memref<!tpu.dma_semaphore, #tpu.memory_space<semaphore_mem>>)
        %dma_wait3A = arith.constant 0 : i32
        %dma_wait3A_64 = arith.constant 0 : i32
        %dma_wait3A_65 = tpu.memref_slice %arg6[%dma_wait3A, %dma_wait3A_64] : memref<128x128xf32, #tpu.memory_space<vmem>> -> memref<112x128xf32, #tpu.memory_space<vmem>>
        %dma_wait3A_66 = arith.constant 0 : i32
        %dma_wait3A_67 = tpu.memref_slice %arg7[%add3A_44, %dma_wait3A_66] : memref<10112x128xf32, #tpu.memory_space<vmem_shared>> -> memref<112x128xf32, #tpu.memory_space<vmem_shared>>
        %dma_wait3A_68 = arith.constant 0 : i32
        %dma_wait3A_69 = arith.constant 0 : i32
        %dma_wait3A_70 = tpu.memref_slice %arg6[%dma_wait3A_68, %dma_wait3A_69] : memref<128x128xf32, #tpu.memory_space<vmem>> -> memref<112x128xf32, #tpu.memory_space<vmem>>
        %dma_wait3A_71 = arith.constant 0 : i32
        %dma_wait3A_72 = tpu.memref_slice %arg7[%add3A_44, %dma_wait3A_71] : memref<10112x128xf32, #tpu.memory_space<vmem_shared>> -> memref<112x128xf32, #tpu.memory_space<vmem_shared>>
        tpu.wait_dma2 semaphore(%run_scoped3A : memref<!tpu.dma_semaphore, #tpu.memory_space<semaphore_mem>>) src(%dma_wait3A_72 : memref<112x128xf32, #tpu.memory_space<vmem_shared>>) dst(%dma_wait3A_70 : memref<112x128xf32, #tpu.memory_space<vmem>>)
        tpu.yield
      }) : () -> ()
      %add3A_45 = arith.constant 336 : i32
      %add3A_46 = arith.addi %mul3A_0, %add3A_45 : i32
      "tpu.region"() ({
        %run_scoped3A = tpu.sem_alloc : memref<!tpu.dma_semaphore, #tpu.memory_space<semaphore_mem>>
        %dma_start3A = arith.constant 0 : i32
        %dma_start3A_55 = arith.constant 0 : i32
        %dma_start3A_56 = tpu.memref_slice %arg6[%dma_start3A, %dma_start3A_55] : memref<128x128xf32, #tpu.memory_space<vmem>> -> memref<112x128xf32, #tpu.memory_space<vmem>>
        %dma_start3A_57 = arith.constant 0 : i32
        %dma_start3A_58 = tpu.memref_slice %arg3[%add3A_46, %dma_start3A_57] : memref<10112x128xf32, #tpu.memory_space<hbm>> -> memref<112x128xf32, #tpu.memory_space<hbm>>
        %dma_start3A_59 = arith.constant 0 : i32
        %dma_start3A_60 = tpu.memref_slice %arg3[%add3A_46, %dma_start3A_59] : memref<10112x128xf32, #tpu.memory_space<hbm>> -> memref<112x128xf32, #tpu.memory_space<hbm>>
        %dma_start3A_61 = arith.constant 0 : i32
        %dma_start3A_62 = arith.constant 0 : i32
        %dma_start3A_63 = tpu.memref_slice %arg6[%dma_start3A_61, %dma_start3A_62] : memref<128x128xf32, #tpu.memory_space<vmem>> -> memref<112x128xf32, #tpu.memory_space<vmem>>
        tpu.enqueue_dma source(%dma_start3A_63 : memref<112x128xf32, #tpu.memory_space<vmem>>) target(%dma_start3A_60 : memref<112x128xf32, #tpu.memory_space<hbm>>) target_semaphore(%run_scoped3A : memref<!tpu.dma_semaphore, #tpu.memory_space<semaphore_mem>>)
        %dma_wait3A = arith.constant 0 : i32
        %dma_wait3A_64 = arith.constant 0 : i32
        %dma_wait3A_65 = tpu.memref_slice %arg6[%dma_wait3A, %dma_wait3A_64] : memref<128x128xf32, #tpu.memory_space<vmem>> -> memref<112x128xf32, #tpu.memory_space<vmem>>
        %dma_wait3A_66 = arith.constant 0 : i32
        %dma_wait3A_67 = tpu.memref_slice %arg3[%add3A_46, %dma_wait3A_66] : memref<10112x128xf32, #tpu.memory_space<hbm>> -> memref<112x128xf32, #tpu.memory_space<hbm>>
        %dma_wait3A_68 = arith.constant 0 : i32
        %dma_wait3A_69 = tpu.memref_slice %arg3[%add3A_46, %dma_wait3A_68] : memref<10112x128xf32, #tpu.memory_space<hbm>> -> memref<112x128xf32, #tpu.memory_space<hbm>>
        %dma_wait3A_70 = arith.constant 0 : i32
        %dma_wait3A_71 = arith.constant 0 : i32
        %dma_wait3A_72 = tpu.memref_slice %arg6[%dma_wait3A_70, %dma_wait3A_71] : memref<128x128xf32, #tpu.memory_space<vmem>> -> memref<112x128xf32, #tpu.memory_space<vmem>>
        tpu.wait_dma2 semaphore(%run_scoped3A : memref<!tpu.dma_semaphore, #tpu.memory_space<semaphore_mem>>) src(%dma_wait3A_72 : memref<112x128xf32, #tpu.memory_space<vmem>>) dst(%dma_wait3A_69 : memref<112x128xf32, #tpu.memory_space<hbm>>)
        tpu.yield
      }) : () -> ()
      %add3A_47 = arith.constant 448 : i32
      %add3A_48 = arith.addi %mul3A_0, %add3A_47 : i32
      "tpu.region"() ({
        %run_scoped3A = tpu.sem_alloc : memref<!tpu.dma_semaphore, #tpu.memory_space<semaphore_mem>>
        %dma_start3A = arith.constant 0 : i32
        %dma_start3A_55 = arith.constant 0 : i32
        %dma_start3A_56 = tpu.memref_slice %arg6[%dma_start3A, %dma_start3A_55] : memref<128x128xf32, #tpu.memory_space<vmem>> -> memref<112x128xf32, #tpu.memory_space<vmem>>
        %dma_start3A_57 = arith.constant 0 : i32
        %dma_start3A_58 = tpu.memref_slice %arg7[%add3A_48, %dma_start3A_57] : memref<10112x128xf32, #tpu.memory_space<vmem_shared>> -> memref<112x128xf32, #tpu.memory_space<vmem_shared>>
        %dma_start3A_59 = arith.constant 0 : i32
        %dma_start3A_60 = arith.constant 0 : i32
        %dma_start3A_61 = tpu.memref_slice %arg6[%dma_start3A_59, %dma_start3A_60] : memref<128x128xf32, #tpu.memory_space<vmem>> -> memref<112x128xf32, #tpu.memory_space<vmem>>
        %dma_start3A_62 = arith.constant 0 : i32
        %dma_start3A_63 = tpu.memref_slice %arg7[%add3A_48, %dma_start3A_62] : memref<10112x128xf32, #tpu.memory_space<vmem_shared>> -> memref<112x128xf32, #tpu.memory_space<vmem_shared>>
        tpu.enqueue_dma source(%dma_start3A_63 : memref<112x128xf32, #tpu.memory_space<vmem_shared>>) target(%dma_start3A_61 : memref<112x128xf32, #tpu.memory_space<vmem>>) target_semaphore(%run_scoped3A : memref<!tpu.dma_semaphore, #tpu.memory_space<semaphore_mem>>)
        %dma_wait3A = arith.constant 0 : i32
        %dma_wait3A_64 = arith.constant 0 : i32
        %dma_wait3A_65 = tpu.memref_slice %arg6[%dma_wait3A, %dma_wait3A_64] : memref<128x128xf32, #tpu.memory_space<vmem>> -> memref<112x128xf32, #tpu.memory_space<vmem>>
        %dma_wait3A_66 = arith.constant 0 : i32
        %dma_wait3A_67 = tpu.memref_slice %arg7[%add3A_48, %dma_wait3A_66] : memref<10112x128xf32, #tpu.memory_space<vmem_shared>> -> memref<112x128xf32, #tpu.memory_space<vmem_shared>>
        %dma_wait3A_68 = arith.constant 0 : i32
        %dma_wait3A_69 = arith.constant 0 : i32
        %dma_wait3A_70 = tpu.memref_slice %arg6[%dma_wait3A_68, %dma_wait3A_69] : memref<128x128xf32, #tpu.memory_space<vmem>> -> memref<112x128xf32, #tpu.memory_space<vmem>>
        %dma_wait3A_71 = arith.constant 0 : i32
        %dma_wait3A_72 = tpu.memref_slice %arg7[%add3A_48, %dma_wait3A_71] : memref<10112x128xf32, #tpu.memory_space<vmem_shared>> -> memref<112x128xf32, #tpu.memory_space<vmem_shared>>
        tpu.wait_dma2 semaphore(%run_scoped3A : memref<!tpu.dma_semaphore, #tpu.memory_space<semaphore_mem>>) src(%dma_wait3A_72 : memref<112x128xf32, #tpu.memory_space<vmem_shared>>) dst(%dma_wait3A_70 : memref<112x128xf32, #tpu.memory_space<vmem>>)
        tpu.yield
      }) : () -> ()
      %add3A_49 = arith.constant 448 : i32
      %add3A_50 = arith.addi %mul3A_0, %add3A_49 : i32
      "tpu.region"() ({
        %run_scoped3A = tpu.sem_alloc : memref<!tpu.dma_semaphore, #tpu.memory_space<semaphore_mem>>
        %dma_start3A = arith.constant 0 : i32
        %dma_start3A_55 = arith.constant 0 : i32
        %dma_start3A_56 = tpu.memref_slice %arg6[%dma_start3A, %dma_start3A_55] : memref<128x128xf32, #tpu.memory_space<vmem>> -> memref<112x128xf32, #tpu.memory_space<vmem>>
        %dma_start3A_57 = arith.constant 0 : i32
        %dma_start3A_58 = tpu.memref_slice %arg3[%add3A_50, %dma_start3A_57] : memref<10112x128xf32, #tpu.memory_space<hbm>> -> memref<112x128xf32, #tpu.memory_space<hbm>>
        %dma_start3A_59 = arith.constant 0 : i32
        %dma_start3A_60 = tpu.memref_slice %arg3[%add3A_50, %dma_start3A_59] : memref<10112x128xf32, #tpu.memory_space<hbm>> -> memref<112x128xf32, #tpu.memory_space<hbm>>
        %dma_start3A_61 = arith.constant 0 : i32
        %dma_start3A_62 = arith.constant 0 : i32
        %dma_start3A_63 = tpu.memref_slice %arg6[%dma_start3A_61, %dma_start3A_62] : memref<128x128xf32, #tpu.memory_space<vmem>> -> memref<112x128xf32, #tpu.memory_space<vmem>>
        tpu.enqueue_dma source(%dma_start3A_63 : memref<112x128xf32, #tpu.memory_space<vmem>>) target(%dma_start3A_60 : memref<112x128xf32, #tpu.memory_space<hbm>>) target_semaphore(%run_scoped3A : memref<!tpu.dma_semaphore, #tpu.memory_space<semaphore_mem>>)
        %dma_wait3A = arith.constant 0 : i32
        %dma_wait3A_64 = arith.constant 0 : i32
        %dma_wait3A_65 = tpu.memref_slice %arg6[%dma_wait3A, %dma_wait3A_64] : memref<128x128xf32, #tpu.memory_space<vmem>> -> memref<112x128xf32, #tpu.memory_space<vmem>>
        %dma_wait3A_66 = arith.constant 0 : i32
        %dma_wait3A_67 = tpu.memref_slice %arg3[%add3A_50, %dma_wait3A_66] : memref<10112x128xf32, #tpu.memory_space<hbm>> -> memref<112x128xf32, #tpu.memory_space<hbm>>
        %dma_wait3A_68 = arith.constant 0 : i32
        %dma_wait3A_69 = tpu.memref_slice %arg3[%add3A_50, %dma_wait3A_68] : memref<10112x128xf32, #tpu.memory_space<hbm>> -> memref<112x128xf32, #tpu.memory_space<hbm>>
        %dma_wait3A_70 = arith.constant 0 : i32
        %dma_wait3A_71 = arith.constant 0 : i32
        %dma_wait3A_72 = tpu.memref_slice %arg6[%dma_wait3A_70, %dma_wait3A_71] : memref<128x128xf32, #tpu.memory_space<vmem>> -> memref<112x128xf32, #tpu.memory_space<vmem>>
        tpu.wait_dma2 semaphore(%run_scoped3A : memref<!tpu.dma_semaphore, #tpu.memory_space<semaphore_mem>>) src(%dma_wait3A_72 : memref<112x128xf32, #tpu.memory_space<vmem>>) dst(%dma_wait3A_69 : memref<112x128xf32, #tpu.memory_space<hbm>>)
        tpu.yield
      }) : () -> ()
      %add3A_51 = arith.constant 560 : i32
      %add3A_52 = arith.addi %mul3A_0, %add3A_51 : i32
      "tpu.region"() ({
        %run_scoped3A = tpu.sem_alloc : memref<!tpu.dma_semaphore, #tpu.memory_space<semaphore_mem>>
        %dma_start3A = arith.constant 0 : i32
        %dma_start3A_55 = arith.constant 0 : i32
        %dma_start3A_56 = tpu.memref_slice %arg6[%dma_start3A, %dma_start3A_55] : memref<128x128xf32, #tpu.memory_space<vmem>> -> memref<72x128xf32, #tpu.memory_space<vmem>>
        %dma_start3A_57 = arith.constant 0 : i32
        %dma_start3A_58 = tpu.memref_slice %arg7[%add3A_52, %dma_start3A_57] : memref<10112x128xf32, #tpu.memory_space<vmem_shared>> -> memref<72x128xf32, #tpu.memory_space<vmem_shared>>
        %dma_start3A_59 = arith.constant 0 : i32
        %dma_start3A_60 = arith.constant 0 : i32
        %dma_start3A_61 = tpu.memref_slice %arg6[%dma_start3A_59, %dma_start3A_60] : memref<128x128xf32, #tpu.memory_space<vmem>> -> memref<72x128xf32, #tpu.memory_space<vmem>>
        %dma_start3A_62 = arith.constant 0 : i32
        %dma_start3A_63 = tpu.memref_slice %arg7[%add3A_52, %dma_start3A_62] : memref<10112x128xf32, #tpu.memory_space<vmem_shared>> -> memref<72x128xf32, #tpu.memory_space<vmem_shared>>
        tpu.enqueue_dma source(%dma_start3A_63 : memref<72x128xf32, #tpu.memory_space<vmem_shared>>) target(%dma_start3A_61 : memref<72x128xf32, #tpu.memory_space<vmem>>) target_semaphore(%run_scoped3A : memref<!tpu.dma_semaphore, #tpu.memory_space<semaphore_mem>>)
        %dma_wait3A = arith.constant 0 : i32
        %dma_wait3A_64 = arith.constant 0 : i32
        %dma_wait3A_65 = tpu.memref_slice %arg6[%dma_wait3A, %dma_wait3A_64] : memref<128x128xf32, #tpu.memory_space<vmem>> -> memref<72x128xf32, #tpu.memory_space<vmem>>
        %dma_wait3A_66 = arith.constant 0 : i32
        %dma_wait3A_67 = tpu.memref_slice %arg7[%add3A_52, %dma_wait3A_66] : memref<10112x128xf32, #tpu.memory_space<vmem_shared>> -> memref<72x128xf32, #tpu.memory_space<vmem_shared>>
        %dma_wait3A_68 = arith.constant 0 : i32
        %dma_wait3A_69 = arith.constant 0 : i32
        %dma_wait3A_70 = tpu.memref_slice %arg6[%dma_wait3A_68, %dma_wait3A_69] : memref<128x128xf32, #tpu.memory_space<vmem>> -> memref<72x128xf32, #tpu.memory_space<vmem>>
        %dma_wait3A_71 = arith.constant 0 : i32
        %dma_wait3A_72 = tpu.memref_slice %arg7[%add3A_52, %dma_wait3A_71] : memref<10112x128xf32, #tpu.memory_space<vmem_shared>> -> memref<72x128xf32, #tpu.memory_space<vmem_shared>>
        tpu.wait_dma2 semaphore(%run_scoped3A : memref<!tpu.dma_semaphore, #tpu.memory_space<semaphore_mem>>) src(%dma_wait3A_72 : memref<72x128xf32, #tpu.memory_space<vmem_shared>>) dst(%dma_wait3A_70 : memref<72x128xf32, #tpu.memory_space<vmem>>)
        tpu.yield
      }) : () -> ()
      %add3A_53 = arith.constant 560 : i32
      %add3A_54 = arith.addi %mul3A_0, %add3A_53 : i32
      "tpu.region"() ({
        %run_scoped3A = tpu.sem_alloc : memref<!tpu.dma_semaphore, #tpu.memory_space<semaphore_mem>>
        %dma_start3A = arith.constant 0 : i32
        %dma_start3A_55 = arith.constant 0 : i32
        %dma_start3A_56 = tpu.memref_slice %arg6[%dma_start3A, %dma_start3A_55] : memref<128x128xf32, #tpu.memory_space<vmem>> -> memref<72x128xf32, #tpu.memory_space<vmem>>
        %dma_start3A_57 = arith.constant 0 : i32
        %dma_start3A_58 = tpu.memref_slice %arg3[%add3A_54, %dma_start3A_57] : memref<10112x128xf32, #tpu.memory_space<hbm>> -> memref<72x128xf32, #tpu.memory_space<hbm>>
        %dma_start3A_59 = arith.constant 0 : i32
        %dma_start3A_60 = tpu.memref_slice %arg3[%add3A_54, %dma_start3A_59] : memref<10112x128xf32, #tpu.memory_space<hbm>> -> memref<72x128xf32, #tpu.memory_space<hbm>>
        %dma_start3A_61 = arith.constant 0 : i32
        %dma_start3A_62 = arith.constant 0 : i32
        %dma_start3A_63 = tpu.memref_slice %arg6[%dma_start3A_61, %dma_start3A_62] : memref<128x128xf32, #tpu.memory_space<vmem>> -> memref<72x128xf32, #tpu.memory_space<vmem>>
        tpu.enqueue_dma source(%dma_start3A_63 : memref<72x128xf32, #tpu.memory_space<vmem>>) target(%dma_start3A_60 : memref<72x128xf32, #tpu.memory_space<hbm>>) target_semaphore(%run_scoped3A : memref<!tpu.dma_semaphore, #tpu.memory_space<semaphore_mem>>)
        %dma_wait3A = arith.constant 0 : i32
        %dma_wait3A_64 = arith.constant 0 : i32
        %dma_wait3A_65 = tpu.memref_slice %arg6[%dma_wait3A, %dma_wait3A_64] : memref<128x128xf32, #tpu.memory_space<vmem>> -> memref<72x128xf32, #tpu.memory_space<vmem>>
        %dma_wait3A_66 = arith.constant 0 : i32
        %dma_wait3A_67 = tpu.memref_slice %arg3[%add3A_54, %dma_wait3A_66] : memref<10112x128xf32, #tpu.memory_space<hbm>> -> memref<72x128xf32, #tpu.memory_space<hbm>>
        %dma_wait3A_68 = arith.constant 0 : i32
        %dma_wait3A_69 = tpu.memref_slice %arg3[%add3A_54, %dma_wait3A_68] : memref<10112x128xf32, #tpu.memory_space<hbm>> -> memref<72x128xf32, #tpu.memory_space<hbm>>
        %dma_wait3A_70 = arith.constant 0 : i32
        %dma_wait3A_71 = arith.constant 0 : i32
        %dma_wait3A_72 = tpu.memref_slice %arg6[%dma_wait3A_70, %dma_wait3A_71] : memref<128x128xf32, #tpu.memory_space<vmem>> -> memref<72x128xf32, #tpu.memory_space<vmem>>
        tpu.wait_dma2 semaphore(%run_scoped3A : memref<!tpu.dma_semaphore, #tpu.memory_space<semaphore_mem>>) src(%dma_wait3A_72 : memref<72x128xf32, #tpu.memory_space<vmem>>) dst(%dma_wait3A_69 : memref<72x128xf32, #tpu.memory_space<hbm>>)
        tpu.yield
      }) : () -> ()
    } else {
    }
    return
  }
}

#map = affine_map<(d0, d1) -> (0, 0)>
module attributes {stable_mosaic.version = 14 : i64} {
  func.func @_sc_body(%arg0: i32, %arg1: i32, %arg2: memref<20224x128xf32, #tpu.memory_space<hbm>>, %arg3: memref<20224x128xf32, #tpu.memory_space<hbm>>, %arg4: memref<6144x112xi32, #tpu.memory_space<hbm>>, %arg5: memref<16x128xf32, #tpu.memory_space<hbm>>, %arg6: memref<20224x128xf32, #tpu.memory_space<hbm>>, %arg7: memref<20224x128xf32, #tpu.memory_space<hbm>>, %arg8: memref<32x112xi32, #tpu.memory_space<vmem>>, %arg9: memref<112x128xf32, #tpu.memory_space<vmem>>, %arg10: memref<112x128xf32, #tpu.memory_space<vmem>>, %arg11: memref<112x128xf32, #tpu.memory_space<vmem>>, %arg12: memref<16x128xf32, #tpu.memory_space<vmem>>, %arg13: memref<10112x128xf32, #tpu.memory_space<vmem_shared>>, %arg14: memref<!tpu.dma_semaphore, #tpu.memory_space<semaphore_mem>>, %arg15: memref<!tpu.dma_semaphore, #tpu.memory_space<semaphore_mem>>, %arg16: memref<!tpu.dma_semaphore, #tpu.memory_space<semaphore_mem>>, %arg17: memref<!tpu.dma_semaphore, #tpu.memory_space<semaphore_mem>>, %arg18: memref<!tpu.dma_semaphore, #tpu.memory_space<semaphore_mem>>, %arg19: memref<!tpu.dma_semaphore, #tpu.memory_space<semaphore_mem>>, %arg20: memref<!tpu.dma_semaphore, #tpu.memory_space<semaphore_mem>>) attributes {dimension_semantics = [#tpu.dimension_semantics<core_parallel>, #tpu.dimension_semantics<subcore_parallel>], iteration_bounds = array<i64: 2, 16>, scalar_prefetch = 0 : i64, scratch_operands = 13 : i64, tpu.core_type = #tpu.core_type<sc_vector_subcore>, window_params = [{transform_indices = #map}, {transform_indices = #map}, {transform_indices = #map}, {transform_indices = #map}, {transform_indices = #map}, {transform_indices = #map}]} {
    %mul3A = arith.constant 632 : i32
    %mul3A_0 = arith.muli %arg1, %mul3A : i32
    %broadcast_in_dim3A = arith.constant 0.000000e+00 : f32
    %broadcast_in_dim3A_1 = vector.broadcast %broadcast_in_dim3A : f32 to vector<16xf32>
    "tpu.region"() ({
      %run_scoped3A = tpu.sem_alloc : memref<!tpu.dma_semaphore, #tpu.memory_space<semaphore_mem>>
      tpu.enqueue_dma source(%arg5 : memref<16x128xf32, #tpu.memory_space<hbm>>) target(%arg12 : memref<16x128xf32, #tpu.memory_space<vmem>>) target_semaphore(%run_scoped3A : memref<!tpu.dma_semaphore, #tpu.memory_space<semaphore_mem>>)
      tpu.wait_dma2 semaphore(%run_scoped3A : memref<!tpu.dma_semaphore, #tpu.memory_space<semaphore_mem>>) src(%arg5 : memref<16x128xf32, #tpu.memory_space<hbm>>) dst(%arg12 : memref<16x128xf32, #tpu.memory_space<vmem>>)
      tpu.yield
    }) : () -> ()
    %mul3A_2 = arith.constant 10112 : i32
    %mul3A_3 = arith.muli %arg0, %mul3A_2 : i32
    %add3A = arith.addi %mul3A_3, %mul3A_0 : i32
    %add3A_4 = arith.constant 0 : i32
    %add3A_5 = arith.addi %add3A, %add3A_4 : i32
    "tpu.region"() ({
      %run_scoped3A = tpu.sem_alloc : memref<!tpu.dma_semaphore, #tpu.memory_space<semaphore_mem>>
      %dma_start3A = arith.constant 0 : i32
      %dma_start3A_127 = arith.constant 0 : i32
      %dma_start3A_128 = tpu.memref_slice %arg9[%dma_start3A, %dma_start3A_127] : memref<112x128xf32, #tpu.memory_space<vmem>> -> memref<112x128xf32, #tpu.memory_space<vmem>>
      %dma_start3A_129 = arith.constant 0 : i32
      %dma_start3A_130 = tpu.memref_slice %arg2[%add3A_5, %dma_start3A_129] : memref<20224x128xf32, #tpu.memory_space<hbm>> -> memref<112x128xf32, #tpu.memory_space<hbm>>
      %dma_start3A_131 = arith.constant 0 : i32
      %dma_start3A_132 = arith.constant 0 : i32
      %dma_start3A_133 = tpu.memref_slice %arg9[%dma_start3A_131, %dma_start3A_132] : memref<112x128xf32, #tpu.memory_space<vmem>> -> memref<112x128xf32, #tpu.memory_space<vmem>>
      %dma_start3A_134 = arith.constant 0 : i32
      %dma_start3A_135 = tpu.memref_slice %arg2[%add3A_5, %dma_start3A_134] : memref<20224x128xf32, #tpu.memory_space<hbm>> -> memref<112x128xf32, #tpu.memory_space<hbm>>
      tpu.enqueue_dma source(%dma_start3A_135 : memref<112x128xf32, #tpu.memory_space<hbm>>) target(%dma_start3A_133 : memref<112x128xf32, #tpu.memory_space<vmem>>) target_semaphore(%run_scoped3A : memref<!tpu.dma_semaphore, #tpu.memory_space<semaphore_mem>>)
      %dma_wait3A = arith.constant 0 : i32
      %dma_wait3A_136 = arith.constant 0 : i32
      %dma_wait3A_137 = tpu.memref_slice %arg9[%dma_wait3A, %dma_wait3A_136] : memref<112x128xf32, #tpu.memory_space<vmem>> -> memref<112x128xf32, #tpu.memory_space<vmem>>
      %dma_wait3A_138 = arith.constant 0 : i32
      %dma_wait3A_139 = tpu.memref_slice %arg2[%add3A_5, %dma_wait3A_138] : memref<20224x128xf32, #tpu.memory_space<hbm>> -> memref<112x128xf32, #tpu.memory_space<hbm>>
      %dma_wait3A_140 = arith.constant 0 : i32
      %dma_wait3A_141 = arith.constant 0 : i32
      %dma_wait3A_142 = tpu.memref_slice %arg9[%dma_wait3A_140, %dma_wait3A_141] : memref<112x128xf32, #tpu.memory_space<vmem>> -> memref<112x128xf32, #tpu.memory_space<vmem>>
      %dma_wait3A_143 = arith.constant 0 : i32
      %dma_wait3A_144 = tpu.memref_slice %arg2[%add3A_5, %dma_wait3A_143] : memref<20224x128xf32, #tpu.memory_space<hbm>> -> memref<112x128xf32, #tpu.memory_space<hbm>>
      tpu.wait_dma2 semaphore(%run_scoped3A : memref<!tpu.dma_semaphore, #tpu.memory_space<semaphore_mem>>) src(%dma_wait3A_144 : memref<112x128xf32, #tpu.memory_space<hbm>>) dst(%dma_wait3A_142 : memref<112x128xf32, #tpu.memory_space<vmem>>)
      tpu.yield
    }) : () -> ()
    %mul3A_6 = arith.constant 10112 : i32
    %mul3A_7 = arith.muli %arg0, %mul3A_6 : i32
    %add3A_8 = arith.addi %mul3A_7, %mul3A_0 : i32
    %add3A_9 = arith.constant 0 : i32
    %add3A_10 = arith.addi %add3A_8, %add3A_9 : i32
    "tpu.region"() ({
      %run_scoped3A = tpu.sem_alloc : memref<!tpu.dma_semaphore, #tpu.memory_space<semaphore_mem>>
      %dma_start3A = arith.constant 0 : i32
      %dma_start3A_127 = arith.constant 0 : i32
      %dma_start3A_128 = tpu.memref_slice %arg9[%dma_start3A, %dma_start3A_127] : memref<112x128xf32, #tpu.memory_space<vmem>> -> memref<112x128xf32, #tpu.memory_space<vmem>>
      %dma_start3A_129 = arith.constant 0 : i32
      %dma_start3A_130 = tpu.memref_slice %arg7[%add3A_10, %dma_start3A_129] : memref<20224x128xf32, #tpu.memory_space<hbm>> -> memref<112x128xf32, #tpu.memory_space<hbm>>
      %dma_start3A_131 = arith.constant 0 : i32
      %dma_start3A_132 = tpu.memref_slice %arg7[%add3A_10, %dma_start3A_131] : memref<20224x128xf32, #tpu.memory_space<hbm>> -> memref<112x128xf32, #tpu.memory_space<hbm>>
      %dma_start3A_133 = arith.constant 0 : i32
      %dma_start3A_134 = arith.constant 0 : i32
      %dma_start3A_135 = tpu.memref_slice %arg9[%dma_start3A_133, %dma_start3A_134] : memref<112x128xf32, #tpu.memory_space<vmem>> -> memref<112x128xf32, #tpu.memory_space<vmem>>
      tpu.enqueue_dma source(%dma_start3A_135 : memref<112x128xf32, #tpu.memory_space<vmem>>) target(%dma_start3A_132 : memref<112x128xf32, #tpu.memory_space<hbm>>) target_semaphore(%run_scoped3A : memref<!tpu.dma_semaphore, #tpu.memory_space<semaphore_mem>>)
      %dma_wait3A = arith.constant 0 : i32
      %dma_wait3A_136 = arith.constant 0 : i32
      %dma_wait3A_137 = tpu.memref_slice %arg9[%dma_wait3A, %dma_wait3A_136] : memref<112x128xf32, #tpu.memory_space<vmem>> -> memref<112x128xf32, #tpu.memory_space<vmem>>
      %dma_wait3A_138 = arith.constant 0 : i32
      %dma_wait3A_139 = tpu.memref_slice %arg7[%add3A_10, %dma_wait3A_138] : memref<20224x128xf32, #tpu.memory_space<hbm>> -> memref<112x128xf32, #tpu.memory_space<hbm>>
      %dma_wait3A_140 = arith.constant 0 : i32
      %dma_wait3A_141 = tpu.memref_slice %arg7[%add3A_10, %dma_wait3A_140] : memref<20224x128xf32, #tpu.memory_space<hbm>> -> memref<112x128xf32, #tpu.memory_space<hbm>>
      %dma_wait3A_142 = arith.constant 0 : i32
      %dma_wait3A_143 = arith.constant 0 : i32
      %dma_wait3A_144 = tpu.memref_slice %arg9[%dma_wait3A_142, %dma_wait3A_143] : memref<112x128xf32, #tpu.memory_space<vmem>> -> memref<112x128xf32, #tpu.memory_space<vmem>>
      tpu.wait_dma2 semaphore(%run_scoped3A : memref<!tpu.dma_semaphore, #tpu.memory_space<semaphore_mem>>) src(%dma_wait3A_144 : memref<112x128xf32, #tpu.memory_space<vmem>>) dst(%dma_wait3A_141 : memref<112x128xf32, #tpu.memory_space<hbm>>)
      tpu.yield
    }) : () -> ()
    %mul3A_11 = arith.constant 10112 : i32
    %mul3A_12 = arith.muli %arg0, %mul3A_11 : i32
    %add3A_13 = arith.addi %mul3A_12, %mul3A_0 : i32
    %add3A_14 = arith.constant 0 : i32
    %add3A_15 = arith.addi %add3A_13, %add3A_14 : i32
    "tpu.region"() ({
      %run_scoped3A = tpu.sem_alloc : memref<!tpu.dma_semaphore, #tpu.memory_space<semaphore_mem>>
      %dma_start3A = arith.constant 0 : i32
      %dma_start3A_127 = arith.constant 0 : i32
      %dma_start3A_128 = tpu.memref_slice %arg10[%dma_start3A, %dma_start3A_127] : memref<112x128xf32, #tpu.memory_space<vmem>> -> memref<112x128xf32, #tpu.memory_space<vmem>>
      %dma_start3A_129 = arith.constant 0 : i32
      %dma_start3A_130 = tpu.memref_slice %arg3[%add3A_15, %dma_start3A_129] : memref<20224x128xf32, #tpu.memory_space<hbm>> -> memref<112x128xf32, #tpu.memory_space<hbm>>
      %dma_start3A_131 = arith.constant 0 : i32
      %dma_start3A_132 = arith.constant 0 : i32
      %dma_start3A_133 = tpu.memref_slice %arg10[%dma_start3A_131, %dma_start3A_132] : memref<112x128xf32, #tpu.memory_space<vmem>> -> memref<112x128xf32, #tpu.memory_space<vmem>>
      %dma_start3A_134 = arith.constant 0 : i32
      %dma_start3A_135 = tpu.memref_slice %arg3[%add3A_15, %dma_start3A_134] : memref<20224x128xf32, #tpu.memory_space<hbm>> -> memref<112x128xf32, #tpu.memory_space<hbm>>
      tpu.enqueue_dma source(%dma_start3A_135 : memref<112x128xf32, #tpu.memory_space<hbm>>) target(%dma_start3A_133 : memref<112x128xf32, #tpu.memory_space<vmem>>) target_semaphore(%run_scoped3A : memref<!tpu.dma_semaphore, #tpu.memory_space<semaphore_mem>>)
      %dma_wait3A = arith.constant 0 : i32
      %dma_wait3A_136 = arith.constant 0 : i32
      %dma_wait3A_137 = tpu.memref_slice %arg10[%dma_wait3A, %dma_wait3A_136] : memref<112x128xf32, #tpu.memory_space<vmem>> -> memref<112x128xf32, #tpu.memory_space<vmem>>
      %dma_wait3A_138 = arith.constant 0 : i32
      %dma_wait3A_139 = tpu.memref_slice %arg3[%add3A_15, %dma_wait3A_138] : memref<20224x128xf32, #tpu.memory_space<hbm>> -> memref<112x128xf32, #tpu.memory_space<hbm>>
      %dma_wait3A_140 = arith.constant 0 : i32
      %dma_wait3A_141 = arith.constant 0 : i32
      %dma_wait3A_142 = tpu.memref_slice %arg10[%dma_wait3A_140, %dma_wait3A_141] : memref<112x128xf32, #tpu.memory_space<vmem>> -> memref<112x128xf32, #tpu.memory_space<vmem>>
      %dma_wait3A_143 = arith.constant 0 : i32
      %dma_wait3A_144 = tpu.memref_slice %arg3[%add3A_15, %dma_wait3A_143] : memref<20224x128xf32, #tpu.memory_space<hbm>> -> memref<112x128xf32, #tpu.memory_space<hbm>>
      tpu.wait_dma2 semaphore(%run_scoped3A : memref<!tpu.dma_semaphore, #tpu.memory_space<semaphore_mem>>) src(%dma_wait3A_144 : memref<112x128xf32, #tpu.memory_space<hbm>>) dst(%dma_wait3A_142 : memref<112x128xf32, #tpu.memory_space<vmem>>)
      tpu.yield
    }) : () -> ()
    %mul3A_16 = arith.constant 10112 : i32
    %mul3A_17 = arith.muli %arg0, %mul3A_16 : i32
    %add3A_18 = arith.addi %mul3A_17, %mul3A_0 : i32
    %add3A_19 = arith.constant 0 : i32
    %add3A_20 = arith.addi %add3A_18, %add3A_19 : i32
    "tpu.region"() ({
      %run_scoped3A = tpu.sem_alloc : memref<!tpu.dma_semaphore, #tpu.memory_space<semaphore_mem>>
      %dma_start3A = arith.constant 0 : i32
      %dma_start3A_127 = arith.constant 0 : i32
      %dma_start3A_128 = tpu.memref_slice %arg10[%dma_start3A, %dma_start3A_127] : memref<112x128xf32, #tpu.memory_space<vmem>> -> memref<112x128xf32, #tpu.memory_space<vmem>>
      %dma_start3A_129 = arith.constant 0 : i32
      %dma_start3A_130 = tpu.memref_slice %arg6[%add3A_20, %dma_start3A_129] : memref<20224x128xf32, #tpu.memory_space<hbm>> -> memref<112x128xf32, #tpu.memory_space<hbm>>
      %dma_start3A_131 = arith.constant 0 : i32
      %dma_start3A_132 = tpu.memref_slice %arg6[%add3A_20, %dma_start3A_131] : memref<20224x128xf32, #tpu.memory_space<hbm>> -> memref<112x128xf32, #tpu.memory_space<hbm>>
      %dma_start3A_133 = arith.constant 0 : i32
      %dma_start3A_134 = arith.constant 0 : i32
      %dma_start3A_135 = tpu.memref_slice %arg10[%dma_start3A_133, %dma_start3A_134] : memref<112x128xf32, #tpu.memory_space<vmem>> -> memref<112x128xf32, #tpu.memory_space<vmem>>
      tpu.enqueue_dma source(%dma_start3A_135 : memref<112x128xf32, #tpu.memory_space<vmem>>) target(%dma_start3A_132 : memref<112x128xf32, #tpu.memory_space<hbm>>) target_semaphore(%run_scoped3A : memref<!tpu.dma_semaphore, #tpu.memory_space<semaphore_mem>>)
      %dma_wait3A = arith.constant 0 : i32
      %dma_wait3A_136 = arith.constant 0 : i32
      %dma_wait3A_137 = tpu.memref_slice %arg10[%dma_wait3A, %dma_wait3A_136] : memref<112x128xf32, #tpu.memory_space<vmem>> -> memref<112x128xf32, #tpu.memory_space<vmem>>
      %dma_wait3A_138 = arith.constant 0 : i32
      %dma_wait3A_139 = tpu.memref_slice %arg6[%add3A_20, %dma_wait3A_138] : memref<20224x128xf32, #tpu.memory_space<hbm>> -> memref<112x128xf32, #tpu.memory_space<hbm>>
      %dma_wait3A_140 = arith.constant 0 : i32
      %dma_wait3A_141 = tpu.memref_slice %arg6[%add3A_20, %dma_wait3A_140] : memref<20224x128xf32, #tpu.memory_space<hbm>> -> memref<112x128xf32, #tpu.memory_space<hbm>>
      %dma_wait3A_142 = arith.constant 0 : i32
      %dma_wait3A_143 = arith.constant 0 : i32
      %dma_wait3A_144 = tpu.memref_slice %arg10[%dma_wait3A_142, %dma_wait3A_143] : memref<112x128xf32, #tpu.memory_space<vmem>> -> memref<112x128xf32, #tpu.memory_space<vmem>>
      tpu.wait_dma2 semaphore(%run_scoped3A : memref<!tpu.dma_semaphore, #tpu.memory_space<semaphore_mem>>) src(%dma_wait3A_144 : memref<112x128xf32, #tpu.memory_space<vmem>>) dst(%dma_wait3A_141 : memref<112x128xf32, #tpu.memory_space<hbm>>)
      tpu.yield
    }) : () -> ()
    %mul3A_21 = arith.constant 10112 : i32
    %mul3A_22 = arith.muli %arg0, %mul3A_21 : i32
    %add3A_23 = arith.addi %mul3A_22, %mul3A_0 : i32
    %add3A_24 = arith.constant 112 : i32
    %add3A_25 = arith.addi %add3A_23, %add3A_24 : i32
    "tpu.region"() ({
      %run_scoped3A = tpu.sem_alloc : memref<!tpu.dma_semaphore, #tpu.memory_space<semaphore_mem>>
      %dma_start3A = arith.constant 0 : i32
      %dma_start3A_127 = arith.constant 0 : i32
      %dma_start3A_128 = tpu.memref_slice %arg9[%dma_start3A, %dma_start3A_127] : memref<112x128xf32, #tpu.memory_space<vmem>> -> memref<112x128xf32, #tpu.memory_space<vmem>>
      %dma_start3A_129 = arith.constant 0 : i32
      %dma_start3A_130 = tpu.memref_slice %arg2[%add3A_25, %dma_start3A_129] : memref<20224x128xf32, #tpu.memory_space<hbm>> -> memref<112x128xf32, #tpu.memory_space<hbm>>
      %dma_start3A_131 = arith.constant 0 : i32
      %dma_start3A_132 = arith.constant 0 : i32
      %dma_start3A_133 = tpu.memref_slice %arg9[%dma_start3A_131, %dma_start3A_132] : memref<112x128xf32, #tpu.memory_space<vmem>> -> memref<112x128xf32, #tpu.memory_space<vmem>>
      %dma_start3A_134 = arith.constant 0 : i32
      %dma_start3A_135 = tpu.memref_slice %arg2[%add3A_25, %dma_start3A_134] : memref<20224x128xf32, #tpu.memory_space<hbm>> -> memref<112x128xf32, #tpu.memory_space<hbm>>
      tpu.enqueue_dma source(%dma_start3A_135 : memref<112x128xf32, #tpu.memory_space<hbm>>) target(%dma_start3A_133 : memref<112x128xf32, #tpu.memory_space<vmem>>) target_semaphore(%run_scoped3A : memref<!tpu.dma_semaphore, #tpu.memory_space<semaphore_mem>>)
      %dma_wait3A = arith.constant 0 : i32
      %dma_wait3A_136 = arith.constant 0 : i32
      %dma_wait3A_137 = tpu.memref_slice %arg9[%dma_wait3A, %dma_wait3A_136] : memref<112x128xf32, #tpu.memory_space<vmem>> -> memref<112x128xf32, #tpu.memory_space<vmem>>
      %dma_wait3A_138 = arith.constant 0 : i32
      %dma_wait3A_139 = tpu.memref_slice %arg2[%add3A_25, %dma_wait3A_138] : memref<20224x128xf32, #tpu.memory_space<hbm>> -> memref<112x128xf32, #tpu.memory_space<hbm>>
      %dma_wait3A_140 = arith.constant 0 : i32
      %dma_wait3A_141 = arith.constant 0 : i32
      %dma_wait3A_142 = tpu.memref_slice %arg9[%dma_wait3A_140, %dma_wait3A_141] : memref<112x128xf32, #tpu.memory_space<vmem>> -> memref<112x128xf32, #tpu.memory_space<vmem>>
      %dma_wait3A_143 = arith.constant 0 : i32
      %dma_wait3A_144 = tpu.memref_slice %arg2[%add3A_25, %dma_wait3A_143] : memref<20224x128xf32, #tpu.memory_space<hbm>> -> memref<112x128xf32, #tpu.memory_space<hbm>>
      tpu.wait_dma2 semaphore(%run_scoped3A : memref<!tpu.dma_semaphore, #tpu.memory_space<semaphore_mem>>) src(%dma_wait3A_144 : memref<112x128xf32, #tpu.memory_space<hbm>>) dst(%dma_wait3A_142 : memref<112x128xf32, #tpu.memory_space<vmem>>)
      tpu.yield
    }) : () -> ()
    %mul3A_26 = arith.constant 10112 : i32
    %mul3A_27 = arith.muli %arg0, %mul3A_26 : i32
    %add3A_28 = arith.addi %mul3A_27, %mul3A_0 : i32
    %add3A_29 = arith.constant 112 : i32
    %add3A_30 = arith.addi %add3A_28, %add3A_29 : i32
    "tpu.region"() ({
      %run_scoped3A = tpu.sem_alloc : memref<!tpu.dma_semaphore, #tpu.memory_space<semaphore_mem>>
      %dma_start3A = arith.constant 0 : i32
      %dma_start3A_127 = arith.constant 0 : i32
      %dma_start3A_128 = tpu.memref_slice %arg9[%dma_start3A, %dma_start3A_127] : memref<112x128xf32, #tpu.memory_space<vmem>> -> memref<112x128xf32, #tpu.memory_space<vmem>>
      %dma_start3A_129 = arith.constant 0 : i32
      %dma_start3A_130 = tpu.memref_slice %arg7[%add3A_30, %dma_start3A_129] : memref<20224x128xf32, #tpu.memory_space<hbm>> -> memref<112x128xf32, #tpu.memory_space<hbm>>
      %dma_start3A_131 = arith.constant 0 : i32
      %dma_start3A_132 = tpu.memref_slice %arg7[%add3A_30, %dma_start3A_131] : memref<20224x128xf32, #tpu.memory_space<hbm>> -> memref<112x128xf32, #tpu.memory_space<hbm>>
      %dma_start3A_133 = arith.constant 0 : i32
      %dma_start3A_134 = arith.constant 0 : i32
      %dma_start3A_135 = tpu.memref_slice %arg9[%dma_start3A_133, %dma_start3A_134] : memref<112x128xf32, #tpu.memory_space<vmem>> -> memref<112x128xf32, #tpu.memory_space<vmem>>
      tpu.enqueue_dma source(%dma_start3A_135 : memref<112x128xf32, #tpu.memory_space<vmem>>) target(%dma_start3A_132 : memref<112x128xf32, #tpu.memory_space<hbm>>) target_semaphore(%run_scoped3A : memref<!tpu.dma_semaphore, #tpu.memory_space<semaphore_mem>>)
      %dma_wait3A = arith.constant 0 : i32
      %dma_wait3A_136 = arith.constant 0 : i32
      %dma_wait3A_137 = tpu.memref_slice %arg9[%dma_wait3A, %dma_wait3A_136] : memref<112x128xf32, #tpu.memory_space<vmem>> -> memref<112x128xf32, #tpu.memory_space<vmem>>
      %dma_wait3A_138 = arith.constant 0 : i32
      %dma_wait3A_139 = tpu.memref_slice %arg7[%add3A_30, %dma_wait3A_138] : memref<20224x128xf32, #tpu.memory_space<hbm>> -> memref<112x128xf32, #tpu.memory_space<hbm>>
      %dma_wait3A_140 = arith.constant 0 : i32
      %dma_wait3A_141 = tpu.memref_slice %arg7[%add3A_30, %dma_wait3A_140] : memref<20224x128xf32, #tpu.memory_space<hbm>> -> memref<112x128xf32, #tpu.memory_space<hbm>>
      %dma_wait3A_142 = arith.constant 0 : i32
      %dma_wait3A_143 = arith.constant 0 : i32
      %dma_wait3A_144 = tpu.memref_slice %arg9[%dma_wait3A_142, %dma_wait3A_143] : memref<112x128xf32, #tpu.memory_space<vmem>> -> memref<112x128xf32, #tpu.memory_space<vmem>>
      tpu.wait_dma2 semaphore(%run_scoped3A : memref<!tpu.dma_semaphore, #tpu.memory_space<semaphore_mem>>) src(%dma_wait3A_144 : memref<112x128xf32, #tpu.memory_space<vmem>>) dst(%dma_wait3A_141 : memref<112x128xf32, #tpu.memory_space<hbm>>)
      tpu.yield
    }) : () -> ()
    %mul3A_31 = arith.constant 10112 : i32
    %mul3A_32 = arith.muli %arg0, %mul3A_31 : i32
    %add3A_33 = arith.addi %mul3A_32, %mul3A_0 : i32
    %add3A_34 = arith.constant 112 : i32
    %add3A_35 = arith.addi %add3A_33, %add3A_34 : i32
    "tpu.region"() ({
      %run_scoped3A = tpu.sem_alloc : memref<!tpu.dma_semaphore, #tpu.memory_space<semaphore_mem>>
      %dma_start3A = arith.constant 0 : i32
      %dma_start3A_127 = arith.constant 0 : i32
      %dma_start3A_128 = tpu.memref_slice %arg10[%dma_start3A, %dma_start3A_127] : memref<112x128xf32, #tpu.memory_space<vmem>> -> memref<112x128xf32, #tpu.memory_space<vmem>>
      %dma_start3A_129 = arith.constant 0 : i32
      %dma_start3A_130 = tpu.memref_slice %arg3[%add3A_35, %dma_start3A_129] : memref<20224x128xf32, #tpu.memory_space<hbm>> -> memref<112x128xf32, #tpu.memory_space<hbm>>
      %dma_start3A_131 = arith.constant 0 : i32
      %dma_start3A_132 = arith.constant 0 : i32
      %dma_start3A_133 = tpu.memref_slice %arg10[%dma_start3A_131, %dma_start3A_132] : memref<112x128xf32, #tpu.memory_space<vmem>> -> memref<112x128xf32, #tpu.memory_space<vmem>>
      %dma_start3A_134 = arith.constant 0 : i32
      %dma_start3A_135 = tpu.memref_slice %arg3[%add3A_35, %dma_start3A_134] : memref<20224x128xf32, #tpu.memory_space<hbm>> -> memref<112x128xf32, #tpu.memory_space<hbm>>
      tpu.enqueue_dma source(%dma_start3A_135 : memref<112x128xf32, #tpu.memory_space<hbm>>) target(%dma_start3A_133 : memref<112x128xf32, #tpu.memory_space<vmem>>) target_semaphore(%run_scoped3A : memref<!tpu.dma_semaphore, #tpu.memory_space<semaphore_mem>>)
      %dma_wait3A = arith.constant 0 : i32
      %dma_wait3A_136 = arith.constant 0 : i32
      %dma_wait3A_137 = tpu.memref_slice %arg10[%dma_wait3A, %dma_wait3A_136] : memref<112x128xf32, #tpu.memory_space<vmem>> -> memref<112x128xf32, #tpu.memory_space<vmem>>
      %dma_wait3A_138 = arith.constant 0 : i32
      %dma_wait3A_139 = tpu.memref_slice %arg3[%add3A_35, %dma_wait3A_138] : memref<20224x128xf32, #tpu.memory_space<hbm>> -> memref<112x128xf32, #tpu.memory_space<hbm>>
      %dma_wait3A_140 = arith.constant 0 : i32
      %dma_wait3A_141 = arith.constant 0 : i32
      %dma_wait3A_142 = tpu.memref_slice %arg10[%dma_wait3A_140, %dma_wait3A_141] : memref<112x128xf32, #tpu.memory_space<vmem>> -> memref<112x128xf32, #tpu.memory_space<vmem>>
      %dma_wait3A_143 = arith.constant 0 : i32
      %dma_wait3A_144 = tpu.memref_slice %arg3[%add3A_35, %dma_wait3A_143] : memref<20224x128xf32, #tpu.memory_space<hbm>> -> memref<112x128xf32, #tpu.memory_space<hbm>>
      tpu.wait_dma2 semaphore(%run_scoped3A : memref<!tpu.dma_semaphore, #tpu.memory_space<semaphore_mem>>) src(%dma_wait3A_144 : memref<112x128xf32, #tpu.memory_space<hbm>>) dst(%dma_wait3A_142 : memref<112x128xf32, #tpu.memory_space<vmem>>)
      tpu.yield
    }) : () -> ()
    %mul3A_36 = arith.constant 10112 : i32
    %mul3A_37 = arith.muli %arg0, %mul3A_36 : i32
    %add3A_38 = arith.addi %mul3A_37, %mul3A_0 : i32
    %add3A_39 = arith.constant 112 : i32
    %add3A_40 = arith.addi %add3A_38, %add3A_39 : i32
    "tpu.region"() ({
      %run_scoped3A = tpu.sem_alloc : memref<!tpu.dma_semaphore, #tpu.memory_space<semaphore_mem>>
      %dma_start3A = arith.constant 0 : i32
      %dma_start3A_127 = arith.constant 0 : i32
      %dma_start3A_128 = tpu.memref_slice %arg10[%dma_start3A, %dma_start3A_127] : memref<112x128xf32, #tpu.memory_space<vmem>> -> memref<112x128xf32, #tpu.memory_space<vmem>>
      %dma_start3A_129 = arith.constant 0 : i32
      %dma_start3A_130 = tpu.memref_slice %arg6[%add3A_40, %dma_start3A_129] : memref<20224x128xf32, #tpu.memory_space<hbm>> -> memref<112x128xf32, #tpu.memory_space<hbm>>
      %dma_start3A_131 = arith.constant 0 : i32
      %dma_start3A_132 = tpu.memref_slice %arg6[%add3A_40, %dma_start3A_131] : memref<20224x128xf32, #tpu.memory_space<hbm>> -> memref<112x128xf32, #tpu.memory_space<hbm>>
      %dma_start3A_133 = arith.constant 0 : i32
      %dma_start3A_134 = arith.constant 0 : i32
      %dma_start3A_135 = tpu.memref_slice %arg10[%dma_start3A_133, %dma_start3A_134] : memref<112x128xf32, #tpu.memory_space<vmem>> -> memref<112x128xf32, #tpu.memory_space<vmem>>
      tpu.enqueue_dma source(%dma_start3A_135 : memref<112x128xf32, #tpu.memory_space<vmem>>) target(%dma_start3A_132 : memref<112x128xf32, #tpu.memory_space<hbm>>) target_semaphore(%run_scoped3A : memref<!tpu.dma_semaphore, #tpu.memory_space<semaphore_mem>>)
      %dma_wait3A = arith.constant 0 : i32
      %dma_wait3A_136 = arith.constant 0 : i32
      %dma_wait3A_137 = tpu.memref_slice %arg10[%dma_wait3A, %dma_wait3A_136] : memref<112x128xf32, #tpu.memory_space<vmem>> -> memref<112x128xf32, #tpu.memory_space<vmem>>
      %dma_wait3A_138 = arith.constant 0 : i32
      %dma_wait3A_139 = tpu.memref_slice %arg6[%add3A_40, %dma_wait3A_138] : memref<20224x128xf32, #tpu.memory_space<hbm>> -> memref<112x128xf32, #tpu.memory_space<hbm>>
      %dma_wait3A_140 = arith.constant 0 : i32
      %dma_wait3A_141 = tpu.memref_slice %arg6[%add3A_40, %dma_wait3A_140] : memref<20224x128xf32, #tpu.memory_space<hbm>> -> memref<112x128xf32, #tpu.memory_space<hbm>>
      %dma_wait3A_142 = arith.constant 0 : i32
      %dma_wait3A_143 = arith.constant 0 : i32
      %dma_wait3A_144 = tpu.memref_slice %arg10[%dma_wait3A_142, %dma_wait3A_143] : memref<112x128xf32, #tpu.memory_space<vmem>> -> memref<112x128xf32, #tpu.memory_space<vmem>>
      tpu.wait_dma2 semaphore(%run_scoped3A : memref<!tpu.dma_semaphore, #tpu.memory_space<semaphore_mem>>) src(%dma_wait3A_144 : memref<112x128xf32, #tpu.memory_space<vmem>>) dst(%dma_wait3A_141 : memref<112x128xf32, #tpu.memory_space<hbm>>)
      tpu.yield
    }) : () -> ()
    %mul3A_41 = arith.constant 10112 : i32
    %mul3A_42 = arith.muli %arg0, %mul3A_41 : i32
    %add3A_43 = arith.addi %mul3A_42, %mul3A_0 : i32
    %add3A_44 = arith.constant 224 : i32
    %add3A_45 = arith.addi %add3A_43, %add3A_44 : i32
    "tpu.region"() ({
      %run_scoped3A = tpu.sem_alloc : memref<!tpu.dma_semaphore, #tpu.memory_space<semaphore_mem>>
      %dma_start3A = arith.constant 0 : i32
      %dma_start3A_127 = arith.constant 0 : i32
      %dma_start3A_128 = tpu.memref_slice %arg9[%dma_start3A, %dma_start3A_127] : memref<112x128xf32, #tpu.memory_space<vmem>> -> memref<112x128xf32, #tpu.memory_space<vmem>>
      %dma_start3A_129 = arith.constant 0 : i32
      %dma_start3A_130 = tpu.memref_slice %arg2[%add3A_45, %dma_start3A_129] : memref<20224x128xf32, #tpu.memory_space<hbm>> -> memref<112x128xf32, #tpu.memory_space<hbm>>
      %dma_start3A_131 = arith.constant 0 : i32
      %dma_start3A_132 = arith.constant 0 : i32
      %dma_start3A_133 = tpu.memref_slice %arg9[%dma_start3A_131, %dma_start3A_132] : memref<112x128xf32, #tpu.memory_space<vmem>> -> memref<112x128xf32, #tpu.memory_space<vmem>>
      %dma_start3A_134 = arith.constant 0 : i32
      %dma_start3A_135 = tpu.memref_slice %arg2[%add3A_45, %dma_start3A_134] : memref<20224x128xf32, #tpu.memory_space<hbm>> -> memref<112x128xf32, #tpu.memory_space<hbm>>
      tpu.enqueue_dma source(%dma_start3A_135 : memref<112x128xf32, #tpu.memory_space<hbm>>) target(%dma_start3A_133 : memref<112x128xf32, #tpu.memory_space<vmem>>) target_semaphore(%run_scoped3A : memref<!tpu.dma_semaphore, #tpu.memory_space<semaphore_mem>>)
      %dma_wait3A = arith.constant 0 : i32
      %dma_wait3A_136 = arith.constant 0 : i32
      %dma_wait3A_137 = tpu.memref_slice %arg9[%dma_wait3A, %dma_wait3A_136] : memref<112x128xf32, #tpu.memory_space<vmem>> -> memref<112x128xf32, #tpu.memory_space<vmem>>
      %dma_wait3A_138 = arith.constant 0 : i32
      %dma_wait3A_139 = tpu.memref_slice %arg2[%add3A_45, %dma_wait3A_138] : memref<20224x128xf32, #tpu.memory_space<hbm>> -> memref<112x128xf32, #tpu.memory_space<hbm>>
      %dma_wait3A_140 = arith.constant 0 : i32
      %dma_wait3A_141 = arith.constant 0 : i32
      %dma_wait3A_142 = tpu.memref_slice %arg9[%dma_wait3A_140, %dma_wait3A_141] : memref<112x128xf32, #tpu.memory_space<vmem>> -> memref<112x128xf32, #tpu.memory_space<vmem>>
      %dma_wait3A_143 = arith.constant 0 : i32
      %dma_wait3A_144 = tpu.memref_slice %arg2[%add3A_45, %dma_wait3A_143] : memref<20224x128xf32, #tpu.memory_space<hbm>> -> memref<112x128xf32, #tpu.memory_space<hbm>>
      tpu.wait_dma2 semaphore(%run_scoped3A : memref<!tpu.dma_semaphore, #tpu.memory_space<semaphore_mem>>) src(%dma_wait3A_144 : memref<112x128xf32, #tpu.memory_space<hbm>>) dst(%dma_wait3A_142 : memref<112x128xf32, #tpu.memory_space<vmem>>)
      tpu.yield
    }) : () -> ()
    %mul3A_46 = arith.constant 10112 : i32
    %mul3A_47 = arith.muli %arg0, %mul3A_46 : i32
    %add3A_48 = arith.addi %mul3A_47, %mul3A_0 : i32
    %add3A_49 = arith.constant 224 : i32
    %add3A_50 = arith.addi %add3A_48, %add3A_49 : i32
    "tpu.region"() ({
      %run_scoped3A = tpu.sem_alloc : memref<!tpu.dma_semaphore, #tpu.memory_space<semaphore_mem>>
      %dma_start3A = arith.constant 0 : i32
      %dma_start3A_127 = arith.constant 0 : i32
      %dma_start3A_128 = tpu.memref_slice %arg9[%dma_start3A, %dma_start3A_127] : memref<112x128xf32, #tpu.memory_space<vmem>> -> memref<112x128xf32, #tpu.memory_space<vmem>>
      %dma_start3A_129 = arith.constant 0 : i32
      %dma_start3A_130 = tpu.memref_slice %arg7[%add3A_50, %dma_start3A_129] : memref<20224x128xf32, #tpu.memory_space<hbm>> -> memref<112x128xf32, #tpu.memory_space<hbm>>
      %dma_start3A_131 = arith.constant 0 : i32
      %dma_start3A_132 = tpu.memref_slice %arg7[%add3A_50, %dma_start3A_131] : memref<20224x128xf32, #tpu.memory_space<hbm>> -> memref<112x128xf32, #tpu.memory_space<hbm>>
      %dma_start3A_133 = arith.constant 0 : i32
      %dma_start3A_134 = arith.constant 0 : i32
      %dma_start3A_135 = tpu.memref_slice %arg9[%dma_start3A_133, %dma_start3A_134] : memref<112x128xf32, #tpu.memory_space<vmem>> -> memref<112x128xf32, #tpu.memory_space<vmem>>
      tpu.enqueue_dma source(%dma_start3A_135 : memref<112x128xf32, #tpu.memory_space<vmem>>) target(%dma_start3A_132 : memref<112x128xf32, #tpu.memory_space<hbm>>) target_semaphore(%run_scoped3A : memref<!tpu.dma_semaphore, #tpu.memory_space<semaphore_mem>>)
      %dma_wait3A = arith.constant 0 : i32
      %dma_wait3A_136 = arith.constant 0 : i32
      %dma_wait3A_137 = tpu.memref_slice %arg9[%dma_wait3A, %dma_wait3A_136] : memref<112x128xf32, #tpu.memory_space<vmem>> -> memref<112x128xf32, #tpu.memory_space<vmem>>
      %dma_wait3A_138 = arith.constant 0 : i32
      %dma_wait3A_139 = tpu.memref_slice %arg7[%add3A_50, %dma_wait3A_138] : memref<20224x128xf32, #tpu.memory_space<hbm>> -> memref<112x128xf32, #tpu.memory_space<hbm>>
      %dma_wait3A_140 = arith.constant 0 : i32
      %dma_wait3A_141 = tpu.memref_slice %arg7[%add3A_50, %dma_wait3A_140] : memref<20224x128xf32, #tpu.memory_space<hbm>> -> memref<112x128xf32, #tpu.memory_space<hbm>>
      %dma_wait3A_142 = arith.constant 0 : i32
      %dma_wait3A_143 = arith.constant 0 : i32
      %dma_wait3A_144 = tpu.memref_slice %arg9[%dma_wait3A_142, %dma_wait3A_143] : memref<112x128xf32, #tpu.memory_space<vmem>> -> memref<112x128xf32, #tpu.memory_space<vmem>>
      tpu.wait_dma2 semaphore(%run_scoped3A : memref<!tpu.dma_semaphore, #tpu.memory_space<semaphore_mem>>) src(%dma_wait3A_144 : memref<112x128xf32, #tpu.memory_space<vmem>>) dst(%dma_wait3A_141 : memref<112x128xf32, #tpu.memory_space<hbm>>)
      tpu.yield
    }) : () -> ()
    %mul3A_51 = arith.constant 10112 : i32
    %mul3A_52 = arith.muli %arg0, %mul3A_51 : i32
    %add3A_53 = arith.addi %mul3A_52, %mul3A_0 : i32
    %add3A_54 = arith.constant 224 : i32
    %add3A_55 = arith.addi %add3A_53, %add3A_54 : i32
    "tpu.region"() ({
      %run_scoped3A = tpu.sem_alloc : memref<!tpu.dma_semaphore, #tpu.memory_space<semaphore_mem>>
      %dma_start3A = arith.constant 0 : i32
      %dma_start3A_127 = arith.constant 0 : i32
      %dma_start3A_128 = tpu.memref_slice %arg10[%dma_start3A, %dma_start3A_127] : memref<112x128xf32, #tpu.memory_space<vmem>> -> memref<112x128xf32, #tpu.memory_space<vmem>>
      %dma_start3A_129 = arith.constant 0 : i32
      %dma_start3A_130 = tpu.memref_slice %arg3[%add3A_55, %dma_start3A_129] : memref<20224x128xf32, #tpu.memory_space<hbm>> -> memref<112x128xf32, #tpu.memory_space<hbm>>
      %dma_start3A_131 = arith.constant 0 : i32
      %dma_start3A_132 = arith.constant 0 : i32
      %dma_start3A_133 = tpu.memref_slice %arg10[%dma_start3A_131, %dma_start3A_132] : memref<112x128xf32, #tpu.memory_space<vmem>> -> memref<112x128xf32, #tpu.memory_space<vmem>>
      %dma_start3A_134 = arith.constant 0 : i32
      %dma_start3A_135 = tpu.memref_slice %arg3[%add3A_55, %dma_start3A_134] : memref<20224x128xf32, #tpu.memory_space<hbm>> -> memref<112x128xf32, #tpu.memory_space<hbm>>
      tpu.enqueue_dma source(%dma_start3A_135 : memref<112x128xf32, #tpu.memory_space<hbm>>) target(%dma_start3A_133 : memref<112x128xf32, #tpu.memory_space<vmem>>) target_semaphore(%run_scoped3A : memref<!tpu.dma_semaphore, #tpu.memory_space<semaphore_mem>>)
      %dma_wait3A = arith.constant 0 : i32
      %dma_wait3A_136 = arith.constant 0 : i32
      %dma_wait3A_137 = tpu.memref_slice %arg10[%dma_wait3A, %dma_wait3A_136] : memref<112x128xf32, #tpu.memory_space<vmem>> -> memref<112x128xf32, #tpu.memory_space<vmem>>
      %dma_wait3A_138 = arith.constant 0 : i32
      %dma_wait3A_139 = tpu.memref_slice %arg3[%add3A_55, %dma_wait3A_138] : memref<20224x128xf32, #tpu.memory_space<hbm>> -> memref<112x128xf32, #tpu.memory_space<hbm>>
      %dma_wait3A_140 = arith.constant 0 : i32
      %dma_wait3A_141 = arith.constant 0 : i32
      %dma_wait3A_142 = tpu.memref_slice %arg10[%dma_wait3A_140, %dma_wait3A_141] : memref<112x128xf32, #tpu.memory_space<vmem>> -> memref<112x128xf32, #tpu.memory_space<vmem>>
      %dma_wait3A_143 = arith.constant 0 : i32
      %dma_wait3A_144 = tpu.memref_slice %arg3[%add3A_55, %dma_wait3A_143] : memref<20224x128xf32, #tpu.memory_space<hbm>> -> memref<112x128xf32, #tpu.memory_space<hbm>>
      tpu.wait_dma2 semaphore(%run_scoped3A : memref<!tpu.dma_semaphore, #tpu.memory_space<semaphore_mem>>) src(%dma_wait3A_144 : memref<112x128xf32, #tpu.memory_space<hbm>>) dst(%dma_wait3A_142 : memref<112x128xf32, #tpu.memory_space<vmem>>)
      tpu.yield
    }) : () -> ()
    %mul3A_56 = arith.constant 10112 : i32
    %mul3A_57 = arith.muli %arg0, %mul3A_56 : i32
    %add3A_58 = arith.addi %mul3A_57, %mul3A_0 : i32
    %add3A_59 = arith.constant 224 : i32
    %add3A_60 = arith.addi %add3A_58, %add3A_59 : i32
    "tpu.region"() ({
      %run_scoped3A = tpu.sem_alloc : memref<!tpu.dma_semaphore, #tpu.memory_space<semaphore_mem>>
      %dma_start3A = arith.constant 0 : i32
      %dma_start3A_127 = arith.constant 0 : i32
      %dma_start3A_128 = tpu.memref_slice %arg10[%dma_start3A, %dma_start3A_127] : memref<112x128xf32, #tpu.memory_space<vmem>> -> memref<112x128xf32, #tpu.memory_space<vmem>>
      %dma_start3A_129 = arith.constant 0 : i32
      %dma_start3A_130 = tpu.memref_slice %arg6[%add3A_60, %dma_start3A_129] : memref<20224x128xf32, #tpu.memory_space<hbm>> -> memref<112x128xf32, #tpu.memory_space<hbm>>
      %dma_start3A_131 = arith.constant 0 : i32
      %dma_start3A_132 = tpu.memref_slice %arg6[%add3A_60, %dma_start3A_131] : memref<20224x128xf32, #tpu.memory_space<hbm>> -> memref<112x128xf32, #tpu.memory_space<hbm>>
      %dma_start3A_133 = arith.constant 0 : i32
      %dma_start3A_134 = arith.constant 0 : i32
      %dma_start3A_135 = tpu.memref_slice %arg10[%dma_start3A_133, %dma_start3A_134] : memref<112x128xf32, #tpu.memory_space<vmem>> -> memref<112x128xf32, #tpu.memory_space<vmem>>
      tpu.enqueue_dma source(%dma_start3A_135 : memref<112x128xf32, #tpu.memory_space<vmem>>) target(%dma_start3A_132 : memref<112x128xf32, #tpu.memory_space<hbm>>) target_semaphore(%run_scoped3A : memref<!tpu.dma_semaphore, #tpu.memory_space<semaphore_mem>>)
      %dma_wait3A = arith.constant 0 : i32
      %dma_wait3A_136 = arith.constant 0 : i32
      %dma_wait3A_137 = tpu.memref_slice %arg10[%dma_wait3A, %dma_wait3A_136] : memref<112x128xf32, #tpu.memory_space<vmem>> -> memref<112x128xf32, #tpu.memory_space<vmem>>
      %dma_wait3A_138 = arith.constant 0 : i32
      %dma_wait3A_139 = tpu.memref_slice %arg6[%add3A_60, %dma_wait3A_138] : memref<20224x128xf32, #tpu.memory_space<hbm>> -> memref<112x128xf32, #tpu.memory_space<hbm>>
      %dma_wait3A_140 = arith.constant 0 : i32
      %dma_wait3A_141 = tpu.memref_slice %arg6[%add3A_60, %dma_wait3A_140] : memref<20224x128xf32, #tpu.memory_space<hbm>> -> memref<112x128xf32, #tpu.memory_space<hbm>>
      %dma_wait3A_142 = arith.constant 0 : i32
      %dma_wait3A_143 = arith.constant 0 : i32
      %dma_wait3A_144 = tpu.memref_slice %arg10[%dma_wait3A_142, %dma_wait3A_143] : memref<112x128xf32, #tpu.memory_space<vmem>> -> memref<112x128xf32, #tpu.memory_space<vmem>>
      tpu.wait_dma2 semaphore(%run_scoped3A : memref<!tpu.dma_semaphore, #tpu.memory_space<semaphore_mem>>) src(%dma_wait3A_144 : memref<112x128xf32, #tpu.memory_space<vmem>>) dst(%dma_wait3A_141 : memref<112x128xf32, #tpu.memory_space<hbm>>)
      tpu.yield
    }) : () -> ()
    %mul3A_61 = arith.constant 10112 : i32
    %mul3A_62 = arith.muli %arg0, %mul3A_61 : i32
    %add3A_63 = arith.addi %mul3A_62, %mul3A_0 : i32
    %add3A_64 = arith.constant 336 : i32
    %add3A_65 = arith.addi %add3A_63, %add3A_64 : i32
    "tpu.region"() ({
      %run_scoped3A = tpu.sem_alloc : memref<!tpu.dma_semaphore, #tpu.memory_space<semaphore_mem>>
      %dma_start3A = arith.constant 0 : i32
      %dma_start3A_127 = arith.constant 0 : i32
      %dma_start3A_128 = tpu.memref_slice %arg9[%dma_start3A, %dma_start3A_127] : memref<112x128xf32, #tpu.memory_space<vmem>> -> memref<112x128xf32, #tpu.memory_space<vmem>>
      %dma_start3A_129 = arith.constant 0 : i32
      %dma_start3A_130 = tpu.memref_slice %arg2[%add3A_65, %dma_start3A_129] : memref<20224x128xf32, #tpu.memory_space<hbm>> -> memref<112x128xf32, #tpu.memory_space<hbm>>
      %dma_start3A_131 = arith.constant 0 : i32
      %dma_start3A_132 = arith.constant 0 : i32
      %dma_start3A_133 = tpu.memref_slice %arg9[%dma_start3A_131, %dma_start3A_132] : memref<112x128xf32, #tpu.memory_space<vmem>> -> memref<112x128xf32, #tpu.memory_space<vmem>>
      %dma_start3A_134 = arith.constant 0 : i32
      %dma_start3A_135 = tpu.memref_slice %arg2[%add3A_65, %dma_start3A_134] : memref<20224x128xf32, #tpu.memory_space<hbm>> -> memref<112x128xf32, #tpu.memory_space<hbm>>
      tpu.enqueue_dma source(%dma_start3A_135 : memref<112x128xf32, #tpu.memory_space<hbm>>) target(%dma_start3A_133 : memref<112x128xf32, #tpu.memory_space<vmem>>) target_semaphore(%run_scoped3A : memref<!tpu.dma_semaphore, #tpu.memory_space<semaphore_mem>>)
      %dma_wait3A = arith.constant 0 : i32
      %dma_wait3A_136 = arith.constant 0 : i32
      %dma_wait3A_137 = tpu.memref_slice %arg9[%dma_wait3A, %dma_wait3A_136] : memref<112x128xf32, #tpu.memory_space<vmem>> -> memref<112x128xf32, #tpu.memory_space<vmem>>
      %dma_wait3A_138 = arith.constant 0 : i32
      %dma_wait3A_139 = tpu.memref_slice %arg2[%add3A_65, %dma_wait3A_138] : memref<20224x128xf32, #tpu.memory_space<hbm>> -> memref<112x128xf32, #tpu.memory_space<hbm>>
      %dma_wait3A_140 = arith.constant 0 : i32
      %dma_wait3A_141 = arith.constant 0 : i32
      %dma_wait3A_142 = tpu.memref_slice %arg9[%dma_wait3A_140, %dma_wait3A_141] : memref<112x128xf32, #tpu.memory_space<vmem>> -> memref<112x128xf32, #tpu.memory_space<vmem>>
      %dma_wait3A_143 = arith.constant 0 : i32
      %dma_wait3A_144 = tpu.memref_slice %arg2[%add3A_65, %dma_wait3A_143] : memref<20224x128xf32, #tpu.memory_space<hbm>> -> memref<112x128xf32, #tpu.memory_space<hbm>>
      tpu.wait_dma2 semaphore(%run_scoped3A : memref<!tpu.dma_semaphore, #tpu.memory_space<semaphore_mem>>) src(%dma_wait3A_144 : memref<112x128xf32, #tpu.memory_space<hbm>>) dst(%dma_wait3A_142 : memref<112x128xf32, #tpu.memory_space<vmem>>)
      tpu.yield
    }) : () -> ()
    %mul3A_66 = arith.constant 10112 : i32
    %mul3A_67 = arith.muli %arg0, %mul3A_66 : i32
    %add3A_68 = arith.addi %mul3A_67, %mul3A_0 : i32
    %add3A_69 = arith.constant 336 : i32
    %add3A_70 = arith.addi %add3A_68, %add3A_69 : i32
    "tpu.region"() ({
      %run_scoped3A = tpu.sem_alloc : memref<!tpu.dma_semaphore, #tpu.memory_space<semaphore_mem>>
      %dma_start3A = arith.constant 0 : i32
      %dma_start3A_127 = arith.constant 0 : i32
      %dma_start3A_128 = tpu.memref_slice %arg9[%dma_start3A, %dma_start3A_127] : memref<112x128xf32, #tpu.memory_space<vmem>> -> memref<112x128xf32, #tpu.memory_space<vmem>>
      %dma_start3A_129 = arith.constant 0 : i32
      %dma_start3A_130 = tpu.memref_slice %arg7[%add3A_70, %dma_start3A_129] : memref<20224x128xf32, #tpu.memory_space<hbm>> -> memref<112x128xf32, #tpu.memory_space<hbm>>
      %dma_start3A_131 = arith.constant 0 : i32
      %dma_start3A_132 = tpu.memref_slice %arg7[%add3A_70, %dma_start3A_131] : memref<20224x128xf32, #tpu.memory_space<hbm>> -> memref<112x128xf32, #tpu.memory_space<hbm>>
      %dma_start3A_133 = arith.constant 0 : i32
      %dma_start3A_134 = arith.constant 0 : i32
      %dma_start3A_135 = tpu.memref_slice %arg9[%dma_start3A_133, %dma_start3A_134] : memref<112x128xf32, #tpu.memory_space<vmem>> -> memref<112x128xf32, #tpu.memory_space<vmem>>
      tpu.enqueue_dma source(%dma_start3A_135 : memref<112x128xf32, #tpu.memory_space<vmem>>) target(%dma_start3A_132 : memref<112x128xf32, #tpu.memory_space<hbm>>) target_semaphore(%run_scoped3A : memref<!tpu.dma_semaphore, #tpu.memory_space<semaphore_mem>>)
      %dma_wait3A = arith.constant 0 : i32
      %dma_wait3A_136 = arith.constant 0 : i32
      %dma_wait3A_137 = tpu.memref_slice %arg9[%dma_wait3A, %dma_wait3A_136] : memref<112x128xf32, #tpu.memory_space<vmem>> -> memref<112x128xf32, #tpu.memory_space<vmem>>
      %dma_wait3A_138 = arith.constant 0 : i32
      %dma_wait3A_139 = tpu.memref_slice %arg7[%add3A_70, %dma_wait3A_138] : memref<20224x128xf32, #tpu.memory_space<hbm>> -> memref<112x128xf32, #tpu.memory_space<hbm>>
      %dma_wait3A_140 = arith.constant 0 : i32
      %dma_wait3A_141 = tpu.memref_slice %arg7[%add3A_70, %dma_wait3A_140] : memref<20224x128xf32, #tpu.memory_space<hbm>> -> memref<112x128xf32, #tpu.memory_space<hbm>>
      %dma_wait3A_142 = arith.constant 0 : i32
      %dma_wait3A_143 = arith.constant 0 : i32
      %dma_wait3A_144 = tpu.memref_slice %arg9[%dma_wait3A_142, %dma_wait3A_143] : memref<112x128xf32, #tpu.memory_space<vmem>> -> memref<112x128xf32, #tpu.memory_space<vmem>>
      tpu.wait_dma2 semaphore(%run_scoped3A : memref<!tpu.dma_semaphore, #tpu.memory_space<semaphore_mem>>) src(%dma_wait3A_144 : memref<112x128xf32, #tpu.memory_space<vmem>>) dst(%dma_wait3A_141 : memref<112x128xf32, #tpu.memory_space<hbm>>)
      tpu.yield
    }) : () -> ()
    %mul3A_71 = arith.constant 10112 : i32
    %mul3A_72 = arith.muli %arg0, %mul3A_71 : i32
    %add3A_73 = arith.addi %mul3A_72, %mul3A_0 : i32
    %add3A_74 = arith.constant 336 : i32
    %add3A_75 = arith.addi %add3A_73, %add3A_74 : i32
    "tpu.region"() ({
      %run_scoped3A = tpu.sem_alloc : memref<!tpu.dma_semaphore, #tpu.memory_space<semaphore_mem>>
      %dma_start3A = arith.constant 0 : i32
      %dma_start3A_127 = arith.constant 0 : i32
      %dma_start3A_128 = tpu.memref_slice %arg10[%dma_start3A, %dma_start3A_127] : memref<112x128xf32, #tpu.memory_space<vmem>> -> memref<112x128xf32, #tpu.memory_space<vmem>>
      %dma_start3A_129 = arith.constant 0 : i32
      %dma_start3A_130 = tpu.memref_slice %arg3[%add3A_75, %dma_start3A_129] : memref<20224x128xf32, #tpu.memory_space<hbm>> -> memref<112x128xf32, #tpu.memory_space<hbm>>
      %dma_start3A_131 = arith.constant 0 : i32
      %dma_start3A_132 = arith.constant 0 : i32
      %dma_start3A_133 = tpu.memref_slice %arg10[%dma_start3A_131, %dma_start3A_132] : memref<112x128xf32, #tpu.memory_space<vmem>> -> memref<112x128xf32, #tpu.memory_space<vmem>>
      %dma_start3A_134 = arith.constant 0 : i32
      %dma_start3A_135 = tpu.memref_slice %arg3[%add3A_75, %dma_start3A_134] : memref<20224x128xf32, #tpu.memory_space<hbm>> -> memref<112x128xf32, #tpu.memory_space<hbm>>
      tpu.enqueue_dma source(%dma_start3A_135 : memref<112x128xf32, #tpu.memory_space<hbm>>) target(%dma_start3A_133 : memref<112x128xf32, #tpu.memory_space<vmem>>) target_semaphore(%run_scoped3A : memref<!tpu.dma_semaphore, #tpu.memory_space<semaphore_mem>>)
      %dma_wait3A = arith.constant 0 : i32
      %dma_wait3A_136 = arith.constant 0 : i32
      %dma_wait3A_137 = tpu.memref_slice %arg10[%dma_wait3A, %dma_wait3A_136] : memref<112x128xf32, #tpu.memory_space<vmem>> -> memref<112x128xf32, #tpu.memory_space<vmem>>
      %dma_wait3A_138 = arith.constant 0 : i32
      %dma_wait3A_139 = tpu.memref_slice %arg3[%add3A_75, %dma_wait3A_138] : memref<20224x128xf32, #tpu.memory_space<hbm>> -> memref<112x128xf32, #tpu.memory_space<hbm>>
      %dma_wait3A_140 = arith.constant 0 : i32
      %dma_wait3A_141 = arith.constant 0 : i32
      %dma_wait3A_142 = tpu.memref_slice %arg10[%dma_wait3A_140, %dma_wait3A_141] : memref<112x128xf32, #tpu.memory_space<vmem>> -> memref<112x128xf32, #tpu.memory_space<vmem>>
      %dma_wait3A_143 = arith.constant 0 : i32
      %dma_wait3A_144 = tpu.memref_slice %arg3[%add3A_75, %dma_wait3A_143] : memref<20224x128xf32, #tpu.memory_space<hbm>> -> memref<112x128xf32, #tpu.memory_space<hbm>>
      tpu.wait_dma2 semaphore(%run_scoped3A : memref<!tpu.dma_semaphore, #tpu.memory_space<semaphore_mem>>) src(%dma_wait3A_144 : memref<112x128xf32, #tpu.memory_space<hbm>>) dst(%dma_wait3A_142 : memref<112x128xf32, #tpu.memory_space<vmem>>)
      tpu.yield
    }) : () -> ()
    %mul3A_76 = arith.constant 10112 : i32
    %mul3A_77 = arith.muli %arg0, %mul3A_76 : i32
    %add3A_78 = arith.addi %mul3A_77, %mul3A_0 : i32
    %add3A_79 = arith.constant 336 : i32
    %add3A_80 = arith.addi %add3A_78, %add3A_79 : i32
    "tpu.region"() ({
      %run_scoped3A = tpu.sem_alloc : memref<!tpu.dma_semaphore, #tpu.memory_space<semaphore_mem>>
      %dma_start3A = arith.constant 0 : i32
      %dma_start3A_127 = arith.constant 0 : i32
      %dma_start3A_128 = tpu.memref_slice %arg10[%dma_start3A, %dma_start3A_127] : memref<112x128xf32, #tpu.memory_space<vmem>> -> memref<112x128xf32, #tpu.memory_space<vmem>>
      %dma_start3A_129 = arith.constant 0 : i32
      %dma_start3A_130 = tpu.memref_slice %arg6[%add3A_80, %dma_start3A_129] : memref<20224x128xf32, #tpu.memory_space<hbm>> -> memref<112x128xf32, #tpu.memory_space<hbm>>
      %dma_start3A_131 = arith.constant 0 : i32
      %dma_start3A_132 = tpu.memref_slice %arg6[%add3A_80, %dma_start3A_131] : memref<20224x128xf32, #tpu.memory_space<hbm>> -> memref<112x128xf32, #tpu.memory_space<hbm>>
      %dma_start3A_133 = arith.constant 0 : i32
      %dma_start3A_134 = arith.constant 0 : i32
      %dma_start3A_135 = tpu.memref_slice %arg10[%dma_start3A_133, %dma_start3A_134] : memref<112x128xf32, #tpu.memory_space<vmem>> -> memref<112x128xf32, #tpu.memory_space<vmem>>
      tpu.enqueue_dma source(%dma_start3A_135 : memref<112x128xf32, #tpu.memory_space<vmem>>) target(%dma_start3A_132 : memref<112x128xf32, #tpu.memory_space<hbm>>) target_semaphore(%run_scoped3A : memref<!tpu.dma_semaphore, #tpu.memory_space<semaphore_mem>>)
      %dma_wait3A = arith.constant 0 : i32
      %dma_wait3A_136 = arith.constant 0 : i32
      %dma_wait3A_137 = tpu.memref_slice %arg10[%dma_wait3A, %dma_wait3A_136] : memref<112x128xf32, #tpu.memory_space<vmem>> -> memref<112x128xf32, #tpu.memory_space<vmem>>
      %dma_wait3A_138 = arith.constant 0 : i32
      %dma_wait3A_139 = tpu.memref_slice %arg6[%add3A_80, %dma_wait3A_138] : memref<20224x128xf32, #tpu.memory_space<hbm>> -> memref<112x128xf32, #tpu.memory_space<hbm>>
      %dma_wait3A_140 = arith.constant 0 : i32
      %dma_wait3A_141 = tpu.memref_slice %arg6[%add3A_80, %dma_wait3A_140] : memref<20224x128xf32, #tpu.memory_space<hbm>> -> memref<112x128xf32, #tpu.memory_space<hbm>>
      %dma_wait3A_142 = arith.constant 0 : i32
      %dma_wait3A_143 = arith.constant 0 : i32
      %dma_wait3A_144 = tpu.memref_slice %arg10[%dma_wait3A_142, %dma_wait3A_143] : memref<112x128xf32, #tpu.memory_space<vmem>> -> memref<112x128xf32, #tpu.memory_space<vmem>>
      tpu.wait_dma2 semaphore(%run_scoped3A : memref<!tpu.dma_semaphore, #tpu.memory_space<semaphore_mem>>) src(%dma_wait3A_144 : memref<112x128xf32, #tpu.memory_space<vmem>>) dst(%dma_wait3A_141 : memref<112x128xf32, #tpu.memory_space<hbm>>)
      tpu.yield
    }) : () -> ()
    %mul3A_81 = arith.constant 10112 : i32
    %mul3A_82 = arith.muli %arg0, %mul3A_81 : i32
    %add3A_83 = arith.addi %mul3A_82, %mul3A_0 : i32
    %add3A_84 = arith.constant 448 : i32
    %add3A_85 = arith.addi %add3A_83, %add3A_84 : i32
    "tpu.region"() ({
      %run_scoped3A = tpu.sem_alloc : memref<!tpu.dma_semaphore, #tpu.memory_space<semaphore_mem>>
      %dma_start3A = arith.constant 0 : i32
      %dma_start3A_127 = arith.constant 0 : i32
      %dma_start3A_128 = tpu.memref_slice %arg9[%dma_start3A, %dma_start3A_127] : memref<112x128xf32, #tpu.memory_space<vmem>> -> memref<112x128xf32, #tpu.memory_space<vmem>>
      %dma_start3A_129 = arith.constant 0 : i32
      %dma_start3A_130 = tpu.memref_slice %arg2[%add3A_85, %dma_start3A_129] : memref<20224x128xf32, #tpu.memory_space<hbm>> -> memref<112x128xf32, #tpu.memory_space<hbm>>
      %dma_start3A_131 = arith.constant 0 : i32
      %dma_start3A_132 = arith.constant 0 : i32
      %dma_start3A_133 = tpu.memref_slice %arg9[%dma_start3A_131, %dma_start3A_132] : memref<112x128xf32, #tpu.memory_space<vmem>> -> memref<112x128xf32, #tpu.memory_space<vmem>>
      %dma_start3A_134 = arith.constant 0 : i32
      %dma_start3A_135 = tpu.memref_slice %arg2[%add3A_85, %dma_start3A_134] : memref<20224x128xf32, #tpu.memory_space<hbm>> -> memref<112x128xf32, #tpu.memory_space<hbm>>
      tpu.enqueue_dma source(%dma_start3A_135 : memref<112x128xf32, #tpu.memory_space<hbm>>) target(%dma_start3A_133 : memref<112x128xf32, #tpu.memory_space<vmem>>) target_semaphore(%run_scoped3A : memref<!tpu.dma_semaphore, #tpu.memory_space<semaphore_mem>>)
      %dma_wait3A = arith.constant 0 : i32
      %dma_wait3A_136 = arith.constant 0 : i32
      %dma_wait3A_137 = tpu.memref_slice %arg9[%dma_wait3A, %dma_wait3A_136] : memref<112x128xf32, #tpu.memory_space<vmem>> -> memref<112x128xf32, #tpu.memory_space<vmem>>
      %dma_wait3A_138 = arith.constant 0 : i32
      %dma_wait3A_139 = tpu.memref_slice %arg2[%add3A_85, %dma_wait3A_138] : memref<20224x128xf32, #tpu.memory_space<hbm>> -> memref<112x128xf32, #tpu.memory_space<hbm>>
      %dma_wait3A_140 = arith.constant 0 : i32
      %dma_wait3A_141 = arith.constant 0 : i32
      %dma_wait3A_142 = tpu.memref_slice %arg9[%dma_wait3A_140, %dma_wait3A_141] : memref<112x128xf32, #tpu.memory_space<vmem>> -> memref<112x128xf32, #tpu.memory_space<vmem>>
      %dma_wait3A_143 = arith.constant 0 : i32
      %dma_wait3A_144 = tpu.memref_slice %arg2[%add3A_85, %dma_wait3A_143] : memref<20224x128xf32, #tpu.memory_space<hbm>> -> memref<112x128xf32, #tpu.memory_space<hbm>>
      tpu.wait_dma2 semaphore(%run_scoped3A : memref<!tpu.dma_semaphore, #tpu.memory_space<semaphore_mem>>) src(%dma_wait3A_144 : memref<112x128xf32, #tpu.memory_space<hbm>>) dst(%dma_wait3A_142 : memref<112x128xf32, #tpu.memory_space<vmem>>)
      tpu.yield
    }) : () -> ()
    %mul3A_86 = arith.constant 10112 : i32
    %mul3A_87 = arith.muli %arg0, %mul3A_86 : i32
    %add3A_88 = arith.addi %mul3A_87, %mul3A_0 : i32
    %add3A_89 = arith.constant 448 : i32
    %add3A_90 = arith.addi %add3A_88, %add3A_89 : i32
    "tpu.region"() ({
      %run_scoped3A = tpu.sem_alloc : memref<!tpu.dma_semaphore, #tpu.memory_space<semaphore_mem>>
      %dma_start3A = arith.constant 0 : i32
      %dma_start3A_127 = arith.constant 0 : i32
      %dma_start3A_128 = tpu.memref_slice %arg9[%dma_start3A, %dma_start3A_127] : memref<112x128xf32, #tpu.memory_space<vmem>> -> memref<112x128xf32, #tpu.memory_space<vmem>>
      %dma_start3A_129 = arith.constant 0 : i32
      %dma_start3A_130 = tpu.memref_slice %arg7[%add3A_90, %dma_start3A_129] : memref<20224x128xf32, #tpu.memory_space<hbm>> -> memref<112x128xf32, #tpu.memory_space<hbm>>
      %dma_start3A_131 = arith.constant 0 : i32
      %dma_start3A_132 = tpu.memref_slice %arg7[%add3A_90, %dma_start3A_131] : memref<20224x128xf32, #tpu.memory_space<hbm>> -> memref<112x128xf32, #tpu.memory_space<hbm>>
      %dma_start3A_133 = arith.constant 0 : i32
      %dma_start3A_134 = arith.constant 0 : i32
      %dma_start3A_135 = tpu.memref_slice %arg9[%dma_start3A_133, %dma_start3A_134] : memref<112x128xf32, #tpu.memory_space<vmem>> -> memref<112x128xf32, #tpu.memory_space<vmem>>
      tpu.enqueue_dma source(%dma_start3A_135 : memref<112x128xf32, #tpu.memory_space<vmem>>) target(%dma_start3A_132 : memref<112x128xf32, #tpu.memory_space<hbm>>) target_semaphore(%run_scoped3A : memref<!tpu.dma_semaphore, #tpu.memory_space<semaphore_mem>>)
      %dma_wait3A = arith.constant 0 : i32
      %dma_wait3A_136 = arith.constant 0 : i32
      %dma_wait3A_137 = tpu.memref_slice %arg9[%dma_wait3A, %dma_wait3A_136] : memref<112x128xf32, #tpu.memory_space<vmem>> -> memref<112x128xf32, #tpu.memory_space<vmem>>
      %dma_wait3A_138 = arith.constant 0 : i32
      %dma_wait3A_139 = tpu.memref_slice %arg7[%add3A_90, %dma_wait3A_138] : memref<20224x128xf32, #tpu.memory_space<hbm>> -> memref<112x128xf32, #tpu.memory_space<hbm>>
      %dma_wait3A_140 = arith.constant 0 : i32
      %dma_wait3A_141 = tpu.memref_slice %arg7[%add3A_90, %dma_wait3A_140] : memref<20224x128xf32, #tpu.memory_space<hbm>> -> memref<112x128xf32, #tpu.memory_space<hbm>>
      %dma_wait3A_142 = arith.constant 0 : i32
      %dma_wait3A_143 = arith.constant 0 : i32
      %dma_wait3A_144 = tpu.memref_slice %arg9[%dma_wait3A_142, %dma_wait3A_143] : memref<112x128xf32, #tpu.memory_space<vmem>> -> memref<112x128xf32, #tpu.memory_space<vmem>>
      tpu.wait_dma2 semaphore(%run_scoped3A : memref<!tpu.dma_semaphore, #tpu.memory_space<semaphore_mem>>) src(%dma_wait3A_144 : memref<112x128xf32, #tpu.memory_space<vmem>>) dst(%dma_wait3A_141 : memref<112x128xf32, #tpu.memory_space<hbm>>)
      tpu.yield
    }) : () -> ()
    %mul3A_91 = arith.constant 10112 : i32
    %mul3A_92 = arith.muli %arg0, %mul3A_91 : i32
    %add3A_93 = arith.addi %mul3A_92, %mul3A_0 : i32
    %add3A_94 = arith.constant 448 : i32
    %add3A_95 = arith.addi %add3A_93, %add3A_94 : i32
    "tpu.region"() ({
      %run_scoped3A = tpu.sem_alloc : memref<!tpu.dma_semaphore, #tpu.memory_space<semaphore_mem>>
      %dma_start3A = arith.constant 0 : i32
      %dma_start3A_127 = arith.constant 0 : i32
      %dma_start3A_128 = tpu.memref_slice %arg10[%dma_start3A, %dma_start3A_127] : memref<112x128xf32, #tpu.memory_space<vmem>> -> memref<112x128xf32, #tpu.memory_space<vmem>>
      %dma_start3A_129 = arith.constant 0 : i32
      %dma_start3A_130 = tpu.memref_slice %arg3[%add3A_95, %dma_start3A_129] : memref<20224x128xf32, #tpu.memory_space<hbm>> -> memref<112x128xf32, #tpu.memory_space<hbm>>
      %dma_start3A_131 = arith.constant 0 : i32
      %dma_start3A_132 = arith.constant 0 : i32
      %dma_start3A_133 = tpu.memref_slice %arg10[%dma_start3A_131, %dma_start3A_132] : memref<112x128xf32, #tpu.memory_space<vmem>> -> memref<112x128xf32, #tpu.memory_space<vmem>>
      %dma_start3A_134 = arith.constant 0 : i32
      %dma_start3A_135 = tpu.memref_slice %arg3[%add3A_95, %dma_start3A_134] : memref<20224x128xf32, #tpu.memory_space<hbm>> -> memref<112x128xf32, #tpu.memory_space<hbm>>
      tpu.enqueue_dma source(%dma_start3A_135 : memref<112x128xf32, #tpu.memory_space<hbm>>) target(%dma_start3A_133 : memref<112x128xf32, #tpu.memory_space<vmem>>) target_semaphore(%run_scoped3A : memref<!tpu.dma_semaphore, #tpu.memory_space<semaphore_mem>>)
      %dma_wait3A = arith.constant 0 : i32
      %dma_wait3A_136 = arith.constant 0 : i32
      %dma_wait3A_137 = tpu.memref_slice %arg10[%dma_wait3A, %dma_wait3A_136] : memref<112x128xf32, #tpu.memory_space<vmem>> -> memref<112x128xf32, #tpu.memory_space<vmem>>
      %dma_wait3A_138 = arith.constant 0 : i32
      %dma_wait3A_139 = tpu.memref_slice %arg3[%add3A_95, %dma_wait3A_138] : memref<20224x128xf32, #tpu.memory_space<hbm>> -> memref<112x128xf32, #tpu.memory_space<hbm>>
      %dma_wait3A_140 = arith.constant 0 : i32
      %dma_wait3A_141 = arith.constant 0 : i32
      %dma_wait3A_142 = tpu.memref_slice %arg10[%dma_wait3A_140, %dma_wait3A_141] : memref<112x128xf32, #tpu.memory_space<vmem>> -> memref<112x128xf32, #tpu.memory_space<vmem>>
      %dma_wait3A_143 = arith.constant 0 : i32
      %dma_wait3A_144 = tpu.memref_slice %arg3[%add3A_95, %dma_wait3A_143] : memref<20224x128xf32, #tpu.memory_space<hbm>> -> memref<112x128xf32, #tpu.memory_space<hbm>>
      tpu.wait_dma2 semaphore(%run_scoped3A : memref<!tpu.dma_semaphore, #tpu.memory_space<semaphore_mem>>) src(%dma_wait3A_144 : memref<112x128xf32, #tpu.memory_space<hbm>>) dst(%dma_wait3A_142 : memref<112x128xf32, #tpu.memory_space<vmem>>)
      tpu.yield
    }) : () -> ()
    %mul3A_96 = arith.constant 10112 : i32
    %mul3A_97 = arith.muli %arg0, %mul3A_96 : i32
    %add3A_98 = arith.addi %mul3A_97, %mul3A_0 : i32
    %add3A_99 = arith.constant 448 : i32
    %add3A_100 = arith.addi %add3A_98, %add3A_99 : i32
    "tpu.region"() ({
      %run_scoped3A = tpu.sem_alloc : memref<!tpu.dma_semaphore, #tpu.memory_space<semaphore_mem>>
      %dma_start3A = arith.constant 0 : i32
      %dma_start3A_127 = arith.constant 0 : i32
      %dma_start3A_128 = tpu.memref_slice %arg10[%dma_start3A, %dma_start3A_127] : memref<112x128xf32, #tpu.memory_space<vmem>> -> memref<112x128xf32, #tpu.memory_space<vmem>>
      %dma_start3A_129 = arith.constant 0 : i32
      %dma_start3A_130 = tpu.memref_slice %arg6[%add3A_100, %dma_start3A_129] : memref<20224x128xf32, #tpu.memory_space<hbm>> -> memref<112x128xf32, #tpu.memory_space<hbm>>
      %dma_start3A_131 = arith.constant 0 : i32
      %dma_start3A_132 = tpu.memref_slice %arg6[%add3A_100, %dma_start3A_131] : memref<20224x128xf32, #tpu.memory_space<hbm>> -> memref<112x128xf32, #tpu.memory_space<hbm>>
      %dma_start3A_133 = arith.constant 0 : i32
      %dma_start3A_134 = arith.constant 0 : i32
      %dma_start3A_135 = tpu.memref_slice %arg10[%dma_start3A_133, %dma_start3A_134] : memref<112x128xf32, #tpu.memory_space<vmem>> -> memref<112x128xf32, #tpu.memory_space<vmem>>
      tpu.enqueue_dma source(%dma_start3A_135 : memref<112x128xf32, #tpu.memory_space<vmem>>) target(%dma_start3A_132 : memref<112x128xf32, #tpu.memory_space<hbm>>) target_semaphore(%run_scoped3A : memref<!tpu.dma_semaphore, #tpu.memory_space<semaphore_mem>>)
      %dma_wait3A = arith.constant 0 : i32
      %dma_wait3A_136 = arith.constant 0 : i32
      %dma_wait3A_137 = tpu.memref_slice %arg10[%dma_wait3A, %dma_wait3A_136] : memref<112x128xf32, #tpu.memory_space<vmem>> -> memref<112x128xf32, #tpu.memory_space<vmem>>
      %dma_wait3A_138 = arith.constant 0 : i32
      %dma_wait3A_139 = tpu.memref_slice %arg6[%add3A_100, %dma_wait3A_138] : memref<20224x128xf32, #tpu.memory_space<hbm>> -> memref<112x128xf32, #tpu.memory_space<hbm>>
      %dma_wait3A_140 = arith.constant 0 : i32
      %dma_wait3A_141 = tpu.memref_slice %arg6[%add3A_100, %dma_wait3A_140] : memref<20224x128xf32, #tpu.memory_space<hbm>> -> memref<112x128xf32, #tpu.memory_space<hbm>>
      %dma_wait3A_142 = arith.constant 0 : i32
      %dma_wait3A_143 = arith.constant 0 : i32
      %dma_wait3A_144 = tpu.memref_slice %arg10[%dma_wait3A_142, %dma_wait3A_143] : memref<112x128xf32, #tpu.memory_space<vmem>> -> memref<112x128xf32, #tpu.memory_space<vmem>>
      tpu.wait_dma2 semaphore(%run_scoped3A : memref<!tpu.dma_semaphore, #tpu.memory_space<semaphore_mem>>) src(%dma_wait3A_144 : memref<112x128xf32, #tpu.memory_space<vmem>>) dst(%dma_wait3A_141 : memref<112x128xf32, #tpu.memory_space<hbm>>)
      tpu.yield
    }) : () -> ()
    %mul3A_101 = arith.constant 10112 : i32
    %mul3A_102 = arith.muli %arg0, %mul3A_101 : i32
    %add3A_103 = arith.addi %mul3A_102, %mul3A_0 : i32
    %add3A_104 = arith.constant 560 : i32
    %add3A_105 = arith.addi %add3A_103, %add3A_104 : i32
    "tpu.region"() ({
      %run_scoped3A = tpu.sem_alloc : memref<!tpu.dma_semaphore, #tpu.memory_space<semaphore_mem>>
      %dma_start3A = arith.constant 0 : i32
      %dma_start3A_127 = arith.constant 0 : i32
      %dma_start3A_128 = tpu.memref_slice %arg9[%dma_start3A, %dma_start3A_127] : memref<112x128xf32, #tpu.memory_space<vmem>> -> memref<72x128xf32, #tpu.memory_space<vmem>>
      %dma_start3A_129 = arith.constant 0 : i32
      %dma_start3A_130 = tpu.memref_slice %arg2[%add3A_105, %dma_start3A_129] : memref<20224x128xf32, #tpu.memory_space<hbm>> -> memref<72x128xf32, #tpu.memory_space<hbm>>
      %dma_start3A_131 = arith.constant 0 : i32
      %dma_start3A_132 = arith.constant 0 : i32
      %dma_start3A_133 = tpu.memref_slice %arg9[%dma_start3A_131, %dma_start3A_132] : memref<112x128xf32, #tpu.memory_space<vmem>> -> memref<72x128xf32, #tpu.memory_space<vmem>>
      %dma_start3A_134 = arith.constant 0 : i32
      %dma_start3A_135 = tpu.memref_slice %arg2[%add3A_105, %dma_start3A_134] : memref<20224x128xf32, #tpu.memory_space<hbm>> -> memref<72x128xf32, #tpu.memory_space<hbm>>
      tpu.enqueue_dma source(%dma_start3A_135 : memref<72x128xf32, #tpu.memory_space<hbm>>) target(%dma_start3A_133 : memref<72x128xf32, #tpu.memory_space<vmem>>) target_semaphore(%run_scoped3A : memref<!tpu.dma_semaphore, #tpu.memory_space<semaphore_mem>>)
      %dma_wait3A = arith.constant 0 : i32
      %dma_wait3A_136 = arith.constant 0 : i32
      %dma_wait3A_137 = tpu.memref_slice %arg9[%dma_wait3A, %dma_wait3A_136] : memref<112x128xf32, #tpu.memory_space<vmem>> -> memref<72x128xf32, #tpu.memory_space<vmem>>
      %dma_wait3A_138 = arith.constant 0 : i32
      %dma_wait3A_139 = tpu.memref_slice %arg2[%add3A_105, %dma_wait3A_138] : memref<20224x128xf32, #tpu.memory_space<hbm>> -> memref<72x128xf32, #tpu.memory_space<hbm>>
      %dma_wait3A_140 = arith.constant 0 : i32
      %dma_wait3A_141 = arith.constant 0 : i32
      %dma_wait3A_142 = tpu.memref_slice %arg9[%dma_wait3A_140, %dma_wait3A_141] : memref<112x128xf32, #tpu.memory_space<vmem>> -> memref<72x128xf32, #tpu.memory_space<vmem>>
      %dma_wait3A_143 = arith.constant 0 : i32
      %dma_wait3A_144 = tpu.memref_slice %arg2[%add3A_105, %dma_wait3A_143] : memref<20224x128xf32, #tpu.memory_space<hbm>> -> memref<72x128xf32, #tpu.memory_space<hbm>>
      tpu.wait_dma2 semaphore(%run_scoped3A : memref<!tpu.dma_semaphore, #tpu.memory_space<semaphore_mem>>) src(%dma_wait3A_144 : memref<72x128xf32, #tpu.memory_space<hbm>>) dst(%dma_wait3A_142 : memref<72x128xf32, #tpu.memory_space<vmem>>)
      tpu.yield
    }) : () -> ()
    %mul3A_106 = arith.constant 10112 : i32
    %mul3A_107 = arith.muli %arg0, %mul3A_106 : i32
    %add3A_108 = arith.addi %mul3A_107, %mul3A_0 : i32
    %add3A_109 = arith.constant 560 : i32
    %add3A_110 = arith.addi %add3A_108, %add3A_109 : i32
    "tpu.region"() ({
      %run_scoped3A = tpu.sem_alloc : memref<!tpu.dma_semaphore, #tpu.memory_space<semaphore_mem>>
      %dma_start3A = arith.constant 0 : i32
      %dma_start3A_127 = arith.constant 0 : i32
      %dma_start3A_128 = tpu.memref_slice %arg9[%dma_start3A, %dma_start3A_127] : memref<112x128xf32, #tpu.memory_space<vmem>> -> memref<72x128xf32, #tpu.memory_space<vmem>>
      %dma_start3A_129 = arith.constant 0 : i32
      %dma_start3A_130 = tpu.memref_slice %arg7[%add3A_110, %dma_start3A_129] : memref<20224x128xf32, #tpu.memory_space<hbm>> -> memref<72x128xf32, #tpu.memory_space<hbm>>
      %dma_start3A_131 = arith.constant 0 : i32
      %dma_start3A_132 = tpu.memref_slice %arg7[%add3A_110, %dma_start3A_131] : memref<20224x128xf32, #tpu.memory_space<hbm>> -> memref<72x128xf32, #tpu.memory_space<hbm>>
      %dma_start3A_133 = arith.constant 0 : i32
      %dma_start3A_134 = arith.constant 0 : i32
      %dma_start3A_135 = tpu.memref_slice %arg9[%dma_start3A_133, %dma_start3A_134] : memref<112x128xf32, #tpu.memory_space<vmem>> -> memref<72x128xf32, #tpu.memory_space<vmem>>
      tpu.enqueue_dma source(%dma_start3A_135 : memref<72x128xf32, #tpu.memory_space<vmem>>) target(%dma_start3A_132 : memref<72x128xf32, #tpu.memory_space<hbm>>) target_semaphore(%run_scoped3A : memref<!tpu.dma_semaphore, #tpu.memory_space<semaphore_mem>>)
      %dma_wait3A = arith.constant 0 : i32
      %dma_wait3A_136 = arith.constant 0 : i32
      %dma_wait3A_137 = tpu.memref_slice %arg9[%dma_wait3A, %dma_wait3A_136] : memref<112x128xf32, #tpu.memory_space<vmem>> -> memref<72x128xf32, #tpu.memory_space<vmem>>
      %dma_wait3A_138 = arith.constant 0 : i32
      %dma_wait3A_139 = tpu.memref_slice %arg7[%add3A_110, %dma_wait3A_138] : memref<20224x128xf32, #tpu.memory_space<hbm>> -> memref<72x128xf32, #tpu.memory_space<hbm>>
      %dma_wait3A_140 = arith.constant 0 : i32
      %dma_wait3A_141 = tpu.memref_slice %arg7[%add3A_110, %dma_wait3A_140] : memref<20224x128xf32, #tpu.memory_space<hbm>> -> memref<72x128xf32, #tpu.memory_space<hbm>>
      %dma_wait3A_142 = arith.constant 0 : i32
      %dma_wait3A_143 = arith.constant 0 : i32
      %dma_wait3A_144 = tpu.memref_slice %arg9[%dma_wait3A_142, %dma_wait3A_143] : memref<112x128xf32, #tpu.memory_space<vmem>> -> memref<72x128xf32, #tpu.memory_space<vmem>>
      tpu.wait_dma2 semaphore(%run_scoped3A : memref<!tpu.dma_semaphore, #tpu.memory_space<semaphore_mem>>) src(%dma_wait3A_144 : memref<72x128xf32, #tpu.memory_space<vmem>>) dst(%dma_wait3A_141 : memref<72x128xf32, #tpu.memory_space<hbm>>)
      tpu.yield
    }) : () -> ()
    %mul3A_111 = arith.constant 10112 : i32
    %mul3A_112 = arith.muli %arg0, %mul3A_111 : i32
    %add3A_113 = arith.addi %mul3A_112, %mul3A_0 : i32
    %add3A_114 = arith.constant 560 : i32
    %add3A_115 = arith.addi %add3A_113, %add3A_114 : i32
    "tpu.region"() ({
      %run_scoped3A = tpu.sem_alloc : memref<!tpu.dma_semaphore, #tpu.memory_space<semaphore_mem>>
      %dma_start3A = arith.constant 0 : i32
      %dma_start3A_127 = arith.constant 0 : i32
      %dma_start3A_128 = tpu.memref_slice %arg10[%dma_start3A, %dma_start3A_127] : memref<112x128xf32, #tpu.memory_space<vmem>> -> memref<72x128xf32, #tpu.memory_space<vmem>>
      %dma_start3A_129 = arith.constant 0 : i32
      %dma_start3A_130 = tpu.memref_slice %arg3[%add3A_115, %dma_start3A_129] : memref<20224x128xf32, #tpu.memory_space<hbm>> -> memref<72x128xf32, #tpu.memory_space<hbm>>
      %dma_start3A_131 = arith.constant 0 : i32
      %dma_start3A_132 = arith.constant 0 : i32
      %dma_start3A_133 = tpu.memref_slice %arg10[%dma_start3A_131, %dma_start3A_132] : memref<112x128xf32, #tpu.memory_space<vmem>> -> memref<72x128xf32, #tpu.memory_space<vmem>>
      %dma_start3A_134 = arith.constant 0 : i32
      %dma_start3A_135 = tpu.memref_slice %arg3[%add3A_115, %dma_start3A_134] : memref<20224x128xf32, #tpu.memory_space<hbm>> -> memref<72x128xf32, #tpu.memory_space<hbm>>
      tpu.enqueue_dma source(%dma_start3A_135 : memref<72x128xf32, #tpu.memory_space<hbm>>) target(%dma_start3A_133 : memref<72x128xf32, #tpu.memory_space<vmem>>) target_semaphore(%run_scoped3A : memref<!tpu.dma_semaphore, #tpu.memory_space<semaphore_mem>>)
      %dma_wait3A = arith.constant 0 : i32
      %dma_wait3A_136 = arith.constant 0 : i32
      %dma_wait3A_137 = tpu.memref_slice %arg10[%dma_wait3A, %dma_wait3A_136] : memref<112x128xf32, #tpu.memory_space<vmem>> -> memref<72x128xf32, #tpu.memory_space<vmem>>
      %dma_wait3A_138 = arith.constant 0 : i32
      %dma_wait3A_139 = tpu.memref_slice %arg3[%add3A_115, %dma_wait3A_138] : memref<20224x128xf32, #tpu.memory_space<hbm>> -> memref<72x128xf32, #tpu.memory_space<hbm>>
      %dma_wait3A_140 = arith.constant 0 : i32
      %dma_wait3A_141 = arith.constant 0 : i32
      %dma_wait3A_142 = tpu.memref_slice %arg10[%dma_wait3A_140, %dma_wait3A_141] : memref<112x128xf32, #tpu.memory_space<vmem>> -> memref<72x128xf32, #tpu.memory_space<vmem>>
      %dma_wait3A_143 = arith.constant 0 : i32
      %dma_wait3A_144 = tpu.memref_slice %arg3[%add3A_115, %dma_wait3A_143] : memref<20224x128xf32, #tpu.memory_space<hbm>> -> memref<72x128xf32, #tpu.memory_space<hbm>>
      tpu.wait_dma2 semaphore(%run_scoped3A : memref<!tpu.dma_semaphore, #tpu.memory_space<semaphore_mem>>) src(%dma_wait3A_144 : memref<72x128xf32, #tpu.memory_space<hbm>>) dst(%dma_wait3A_142 : memref<72x128xf32, #tpu.memory_space<vmem>>)
      tpu.yield
    }) : () -> ()
    %mul3A_116 = arith.constant 10112 : i32
    %mul3A_117 = arith.muli %arg0, %mul3A_116 : i32
    %add3A_118 = arith.addi %mul3A_117, %mul3A_0 : i32
    %add3A_119 = arith.constant 560 : i32
    %add3A_120 = arith.addi %add3A_118, %add3A_119 : i32
    "tpu.region"() ({
      %run_scoped3A = tpu.sem_alloc : memref<!tpu.dma_semaphore, #tpu.memory_space<semaphore_mem>>
      %dma_start3A = arith.constant 0 : i32
      %dma_start3A_127 = arith.constant 0 : i32
      %dma_start3A_128 = tpu.memref_slice %arg10[%dma_start3A, %dma_start3A_127] : memref<112x128xf32, #tpu.memory_space<vmem>> -> memref<72x128xf32, #tpu.memory_space<vmem>>
      %dma_start3A_129 = arith.constant 0 : i32
      %dma_start3A_130 = tpu.memref_slice %arg6[%add3A_120, %dma_start3A_129] : memref<20224x128xf32, #tpu.memory_space<hbm>> -> memref<72x128xf32, #tpu.memory_space<hbm>>
      %dma_start3A_131 = arith.constant 0 : i32
      %dma_start3A_132 = tpu.memref_slice %arg6[%add3A_120, %dma_start3A_131] : memref<20224x128xf32, #tpu.memory_space<hbm>> -> memref<72x128xf32, #tpu.memory_space<hbm>>
      %dma_start3A_133 = arith.constant 0 : i32
      %dma_start3A_134 = arith.constant 0 : i32
      %dma_start3A_135 = tpu.memref_slice %arg10[%dma_start3A_133, %dma_start3A_134] : memref<112x128xf32, #tpu.memory_space<vmem>> -> memref<72x128xf32, #tpu.memory_space<vmem>>
      tpu.enqueue_dma source(%dma_start3A_135 : memref<72x128xf32, #tpu.memory_space<vmem>>) target(%dma_start3A_132 : memref<72x128xf32, #tpu.memory_space<hbm>>) target_semaphore(%run_scoped3A : memref<!tpu.dma_semaphore, #tpu.memory_space<semaphore_mem>>)
      %dma_wait3A = arith.constant 0 : i32
      %dma_wait3A_136 = arith.constant 0 : i32
      %dma_wait3A_137 = tpu.memref_slice %arg10[%dma_wait3A, %dma_wait3A_136] : memref<112x128xf32, #tpu.memory_space<vmem>> -> memref<72x128xf32, #tpu.memory_space<vmem>>
      %dma_wait3A_138 = arith.constant 0 : i32
      %dma_wait3A_139 = tpu.memref_slice %arg6[%add3A_120, %dma_wait3A_138] : memref<20224x128xf32, #tpu.memory_space<hbm>> -> memref<72x128xf32, #tpu.memory_space<hbm>>
      %dma_wait3A_140 = arith.constant 0 : i32
      %dma_wait3A_141 = tpu.memref_slice %arg6[%add3A_120, %dma_wait3A_140] : memref<20224x128xf32, #tpu.memory_space<hbm>> -> memref<72x128xf32, #tpu.memory_space<hbm>>
      %dma_wait3A_142 = arith.constant 0 : i32
      %dma_wait3A_143 = arith.constant 0 : i32
      %dma_wait3A_144 = tpu.memref_slice %arg10[%dma_wait3A_142, %dma_wait3A_143] : memref<112x128xf32, #tpu.memory_space<vmem>> -> memref<72x128xf32, #tpu.memory_space<vmem>>
      tpu.wait_dma2 semaphore(%run_scoped3A : memref<!tpu.dma_semaphore, #tpu.memory_space<semaphore_mem>>) src(%dma_wait3A_144 : memref<72x128xf32, #tpu.memory_space<vmem>>) dst(%dma_wait3A_141 : memref<72x128xf32, #tpu.memory_space<hbm>>)
      tpu.yield
    }) : () -> ()
    %scan3A = arith.constant 0 : i32
    %scan3A_121 = arith.constant 1 : i32
    %scan3A_122 = arith.constant 20 : i32
    %scan3A_123 = arith.addi %scan3A_121, %scan3A_122 : i32
    %scan3A_124 = arith.constant 1 : i32
    %scan3A_125 = scf.for %scan3A_127 = %scan3A_121 to %scan3A_123 step %scan3A_124 iter_args(%scan3A_128 = %scan3A) -> (i32)  : i32 {
      %scan3A_129 = arith.constant 0 : i32
      %scan3A_130 = arith.constant 0 : i32
      %scan3A_131 = arith.constant 112 : i32
      %scan3A_132 = arith.addi %scan3A_130, %scan3A_131 : i32
      %scan3A_133 = arith.constant 1 : i32
      %scan3A_134 = scf.for %scan3A_1062 = %scan3A_130 to %scan3A_132 step %scan3A_133 iter_args(%scan3A_1063 = %scan3A_129) -> (i32)  : i32 {
        %swap3A = arith.index_cast %scan3A_1062 : i32 to index
        %swap3A_1064 = arith.constant 0 : index
        %swap3A_1065 = tpu.vector_load %arg9[%swap3A, %swap3A_1064] {strides = array<i32>} : memref<112x128xf32, #tpu.memory_space<vmem>>, vector<1x16xf32>,
        %swap3A_1066 = vector.shape_cast %swap3A_1065 : vector<1x16xf32> to vector<16xf32>
        %swap3A_1067 = vector.shape_cast %broadcast_in_dim3A_1 : vector<16xf32> to vector<1x16xf32>
        tpu.vector_store %arg9[%swap3A, %swap3A_1064], %swap3A_1067 {strides = array<i32>} : memref<112x128xf32, #tpu.memory_space<vmem>>, vector<1x16xf32>,
        %swap3A_1068 = arith.index_cast %scan3A_1062 : i32 to index
        %swap3A_1069 = arith.constant 16 : index
        %swap3A_1070 = tpu.vector_load %arg9[%swap3A_1068, %swap3A_1069] {strides = array<i32>} : memref<112x128xf32, #tpu.memory_space<vmem>>, vector<1x16xf32>,
        %swap3A_1071 = vector.shape_cast %swap3A_1070 : vector<1x16xf32> to vector<16xf32>
        %swap3A_1072 = vector.shape_cast %broadcast_in_dim3A_1 : vector<16xf32> to vector<1x16xf32>
        tpu.vector_store %arg9[%swap3A_1068, %swap3A_1069], %swap3A_1072 {strides = array<i32>} : memref<112x128xf32, #tpu.memory_space<vmem>>, vector<1x16xf32>,
        %swap3A_1073 = arith.index_cast %scan3A_1062 : i32 to index
        %swap3A_1074 = arith.constant 32 : index
        %swap3A_1075 = tpu.vector_load %arg9[%swap3A_1073, %swap3A_1074] {strides = array<i32>} : memref<112x128xf32, #tpu.memory_space<vmem>>, vector<1x16xf32>,
        %swap3A_1076 = vector.shape_cast %swap3A_1075 : vector<1x16xf32> to vector<16xf32>
        %swap3A_1077 = vector.shape_cast %broadcast_in_dim3A_1 : vector<16xf32> to vector<1x16xf32>
        tpu.vector_store %arg9[%swap3A_1073, %swap3A_1074], %swap3A_1077 {strides = array<i32>} : memref<112x128xf32, #tpu.memory_space<vmem>>, vector<1x16xf32>,
        %swap3A_1078 = arith.index_cast %scan3A_1062 : i32 to index
        %swap3A_1079 = arith.constant 48 : index
        %swap3A_1080 = tpu.vector_load %arg9[%swap3A_1078, %swap3A_1079] {strides = array<i32>} : memref<112x128xf32, #tpu.memory_space<vmem>>, vector<1x16xf32>,
        %swap3A_1081 = vector.shape_cast %swap3A_1080 : vector<1x16xf32> to vector<16xf32>
        %swap3A_1082 = vector.shape_cast %broadcast_in_dim3A_1 : vector<16xf32> to vector<1x16xf32>
        tpu.vector_store %arg9[%swap3A_1078, %swap3A_1079], %swap3A_1082 {strides = array<i32>} : memref<112x128xf32, #tpu.memory_space<vmem>>, vector<1x16xf32>,
        %swap3A_1083 = arith.index_cast %scan3A_1062 : i32 to index
        %swap3A_1084 = arith.constant 64 : index
        %swap3A_1085 = tpu.vector_load %arg9[%swap3A_1083, %swap3A_1084] {strides = array<i32>} : memref<112x128xf32, #tpu.memory_space<vmem>>, vector<1x16xf32>,
        %swap3A_1086 = vector.shape_cast %swap3A_1085 : vector<1x16xf32> to vector<16xf32>
        %swap3A_1087 = vector.shape_cast %broadcast_in_dim3A_1 : vector<16xf32> to vector<1x16xf32>
        tpu.vector_store %arg9[%swap3A_1083, %swap3A_1084], %swap3A_1087 {strides = array<i32>} : memref<112x128xf32, #tpu.memory_space<vmem>>, vector<1x16xf32>,
        %swap3A_1088 = arith.index_cast %scan3A_1062 : i32 to index
        %swap3A_1089 = arith.constant 80 : index
        %swap3A_1090 = tpu.vector_load %arg9[%swap3A_1088, %swap3A_1089] {strides = array<i32>} : memref<112x128xf32, #tpu.memory_space<vmem>>, vector<1x16xf32>,
        %swap3A_1091 = vector.shape_cast %swap3A_1090 : vector<1x16xf32> to vector<16xf32>
        %swap3A_1092 = vector.shape_cast %broadcast_in_dim3A_1 : vector<16xf32> to vector<1x16xf32>
        tpu.vector_store %arg9[%swap3A_1088, %swap3A_1089], %swap3A_1092 {strides = array<i32>} : memref<112x128xf32, #tpu.memory_space<vmem>>, vector<1x16xf32>,
        %swap3A_1093 = arith.index_cast %scan3A_1062 : i32 to index
        %swap3A_1094 = arith.constant 96 : index
        %swap3A_1095 = tpu.vector_load %arg9[%swap3A_1093, %swap3A_1094] {strides = array<i32>} : memref<112x128xf32, #tpu.memory_space<vmem>>, vector<1x16xf32>,
        %swap3A_1096 = vector.shape_cast %swap3A_1095 : vector<1x16xf32> to vector<16xf32>
        %swap3A_1097 = vector.shape_cast %broadcast_in_dim3A_1 : vector<16xf32> to vector<1x16xf32>
        tpu.vector_store %arg9[%swap3A_1093, %swap3A_1094], %swap3A_1097 {strides = array<i32>} : memref<112x128xf32, #tpu.memory_space<vmem>>, vector<1x16xf32>,
        %swap3A_1098 = arith.index_cast %scan3A_1062 : i32 to index
        %swap3A_1099 = arith.constant 112 : index
        %swap3A_1100 = tpu.vector_load %arg9[%swap3A_1098, %swap3A_1099] {strides = array<i32>} : memref<112x128xf32, #tpu.memory_space<vmem>>, vector<1x16xf32>,
        %swap3A_1101 = vector.shape_cast %swap3A_1100 : vector<1x16xf32> to vector<16xf32>
        %swap3A_1102 = vector.shape_cast %broadcast_in_dim3A_1 : vector<16xf32> to vector<1x16xf32>
        tpu.vector_store %arg9[%swap3A_1098, %swap3A_1099], %swap3A_1102 {strides = array<i32>} : memref<112x128xf32, #tpu.memory_space<vmem>>, vector<1x16xf32>,
        %scan3A_1103 = arith.constant 0 : i32
        scf.yield %scan3A_1103 : i32
      }
      %scan3A_135 = arith.constant 112 : i32
      %add3A_136 = arith.constant 0 : i32
      %add3A_137 = arith.addi %mul3A_0, %add3A_136 : i32
      %dma_start3A = arith.constant 0 : i32
      %dma_start3A_138 = arith.constant 0 : i32
      %dma_start3A_139 = tpu.memref_slice %arg9[%dma_start3A, %dma_start3A_138] : memref<112x128xf32, #tpu.memory_space<vmem>> -> memref<112x128xf32, #tpu.memory_space<vmem>>
      %dma_start3A_140 = arith.constant 0 : i32
      %dma_start3A_141 = tpu.memref_slice %arg13[%add3A_137, %dma_start3A_140] : memref<10112x128xf32, #tpu.memory_space<vmem_shared>> -> memref<112x128xf32, #tpu.memory_space<vmem_shared>>
      %dma_start3A_142 = arith.constant 0 : i32
      %dma_start3A_143 = tpu.memref_slice %arg13[%add3A_137, %dma_start3A_142] : memref<10112x128xf32, #tpu.memory_space<vmem_shared>> -> memref<112x128xf32, #tpu.memory_space<vmem_shared>>
      %dma_start3A_144 = arith.constant 0 : i32
      %dma_start3A_145 = arith.constant 0 : i32
      %dma_start3A_146 = tpu.memref_slice %arg9[%dma_start3A_144, %dma_start3A_145] : memref<112x128xf32, #tpu.memory_space<vmem>> -> memref<112x128xf32, #tpu.memory_space<vmem>>
      tpu.enqueue_dma source(%dma_start3A_146 : memref<112x128xf32, #tpu.memory_space<vmem>>) target(%dma_start3A_143 : memref<112x128xf32, #tpu.memory_space<vmem_shared>>) target_semaphore(%arg14 : memref<!tpu.dma_semaphore, #tpu.memory_space<semaphore_mem>>)
      %add3A_147 = arith.constant 112 : i32
      %add3A_148 = arith.addi %mul3A_0, %add3A_147 : i32
      %dma_start3A_149 = arith.constant 0 : i32
      %dma_start3A_150 = arith.constant 0 : i32
      %dma_start3A_151 = tpu.memref_slice %arg9[%dma_start3A_149, %dma_start3A_150] : memref<112x128xf32, #tpu.memory_space<vmem>> -> memref<112x128xf32, #tpu.memory_space<vmem>>
      %dma_start3A_152 = arith.constant 0 : i32
      %dma_start3A_153 = tpu.memref_slice %arg13[%add3A_148, %dma_start3A_152] : memref<10112x128xf32, #tpu.memory_space<vmem_shared>> -> memref<112x128xf32, #tpu.memory_space<vmem_shared>>
      %dma_start3A_154 = arith.constant 0 : i32
      %dma_start3A_155 = tpu.memref_slice %arg13[%add3A_148, %dma_start3A_154] : memref<10112x128xf32, #tpu.memory_space<vmem_shared>> -> memref<112x128xf32, #tpu.memory_space<vmem_shared>>
      %dma_start3A_156 = arith.constant 0 : i32
      %dma_start3A_157 = arith.constant 0 : i32
      %dma_start3A_158 = tpu.memref_slice %arg9[%dma_start3A_156, %dma_start3A_157] : memref<112x128xf32, #tpu.memory_space<vmem>> -> memref<112x128xf32, #tpu.memory_space<vmem>>
      tpu.enqueue_dma source(%dma_start3A_158 : memref<112x128xf32, #tpu.memory_space<vmem>>) target(%dma_start3A_155 : memref<112x128xf32, #tpu.memory_space<vmem_shared>>) target_semaphore(%arg14 : memref<!tpu.dma_semaphore, #tpu.memory_space<semaphore_mem>>)
      %add3A_159 = arith.constant 224 : i32
      %add3A_160 = arith.addi %mul3A_0, %add3A_159 : i32
      %dma_start3A_161 = arith.constant 0 : i32
      %dma_start3A_162 = arith.constant 0 : i32
      %dma_start3A_163 = tpu.memref_slice %arg9[%dma_start3A_161, %dma_start3A_162] : memref<112x128xf32, #tpu.memory_space<vmem>> -> memref<112x128xf32, #tpu.memory_space<vmem>>
      %dma_start3A_164 = arith.constant 0 : i32
      %dma_start3A_165 = tpu.memref_slice %arg13[%add3A_160, %dma_start3A_164] : memref<10112x128xf32, #tpu.memory_space<vmem_shared>> -> memref<112x128xf32, #tpu.memory_space<vmem_shared>>
      %dma_start3A_166 = arith.constant 0 : i32
      %dma_start3A_167 = tpu.memref_slice %arg13[%add3A_160, %dma_start3A_166] : memref<10112x128xf32, #tpu.memory_space<vmem_shared>> -> memref<112x128xf32, #tpu.memory_space<vmem_shared>>
      %dma_start3A_168 = arith.constant 0 : i32
      %dma_start3A_169 = arith.constant 0 : i32
      %dma_start3A_170 = tpu.memref_slice %arg9[%dma_start3A_168, %dma_start3A_169] : memref<112x128xf32, #tpu.memory_space<vmem>> -> memref<112x128xf32, #tpu.memory_space<vmem>>
      tpu.enqueue_dma source(%dma_start3A_170 : memref<112x128xf32, #tpu.memory_space<vmem>>) target(%dma_start3A_167 : memref<112x128xf32, #tpu.memory_space<vmem_shared>>) target_semaphore(%arg14 : memref<!tpu.dma_semaphore, #tpu.memory_space<semaphore_mem>>)
      %add3A_171 = arith.constant 336 : i32
      %add3A_172 = arith.addi %mul3A_0, %add3A_171 : i32
      %dma_start3A_173 = arith.constant 0 : i32
      %dma_start3A_174 = arith.constant 0 : i32
      %dma_start3A_175 = tpu.memref_slice %arg9[%dma_start3A_173, %dma_start3A_174] : memref<112x128xf32, #tpu.memory_space<vmem>> -> memref<112x128xf32, #tpu.memory_space<vmem>>
      %dma_start3A_176 = arith.constant 0 : i32
      %dma_start3A_177 = tpu.memref_slice %arg13[%add3A_172, %dma_start3A_176] : memref<10112x128xf32, #tpu.memory_space<vmem_shared>> -> memref<112x128xf32, #tpu.memory_space<vmem_shared>>
      %dma_start3A_178 = arith.constant 0 : i32
      %dma_start3A_179 = tpu.memref_slice %arg13[%add3A_172, %dma_start3A_178] : memref<10112x128xf32, #tpu.memory_space<vmem_shared>> -> memref<112x128xf32, #tpu.memory_space<vmem_shared>>
      %dma_start3A_180 = arith.constant 0 : i32
      %dma_start3A_181 = arith.constant 0 : i32
      %dma_start3A_182 = tpu.memref_slice %arg9[%dma_start3A_180, %dma_start3A_181] : memref<112x128xf32, #tpu.memory_space<vmem>> -> memref<112x128xf32, #tpu.memory_space<vmem>>
      tpu.enqueue_dma source(%dma_start3A_182 : memref<112x128xf32, #tpu.memory_space<vmem>>) target(%dma_start3A_179 : memref<112x128xf32, #tpu.memory_space<vmem_shared>>) target_semaphore(%arg14 : memref<!tpu.dma_semaphore, #tpu.memory_space<semaphore_mem>>)
      %add3A_183 = arith.constant 448 : i32
      %add3A_184 = arith.addi %mul3A_0, %add3A_183 : i32
      %dma_start3A_185 = arith.constant 0 : i32
      %dma_start3A_186 = arith.constant 0 : i32
      %dma_start3A_187 = tpu.memref_slice %arg9[%dma_start3A_185, %dma_start3A_186] : memref<112x128xf32, #tpu.memory_space<vmem>> -> memref<112x128xf32, #tpu.memory_space<vmem>>
      %dma_start3A_188 = arith.constant 0 : i32
      %dma_start3A_189 = tpu.memref_slice %arg13[%add3A_184, %dma_start3A_188] : memref<10112x128xf32, #tpu.memory_space<vmem_shared>> -> memref<112x128xf32, #tpu.memory_space<vmem_shared>>
      %dma_start3A_190 = arith.constant 0 : i32
      %dma_start3A_191 = tpu.memref_slice %arg13[%add3A_184, %dma_start3A_190] : memref<10112x128xf32, #tpu.memory_space<vmem_shared>> -> memref<112x128xf32, #tpu.memory_space<vmem_shared>>
      %dma_start3A_192 = arith.constant 0 : i32
      %dma_start3A_193 = arith.constant 0 : i32
      %dma_start3A_194 = tpu.memref_slice %arg9[%dma_start3A_192, %dma_start3A_193] : memref<112x128xf32, #tpu.memory_space<vmem>> -> memref<112x128xf32, #tpu.memory_space<vmem>>
      tpu.enqueue_dma source(%dma_start3A_194 : memref<112x128xf32, #tpu.memory_space<vmem>>) target(%dma_start3A_191 : memref<112x128xf32, #tpu.memory_space<vmem_shared>>) target_semaphore(%arg14 : memref<!tpu.dma_semaphore, #tpu.memory_space<semaphore_mem>>)
      %add3A_195 = arith.constant 560 : i32
      %add3A_196 = arith.addi %mul3A_0, %add3A_195 : i32
      %dma_start3A_197 = arith.constant 0 : i32
      %dma_start3A_198 = arith.constant 0 : i32
      %dma_start3A_199 = tpu.memref_slice %arg9[%dma_start3A_197, %dma_start3A_198] : memref<112x128xf32, #tpu.memory_space<vmem>> -> memref<72x128xf32, #tpu.memory_space<vmem>>
      %dma_start3A_200 = arith.constant 0 : i32
      %dma_start3A_201 = tpu.memref_slice %arg13[%add3A_196, %dma_start3A_200] : memref<10112x128xf32, #tpu.memory_space<vmem_shared>> -> memref<72x128xf32, #tpu.memory_space<vmem_shared>>
      %dma_start3A_202 = arith.constant 0 : i32
      %dma_start3A_203 = tpu.memref_slice %arg13[%add3A_196, %dma_start3A_202] : memref<10112x128xf32, #tpu.memory_space<vmem_shared>> -> memref<72x128xf32, #tpu.memory_space<vmem_shared>>
      %dma_start3A_204 = arith.constant 0 : i32
      %dma_start3A_205 = arith.constant 0 : i32
      %dma_start3A_206 = tpu.memref_slice %arg9[%dma_start3A_204, %dma_start3A_205] : memref<112x128xf32, #tpu.memory_space<vmem>> -> memref<72x128xf32, #tpu.memory_space<vmem>>
      tpu.enqueue_dma source(%dma_start3A_206 : memref<72x128xf32, #tpu.memory_space<vmem>>) target(%dma_start3A_203 : memref<72x128xf32, #tpu.memory_space<vmem_shared>>) target_semaphore(%arg14 : memref<!tpu.dma_semaphore, #tpu.memory_space<semaphore_mem>>)
      %add3A_207 = arith.constant 0 : i32
      %add3A_208 = arith.addi %mul3A_0, %add3A_207 : i32
      %dma_wait3A = arith.constant 0 : i32
      %dma_wait3A_209 = arith.constant 0 : i32
      %dma_wait3A_210 = tpu.memref_slice %arg9[%dma_wait3A, %dma_wait3A_209] : memref<112x128xf32, #tpu.memory_space<vmem>> -> memref<112x128xf32, #tpu.memory_space<vmem>>
      %dma_wait3A_211 = arith.constant 0 : i32
      %dma_wait3A_212 = tpu.memref_slice %arg13[%add3A_208, %dma_wait3A_211] : memref<10112x128xf32, #tpu.memory_space<vmem_shared>> -> memref<112x128xf32, #tpu.memory_space<vmem_shared>>
      %dma_wait3A_213 = arith.constant 0 : i32
      %dma_wait3A_214 = tpu.memref_slice %arg13[%add3A_208, %dma_wait3A_213] : memref<10112x128xf32, #tpu.memory_space<vmem_shared>> -> memref<112x128xf32, #tpu.memory_space<vmem_shared>>
      %dma_wait3A_215 = arith.constant 0 : i32
      %dma_wait3A_216 = arith.constant 0 : i32
      %dma_wait3A_217 = tpu.memref_slice %arg9[%dma_wait3A_215, %dma_wait3A_216] : memref<112x128xf32, #tpu.memory_space<vmem>> -> memref<112x128xf32, #tpu.memory_space<vmem>>
      tpu.wait_dma2 semaphore(%arg14 : memref<!tpu.dma_semaphore, #tpu.memory_space<semaphore_mem>>) src(%dma_wait3A_217 : memref<112x128xf32, #tpu.memory_space<vmem>>) dst(%dma_wait3A_214 : memref<112x128xf32, #tpu.memory_space<vmem_shared>>)
      %add3A_218 = arith.constant 112 : i32
      %add3A_219 = arith.addi %mul3A_0, %add3A_218 : i32
      %dma_wait3A_220 = arith.constant 0 : i32
      %dma_wait3A_221 = arith.constant 0 : i32
      %dma_wait3A_222 = tpu.memref_slice %arg9[%dma_wait3A_220, %dma_wait3A_221] : memref<112x128xf32, #tpu.memory_space<vmem>> -> memref<112x128xf32, #tpu.memory_space<vmem>>
      %dma_wait3A_223 = arith.constant 0 : i32
      %dma_wait3A_224 = tpu.memref_slice %arg13[%add3A_219, %dma_wait3A_223] : memref<10112x128xf32, #tpu.memory_space<vmem_shared>> -> memref<112x128xf32, #tpu.memory_space<vmem_shared>>
      %dma_wait3A_225 = arith.constant 0 : i32
      %dma_wait3A_226 = tpu.memref_slice %arg13[%add3A_219, %dma_wait3A_225] : memref<10112x128xf32, #tpu.memory_space<vmem_shared>> -> memref<112x128xf32, #tpu.memory_space<vmem_shared>>
      %dma_wait3A_227 = arith.constant 0 : i32
      %dma_wait3A_228 = arith.constant 0 : i32
      %dma_wait3A_229 = tpu.memref_slice %arg9[%dma_wait3A_227, %dma_wait3A_228] : memref<112x128xf32, #tpu.memory_space<vmem>> -> memref<112x128xf32, #tpu.memory_space<vmem>>
      tpu.wait_dma2 semaphore(%arg14 : memref<!tpu.dma_semaphore, #tpu.memory_space<semaphore_mem>>) src(%dma_wait3A_229 : memref<112x128xf32, #tpu.memory_space<vmem>>) dst(%dma_wait3A_226 : memref<112x128xf32, #tpu.memory_space<vmem_shared>>)
      %add3A_230 = arith.constant 224 : i32
      %add3A_231 = arith.addi %mul3A_0, %add3A_230 : i32
      %dma_wait3A_232 = arith.constant 0 : i32
      %dma_wait3A_233 = arith.constant 0 : i32
      %dma_wait3A_234 = tpu.memref_slice %arg9[%dma_wait3A_232, %dma_wait3A_233] : memref<112x128xf32, #tpu.memory_space<vmem>> -> memref<112x128xf32, #tpu.memory_space<vmem>>
      %dma_wait3A_235 = arith.constant 0 : i32
      %dma_wait3A_236 = tpu.memref_slice %arg13[%add3A_231, %dma_wait3A_235] : memref<10112x128xf32, #tpu.memory_space<vmem_shared>> -> memref<112x128xf32, #tpu.memory_space<vmem_shared>>
      %dma_wait3A_237 = arith.constant 0 : i32
      %dma_wait3A_238 = tpu.memref_slice %arg13[%add3A_231, %dma_wait3A_237] : memref<10112x128xf32, #tpu.memory_space<vmem_shared>> -> memref<112x128xf32, #tpu.memory_space<vmem_shared>>
      %dma_wait3A_239 = arith.constant 0 : i32
      %dma_wait3A_240 = arith.constant 0 : i32
      %dma_wait3A_241 = tpu.memref_slice %arg9[%dma_wait3A_239, %dma_wait3A_240] : memref<112x128xf32, #tpu.memory_space<vmem>> -> memref<112x128xf32, #tpu.memory_space<vmem>>
      tpu.wait_dma2 semaphore(%arg14 : memref<!tpu.dma_semaphore, #tpu.memory_space<semaphore_mem>>) src(%dma_wait3A_241 : memref<112x128xf32, #tpu.memory_space<vmem>>) dst(%dma_wait3A_238 : memref<112x128xf32, #tpu.memory_space<vmem_shared>>)
      %add3A_242 = arith.constant 336 : i32
      %add3A_243 = arith.addi %mul3A_0, %add3A_242 : i32
      %dma_wait3A_244 = arith.constant 0 : i32
      %dma_wait3A_245 = arith.constant 0 : i32
      %dma_wait3A_246 = tpu.memref_slice %arg9[%dma_wait3A_244, %dma_wait3A_245] : memref<112x128xf32, #tpu.memory_space<vmem>> -> memref<112x128xf32, #tpu.memory_space<vmem>>
      %dma_wait3A_247 = arith.constant 0 : i32
      %dma_wait3A_248 = tpu.memref_slice %arg13[%add3A_243, %dma_wait3A_247] : memref<10112x128xf32, #tpu.memory_space<vmem_shared>> -> memref<112x128xf32, #tpu.memory_space<vmem_shared>>
      %dma_wait3A_249 = arith.constant 0 : i32
      %dma_wait3A_250 = tpu.memref_slice %arg13[%add3A_243, %dma_wait3A_249] : memref<10112x128xf32, #tpu.memory_space<vmem_shared>> -> memref<112x128xf32, #tpu.memory_space<vmem_shared>>
      %dma_wait3A_251 = arith.constant 0 : i32
      %dma_wait3A_252 = arith.constant 0 : i32
      %dma_wait3A_253 = tpu.memref_slice %arg9[%dma_wait3A_251, %dma_wait3A_252] : memref<112x128xf32, #tpu.memory_space<vmem>> -> memref<112x128xf32, #tpu.memory_space<vmem>>
      tpu.wait_dma2 semaphore(%arg14 : memref<!tpu.dma_semaphore, #tpu.memory_space<semaphore_mem>>) src(%dma_wait3A_253 : memref<112x128xf32, #tpu.memory_space<vmem>>) dst(%dma_wait3A_250 : memref<112x128xf32, #tpu.memory_space<vmem_shared>>)
      %add3A_254 = arith.constant 448 : i32
      %add3A_255 = arith.addi %mul3A_0, %add3A_254 : i32
      %dma_wait3A_256 = arith.constant 0 : i32
      %dma_wait3A_257 = arith.constant 0 : i32
      %dma_wait3A_258 = tpu.memref_slice %arg9[%dma_wait3A_256, %dma_wait3A_257] : memref<112x128xf32, #tpu.memory_space<vmem>> -> memref<112x128xf32, #tpu.memory_space<vmem>>
      %dma_wait3A_259 = arith.constant 0 : i32
      %dma_wait3A_260 = tpu.memref_slice %arg13[%add3A_255, %dma_wait3A_259] : memref<10112x128xf32, #tpu.memory_space<vmem_shared>> -> memref<112x128xf32, #tpu.memory_space<vmem_shared>>
      %dma_wait3A_261 = arith.constant 0 : i32
      %dma_wait3A_262 = tpu.memref_slice %arg13[%add3A_255, %dma_wait3A_261] : memref<10112x128xf32, #tpu.memory_space<vmem_shared>> -> memref<112x128xf32, #tpu.memory_space<vmem_shared>>
      %dma_wait3A_263 = arith.constant 0 : i32
      %dma_wait3A_264 = arith.constant 0 : i32
      %dma_wait3A_265 = tpu.memref_slice %arg9[%dma_wait3A_263, %dma_wait3A_264] : memref<112x128xf32, #tpu.memory_space<vmem>> -> memref<112x128xf32, #tpu.memory_space<vmem>>
      tpu.wait_dma2 semaphore(%arg14 : memref<!tpu.dma_semaphore, #tpu.memory_space<semaphore_mem>>) src(%dma_wait3A_265 : memref<112x128xf32, #tpu.memory_space<vmem>>) dst(%dma_wait3A_262 : memref<112x128xf32, #tpu.memory_space<vmem_shared>>)
      %add3A_266 = arith.constant 560 : i32
      %add3A_267 = arith.addi %mul3A_0, %add3A_266 : i32
      %dma_wait3A_268 = arith.constant 0 : i32
      %dma_wait3A_269 = arith.constant 0 : i32
      %dma_wait3A_270 = tpu.memref_slice %arg9[%dma_wait3A_268, %dma_wait3A_269] : memref<112x128xf32, #tpu.memory_space<vmem>> -> memref<72x128xf32, #tpu.memory_space<vmem>>
      %dma_wait3A_271 = arith.constant 0 : i32
      %dma_wait3A_272 = tpu.memref_slice %arg13[%add3A_267, %dma_wait3A_271] : memref<10112x128xf32, #tpu.memory_space<vmem_shared>> -> memref<72x128xf32, #tpu.memory_space<vmem_shared>>
      %dma_wait3A_273 = arith.constant 0 : i32
      %dma_wait3A_274 = tpu.memref_slice %arg13[%add3A_267, %dma_wait3A_273] : memref<10112x128xf32, #tpu.memory_space<vmem_shared>> -> memref<72x128xf32, #tpu.memory_space<vmem_shared>>
      %dma_wait3A_275 = arith.constant 0 : i32
      %dma_wait3A_276 = arith.constant 0 : i32
      %dma_wait3A_277 = tpu.memref_slice %arg9[%dma_wait3A_275, %dma_wait3A_276] : memref<112x128xf32, #tpu.memory_space<vmem>> -> memref<72x128xf32, #tpu.memory_space<vmem>>
      tpu.wait_dma2 semaphore(%arg14 : memref<!tpu.dma_semaphore, #tpu.memory_space<semaphore_mem>>) src(%dma_wait3A_277 : memref<72x128xf32, #tpu.memory_space<vmem>>) dst(%dma_wait3A_274 : memref<72x128xf32, #tpu.memory_space<vmem_shared>>)
      %barrier3A = arith.constant 0 : index
      tpu.barrier barrier_id(%barrier3A)
      %mul3A_278 = arith.constant 10112 : i32
      %mul3A_279 = arith.muli %arg0, %mul3A_278 : i32
      %scan3A_280 = arith.constant 0 : i32
      %scan3A_281 = arith.constant 0 : i32
      %scan3A_282 = arith.constant 12 : i32
      %scan3A_283 = arith.addi %scan3A_281, %scan3A_282 : i32
      %scan3A_284 = arith.constant 1 : i32
      %scan3A_285 = scf.for %scan3A_1062 = %scan3A_281 to %scan3A_283 step %scan3A_284 iter_args(%scan3A_1063 = %scan3A_280) -> (i32)  : i32 {
        %mul3A_1064 = arith.constant 12 : i32
        %mul3A_1065 = arith.muli %arg1, %mul3A_1064 : i32
        %add3A_1066 = arith.addi %mul3A_1065, %scan3A_1062 : i32
        %mul3A_1067 = arith.constant 32 : i32
        %mul3A_1068 = arith.muli %add3A_1066, %mul3A_1067 : i32
        "tpu.region"() ({
          %run_scoped3A = tpu.sem_alloc : memref<!tpu.dma_semaphore, #tpu.memory_space<semaphore_mem>>
          %dma_start3A_1196 = arith.constant 0 : i32
          %dma_start3A_1197 = tpu.memref_slice %arg4[%mul3A_1068, %dma_start3A_1196] : memref<6144x112xi32, #tpu.memory_space<hbm>> -> memref<32x112xi32, #tpu.memory_space<hbm>>
          %dma_start3A_1198 = arith.constant 0 : i32
          %dma_start3A_1199 = tpu.memref_slice %arg4[%mul3A_1068, %dma_start3A_1198] : memref<6144x112xi32, #tpu.memory_space<hbm>> -> memref<32x112xi32, #tpu.memory_space<hbm>>
          tpu.enqueue_dma source(%dma_start3A_1199 : memref<32x112xi32, #tpu.memory_space<hbm>>) target(%arg8 : memref<32x112xi32, #tpu.memory_space<vmem>>) target_semaphore(%run_scoped3A : memref<!tpu.dma_semaphore, #tpu.memory_space<semaphore_mem>>)
          %dma_wait3A_1200 = arith.constant 0 : i32
          %dma_wait3A_1201 = tpu.memref_slice %arg4[%mul3A_1068, %dma_wait3A_1200] : memref<6144x112xi32, #tpu.memory_space<hbm>> -> memref<32x112xi32, #tpu.memory_space<hbm>>
          %dma_wait3A_1202 = arith.constant 0 : i32
          %dma_wait3A_1203 = tpu.memref_slice %arg4[%mul3A_1068, %dma_wait3A_1202] : memref<6144x112xi32, #tpu.memory_space<hbm>> -> memref<32x112xi32, #tpu.memory_space<hbm>>
          tpu.wait_dma2 semaphore(%run_scoped3A : memref<!tpu.dma_semaphore, #tpu.memory_space<semaphore_mem>>) src(%dma_wait3A_1203 : memref<32x112xi32, #tpu.memory_space<hbm>>) dst(%arg8 : memref<32x112xi32, #tpu.memory_space<vmem>>)
          tpu.yield
        }) : () -> ()
        %scan3A_1069 = arith.constant 0 : i32
        %scan3A_1070 = arith.constant 0 : i32
        %scan3A_1071 = arith.constant 16 : i32
        %scan3A_1072 = arith.addi %scan3A_1070, %scan3A_1071 : i32
        %scan3A_1073 = arith.constant 1 : i32
        %scan3A_1074 = scf.for %scan3A_1196 = %scan3A_1070 to %scan3A_1072 step %scan3A_1073 iter_args(%scan3A_1197 = %scan3A_1069) -> (i32)  : i32 {
          %get3A_1198 = arith.index_cast %scan3A_1196 : i32 to index
          %get3A_1199 = arith.constant 0 : index
          %get3A_1200 = tpu.vector_load %arg8[%get3A_1198, %get3A_1199] {strides = array<i32>} : memref<32x112xi32, #tpu.memory_space<vmem>>, vector<1x16xi32>,
          %get3A_1201 = vector.shape_cast %get3A_1200 : vector<1x16xi32> to vector<16xi32>
          %add3A_1202 = vector.broadcast %mul3A_279 : i32 to vector<16xi32>
          %add3A_1203 = arith.addi %get3A_1201, %add3A_1202 : vector<16xi32>
          %swap3A = arith.index_cast %scan3A_1196 : i32 to index
          %swap3A_1204 = arith.constant 0 : index
          %swap3A_1205 = tpu.vector_load %arg8[%swap3A, %swap3A_1204] {strides = array<i32>} : memref<32x112xi32, #tpu.memory_space<vmem>>, vector<1x16xi32>,
          %swap3A_1206 = vector.shape_cast %swap3A_1205 : vector<1x16xi32> to vector<16xi32>
          %swap3A_1207 = vector.shape_cast %add3A_1203 : vector<16xi32> to vector<1x16xi32>
          tpu.vector_store %arg8[%swap3A, %swap3A_1204], %swap3A_1207 {strides = array<i32>} : memref<32x112xi32, #tpu.memory_space<vmem>>, vector<1x16xi32>,
          %get3A_1208 = arith.index_cast %scan3A_1196 : i32 to index
          %get3A_1209 = arith.constant 16 : index
          %get3A_1210 = tpu.vector_load %arg8[%get3A_1208, %get3A_1209] {strides = array<i32>} : memref<32x112xi32, #tpu.memory_space<vmem>>, vector<1x16xi32>,
          %get3A_1211 = vector.shape_cast %get3A_1210 : vector<1x16xi32> to vector<16xi32>
          %add3A_1212 = vector.broadcast %mul3A_279 : i32 to vector<16xi32>
          %add3A_1213 = arith.addi %get3A_1211, %add3A_1212 : vector<16xi32>
          %swap3A_1214 = arith.index_cast %scan3A_1196 : i32 to index
          %swap3A_1215 = arith.constant 16 : index
          %swap3A_1216 = tpu.vector_load %arg8[%swap3A_1214, %swap3A_1215] {strides = array<i32>} : memref<32x112xi32, #tpu.memory_space<vmem>>, vector<1x16xi32>,
          %swap3A_1217 = vector.shape_cast %swap3A_1216 : vector<1x16xi32> to vector<16xi32>
          %swap3A_1218 = vector.shape_cast %add3A_1213 : vector<16xi32> to vector<1x16xi32>
          tpu.vector_store %arg8[%swap3A_1214, %swap3A_1215], %swap3A_1218 {strides = array<i32>} : memref<32x112xi32, #tpu.memory_space<vmem>>, vector<1x16xi32>,
          %get3A_1219 = arith.index_cast %scan3A_1196 : i32 to index
          %get3A_1220 = arith.constant 32 : index
          %get3A_1221 = tpu.vector_load %arg8[%get3A_1219, %get3A_1220] {strides = array<i32>} : memref<32x112xi32, #tpu.memory_space<vmem>>, vector<1x16xi32>,
          %get3A_1222 = vector.shape_cast %get3A_1221 : vector<1x16xi32> to vector<16xi32>
          %add3A_1223 = vector.broadcast %mul3A_279 : i32 to vector<16xi32>
          %add3A_1224 = arith.addi %get3A_1222, %add3A_1223 : vector<16xi32>
          %swap3A_1225 = arith.index_cast %scan3A_1196 : i32 to index
          %swap3A_1226 = arith.constant 32 : index
          %swap3A_1227 = tpu.vector_load %arg8[%swap3A_1225, %swap3A_1226] {strides = array<i32>} : memref<32x112xi32, #tpu.memory_space<vmem>>, vector<1x16xi32>,
          %swap3A_1228 = vector.shape_cast %swap3A_1227 : vector<1x16xi32> to vector<16xi32>
          %swap3A_1229 = vector.shape_cast %add3A_1224 : vector<16xi32> to vector<1x16xi32>
          tpu.vector_store %arg8[%swap3A_1225, %swap3A_1226], %swap3A_1229 {strides = array<i32>} : memref<32x112xi32, #tpu.memory_space<vmem>>, vector<1x16xi32>,
          %get3A_1230 = arith.index_cast %scan3A_1196 : i32 to index
          %get3A_1231 = arith.constant 48 : index
          %get3A_1232 = tpu.vector_load %arg8[%get3A_1230, %get3A_1231] {strides = array<i32>} : memref<32x112xi32, #tpu.memory_space<vmem>>, vector<1x16xi32>,
          %get3A_1233 = vector.shape_cast %get3A_1232 : vector<1x16xi32> to vector<16xi32>
          %add3A_1234 = vector.broadcast %mul3A_279 : i32 to vector<16xi32>
          %add3A_1235 = arith.addi %get3A_1233, %add3A_1234 : vector<16xi32>
          %swap3A_1236 = arith.index_cast %scan3A_1196 : i32 to index
          %swap3A_1237 = arith.constant 48 : index
          %swap3A_1238 = tpu.vector_load %arg8[%swap3A_1236, %swap3A_1237] {strides = array<i32>} : memref<32x112xi32, #tpu.memory_space<vmem>>, vector<1x16xi32>,
          %swap3A_1239 = vector.shape_cast %swap3A_1238 : vector<1x16xi32> to vector<16xi32>
          %swap3A_1240 = vector.shape_cast %add3A_1235 : vector<16xi32> to vector<1x16xi32>
          tpu.vector_store %arg8[%swap3A_1236, %swap3A_1237], %swap3A_1240 {strides = array<i32>} : memref<32x112xi32, #tpu.memory_space<vmem>>, vector<1x16xi32>,
          %get3A_1241 = arith.index_cast %scan3A_1196 : i32 to index
          %get3A_1242 = arith.constant 64 : index
          %get3A_1243 = tpu.vector_load %arg8[%get3A_1241, %get3A_1242] {strides = array<i32>} : memref<32x112xi32, #tpu.memory_space<vmem>>, vector<1x16xi32>,
          %get3A_1244 = vector.shape_cast %get3A_1243 : vector<1x16xi32> to vector<16xi32>
          %add3A_1245 = vector.broadcast %mul3A_279 : i32 to vector<16xi32>
          %add3A_1246 = arith.addi %get3A_1244, %add3A_1245 : vector<16xi32>
          %swap3A_1247 = arith.index_cast %scan3A_1196 : i32 to index
          %swap3A_1248 = arith.constant 64 : index
          %swap3A_1249 = tpu.vector_load %arg8[%swap3A_1247, %swap3A_1248] {strides = array<i32>} : memref<32x112xi32, #tpu.memory_space<vmem>>, vector<1x16xi32>,
          %swap3A_1250 = vector.shape_cast %swap3A_1249 : vector<1x16xi32> to vector<16xi32>
          %swap3A_1251 = vector.shape_cast %add3A_1246 : vector<16xi32> to vector<1x16xi32>
          tpu.vector_store %arg8[%swap3A_1247, %swap3A_1248], %swap3A_1251 {strides = array<i32>} : memref<32x112xi32, #tpu.memory_space<vmem>>, vector<1x16xi32>,
          %get3A_1252 = arith.index_cast %scan3A_1196 : i32 to index
          %get3A_1253 = arith.constant 80 : index
          %get3A_1254 = tpu.vector_load %arg8[%get3A_1252, %get3A_1253] {strides = array<i32>} : memref<32x112xi32, #tpu.memory_space<vmem>>, vector<1x16xi32>,
          %get3A_1255 = vector.shape_cast %get3A_1254 : vector<1x16xi32> to vector<16xi32>
          %add3A_1256 = vector.broadcast %mul3A_279 : i32 to vector<16xi32>
          %add3A_1257 = arith.addi %get3A_1255, %add3A_1256 : vector<16xi32>
          %swap3A_1258 = arith.index_cast %scan3A_1196 : i32 to index
          %swap3A_1259 = arith.constant 80 : index
          %swap3A_1260 = tpu.vector_load %arg8[%swap3A_1258, %swap3A_1259] {strides = array<i32>} : memref<32x112xi32, #tpu.memory_space<vmem>>, vector<1x16xi32>,
          %swap3A_1261 = vector.shape_cast %swap3A_1260 : vector<1x16xi32> to vector<16xi32>
          %swap3A_1262 = vector.shape_cast %add3A_1257 : vector<16xi32> to vector<1x16xi32>
          tpu.vector_store %arg8[%swap3A_1258, %swap3A_1259], %swap3A_1262 {strides = array<i32>} : memref<32x112xi32, #tpu.memory_space<vmem>>, vector<1x16xi32>,
          %get3A_1263 = arith.index_cast %scan3A_1196 : i32 to index
          %get3A_1264 = arith.constant 96 : index
          %get3A_1265 = tpu.vector_load %arg8[%get3A_1263, %get3A_1264] {strides = array<i32>} : memref<32x112xi32, #tpu.memory_space<vmem>>, vector<1x16xi32>,
          %get3A_1266 = vector.shape_cast %get3A_1265 : vector<1x16xi32> to vector<16xi32>
          %add3A_1267 = vector.broadcast %mul3A_279 : i32 to vector<16xi32>
          %add3A_1268 = arith.addi %get3A_1266, %add3A_1267 : vector<16xi32>
          %swap3A_1269 = arith.index_cast %scan3A_1196 : i32 to index
          %swap3A_1270 = arith.constant 96 : index
          %swap3A_1271 = tpu.vector_load %arg8[%swap3A_1269, %swap3A_1270] {strides = array<i32>} : memref<32x112xi32, #tpu.memory_space<vmem>>, vector<1x16xi32>,
          %swap3A_1272 = vector.shape_cast %swap3A_1271 : vector<1x16xi32> to vector<16xi32>
          %swap3A_1273 = vector.shape_cast %add3A_1268 : vector<16xi32> to vector<1x16xi32>
          tpu.vector_store %arg8[%swap3A_1269, %swap3A_1270], %swap3A_1273 {strides = array<i32>} : memref<32x112xi32, #tpu.memory_space<vmem>>, vector<1x16xi32>,
          %scan3A_1274 = arith.constant 0 : i32
          scf.yield %scan3A_1274 : i32
        }
        %scan3A_1075 = arith.constant 16 : i32
        %dma_start3A_1076 = arith.constant 0 : i32
        %dma_start3A_1077 = arith.constant 0 : i32
        %dma_start3A_1078 = tpu.memref_slice %arg8[%dma_start3A_1076, %dma_start3A_1077] : memref<32x112xi32, #tpu.memory_space<vmem>> -> memref<1x112xi32, #tpu.memory_space<vmem>>
        %dma_start3A_1079 = tpu.memref_squeeze %dma_start3A_1078 : memref<1x112xi32, #tpu.memory_space<vmem>> -> memref<112xi32, #tpu.memory_space<vmem>>
        %dma_start3A_1080 = arith.constant 0 : i32
        %dma_start3A_1081 = arith.constant 0 : i32
        %dma_start3A_1082 = tpu.memref_slice %arg7[%dma_start3A_1080, %dma_start3A_1081] : memref<20224x128xf32, #tpu.memory_space<hbm>> -> memref<20224x128xf32, #tpu.memory_space<hbm>>
        tpu.enqueue_indirect_dma source(%dma_start3A_1082 : memref<20224x128xf32, #tpu.memory_space<hbm>>) target(%arg9 : memref<112x128xf32, #tpu.memory_space<vmem>>) offsets(%dma_start3A_1079 : memref<112xi32, #tpu.memory_space<vmem>>) semaphore(%arg15 : memref<!tpu.dma_semaphore, #tpu.memory_space<semaphore_mem>>)
        %dma_start3A_1083 = arith.constant 1 : i32
        %dma_start3A_1084 = arith.constant 0 : i32
        %dma_start3A_1085 = tpu.memref_slice %arg8[%dma_start3A_1083, %dma_start3A_1084] : memref<32x112xi32, #tpu.memory_space<vmem>> -> memref<1x112xi32, #tpu.memory_space<vmem>>
        %dma_start3A_1086 = tpu.memref_squeeze %dma_start3A_1085 : memref<1x112xi32, #tpu.memory_space<vmem>> -> memref<112xi32, #tpu.memory_space<vmem>>
        %dma_start3A_1087 = arith.constant 0 : i32
        %dma_start3A_1088 = arith.constant 0 : i32
        %dma_start3A_1089 = tpu.memref_slice %arg7[%dma_start3A_1087, %dma_start3A_1088] : memref<20224x128xf32, #tpu.memory_space<hbm>> -> memref<20224x128xf32, #tpu.memory_space<hbm>>
        tpu.enqueue_indirect_dma source(%dma_start3A_1089 : memref<20224x128xf32, #tpu.memory_space<hbm>>) target(%arg10 : memref<112x128xf32, #tpu.memory_space<vmem>>) offsets(%dma_start3A_1086 : memref<112xi32, #tpu.memory_space<vmem>>) semaphore(%arg16 : memref<!tpu.dma_semaphore, #tpu.memory_space<semaphore_mem>>)
        %dma_wait3A_1090 = arith.constant 0 : i32
        %dma_wait3A_1091 = arith.constant 0 : i32
        %dma_wait3A_1092 = tpu.memref_slice %arg8[%dma_wait3A_1090, %dma_wait3A_1091] : memref<32x112xi32, #tpu.memory_space<vmem>> -> memref<1x112xi32, #tpu.memory_space<vmem>>
        %dma_wait3A_1093 = tpu.memref_squeeze %dma_wait3A_1092 : memref<1x112xi32, #tpu.memory_space<vmem>> -> memref<112xi32, #tpu.memory_space<vmem>>
        %dma_wait3A_1094 = arith.constant 0 : i32
        %dma_wait3A_1095 = arith.constant 0 : i32
        %dma_wait3A_1096 = tpu.memref_slice %arg7[%dma_wait3A_1094, %dma_wait3A_1095] : memref<20224x128xf32, #tpu.memory_space<hbm>> -> memref<20224x128xf32, #tpu.memory_space<hbm>>
        tpu.wait_indirect_dma semaphore(%arg15 : memref<!tpu.dma_semaphore, #tpu.memory_space<semaphore_mem>>) src(%dma_wait3A_1096 : memref<20224x128xf32, #tpu.memory_space<hbm>>) dst(%arg9 : memref<112x128xf32, #tpu.memory_space<vmem>>)
        %dma_start3A_1097 = arith.constant 16 : i32
        %dma_start3A_1098 = arith.constant 0 : i32
        %dma_start3A_1099 = tpu.memref_slice %arg8[%dma_start3A_1097, %dma_start3A_1098] : memref<32x112xi32, #tpu.memory_space<vmem>> -> memref<1x112xi32, #tpu.memory_space<vmem>>
        %dma_start3A_1100 = tpu.memref_squeeze %dma_start3A_1099 : memref<1x112xi32, #tpu.memory_space<vmem>> -> memref<112xi32, #tpu.memory_space<vmem>>
        %dma_start3A_1101 = arith.constant 0 : i32
        %dma_start3A_1102 = arith.constant 0 : i32
        %dma_start3A_1103 = tpu.memref_slice %arg13[%dma_start3A_1101, %dma_start3A_1102] : memref<10112x128xf32, #tpu.memory_space<vmem_shared>> -> memref<10112x128xf32, #tpu.memory_space<vmem_shared>>
        tpu.enqueue_indirect_dma source(%arg9 : memref<112x128xf32, #tpu.memory_space<vmem>>) target(%dma_start3A_1103 : memref<10112x128xf32, #tpu.memory_space<vmem_shared>>) offsets(%dma_start3A_1100 : memref<112xi32, #tpu.memory_space<vmem>>) semaphore(%arg18 : memref<!tpu.dma_semaphore, #tpu.memory_space<semaphore_mem>>) {add = true}
        %dma_start3A_1104 = arith.constant 2 : i32
        %dma_start3A_1105 = arith.constant 0 : i32
        %dma_start3A_1106 = tpu.memref_slice %arg8[%dma_start3A_1104, %dma_start3A_1105] : memref<32x112xi32, #tpu.memory_space<vmem>> -> memref<1x112xi32, #tpu.memory_space<vmem>>
        %dma_start3A_1107 = tpu.memref_squeeze %dma_start3A_1106 : memref<1x112xi32, #tpu.memory_space<vmem>> -> memref<112xi32, #tpu.memory_space<vmem>>
        %dma_start3A_1108 = arith.constant 0 : i32
        %dma_start3A_1109 = arith.constant 0 : i32
        %dma_start3A_1110 = tpu.memref_slice %arg7[%dma_start3A_1108, %dma_start3A_1109] : memref<20224x128xf32, #tpu.memory_space<hbm>> -> memref<20224x128xf32, #tpu.memory_space<hbm>>
        tpu.enqueue_indirect_dma source(%dma_start3A_1110 : memref<20224x128xf32, #tpu.memory_space<hbm>>) target(%arg11 : memref<112x128xf32, #tpu.memory_space<vmem>>) offsets(%dma_start3A_1107 : memref<112xi32, #tpu.memory_space<vmem>>) semaphore(%arg17 : memref<!tpu.dma_semaphore, #tpu.memory_space<semaphore_mem>>)
        %dma_wait3A_1111 = arith.constant 0 : i32
        %dma_wait3A_1112 = arith.constant 0 : i32
        %dma_wait3A_1113 = tpu.memref_slice %arg8[%dma_wait3A_1111, %dma_wait3A_1112] : memref<32x112xi32, #tpu.memory_space<vmem>> -> memref<1x112xi32, #tpu.memory_space<vmem>>
        %dma_wait3A_1114 = tpu.memref_squeeze %dma_wait3A_1113 : memref<1x112xi32, #tpu.memory_space<vmem>> -> memref<112xi32, #tpu.memory_space<vmem>>
        %dma_wait3A_1115 = arith.constant 0 : i32
        %dma_wait3A_1116 = arith.constant 0 : i32
        %dma_wait3A_1117 = tpu.memref_slice %arg7[%dma_wait3A_1115, %dma_wait3A_1116] : memref<20224x128xf32, #tpu.memory_space<hbm>> -> memref<20224x128xf32, #tpu.memory_space<hbm>>
        tpu.wait_indirect_dma semaphore(%arg16 : memref<!tpu.dma_semaphore, #tpu.memory_space<semaphore_mem>>) src(%dma_wait3A_1117 : memref<20224x128xf32, #tpu.memory_space<hbm>>) dst(%arg10 : memref<112x128xf32, #tpu.memory_space<vmem>>)
        %dma_start3A_1118 = arith.constant 17 : i32
        %dma_start3A_1119 = arith.constant 0 : i32
        %dma_start3A_1120 = tpu.memref_slice %arg8[%dma_start3A_1118, %dma_start3A_1119] : memref<32x112xi32, #tpu.memory_space<vmem>> -> memref<1x112xi32, #tpu.memory_space<vmem>>
        %dma_start3A_1121 = tpu.memref_squeeze %dma_start3A_1120 : memref<1x112xi32, #tpu.memory_space<vmem>> -> memref<112xi32, #tpu.memory_space<vmem>>
        %dma_start3A_1122 = arith.constant 0 : i32
        %dma_start3A_1123 = arith.constant 0 : i32
        %dma_start3A_1124 = tpu.memref_slice %arg13[%dma_start3A_1122, %dma_start3A_1123] : memref<10112x128xf32, #tpu.memory_space<vmem_shared>> -> memref<10112x128xf32, #tpu.memory_space<vmem_shared>>
        tpu.enqueue_indirect_dma source(%arg10 : memref<112x128xf32, #tpu.memory_space<vmem>>) target(%dma_start3A_1124 : memref<10112x128xf32, #tpu.memory_space<vmem_shared>>) offsets(%dma_start3A_1121 : memref<112xi32, #tpu.memory_space<vmem>>) semaphore(%arg19 : memref<!tpu.dma_semaphore, #tpu.memory_space<semaphore_mem>>) {add = true}
        %dma_wait3A_1125 = arith.constant 16 : i32
        %dma_wait3A_1126 = arith.constant 0 : i32
        %dma_wait3A_1127 = tpu.memref_slice %arg8[%dma_wait3A_1125, %dma_wait3A_1126] : memref<32x112xi32, #tpu.memory_space<vmem>> -> memref<1x112xi32, #tpu.memory_space<vmem>>
        %dma_wait3A_1128 = tpu.memref_squeeze %dma_wait3A_1127 : memref<1x112xi32, #tpu.memory_space<vmem>> -> memref<112xi32, #tpu.memory_space<vmem>>
        %dma_wait3A_1129 = arith.constant 0 : i32
        %dma_wait3A_1130 = arith.constant 0 : i32
        %dma_wait3A_1131 = tpu.memref_slice %arg13[%dma_wait3A_1129, %dma_wait3A_1130] : memref<10112x128xf32, #tpu.memory_space<vmem_shared>> -> memref<10112x128xf32, #tpu.memory_space<vmem_shared>>
        tpu.wait_indirect_dma semaphore(%arg18 : memref<!tpu.dma_semaphore, #tpu.memory_space<semaphore_mem>>) src(%arg9 : memref<112x128xf32, #tpu.memory_space<vmem>>) dst(%dma_wait3A_1131 : memref<10112x128xf32, #tpu.memory_space<vmem_shared>>)
        %dma_start3A_1132 = arith.constant 3 : i32
        %dma_start3A_1133 = arith.constant 0 : i32
        %dma_start3A_1134 = tpu.memref_slice %arg8[%dma_start3A_1132, %dma_start3A_1133] : memref<32x112xi32, #tpu.memory_space<vmem>> -> memref<1x112xi32, #tpu.memory_space<vmem>>
        %dma_start3A_1135 = tpu.memref_squeeze %dma_start3A_1134 : memref<1x112xi32, #tpu.memory_space<vmem>> -> memref<112xi32, #tpu.memory_space<vmem>>
        %dma_start3A_1136 = arith.constant 0 : i32
        %dma_start3A_1137 = arith.constant 0 : i32
        %dma_start3A_1138 = tpu.memref_slice %arg7[%dma_start3A_1136, %dma_start3A_1137] : memref<20224x128xf32, #tpu.memory_space<hbm>> -> memref<20224x128xf32, #tpu.memory_space<hbm>>
        tpu.enqueue_indirect_dma source(%dma_start3A_1138 : memref<20224x128xf32, #tpu.memory_space<hbm>>) target(%arg9 : memref<112x128xf32, #tpu.memory_space<vmem>>) offsets(%dma_start3A_1135 : memref<112xi32, #tpu.memory_space<vmem>>) semaphore(%arg15 : memref<!tpu.dma_semaphore, #tpu.memory_space<semaphore_mem>>)
        %scan3A_1139 = arith.constant 0 : i32
        %scan3A_1140 = arith.constant 0 : i32
        %scan3A_1141 = arith.constant 4 : i32
        %scan3A_1142 = arith.addi %scan3A_1140, %scan3A_1141 : i32
        %scan3A_1143 = arith.constant 1 : i32
        %scan3A_1144 = scf.for %scan3A_1196 = %scan3A_1140 to %scan3A_1142 step %scan3A_1143 iter_args(%scan3A_1197 = %scan3A_1139) -> (i32)  : i32 {
          %mul3A_1198 = arith.constant 3 : i32
          %mul3A_1199 = arith.muli %mul3A_1198, %scan3A_1196 : i32
          %add3A_1200 = arith.constant 2 : i32
          %add3A_1201 = arith.addi %mul3A_1199, %add3A_1200 : i32
          %dma_wait3A_1202 = arith.constant 0 : i32
          %dma_wait3A_1203 = arith.constant 0 : i32
          %dma_wait3A_1204 = tpu.memref_slice %arg8[%dma_wait3A_1202, %dma_wait3A_1203] : memref<32x112xi32, #tpu.memory_space<vmem>> -> memref<1x112xi32, #tpu.memory_space<vmem>>
          %dma_wait3A_1205 = tpu.memref_squeeze %dma_wait3A_1204 : memref<1x112xi32, #tpu.memory_space<vmem>> -> memref<112xi32, #tpu.memory_space<vmem>>
          %dma_wait3A_1206 = arith.constant 0 : i32
          %dma_wait3A_1207 = arith.constant 0 : i32
          %dma_wait3A_1208 = tpu.memref_slice %arg7[%dma_wait3A_1206, %dma_wait3A_1207] : memref<20224x128xf32, #tpu.memory_space<hbm>> -> memref<20224x128xf32, #tpu.memory_space<hbm>>
          tpu.wait_indirect_dma semaphore(%arg17 : memref<!tpu.dma_semaphore, #tpu.memory_space<semaphore_mem>>) src(%dma_wait3A_1208 : memref<20224x128xf32, #tpu.memory_space<hbm>>) dst(%arg11 : memref<112x128xf32, #tpu.memory_space<vmem>>)
          %add3A_1209 = arith.constant 16 : i32
          %add3A_1210 = arith.addi %add3A_1209, %add3A_1201 : i32
          %dma_start3A_1211 = arith.constant 0 : i32
          %dma_start3A_1212 = tpu.memref_slice %arg8[%add3A_1210, %dma_start3A_1211] : memref<32x112xi32, #tpu.memory_space<vmem>> -> memref<1x112xi32, #tpu.memory_space<vmem>>
          %dma_start3A_1213 = tpu.memref_squeeze %dma_start3A_1212 : memref<1x112xi32, #tpu.memory_space<vmem>> -> memref<112xi32, #tpu.memory_space<vmem>>
          %dma_start3A_1214 = arith.constant 0 : i32
          %dma_start3A_1215 = arith.constant 0 : i32
          %dma_start3A_1216 = tpu.memref_slice %arg13[%dma_start3A_1214, %dma_start3A_1215] : memref<10112x128xf32, #tpu.memory_space<vmem_shared>> -> memref<10112x128xf32, #tpu.memory_space<vmem_shared>>
          tpu.enqueue_indirect_dma source(%arg11 : memref<112x128xf32, #tpu.memory_space<vmem>>) target(%dma_start3A_1216 : memref<10112x128xf32, #tpu.memory_space<vmem_shared>>) offsets(%dma_start3A_1213 : memref<112xi32, #tpu.memory_space<vmem>>) semaphore(%arg20 : memref<!tpu.dma_semaphore, #tpu.memory_space<semaphore_mem>>) {add = true}
          %dma_wait3A_1217 = arith.constant 16 : i32
          %dma_wait3A_1218 = arith.constant 0 : i32
          %dma_wait3A_1219 = tpu.memref_slice %arg8[%dma_wait3A_1217, %dma_wait3A_1218] : memref<32x112xi32, #tpu.memory_space<vmem>> -> memref<1x112xi32, #tpu.memory_space<vmem>>
          %dma_wait3A_1220 = tpu.memref_squeeze %dma_wait3A_1219 : memref<1x112xi32, #tpu.memory_space<vmem>> -> memref<112xi32, #tpu.memory_space<vmem>>
          %dma_wait3A_1221 = arith.constant 0 : i32
          %dma_wait3A_1222 = arith.constant 0 : i32
          %dma_wait3A_1223 = tpu.memref_slice %arg13[%dma_wait3A_1221, %dma_wait3A_1222] : memref<10112x128xf32, #tpu.memory_space<vmem_shared>> -> memref<10112x128xf32, #tpu.memory_space<vmem_shared>>
          tpu.wait_indirect_dma semaphore(%arg19 : memref<!tpu.dma_semaphore, #tpu.memory_space<semaphore_mem>>) src(%arg10 : memref<112x128xf32, #tpu.memory_space<vmem>>) dst(%dma_wait3A_1223 : memref<10112x128xf32, #tpu.memory_space<vmem_shared>>)
          %add3A_1224 = arith.constant 2 : i32
          %add3A_1225 = arith.addi %add3A_1201, %add3A_1224 : i32
          %dma_start3A_1226 = arith.constant 0 : i32
          %dma_start3A_1227 = tpu.memref_slice %arg8[%add3A_1225, %dma_start3A_1226] : memref<32x112xi32, #tpu.memory_space<vmem>> -> memref<1x112xi32, #tpu.memory_space<vmem>>
          %dma_start3A_1228 = tpu.memref_squeeze %dma_start3A_1227 : memref<1x112xi32, #tpu.memory_space<vmem>> -> memref<112xi32, #tpu.memory_space<vmem>>
          %dma_start3A_1229 = arith.constant 0 : i32
          %dma_start3A_1230 = arith.constant 0 : i32
          %dma_start3A_1231 = tpu.memref_slice %arg7[%dma_start3A_1229, %dma_start3A_1230] : memref<20224x128xf32, #tpu.memory_space<hbm>> -> memref<20224x128xf32, #tpu.memory_space<hbm>>
          tpu.enqueue_indirect_dma source(%dma_start3A_1231 : memref<20224x128xf32, #tpu.memory_space<hbm>>) target(%arg10 : memref<112x128xf32, #tpu.memory_space<vmem>>) offsets(%dma_start3A_1228 : memref<112xi32, #tpu.memory_space<vmem>>) semaphore(%arg16 : memref<!tpu.dma_semaphore, #tpu.memory_space<semaphore_mem>>)
          %dma_wait3A_1232 = arith.constant 0 : i32
          %dma_wait3A_1233 = arith.constant 0 : i32
          %dma_wait3A_1234 = tpu.memref_slice %arg8[%dma_wait3A_1232, %dma_wait3A_1233] : memref<32x112xi32, #tpu.memory_space<vmem>> -> memref<1x112xi32, #tpu.memory_space<vmem>>
          %dma_wait3A_1235 = tpu.memref_squeeze %dma_wait3A_1234 : memref<1x112xi32, #tpu.memory_space<vmem>> -> memref<112xi32, #tpu.memory_space<vmem>>
          %dma_wait3A_1236 = arith.constant 0 : i32
          %dma_wait3A_1237 = arith.constant 0 : i32
          %dma_wait3A_1238 = tpu.memref_slice %arg7[%dma_wait3A_1236, %dma_wait3A_1237] : memref<20224x128xf32, #tpu.memory_space<hbm>> -> memref<20224x128xf32, #tpu.memory_space<hbm>>
          tpu.wait_indirect_dma semaphore(%arg15 : memref<!tpu.dma_semaphore, #tpu.memory_space<semaphore_mem>>) src(%dma_wait3A_1238 : memref<20224x128xf32, #tpu.memory_space<hbm>>) dst(%arg9 : memref<112x128xf32, #tpu.memory_space<vmem>>)
          %add3A_1239 = arith.constant 1 : i32
          %add3A_1240 = arith.addi %add3A_1201, %add3A_1239 : i32
          %add3A_1241 = arith.constant 16 : i32
          %add3A_1242 = arith.addi %add3A_1241, %add3A_1240 : i32
          %dma_start3A_1243 = arith.constant 0 : i32
          %dma_start3A_1244 = tpu.memref_slice %arg8[%add3A_1242, %dma_start3A_1243] : memref<32x112xi32, #tpu.memory_space<vmem>> -> memref<1x112xi32, #tpu.memory_space<vmem>>
          %dma_start3A_1245 = tpu.memref_squeeze %dma_start3A_1244 : memref<1x112xi32, #tpu.memory_space<vmem>> -> memref<112xi32, #tpu.memory_space<vmem>>
          %dma_start3A_1246 = arith.constant 0 : i32
          %dma_start3A_1247 = arith.constant 0 : i32
          %dma_start3A_1248 = tpu.memref_slice %arg13[%dma_start3A_1246, %dma_start3A_1247] : memref<10112x128xf32, #tpu.memory_space<vmem_shared>> -> memref<10112x128xf32, #tpu.memory_space<vmem_shared>>
          tpu.enqueue_indirect_dma source(%arg9 : memref<112x128xf32, #tpu.memory_space<vmem>>) target(%dma_start3A_1248 : memref<10112x128xf32, #tpu.memory_space<vmem_shared>>) offsets(%dma_start3A_1245 : memref<112xi32, #tpu.memory_space<vmem>>) semaphore(%arg18 : memref<!tpu.dma_semaphore, #tpu.memory_space<semaphore_mem>>) {add = true}
          %dma_wait3A_1249 = arith.constant 16 : i32
          %dma_wait3A_1250 = arith.constant 0 : i32
          %dma_wait3A_1251 = tpu.memref_slice %arg8[%dma_wait3A_1249, %dma_wait3A_1250] : memref<32x112xi32, #tpu.memory_space<vmem>> -> memref<1x112xi32, #tpu.memory_space<vmem>>
          %dma_wait3A_1252 = tpu.memref_squeeze %dma_wait3A_1251 : memref<1x112xi32, #tpu.memory_space<vmem>> -> memref<112xi32, #tpu.memory_space<vmem>>
          %dma_wait3A_1253 = arith.constant 0 : i32
          %dma_wait3A_1254 = arith.constant 0 : i32
          %dma_wait3A_1255 = tpu.memref_slice %arg13[%dma_wait3A_1253, %dma_wait3A_1254] : memref<10112x128xf32, #tpu.memory_space<vmem_shared>> -> memref<10112x128xf32, #tpu.memory_space<vmem_shared>>
          tpu.wait_indirect_dma semaphore(%arg20 : memref<!tpu.dma_semaphore, #tpu.memory_space<semaphore_mem>>) src(%arg11 : memref<112x128xf32, #tpu.memory_space<vmem>>) dst(%dma_wait3A_1255 : memref<10112x128xf32, #tpu.memory_space<vmem_shared>>)
          %add3A_1256 = arith.constant 3 : i32
          %add3A_1257 = arith.addi %add3A_1201, %add3A_1256 : i32
          %dma_start3A_1258 = arith.constant 0 : i32
          %dma_start3A_1259 = tpu.memref_slice %arg8[%add3A_1257, %dma_start3A_1258] : memref<32x112xi32, #tpu.memory_space<vmem>> -> memref<1x112xi32, #tpu.memory_space<vmem>>
          %dma_start3A_1260 = tpu.memref_squeeze %dma_start3A_1259 : memref<1x112xi32, #tpu.memory_space<vmem>> -> memref<112xi32, #tpu.memory_space<vmem>>
          %dma_start3A_1261 = arith.constant 0 : i32
          %dma_start3A_1262 = arith.constant 0 : i32
          %dma_start3A_1263 = tpu.memref_slice %arg7[%dma_start3A_1261, %dma_start3A_1262] : memref<20224x128xf32, #tpu.memory_space<hbm>> -> memref<20224x128xf32, #tpu.memory_space<hbm>>
          tpu.enqueue_indirect_dma source(%dma_start3A_1263 : memref<20224x128xf32, #tpu.memory_space<hbm>>) target(%arg11 : memref<112x128xf32, #tpu.memory_space<vmem>>) offsets(%dma_start3A_1260 : memref<112xi32, #tpu.memory_space<vmem>>) semaphore(%arg17 : memref<!tpu.dma_semaphore, #tpu.memory_space<semaphore_mem>>)
          %dma_wait3A_1264 = arith.constant 0 : i32
          %dma_wait3A_1265 = arith.constant 0 : i32
          %dma_wait3A_1266 = tpu.memref_slice %arg8[%dma_wait3A_1264, %dma_wait3A_1265] : memref<32x112xi32, #tpu.memory_space<vmem>> -> memref<1x112xi32, #tpu.memory_space<vmem>>
          %dma_wait3A_1267 = tpu.memref_squeeze %dma_wait3A_1266 : memref<1x112xi32, #tpu.memory_space<vmem>> -> memref<112xi32, #tpu.memory_space<vmem>>
          %dma_wait3A_1268 = arith.constant 0 : i32
          %dma_wait3A_1269 = arith.constant 0 : i32
          %dma_wait3A_1270 = tpu.memref_slice %arg7[%dma_wait3A_1268, %dma_wait3A_1269] : memref<20224x128xf32, #tpu.memory_space<hbm>> -> memref<20224x128xf32, #tpu.memory_space<hbm>>
          tpu.wait_indirect_dma semaphore(%arg16 : memref<!tpu.dma_semaphore, #tpu.memory_space<semaphore_mem>>) src(%dma_wait3A_1270 : memref<20224x128xf32, #tpu.memory_space<hbm>>) dst(%arg10 : memref<112x128xf32, #tpu.memory_space<vmem>>)
          %add3A_1271 = arith.constant 2 : i32
          %add3A_1272 = arith.addi %add3A_1201, %add3A_1271 : i32
          %add3A_1273 = arith.constant 16 : i32
          %add3A_1274 = arith.addi %add3A_1273, %add3A_1272 : i32
          %dma_start3A_1275 = arith.constant 0 : i32
          %dma_start3A_1276 = tpu.memref_slice %arg8[%add3A_1274, %dma_start3A_1275] : memref<32x112xi32, #tpu.memory_space<vmem>> -> memref<1x112xi32, #tpu.memory_space<vmem>>
          %dma_start3A_1277 = tpu.memref_squeeze %dma_start3A_1276 : memref<1x112xi32, #tpu.memory_space<vmem>> -> memref<112xi32, #tpu.memory_space<vmem>>
          %dma_start3A_1278 = arith.constant 0 : i32
          %dma_start3A_1279 = arith.constant 0 : i32
          %dma_start3A_1280 = tpu.memref_slice %arg13[%dma_start3A_1278, %dma_start3A_1279] : memref<10112x128xf32, #tpu.memory_space<vmem_shared>> -> memref<10112x128xf32, #tpu.memory_space<vmem_shared>>
          tpu.enqueue_indirect_dma source(%arg10 : memref<112x128xf32, #tpu.memory_space<vmem>>) target(%dma_start3A_1280 : memref<10112x128xf32, #tpu.memory_space<vmem_shared>>) offsets(%dma_start3A_1277 : memref<112xi32, #tpu.memory_space<vmem>>) semaphore(%arg19 : memref<!tpu.dma_semaphore, #tpu.memory_space<semaphore_mem>>) {add = true}
          %dma_wait3A_1281 = arith.constant 16 : i32
          %dma_wait3A_1282 = arith.constant 0 : i32
          %dma_wait3A_1283 = tpu.memref_slice %arg8[%dma_wait3A_1281, %dma_wait3A_1282] : memref<32x112xi32, #tpu.memory_space<vmem>> -> memref<1x112xi32, #tpu.memory_space<vmem>>
          %dma_wait3A_1284 = tpu.memref_squeeze %dma_wait3A_1283 : memref<1x112xi32, #tpu.memory_space<vmem>> -> memref<112xi32, #tpu.memory_space<vmem>>
          %dma_wait3A_1285 = arith.constant 0 : i32
          %dma_wait3A_1286 = arith.constant 0 : i32
          %dma_wait3A_1287 = tpu.memref_slice %arg13[%dma_wait3A_1285, %dma_wait3A_1286] : memref<10112x128xf32, #tpu.memory_space<vmem_shared>> -> memref<10112x128xf32, #tpu.memory_space<vmem_shared>>
          tpu.wait_indirect_dma semaphore(%arg18 : memref<!tpu.dma_semaphore, #tpu.memory_space<semaphore_mem>>) src(%arg9 : memref<112x128xf32, #tpu.memory_space<vmem>>) dst(%dma_wait3A_1287 : memref<10112x128xf32, #tpu.memory_space<vmem_shared>>)
          %add3A_1288 = arith.constant 4 : i32
          %add3A_1289 = arith.addi %add3A_1201, %add3A_1288 : i32
          %dma_start3A_1290 = arith.constant 0 : i32
          %dma_start3A_1291 = tpu.memref_slice %arg8[%add3A_1289, %dma_start3A_1290] : memref<32x112xi32, #tpu.memory_space<vmem>> -> memref<1x112xi32, #tpu.memory_space<vmem>>
          %dma_start3A_1292 = tpu.memref_squeeze %dma_start3A_1291 : memref<1x112xi32, #tpu.memory_space<vmem>> -> memref<112xi32, #tpu.memory_space<vmem>>
          %dma_start3A_1293 = arith.constant 0 : i32
          %dma_start3A_1294 = arith.constant 0 : i32
          %dma_start3A_1295 = tpu.memref_slice %arg7[%dma_start3A_1293, %dma_start3A_1294] : memref<20224x128xf32, #tpu.memory_space<hbm>> -> memref<20224x128xf32, #tpu.memory_space<hbm>>
          tpu.enqueue_indirect_dma source(%dma_start3A_1295 : memref<20224x128xf32, #tpu.memory_space<hbm>>) target(%arg9 : memref<112x128xf32, #tpu.memory_space<vmem>>) offsets(%dma_start3A_1292 : memref<112xi32, #tpu.memory_space<vmem>>) semaphore(%arg15 : memref<!tpu.dma_semaphore, #tpu.memory_space<semaphore_mem>>)
          %scan3A_1296 = arith.constant 0 : i32
          scf.yield %scan3A_1296 : i32
        }
        %scan3A_1145 = arith.constant 4 : i32
        %dma_wait3A_1146 = arith.constant 0 : i32
        %dma_wait3A_1147 = arith.constant 0 : i32
        %dma_wait3A_1148 = tpu.memref_slice %arg8[%dma_wait3A_1146, %dma_wait3A_1147] : memref<32x112xi32, #tpu.memory_space<vmem>> -> memref<1x112xi32, #tpu.memory_space<vmem>>
        %dma_wait3A_1149 = tpu.memref_squeeze %dma_wait3A_1148 : memref<1x112xi32, #tpu.memory_space<vmem>> -> memref<112xi32, #tpu.memory_space<vmem>>
        %dma_wait3A_1150 = arith.constant 0 : i32
        %dma_wait3A_1151 = arith.constant 0 : i32
        %dma_wait3A_1152 = tpu.memref_slice %arg7[%dma_wait3A_1150, %dma_wait3A_1151] : memref<20224x128xf32, #tpu.memory_space<hbm>> -> memref<20224x128xf32, #tpu.memory_space<hbm>>
        tpu.wait_indirect_dma semaphore(%arg17 : memref<!tpu.dma_semaphore, #tpu.memory_space<semaphore_mem>>) src(%dma_wait3A_1152 : memref<20224x128xf32, #tpu.memory_space<hbm>>) dst(%arg11 : memref<112x128xf32, #tpu.memory_space<vmem>>)
        %dma_start3A_1153 = arith.constant 30 : i32
        %dma_start3A_1154 = arith.constant 0 : i32
        %dma_start3A_1155 = tpu.memref_slice %arg8[%dma_start3A_1153, %dma_start3A_1154] : memref<32x112xi32, #tpu.memory_space<vmem>> -> memref<1x112xi32, #tpu.memory_space<vmem>>
        %dma_start3A_1156 = tpu.memref_squeeze %dma_start3A_1155 : memref<1x112xi32, #tpu.memory_space<vmem>> -> memref<112xi32, #tpu.memory_space<vmem>>
        %dma_start3A_1157 = arith.constant 0 : i32
        %dma_start3A_1158 = arith.constant 0 : i32
        %dma_start3A_1159 = tpu.memref_slice %arg13[%dma_start3A_1157, %dma_start3A_1158] : memref<10112x128xf32, #tpu.memory_space<vmem_shared>> -> memref<10112x128xf32, #tpu.memory_space<vmem_shared>>
        tpu.enqueue_indirect_dma source(%arg11 : memref<112x128xf32, #tpu.memory_space<vmem>>) target(%dma_start3A_1159 : memref<10112x128xf32, #tpu.memory_space<vmem_shared>>) offsets(%dma_start3A_1156 : memref<112xi32, #tpu.memory_space<vmem>>) semaphore(%arg20 : memref<!tpu.dma_semaphore, #tpu.memory_space<semaphore_mem>>) {add = true}
        %dma_wait3A_1160 = arith.constant 16 : i32
        %dma_wait3A_1161 = arith.constant 0 : i32
        %dma_wait3A_1162 = tpu.memref_slice %arg8[%dma_wait3A_1160, %dma_wait3A_1161] : memref<32x112xi32, #tpu.memory_space<vmem>> -> memref<1x112xi32, #tpu.memory_space<vmem>>
        %dma_wait3A_1163 = tpu.memref_squeeze %dma_wait3A_1162 : memref<1x112xi32, #tpu.memory_space<vmem>> -> memref<112xi32, #tpu.memory_space<vmem>>
        %dma_wait3A_1164 = arith.constant 0 : i32
        %dma_wait3A_1165 = arith.constant 0 : i32
        %dma_wait3A_1166 = tpu.memref_slice %arg13[%dma_wait3A_1164, %dma_wait3A_1165] : memref<10112x128xf32, #tpu.memory_space<vmem_shared>> -> memref<10112x128xf32, #tpu.memory_space<vmem_shared>>
        tpu.wait_indirect_dma semaphore(%arg19 : memref<!tpu.dma_semaphore, #tpu.memory_space<semaphore_mem>>) src(%arg10 : memref<112x128xf32, #tpu.memory_space<vmem>>) dst(%dma_wait3A_1166 : memref<10112x128xf32, #tpu.memory_space<vmem_shared>>)
        %dma_wait3A_1167 = arith.constant 0 : i32
        %dma_wait3A_1168 = arith.constant 0 : i32
        %dma_wait3A_1169 = tpu.memref_slice %arg8[%dma_wait3A_1167, %dma_wait3A_1168] : memref<32x112xi32, #tpu.memory_space<vmem>> -> memref<1x112xi32, #tpu.memory_space<vmem>>
        %dma_wait3A_1170 = tpu.memref_squeeze %dma_wait3A_1169 : memref<1x112xi32, #tpu.memory_space<vmem>> -> memref<112xi32, #tpu.memory_space<vmem>>
        %dma_wait3A_1171 = arith.constant 0 : i32
        %dma_wait3A_1172 = arith.constant 0 : i32
        %dma_wait3A_1173 = tpu.memref_slice %arg7[%dma_wait3A_1171, %dma_wait3A_1172] : memref<20224x128xf32, #tpu.memory_space<hbm>> -> memref<20224x128xf32, #tpu.memory_space<hbm>>
        tpu.wait_indirect_dma semaphore(%arg15 : memref<!tpu.dma_semaphore, #tpu.memory_space<semaphore_mem>>) src(%dma_wait3A_1173 : memref<20224x128xf32, #tpu.memory_space<hbm>>) dst(%arg9 : memref<112x128xf32, #tpu.memory_space<vmem>>)
        %dma_start3A_1174 = arith.constant 31 : i32
        %dma_start3A_1175 = arith.constant 0 : i32
        %dma_start3A_1176 = tpu.memref_slice %arg8[%dma_start3A_1174, %dma_start3A_1175] : memref<32x112xi32, #tpu.memory_space<vmem>> -> memref<1x112xi32, #tpu.memory_space<vmem>>
        %dma_start3A_1177 = tpu.memref_squeeze %dma_start3A_1176 : memref<1x112xi32, #tpu.memory_space<vmem>> -> memref<112xi32, #tpu.memory_space<vmem>>
        %dma_start3A_1178 = arith.constant 0 : i32
        %dma_start3A_1179 = arith.constant 0 : i32
        %dma_start3A_1180 = tpu.memref_slice %arg13[%dma_start3A_1178, %dma_start3A_1179] : memref<10112x128xf32, #tpu.memory_space<vmem_shared>> -> memref<10112x128xf32, #tpu.memory_space<vmem_shared>>
        tpu.enqueue_indirect_dma source(%arg9 : memref<112x128xf32, #tpu.memory_space<vmem>>) target(%dma_start3A_1180 : memref<10112x128xf32, #tpu.memory_space<vmem_shared>>) offsets(%dma_start3A_1177 : memref<112xi32, #tpu.memory_space<vmem>>) semaphore(%arg18 : memref<!tpu.dma_semaphore, #tpu.memory_space<semaphore_mem>>) {add = true}
        %dma_wait3A_1181 = arith.constant 16 : i32
        %dma_wait3A_1182 = arith.constant 0 : i32
        %dma_wait3A_1183 = tpu.memref_slice %arg8[%dma_wait3A_1181, %dma_wait3A_1182] : memref<32x112xi32, #tpu.memory_space<vmem>> -> memref<1x112xi32, #tpu.memory_space<vmem>>
        %dma_wait3A_1184 = tpu.memref_squeeze %dma_wait3A_1183 : memref<1x112xi32, #tpu.memory_space<vmem>> -> memref<112xi32, #tpu.memory_space<vmem>>
        %dma_wait3A_1185 = arith.constant 0 : i32
        %dma_wait3A_1186 = arith.constant 0 : i32
        %dma_wait3A_1187 = tpu.memref_slice %arg13[%dma_wait3A_1185, %dma_wait3A_1186] : memref<10112x128xf32, #tpu.memory_space<vmem_shared>> -> memref<10112x128xf32, #tpu.memory_space<vmem_shared>>
        tpu.wait_indirect_dma semaphore(%arg20 : memref<!tpu.dma_semaphore, #tpu.memory_space<semaphore_mem>>) src(%arg11 : memref<112x128xf32, #tpu.memory_space<vmem>>) dst(%dma_wait3A_1187 : memref<10112x128xf32, #tpu.memory_space<vmem_shared>>)
        %dma_wait3A_1188 = arith.constant 16 : i32
        %dma_wait3A_1189 = arith.constant 0 : i32
        %dma_wait3A_1190 = tpu.memref_slice %arg8[%dma_wait3A_1188, %dma_wait3A_1189] : memref<32x112xi32, #tpu.memory_space<vmem>> -> memref<1x112xi32, #tpu.memory_space<vmem>>
        %dma_wait3A_1191 = tpu.memref_squeeze %dma_wait3A_1190 : memref<1x112xi32, #tpu.memory_space<vmem>> -> memref<112xi32, #tpu.memory_space<vmem>>
        %dma_wait3A_1192 = arith.constant 0 : i32
        %dma_wait3A_1193 = arith.constant 0 : i32
        %dma_wait3A_1194 = tpu.memref_slice %arg13[%dma_wait3A_1192, %dma_wait3A_1193] : memref<10112x128xf32, #tpu.memory_space<vmem_shared>> -> memref<10112x128xf32, #tpu.memory_space<vmem_shared>>
        tpu.wait_indirect_dma semaphore(%arg18 : memref<!tpu.dma_semaphore, #tpu.memory_space<semaphore_mem>>) src(%arg9 : memref<112x128xf32, #tpu.memory_space<vmem>>) dst(%dma_wait3A_1194 : memref<10112x128xf32, #tpu.memory_space<vmem_shared>>)
        %scan3A_1195 = arith.constant 0 : i32
        scf.yield %scan3A_1195 : i32
      }
      %scan3A_286 = arith.constant 12 : i32
      %barrier3A_287 = arith.constant 0 : index
      tpu.barrier barrier_id(%barrier3A_287)
      %jit3A = arith.constant 16 : i32
      %eq3A = arith.constant 0 : i32
      %eq3A_288 = arith.cmpi eq, %jit3A, %eq3A : i32
      %jit3A_289 = arith.constant 1 : i32
      %select_n3A = arith.select %eq3A_288, %jit3A_289, %jit3A : i32
      %rem3A = arith.remsi %scan3A_127, %select_n3A : i32
      %ne3A = arith.constant 0 : i32
      %ne3A_290 = arith.cmpi ne, %rem3A, %ne3A : i32
      %lt3A = arith.constant 0 : i32
      %lt3A_291 = arith.cmpi slt, %rem3A, %lt3A : i32
      %lt3A_292 = arith.constant 0 : i32
      %lt3A_293 = arith.cmpi slt, %select_n3A, %lt3A_292 : i32
      %ne3A_294 = arith.xori %lt3A_291, %lt3A_293 : i1
      %and3A = arith.andi %ne3A_294, %ne3A_290 : i1
      %add3A_295 = arith.addi %rem3A, %select_n3A : i32
      %select_n3A_296 = arith.select %and3A, %add3A_295, %rem3A : i32
      %jit3A_297 = arith.constant 16 : i32
      %div3A = arith.divsi %scan3A_127, %jit3A_297 : i32
      %sign3A = arith.constant 0 : i32
      %sign3A_298 = arith.cmpi sgt, %scan3A_127, %sign3A : i32
      %sign3A_299 = arith.extui %sign3A_298 : i1 to i32
      %sign3A_300 = arith.constant 0 : i32
      %sign3A_301 = arith.cmpi slt, %scan3A_127, %sign3A_300 : i32
      %sign3A_302 = arith.extui %sign3A_301 : i1 to i32
      %sign3A_303 = arith.subi %sign3A_299, %sign3A_302 : i32
      %sign3A_304 = arith.constant 0 : i32
      %sign3A_305 = arith.cmpi sgt, %jit3A_297, %sign3A_304 : i32
      %sign3A_306 = arith.extui %sign3A_305 : i1 to i32
      %sign3A_307 = arith.constant 0 : i32
      %sign3A_308 = arith.cmpi slt, %jit3A_297, %sign3A_307 : i32
      %sign3A_309 = arith.extui %sign3A_308 : i1 to i32
      %sign3A_310 = arith.subi %sign3A_306, %sign3A_309 : i32
      %ne3A_311 = arith.cmpi ne, %sign3A_303, %sign3A_310 : i32
      %rem3A_312 = arith.remsi %scan3A_127, %jit3A_297 : i32
      %ne3A_313 = arith.constant 0 : i32
      %ne3A_314 = arith.cmpi ne, %rem3A_312, %ne3A_313 : i32
      %and3A_315 = arith.andi %ne3A_311, %ne3A_314 : i1
      %sub3A = arith.constant 1 : i32
      %sub3A_316 = arith.subi %div3A, %sub3A : i32
      %select_n3A_317 = arith.select %and3A_315, %sub3A_316, %div3A : i32
      %mul3A_318 = arith.constant 48 : i32
      %mul3A_319 = arith.muli %select_n3A_317, %mul3A_318 : i32
      %get3A = arith.index_cast %select_n3A_296 : i32 to index
      %get3A_320 = arith.index_cast %mul3A_319 : i32 to index
      %get3A_321 = tpu.vector_load %arg12[%get3A, %get3A_320] {strides = array<i32>} : memref<16x128xf32, #tpu.memory_space<vmem>>, vector<1x16xf32>,
      %get3A_322 = vector.shape_cast %get3A_321 : vector<1x16xf32> to vector<16xf32>
      %add3A_323 = arith.constant 16 : i32
      %add3A_324 = arith.addi %mul3A_319, %add3A_323 : i32
      %get3A_325 = arith.index_cast %select_n3A_296 : i32 to index
      %get3A_326 = arith.index_cast %add3A_324 : i32 to index
      %get3A_327 = tpu.vector_load %arg12[%get3A_325, %get3A_326] {strides = array<i32>} : memref<16x128xf32, #tpu.memory_space<vmem>>, vector<1x16xf32>,
      %get3A_328 = vector.shape_cast %get3A_327 : vector<1x16xf32> to vector<16xf32>
      %add3A_329 = arith.constant 32 : i32
      %add3A_330 = arith.addi %mul3A_319, %add3A_329 : i32
      %get3A_331 = arith.index_cast %select_n3A_296 : i32 to index
      %get3A_332 = arith.index_cast %add3A_330 : i32 to index
      %get3A_333 = tpu.vector_load %arg12[%get3A_331, %get3A_332] {strides = array<i32>} : memref<16x128xf32, #tpu.memory_space<vmem>>, vector<1x16xf32>,
      %get3A_334 = vector.shape_cast %get3A_333 : vector<1x16xf32> to vector<16xf32>
      %add3A_335 = arith.constant 0 : i32
      %add3A_336 = arith.addi %mul3A_0, %add3A_335 : i32
      %dma_start3A_337 = arith.constant 0 : i32
      %dma_start3A_338 = arith.constant 0 : i32
      %dma_start3A_339 = tpu.memref_slice %arg9[%dma_start3A_337, %dma_start3A_338] : memref<112x128xf32, #tpu.memory_space<vmem>> -> memref<112x128xf32, #tpu.memory_space<vmem>>
      %dma_start3A_340 = arith.constant 0 : i32
      %dma_start3A_341 = tpu.memref_slice %arg13[%add3A_336, %dma_start3A_340] : memref<10112x128xf32, #tpu.memory_space<vmem_shared>> -> memref<112x128xf32, #tpu.memory_space<vmem_shared>>
      %dma_start3A_342 = arith.constant 0 : i32
      %dma_start3A_343 = arith.constant 0 : i32
      %dma_start3A_344 = tpu.memref_slice %arg9[%dma_start3A_342, %dma_start3A_343] : memref<112x128xf32, #tpu.memory_space<vmem>> -> memref<112x128xf32, #tpu.memory_space<vmem>>
      %dma_start3A_345 = arith.constant 0 : i32
      %dma_start3A_346 = tpu.memref_slice %arg13[%add3A_336, %dma_start3A_345] : memref<10112x128xf32, #tpu.memory_space<vmem_shared>> -> memref<112x128xf32, #tpu.memory_space<vmem_shared>>
      tpu.enqueue_dma source(%dma_start3A_346 : memref<112x128xf32, #tpu.memory_space<vmem_shared>>) target(%dma_start3A_344 : memref<112x128xf32, #tpu.memory_space<vmem>>) target_semaphore(%arg15 : memref<!tpu.dma_semaphore, #tpu.memory_space<semaphore_mem>>)
      %mul3A_347 = arith.constant 10112 : i32
      %mul3A_348 = arith.muli %arg0, %mul3A_347 : i32
      %add3A_349 = arith.addi %mul3A_348, %mul3A_0 : i32
      %add3A_350 = arith.constant 0 : i32
      %add3A_351 = arith.addi %add3A_349, %add3A_350 : i32
      %dma_start3A_352 = arith.constant 0 : i32
      %dma_start3A_353 = arith.constant 0 : i32
      %dma_start3A_354 = tpu.memref_slice %arg10[%dma_start3A_352, %dma_start3A_353] : memref<112x128xf32, #tpu.memory_space<vmem>> -> memref<112x128xf32, #tpu.memory_space<vmem>>
      %dma_start3A_355 = arith.constant 0 : i32
      %dma_start3A_356 = tpu.memref_slice %arg6[%add3A_351, %dma_start3A_355] : memref<20224x128xf32, #tpu.memory_space<hbm>> -> memref<112x128xf32, #tpu.memory_space<hbm>>
      %dma_start3A_357 = arith.constant 0 : i32
      %dma_start3A_358 = arith.constant 0 : i32
      %dma_start3A_359 = tpu.memref_slice %arg10[%dma_start3A_357, %dma_start3A_358] : memref<112x128xf32, #tpu.memory_space<vmem>> -> memref<112x128xf32, #tpu.memory_space<vmem>>
      %dma_start3A_360 = arith.constant 0 : i32
      %dma_start3A_361 = tpu.memref_slice %arg6[%add3A_351, %dma_start3A_360] : memref<20224x128xf32, #tpu.memory_space<hbm>> -> memref<112x128xf32, #tpu.memory_space<hbm>>
      tpu.enqueue_dma source(%dma_start3A_361 : memref<112x128xf32, #tpu.memory_space<hbm>>) target(%dma_start3A_359 : memref<112x128xf32, #tpu.memory_space<vmem>>) target_semaphore(%arg16 : memref<!tpu.dma_semaphore, #tpu.memory_space<semaphore_mem>>)
      %add3A_362 = arith.constant 0 : i32
      %add3A_363 = arith.addi %mul3A_0, %add3A_362 : i32
      %dma_wait3A_364 = arith.constant 0 : i32
      %dma_wait3A_365 = arith.constant 0 : i32
      %dma_wait3A_366 = tpu.memref_slice %arg9[%dma_wait3A_364, %dma_wait3A_365] : memref<112x128xf32, #tpu.memory_space<vmem>> -> memref<112x128xf32, #tpu.memory_space<vmem>>
      %dma_wait3A_367 = arith.constant 0 : i32
      %dma_wait3A_368 = tpu.memref_slice %arg13[%add3A_363, %dma_wait3A_367] : memref<10112x128xf32, #tpu.memory_space<vmem_shared>> -> memref<112x128xf32, #tpu.memory_space<vmem_shared>>
      %dma_wait3A_369 = arith.constant 0 : i32
      %dma_wait3A_370 = arith.constant 0 : i32
      %dma_wait3A_371 = tpu.memref_slice %arg9[%dma_wait3A_369, %dma_wait3A_370] : memref<112x128xf32, #tpu.memory_space<vmem>> -> memref<112x128xf32, #tpu.memory_space<vmem>>
      %dma_wait3A_372 = arith.constant 0 : i32
      %dma_wait3A_373 = tpu.memref_slice %arg13[%add3A_363, %dma_wait3A_372] : memref<10112x128xf32, #tpu.memory_space<vmem_shared>> -> memref<112x128xf32, #tpu.memory_space<vmem_shared>>
      tpu.wait_dma2 semaphore(%arg15 : memref<!tpu.dma_semaphore, #tpu.memory_space<semaphore_mem>>) src(%dma_wait3A_373 : memref<112x128xf32, #tpu.memory_space<vmem_shared>>) dst(%dma_wait3A_371 : memref<112x128xf32, #tpu.memory_space<vmem>>)
      %mul3A_374 = arith.constant 10112 : i32
      %mul3A_375 = arith.muli %arg0, %mul3A_374 : i32
      %add3A_376 = arith.addi %mul3A_375, %mul3A_0 : i32
      %add3A_377 = arith.constant 0 : i32
      %add3A_378 = arith.addi %add3A_376, %add3A_377 : i32
      %dma_wait3A_379 = arith.constant 0 : i32
      %dma_wait3A_380 = arith.constant 0 : i32
      %dma_wait3A_381 = tpu.memref_slice %arg10[%dma_wait3A_379, %dma_wait3A_380] : memref<112x128xf32, #tpu.memory_space<vmem>> -> memref<112x128xf32, #tpu.memory_space<vmem>>
      %dma_wait3A_382 = arith.constant 0 : i32
      %dma_wait3A_383 = tpu.memref_slice %arg6[%add3A_378, %dma_wait3A_382] : memref<20224x128xf32, #tpu.memory_space<hbm>> -> memref<112x128xf32, #tpu.memory_space<hbm>>
      %dma_wait3A_384 = arith.constant 0 : i32
      %dma_wait3A_385 = arith.constant 0 : i32
      %dma_wait3A_386 = tpu.memref_slice %arg10[%dma_wait3A_384, %dma_wait3A_385] : memref<112x128xf32, #tpu.memory_space<vmem>> -> memref<112x128xf32, #tpu.memory_space<vmem>>
      %dma_wait3A_387 = arith.constant 0 : i32
      %dma_wait3A_388 = tpu.memref_slice %arg6[%add3A_378, %dma_wait3A_387] : memref<20224x128xf32, #tpu.memory_space<hbm>> -> memref<112x128xf32, #tpu.memory_space<hbm>>
      tpu.wait_dma2 semaphore(%arg16 : memref<!tpu.dma_semaphore, #tpu.memory_space<semaphore_mem>>) src(%dma_wait3A_388 : memref<112x128xf32, #tpu.memory_space<hbm>>) dst(%dma_wait3A_386 : memref<112x128xf32, #tpu.memory_space<vmem>>)
      %scan3A_389 = arith.constant 0 : i32
      %scan3A_390 = arith.constant 0 : i32
      %scan3A_391 = arith.constant 112 : i32
      %scan3A_392 = arith.addi %scan3A_390, %scan3A_391 : i32
      %scan3A_393 = arith.constant 1 : i32
      %scan3A_394 = scf.for %scan3A_1062 = %scan3A_390 to %scan3A_392 step %scan3A_393 iter_args(%scan3A_1063 = %scan3A_389) -> (i32)  : i32 {
        %get3A_1064 = arith.index_cast %scan3A_1062 : i32 to index
        %get3A_1065 = arith.constant 96 : index
        %get3A_1066 = tpu.vector_load %arg10[%get3A_1064, %get3A_1065] {strides = array<i32>} : memref<112x128xf32, #tpu.memory_space<vmem>>, vector<1x16xf32>,
        %get3A_1067 = vector.shape_cast %get3A_1066 : vector<1x16xf32> to vector<16xf32>
        %get3A_1068 = arith.index_cast %scan3A_1062 : i32 to index
        %get3A_1069 = arith.constant 0 : index
        %get3A_1070 = tpu.vector_load %arg9[%get3A_1068, %get3A_1069] {strides = array<i32>} : memref<112x128xf32, #tpu.memory_space<vmem>>, vector<1x16xf32>,
        %get3A_1071 = vector.shape_cast %get3A_1070 : vector<1x16xf32> to vector<16xf32>
        %mul3A_1072 = arith.mulf %get3A_1071, %get3A_1067 : vector<16xf32>
        %swap3A = arith.index_cast %scan3A_1062 : i32 to index
        %swap3A_1073 = arith.constant 0 : index
        %swap3A_1074 = tpu.vector_load %arg9[%swap3A, %swap3A_1073] {strides = array<i32>} : memref<112x128xf32, #tpu.memory_space<vmem>>, vector<1x16xf32>,
        %swap3A_1075 = vector.shape_cast %swap3A_1074 : vector<1x16xf32> to vector<16xf32>
        %swap3A_1076 = vector.shape_cast %mul3A_1072 : vector<16xf32> to vector<1x16xf32>
        tpu.vector_store %arg9[%swap3A, %swap3A_1073], %swap3A_1076 {strides = array<i32>} : memref<112x128xf32, #tpu.memory_space<vmem>>, vector<1x16xf32>,
        %get3A_1077 = arith.index_cast %scan3A_1062 : i32 to index
        %get3A_1078 = arith.constant 0 : index
        %get3A_1079 = tpu.vector_load %arg10[%get3A_1077, %get3A_1078] {strides = array<i32>} : memref<112x128xf32, #tpu.memory_space<vmem>>, vector<1x16xf32>,
        %get3A_1080 = vector.shape_cast %get3A_1079 : vector<1x16xf32> to vector<16xf32>
        %mul3A_1081 = arith.mulf %get3A_322, %mul3A_1072 : vector<16xf32>
        %add3A_1082 = arith.addf %get3A_1080, %mul3A_1081 : vector<16xf32>
        %swap3A_1083 = arith.index_cast %scan3A_1062 : i32 to index
        %swap3A_1084 = arith.constant 0 : index
        %swap3A_1085 = tpu.vector_load %arg10[%swap3A_1083, %swap3A_1084] {strides = array<i32>} : memref<112x128xf32, #tpu.memory_space<vmem>>, vector<1x16xf32>,
        %swap3A_1086 = vector.shape_cast %swap3A_1085 : vector<1x16xf32> to vector<16xf32>
        %swap3A_1087 = vector.shape_cast %add3A_1082 : vector<16xf32> to vector<1x16xf32>
        tpu.vector_store %arg10[%swap3A_1083, %swap3A_1084], %swap3A_1087 {strides = array<i32>} : memref<112x128xf32, #tpu.memory_space<vmem>>, vector<1x16xf32>,
        %get3A_1088 = arith.index_cast %scan3A_1062 : i32 to index
        %get3A_1089 = arith.constant 16 : index
        %get3A_1090 = tpu.vector_load %arg9[%get3A_1088, %get3A_1089] {strides = array<i32>} : memref<112x128xf32, #tpu.memory_space<vmem>>, vector<1x16xf32>,
        %get3A_1091 = vector.shape_cast %get3A_1090 : vector<1x16xf32> to vector<16xf32>
        %mul3A_1092 = arith.mulf %get3A_1091, %get3A_1067 : vector<16xf32>
        %swap3A_1093 = arith.index_cast %scan3A_1062 : i32 to index
        %swap3A_1094 = arith.constant 16 : index
        %swap3A_1095 = tpu.vector_load %arg9[%swap3A_1093, %swap3A_1094] {strides = array<i32>} : memref<112x128xf32, #tpu.memory_space<vmem>>, vector<1x16xf32>,
        %swap3A_1096 = vector.shape_cast %swap3A_1095 : vector<1x16xf32> to vector<16xf32>
        %swap3A_1097 = vector.shape_cast %mul3A_1092 : vector<16xf32> to vector<1x16xf32>
        tpu.vector_store %arg9[%swap3A_1093, %swap3A_1094], %swap3A_1097 {strides = array<i32>} : memref<112x128xf32, #tpu.memory_space<vmem>>, vector<1x16xf32>,
        %get3A_1098 = arith.index_cast %scan3A_1062 : i32 to index
        %get3A_1099 = arith.constant 16 : index
        %get3A_1100 = tpu.vector_load %arg10[%get3A_1098, %get3A_1099] {strides = array<i32>} : memref<112x128xf32, #tpu.memory_space<vmem>>, vector<1x16xf32>,
        %get3A_1101 = vector.shape_cast %get3A_1100 : vector<1x16xf32> to vector<16xf32>
        %mul3A_1102 = arith.mulf %get3A_322, %mul3A_1092 : vector<16xf32>
        %add3A_1103 = arith.addf %get3A_1101, %mul3A_1102 : vector<16xf32>
        %swap3A_1104 = arith.index_cast %scan3A_1062 : i32 to index
        %swap3A_1105 = arith.constant 16 : index
        %swap3A_1106 = tpu.vector_load %arg10[%swap3A_1104, %swap3A_1105] {strides = array<i32>} : memref<112x128xf32, #tpu.memory_space<vmem>>, vector<1x16xf32>,
        %swap3A_1107 = vector.shape_cast %swap3A_1106 : vector<1x16xf32> to vector<16xf32>
        %swap3A_1108 = vector.shape_cast %add3A_1103 : vector<16xf32> to vector<1x16xf32>
        tpu.vector_store %arg10[%swap3A_1104, %swap3A_1105], %swap3A_1108 {strides = array<i32>} : memref<112x128xf32, #tpu.memory_space<vmem>>, vector<1x16xf32>,
        %get3A_1109 = arith.index_cast %scan3A_1062 : i32 to index
        %get3A_1110 = arith.constant 32 : index
        %get3A_1111 = tpu.vector_load %arg9[%get3A_1109, %get3A_1110] {strides = array<i32>} : memref<112x128xf32, #tpu.memory_space<vmem>>, vector<1x16xf32>,
        %get3A_1112 = vector.shape_cast %get3A_1111 : vector<1x16xf32> to vector<16xf32>
        %mul3A_1113 = arith.mulf %get3A_1112, %get3A_1067 : vector<16xf32>
        %swap3A_1114 = arith.index_cast %scan3A_1062 : i32 to index
        %swap3A_1115 = arith.constant 32 : index
        %swap3A_1116 = tpu.vector_load %arg9[%swap3A_1114, %swap3A_1115] {strides = array<i32>} : memref<112x128xf32, #tpu.memory_space<vmem>>, vector<1x16xf32>,
        %swap3A_1117 = vector.shape_cast %swap3A_1116 : vector<1x16xf32> to vector<16xf32>
        %swap3A_1118 = vector.shape_cast %mul3A_1113 : vector<16xf32> to vector<1x16xf32>
        tpu.vector_store %arg9[%swap3A_1114, %swap3A_1115], %swap3A_1118 {strides = array<i32>} : memref<112x128xf32, #tpu.memory_space<vmem>>, vector<1x16xf32>,
        %get3A_1119 = arith.index_cast %scan3A_1062 : i32 to index
        %get3A_1120 = arith.constant 32 : index
        %get3A_1121 = tpu.vector_load %arg10[%get3A_1119, %get3A_1120] {strides = array<i32>} : memref<112x128xf32, #tpu.memory_space<vmem>>, vector<1x16xf32>,
        %get3A_1122 = vector.shape_cast %get3A_1121 : vector<1x16xf32> to vector<16xf32>
        %mul3A_1123 = arith.mulf %get3A_322, %mul3A_1113 : vector<16xf32>
        %add3A_1124 = arith.addf %get3A_1122, %mul3A_1123 : vector<16xf32>
        %swap3A_1125 = arith.index_cast %scan3A_1062 : i32 to index
        %swap3A_1126 = arith.constant 32 : index
        %swap3A_1127 = tpu.vector_load %arg10[%swap3A_1125, %swap3A_1126] {strides = array<i32>} : memref<112x128xf32, #tpu.memory_space<vmem>>, vector<1x16xf32>,
        %swap3A_1128 = vector.shape_cast %swap3A_1127 : vector<1x16xf32> to vector<16xf32>
        %swap3A_1129 = vector.shape_cast %add3A_1124 : vector<16xf32> to vector<1x16xf32>
        tpu.vector_store %arg10[%swap3A_1125, %swap3A_1126], %swap3A_1129 {strides = array<i32>} : memref<112x128xf32, #tpu.memory_space<vmem>>, vector<1x16xf32>,
        %get3A_1130 = arith.index_cast %scan3A_1062 : i32 to index
        %get3A_1131 = arith.constant 48 : index
        %get3A_1132 = tpu.vector_load %arg9[%get3A_1130, %get3A_1131] {strides = array<i32>} : memref<112x128xf32, #tpu.memory_space<vmem>>, vector<1x16xf32>,
        %get3A_1133 = vector.shape_cast %get3A_1132 : vector<1x16xf32> to vector<16xf32>
        %mul3A_1134 = arith.mulf %get3A_1133, %get3A_1067 : vector<16xf32>
        %swap3A_1135 = arith.index_cast %scan3A_1062 : i32 to index
        %swap3A_1136 = arith.constant 48 : index
        %swap3A_1137 = tpu.vector_load %arg9[%swap3A_1135, %swap3A_1136] {strides = array<i32>} : memref<112x128xf32, #tpu.memory_space<vmem>>, vector<1x16xf32>,
        %swap3A_1138 = vector.shape_cast %swap3A_1137 : vector<1x16xf32> to vector<16xf32>
        %swap3A_1139 = vector.shape_cast %mul3A_1134 : vector<16xf32> to vector<1x16xf32>
        tpu.vector_store %arg9[%swap3A_1135, %swap3A_1136], %swap3A_1139 {strides = array<i32>} : memref<112x128xf32, #tpu.memory_space<vmem>>, vector<1x16xf32>,
        %get3A_1140 = arith.index_cast %scan3A_1062 : i32 to index
        %get3A_1141 = arith.constant 48 : index
        %get3A_1142 = tpu.vector_load %arg10[%get3A_1140, %get3A_1141] {strides = array<i32>} : memref<112x128xf32, #tpu.memory_space<vmem>>, vector<1x16xf32>,
        %get3A_1143 = vector.shape_cast %get3A_1142 : vector<1x16xf32> to vector<16xf32>
        %mul3A_1144 = arith.mulf %get3A_322, %mul3A_1134 : vector<16xf32>
        %add3A_1145 = arith.addf %get3A_1143, %mul3A_1144 : vector<16xf32>
        %swap3A_1146 = arith.index_cast %scan3A_1062 : i32 to index
        %swap3A_1147 = arith.constant 48 : index
        %swap3A_1148 = tpu.vector_load %arg10[%swap3A_1146, %swap3A_1147] {strides = array<i32>} : memref<112x128xf32, #tpu.memory_space<vmem>>, vector<1x16xf32>,
        %swap3A_1149 = vector.shape_cast %swap3A_1148 : vector<1x16xf32> to vector<16xf32>
        %swap3A_1150 = vector.shape_cast %add3A_1145 : vector<16xf32> to vector<1x16xf32>
        tpu.vector_store %arg10[%swap3A_1146, %swap3A_1147], %swap3A_1150 {strides = array<i32>} : memref<112x128xf32, #tpu.memory_space<vmem>>, vector<1x16xf32>,
        %get3A_1151 = arith.index_cast %scan3A_1062 : i32 to index
        %get3A_1152 = arith.constant 64 : index
        %get3A_1153 = tpu.vector_load %arg9[%get3A_1151, %get3A_1152] {strides = array<i32>} : memref<112x128xf32, #tpu.memory_space<vmem>>, vector<1x16xf32>,
        %get3A_1154 = vector.shape_cast %get3A_1153 : vector<1x16xf32> to vector<16xf32>
        %mul3A_1155 = arith.mulf %get3A_1154, %get3A_1067 : vector<16xf32>
        %swap3A_1156 = arith.index_cast %scan3A_1062 : i32 to index
        %swap3A_1157 = arith.constant 64 : index
        %swap3A_1158 = tpu.vector_load %arg9[%swap3A_1156, %swap3A_1157] {strides = array<i32>} : memref<112x128xf32, #tpu.memory_space<vmem>>, vector<1x16xf32>,
        %swap3A_1159 = vector.shape_cast %swap3A_1158 : vector<1x16xf32> to vector<16xf32>
        %swap3A_1160 = vector.shape_cast %mul3A_1155 : vector<16xf32> to vector<1x16xf32>
        tpu.vector_store %arg9[%swap3A_1156, %swap3A_1157], %swap3A_1160 {strides = array<i32>} : memref<112x128xf32, #tpu.memory_space<vmem>>, vector<1x16xf32>,
        %get3A_1161 = arith.index_cast %scan3A_1062 : i32 to index
        %get3A_1162 = arith.constant 64 : index
        %get3A_1163 = tpu.vector_load %arg10[%get3A_1161, %get3A_1162] {strides = array<i32>} : memref<112x128xf32, #tpu.memory_space<vmem>>, vector<1x16xf32>,
        %get3A_1164 = vector.shape_cast %get3A_1163 : vector<1x16xf32> to vector<16xf32>
        %mul3A_1165 = arith.mulf %get3A_328, %mul3A_1155 : vector<16xf32>
        %add3A_1166 = arith.addf %get3A_1164, %mul3A_1165 : vector<16xf32>
        %swap3A_1167 = arith.index_cast %scan3A_1062 : i32 to index
        %swap3A_1168 = arith.constant 64 : index
        %swap3A_1169 = tpu.vector_load %arg10[%swap3A_1167, %swap3A_1168] {strides = array<i32>} : memref<112x128xf32, #tpu.memory_space<vmem>>, vector<1x16xf32>,
        %swap3A_1170 = vector.shape_cast %swap3A_1169 : vector<1x16xf32> to vector<16xf32>
        %swap3A_1171 = vector.shape_cast %add3A_1166 : vector<16xf32> to vector<1x16xf32>
        tpu.vector_store %arg10[%swap3A_1167, %swap3A_1168], %swap3A_1171 {strides = array<i32>} : memref<112x128xf32, #tpu.memory_space<vmem>>, vector<1x16xf32>,
        %get3A_1172 = arith.index_cast %scan3A_1062 : i32 to index
        %get3A_1173 = arith.constant 80 : index
        %get3A_1174 = tpu.vector_load %arg10[%get3A_1172, %get3A_1173] {strides = array<i32>} : memref<112x128xf32, #tpu.memory_space<vmem>>, vector<1x16xf32>,
        %get3A_1175 = vector.shape_cast %get3A_1174 : vector<1x16xf32> to vector<16xf32>
        %mul3A_1176 = arith.mulf %get3A_334, %mul3A_1155 : vector<16xf32>
        %add3A_1177 = arith.addf %get3A_1175, %mul3A_1176 : vector<16xf32>
        %swap3A_1178 = arith.index_cast %scan3A_1062 : i32 to index
        %swap3A_1179 = arith.constant 80 : index
        %swap3A_1180 = tpu.vector_load %arg10[%swap3A_1178, %swap3A_1179] {strides = array<i32>} : memref<112x128xf32, #tpu.memory_space<vmem>>, vector<1x16xf32>,
        %swap3A_1181 = vector.shape_cast %swap3A_1180 : vector<1x16xf32> to vector<16xf32>
        %swap3A_1182 = vector.shape_cast %add3A_1177 : vector<16xf32> to vector<1x16xf32>
        tpu.vector_store %arg10[%swap3A_1178, %swap3A_1179], %swap3A_1182 {strides = array<i32>} : memref<112x128xf32, #tpu.memory_space<vmem>>, vector<1x16xf32>,
        %scan3A_1183 = arith.constant 0 : i32
        scf.yield %scan3A_1183 : i32
      }
      %scan3A_395 = arith.constant 112 : i32
      %mul3A_396 = arith.constant 10112 : i32
      %mul3A_397 = arith.muli %arg0, %mul3A_396 : i32
      %add3A_398 = arith.addi %mul3A_397, %mul3A_0 : i32
      %add3A_399 = arith.constant 0 : i32
      %add3A_400 = arith.addi %add3A_398, %add3A_399 : i32
      %dma_start3A_401 = arith.constant 0 : i32
      %dma_start3A_402 = arith.constant 0 : i32
      %dma_start3A_403 = tpu.memref_slice %arg9[%dma_start3A_401, %dma_start3A_402] : memref<112x128xf32, #tpu.memory_space<vmem>> -> memref<112x128xf32, #tpu.memory_space<vmem>>
      %dma_start3A_404 = arith.constant 0 : i32
      %dma_start3A_405 = tpu.memref_slice %arg7[%add3A_400, %dma_start3A_404] : memref<20224x128xf32, #tpu.memory_space<hbm>> -> memref<112x128xf32, #tpu.memory_space<hbm>>
      %dma_start3A_406 = arith.constant 0 : i32
      %dma_start3A_407 = tpu.memref_slice %arg7[%add3A_400, %dma_start3A_406] : memref<20224x128xf32, #tpu.memory_space<hbm>> -> memref<112x128xf32, #tpu.memory_space<hbm>>
      %dma_start3A_408 = arith.constant 0 : i32
      %dma_start3A_409 = arith.constant 0 : i32
      %dma_start3A_410 = tpu.memref_slice %arg9[%dma_start3A_408, %dma_start3A_409] : memref<112x128xf32, #tpu.memory_space<vmem>> -> memref<112x128xf32, #tpu.memory_space<vmem>>
      tpu.enqueue_dma source(%dma_start3A_410 : memref<112x128xf32, #tpu.memory_space<vmem>>) target(%dma_start3A_407 : memref<112x128xf32, #tpu.memory_space<hbm>>) target_semaphore(%arg18 : memref<!tpu.dma_semaphore, #tpu.memory_space<semaphore_mem>>)
      %mul3A_411 = arith.constant 10112 : i32
      %mul3A_412 = arith.muli %arg0, %mul3A_411 : i32
      %add3A_413 = arith.addi %mul3A_412, %mul3A_0 : i32
      %add3A_414 = arith.constant 0 : i32
      %add3A_415 = arith.addi %add3A_413, %add3A_414 : i32
      %dma_start3A_416 = arith.constant 0 : i32
      %dma_start3A_417 = arith.constant 0 : i32
      %dma_start3A_418 = tpu.memref_slice %arg10[%dma_start3A_416, %dma_start3A_417] : memref<112x128xf32, #tpu.memory_space<vmem>> -> memref<112x128xf32, #tpu.memory_space<vmem>>
      %dma_start3A_419 = arith.constant 0 : i32
      %dma_start3A_420 = tpu.memref_slice %arg6[%add3A_415, %dma_start3A_419] : memref<20224x128xf32, #tpu.memory_space<hbm>> -> memref<112x128xf32, #tpu.memory_space<hbm>>
      %dma_start3A_421 = arith.constant 0 : i32
      %dma_start3A_422 = tpu.memref_slice %arg6[%add3A_415, %dma_start3A_421] : memref<20224x128xf32, #tpu.memory_space<hbm>> -> memref<112x128xf32, #tpu.memory_space<hbm>>
      %dma_start3A_423 = arith.constant 0 : i32
      %dma_start3A_424 = arith.constant 0 : i32
      %dma_start3A_425 = tpu.memref_slice %arg10[%dma_start3A_423, %dma_start3A_424] : memref<112x128xf32, #tpu.memory_space<vmem>> -> memref<112x128xf32, #tpu.memory_space<vmem>>
      tpu.enqueue_dma source(%dma_start3A_425 : memref<112x128xf32, #tpu.memory_space<vmem>>) target(%dma_start3A_422 : memref<112x128xf32, #tpu.memory_space<hbm>>) target_semaphore(%arg19 : memref<!tpu.dma_semaphore, #tpu.memory_space<semaphore_mem>>)
      %mul3A_426 = arith.constant 10112 : i32
      %mul3A_427 = arith.muli %arg0, %mul3A_426 : i32
      %add3A_428 = arith.addi %mul3A_427, %mul3A_0 : i32
      %add3A_429 = arith.constant 0 : i32
      %add3A_430 = arith.addi %add3A_428, %add3A_429 : i32
      %dma_wait3A_431 = arith.constant 0 : i32
      %dma_wait3A_432 = arith.constant 0 : i32
      %dma_wait3A_433 = tpu.memref_slice %arg9[%dma_wait3A_431, %dma_wait3A_432] : memref<112x128xf32, #tpu.memory_space<vmem>> -> memref<112x128xf32, #tpu.memory_space<vmem>>
      %dma_wait3A_434 = arith.constant 0 : i32
      %dma_wait3A_435 = tpu.memref_slice %arg7[%add3A_430, %dma_wait3A_434] : memref<20224x128xf32, #tpu.memory_space<hbm>> -> memref<112x128xf32, #tpu.memory_space<hbm>>
      %dma_wait3A_436 = arith.constant 0 : i32
      %dma_wait3A_437 = tpu.memref_slice %arg7[%add3A_430, %dma_wait3A_436] : memref<20224x128xf32, #tpu.memory_space<hbm>> -> memref<112x128xf32, #tpu.memory_space<hbm>>
      %dma_wait3A_438 = arith.constant 0 : i32
      %dma_wait3A_439 = arith.constant 0 : i32
      %dma_wait3A_440 = tpu.memref_slice %arg9[%dma_wait3A_438, %dma_wait3A_439] : memref<112x128xf32, #tpu.memory_space<vmem>> -> memref<112x128xf32, #tpu.memory_space<vmem>>
      tpu.wait_dma2 semaphore(%arg18 : memref<!tpu.dma_semaphore, #tpu.memory_space<semaphore_mem>>) src(%dma_wait3A_440 : memref<112x128xf32, #tpu.memory_space<vmem>>) dst(%dma_wait3A_437 : memref<112x128xf32, #tpu.memory_space<hbm>>)
      %mul3A_441 = arith.constant 10112 : i32
      %mul3A_442 = arith.muli %arg0, %mul3A_441 : i32
      %add3A_443 = arith.addi %mul3A_442, %mul3A_0 : i32
      %add3A_444 = arith.constant 0 : i32
      %add3A_445 = arith.addi %add3A_443, %add3A_444 : i32
      %dma_wait3A_446 = arith.constant 0 : i32
      %dma_wait3A_447 = arith.constant 0 : i32
      %dma_wait3A_448 = tpu.memref_slice %arg10[%dma_wait3A_446, %dma_wait3A_447] : memref<112x128xf32, #tpu.memory_space<vmem>> -> memref<112x128xf32, #tpu.memory_space<vmem>>
      %dma_wait3A_449 = arith.constant 0 : i32
      %dma_wait3A_450 = tpu.memref_slice %arg6[%add3A_445, %dma_wait3A_449] : memref<20224x128xf32, #tpu.memory_space<hbm>> -> memref<112x128xf32, #tpu.memory_space<hbm>>
      %dma_wait3A_451 = arith.constant 0 : i32
      %dma_wait3A_452 = tpu.memref_slice %arg6[%add3A_445, %dma_wait3A_451] : memref<20224x128xf32, #tpu.memory_space<hbm>> -> memref<112x128xf32, #tpu.memory_space<hbm>>
      %dma_wait3A_453 = arith.constant 0 : i32
      %dma_wait3A_454 = arith.constant 0 : i32
      %dma_wait3A_455 = tpu.memref_slice %arg10[%dma_wait3A_453, %dma_wait3A_454] : memref<112x128xf32, #tpu.memory_space<vmem>> -> memref<112x128xf32, #tpu.memory_space<vmem>>
      tpu.wait_dma2 semaphore(%arg19 : memref<!tpu.dma_semaphore, #tpu.memory_space<semaphore_mem>>) src(%dma_wait3A_455 : memref<112x128xf32, #tpu.memory_space<vmem>>) dst(%dma_wait3A_452 : memref<112x128xf32, #tpu.memory_space<hbm>>)
      %add3A_456 = arith.constant 112 : i32
      %add3A_457 = arith.addi %mul3A_0, %add3A_456 : i32
      %dma_start3A_458 = arith.constant 0 : i32
      %dma_start3A_459 = arith.constant 0 : i32
      %dma_start3A_460 = tpu.memref_slice %arg9[%dma_start3A_458, %dma_start3A_459] : memref<112x128xf32, #tpu.memory_space<vmem>> -> memref<112x128xf32, #tpu.memory_space<vmem>>
      %dma_start3A_461 = arith.constant 0 : i32
      %dma_start3A_462 = tpu.memref_slice %arg13[%add3A_457, %dma_start3A_461] : memref<10112x128xf32, #tpu.memory_space<vmem_shared>> -> memref<112x128xf32, #tpu.memory_space<vmem_shared>>
      %dma_start3A_463 = arith.constant 0 : i32
      %dma_start3A_464 = arith.constant 0 : i32
      %dma_start3A_465 = tpu.memref_slice %arg9[%dma_start3A_463, %dma_start3A_464] : memref<112x128xf32, #tpu.memory_space<vmem>> -> memref<112x128xf32, #tpu.memory_space<vmem>>
      %dma_start3A_466 = arith.constant 0 : i32
      %dma_start3A_467 = tpu.memref_slice %arg13[%add3A_457, %dma_start3A_466] : memref<10112x128xf32, #tpu.memory_space<vmem_shared>> -> memref<112x128xf32, #tpu.memory_space<vmem_shared>>
      tpu.enqueue_dma source(%dma_start3A_467 : memref<112x128xf32, #tpu.memory_space<vmem_shared>>) target(%dma_start3A_465 : memref<112x128xf32, #tpu.memory_space<vmem>>) target_semaphore(%arg15 : memref<!tpu.dma_semaphore, #tpu.memory_space<semaphore_mem>>)
      %mul3A_468 = arith.constant 10112 : i32
      %mul3A_469 = arith.muli %arg0, %mul3A_468 : i32
      %add3A_470 = arith.addi %mul3A_469, %mul3A_0 : i32
      %add3A_471 = arith.constant 112 : i32
      %add3A_472 = arith.addi %add3A_470, %add3A_471 : i32
      %dma_start3A_473 = arith.constant 0 : i32
      %dma_start3A_474 = arith.constant 0 : i32
      %dma_start3A_475 = tpu.memref_slice %arg10[%dma_start3A_473, %dma_start3A_474] : memref<112x128xf32, #tpu.memory_space<vmem>> -> memref<112x128xf32, #tpu.memory_space<vmem>>
      %dma_start3A_476 = arith.constant 0 : i32
      %dma_start3A_477 = tpu.memref_slice %arg6[%add3A_472, %dma_start3A_476] : memref<20224x128xf32, #tpu.memory_space<hbm>> -> memref<112x128xf32, #tpu.memory_space<hbm>>
      %dma_start3A_478 = arith.constant 0 : i32
      %dma_start3A_479 = arith.constant 0 : i32
      %dma_start3A_480 = tpu.memref_slice %arg10[%dma_start3A_478, %dma_start3A_479] : memref<112x128xf32, #tpu.memory_space<vmem>> -> memref<112x128xf32, #tpu.memory_space<vmem>>
      %dma_start3A_481 = arith.constant 0 : i32
      %dma_start3A_482 = tpu.memref_slice %arg6[%add3A_472, %dma_start3A_481] : memref<20224x128xf32, #tpu.memory_space<hbm>> -> memref<112x128xf32, #tpu.memory_space<hbm>>
      tpu.enqueue_dma source(%dma_start3A_482 : memref<112x128xf32, #tpu.memory_space<hbm>>) target(%dma_start3A_480 : memref<112x128xf32, #tpu.memory_space<vmem>>) target_semaphore(%arg16 : memref<!tpu.dma_semaphore, #tpu.memory_space<semaphore_mem>>)
      %add3A_483 = arith.constant 112 : i32
      %add3A_484 = arith.addi %mul3A_0, %add3A_483 : i32
      %dma_wait3A_485 = arith.constant 0 : i32
      %dma_wait3A_486 = arith.constant 0 : i32
      %dma_wait3A_487 = tpu.memref_slice %arg9[%dma_wait3A_485, %dma_wait3A_486] : memref<112x128xf32, #tpu.memory_space<vmem>> -> memref<112x128xf32, #tpu.memory_space<vmem>>
      %dma_wait3A_488 = arith.constant 0 : i32
      %dma_wait3A_489 = tpu.memref_slice %arg13[%add3A_484, %dma_wait3A_488] : memref<10112x128xf32, #tpu.memory_space<vmem_shared>> -> memref<112x128xf32, #tpu.memory_space<vmem_shared>>
      %dma_wait3A_490 = arith.constant 0 : i32
      %dma_wait3A_491 = arith.constant 0 : i32
      %dma_wait3A_492 = tpu.memref_slice %arg9[%dma_wait3A_490, %dma_wait3A_491] : memref<112x128xf32, #tpu.memory_space<vmem>> -> memref<112x128xf32, #tpu.memory_space<vmem>>
      %dma_wait3A_493 = arith.constant 0 : i32
      %dma_wait3A_494 = tpu.memref_slice %arg13[%add3A_484, %dma_wait3A_493] : memref<10112x128xf32, #tpu.memory_space<vmem_shared>> -> memref<112x128xf32, #tpu.memory_space<vmem_shared>>
      tpu.wait_dma2 semaphore(%arg15 : memref<!tpu.dma_semaphore, #tpu.memory_space<semaphore_mem>>) src(%dma_wait3A_494 : memref<112x128xf32, #tpu.memory_space<vmem_shared>>) dst(%dma_wait3A_492 : memref<112x128xf32, #tpu.memory_space<vmem>>)
      %mul3A_495 = arith.constant 10112 : i32
      %mul3A_496 = arith.muli %arg0, %mul3A_495 : i32
      %add3A_497 = arith.addi %mul3A_496, %mul3A_0 : i32
      %add3A_498 = arith.constant 112 : i32
      %add3A_499 = arith.addi %add3A_497, %add3A_498 : i32
      %dma_wait3A_500 = arith.constant 0 : i32
      %dma_wait3A_501 = arith.constant 0 : i32
      %dma_wait3A_502 = tpu.memref_slice %arg10[%dma_wait3A_500, %dma_wait3A_501] : memref<112x128xf32, #tpu.memory_space<vmem>> -> memref<112x128xf32, #tpu.memory_space<vmem>>
      %dma_wait3A_503 = arith.constant 0 : i32
      %dma_wait3A_504 = tpu.memref_slice %arg6[%add3A_499, %dma_wait3A_503] : memref<20224x128xf32, #tpu.memory_space<hbm>> -> memref<112x128xf32, #tpu.memory_space<hbm>>
      %dma_wait3A_505 = arith.constant 0 : i32
      %dma_wait3A_506 = arith.constant 0 : i32
      %dma_wait3A_507 = tpu.memref_slice %arg10[%dma_wait3A_505, %dma_wait3A_506] : memref<112x128xf32, #tpu.memory_space<vmem>> -> memref<112x128xf32, #tpu.memory_space<vmem>>
      %dma_wait3A_508 = arith.constant 0 : i32
      %dma_wait3A_509 = tpu.memref_slice %arg6[%add3A_499, %dma_wait3A_508] : memref<20224x128xf32, #tpu.memory_space<hbm>> -> memref<112x128xf32, #tpu.memory_space<hbm>>
      tpu.wait_dma2 semaphore(%arg16 : memref<!tpu.dma_semaphore, #tpu.memory_space<semaphore_mem>>) src(%dma_wait3A_509 : memref<112x128xf32, #tpu.memory_space<hbm>>) dst(%dma_wait3A_507 : memref<112x128xf32, #tpu.memory_space<vmem>>)
      %scan3A_510 = arith.constant 0 : i32
      %scan3A_511 = arith.constant 0 : i32
      %scan3A_512 = arith.constant 112 : i32
      %scan3A_513 = arith.addi %scan3A_511, %scan3A_512 : i32
      %scan3A_514 = arith.constant 1 : i32
      %scan3A_515 = scf.for %scan3A_1062 = %scan3A_511 to %scan3A_513 step %scan3A_514 iter_args(%scan3A_1063 = %scan3A_510) -> (i32)  : i32 {
        %get3A_1064 = arith.index_cast %scan3A_1062 : i32 to index
        %get3A_1065 = arith.constant 96 : index
        %get3A_1066 = tpu.vector_load %arg10[%get3A_1064, %get3A_1065] {strides = array<i32>} : memref<112x128xf32, #tpu.memory_space<vmem>>, vector<1x16xf32>,
        %get3A_1067 = vector.shape_cast %get3A_1066 : vector<1x16xf32> to vector<16xf32>
        %get3A_1068 = arith.index_cast %scan3A_1062 : i32 to index
        %get3A_1069 = arith.constant 0 : index
        %get3A_1070 = tpu.vector_load %arg9[%get3A_1068, %get3A_1069] {strides = array<i32>} : memref<112x128xf32, #tpu.memory_space<vmem>>, vector<1x16xf32>,
        %get3A_1071 = vector.shape_cast %get3A_1070 : vector<1x16xf32> to vector<16xf32>
        %mul3A_1072 = arith.mulf %get3A_1071, %get3A_1067 : vector<16xf32>
        %swap3A = arith.index_cast %scan3A_1062 : i32 to index
        %swap3A_1073 = arith.constant 0 : index
        %swap3A_1074 = tpu.vector_load %arg9[%swap3A, %swap3A_1073] {strides = array<i32>} : memref<112x128xf32, #tpu.memory_space<vmem>>, vector<1x16xf32>,
        %swap3A_1075 = vector.shape_cast %swap3A_1074 : vector<1x16xf32> to vector<16xf32>
        %swap3A_1076 = vector.shape_cast %mul3A_1072 : vector<16xf32> to vector<1x16xf32>
        tpu.vector_store %arg9[%swap3A, %swap3A_1073], %swap3A_1076 {strides = array<i32>} : memref<112x128xf32, #tpu.memory_space<vmem>>, vector<1x16xf32>,
        %get3A_1077 = arith.index_cast %scan3A_1062 : i32 to index
        %get3A_1078 = arith.constant 0 : index
        %get3A_1079 = tpu.vector_load %arg10[%get3A_1077, %get3A_1078] {strides = array<i32>} : memref<112x128xf32, #tpu.memory_space<vmem>>, vector<1x16xf32>,
        %get3A_1080 = vector.shape_cast %get3A_1079 : vector<1x16xf32> to vector<16xf32>
        %mul3A_1081 = arith.mulf %get3A_322, %mul3A_1072 : vector<16xf32>
        %add3A_1082 = arith.addf %get3A_1080, %mul3A_1081 : vector<16xf32>
        %swap3A_1083 = arith.index_cast %scan3A_1062 : i32 to index
        %swap3A_1084 = arith.constant 0 : index
        %swap3A_1085 = tpu.vector_load %arg10[%swap3A_1083, %swap3A_1084] {strides = array<i32>} : memref<112x128xf32, #tpu.memory_space<vmem>>, vector<1x16xf32>,
        %swap3A_1086 = vector.shape_cast %swap3A_1085 : vector<1x16xf32> to vector<16xf32>
        %swap3A_1087 = vector.shape_cast %add3A_1082 : vector<16xf32> to vector<1x16xf32>
        tpu.vector_store %arg10[%swap3A_1083, %swap3A_1084], %swap3A_1087 {strides = array<i32>} : memref<112x128xf32, #tpu.memory_space<vmem>>, vector<1x16xf32>,
        %get3A_1088 = arith.index_cast %scan3A_1062 : i32 to index
        %get3A_1089 = arith.constant 16 : index
        %get3A_1090 = tpu.vector_load %arg9[%get3A_1088, %get3A_1089] {strides = array<i32>} : memref<112x128xf32, #tpu.memory_space<vmem>>, vector<1x16xf32>,
        %get3A_1091 = vector.shape_cast %get3A_1090 : vector<1x16xf32> to vector<16xf32>
        %mul3A_1092 = arith.mulf %get3A_1091, %get3A_1067 : vector<16xf32>
        %swap3A_1093 = arith.index_cast %scan3A_1062 : i32 to index
        %swap3A_1094 = arith.constant 16 : index
        %swap3A_1095 = tpu.vector_load %arg9[%swap3A_1093, %swap3A_1094] {strides = array<i32>} : memref<112x128xf32, #tpu.memory_space<vmem>>, vector<1x16xf32>,
        %swap3A_1096 = vector.shape_cast %swap3A_1095 : vector<1x16xf32> to vector<16xf32>
        %swap3A_1097 = vector.shape_cast %mul3A_1092 : vector<16xf32> to vector<1x16xf32>
        tpu.vector_store %arg9[%swap3A_1093, %swap3A_1094], %swap3A_1097 {strides = array<i32>} : memref<112x128xf32, #tpu.memory_space<vmem>>, vector<1x16xf32>,
        %get3A_1098 = arith.index_cast %scan3A_1062 : i32 to index
        %get3A_1099 = arith.constant 16 : index
        %get3A_1100 = tpu.vector_load %arg10[%get3A_1098, %get3A_1099] {strides = array<i32>} : memref<112x128xf32, #tpu.memory_space<vmem>>, vector<1x16xf32>,
        %get3A_1101 = vector.shape_cast %get3A_1100 : vector<1x16xf32> to vector<16xf32>
        %mul3A_1102 = arith.mulf %get3A_322, %mul3A_1092 : vector<16xf32>
        %add3A_1103 = arith.addf %get3A_1101, %mul3A_1102 : vector<16xf32>
        %swap3A_1104 = arith.index_cast %scan3A_1062 : i32 to index
        %swap3A_1105 = arith.constant 16 : index
        %swap3A_1106 = tpu.vector_load %arg10[%swap3A_1104, %swap3A_1105] {strides = array<i32>} : memref<112x128xf32, #tpu.memory_space<vmem>>, vector<1x16xf32>,
        %swap3A_1107 = vector.shape_cast %swap3A_1106 : vector<1x16xf32> to vector<16xf32>
        %swap3A_1108 = vector.shape_cast %add3A_1103 : vector<16xf32> to vector<1x16xf32>
        tpu.vector_store %arg10[%swap3A_1104, %swap3A_1105], %swap3A_1108 {strides = array<i32>} : memref<112x128xf32, #tpu.memory_space<vmem>>, vector<1x16xf32>,
        %get3A_1109 = arith.index_cast %scan3A_1062 : i32 to index
        %get3A_1110 = arith.constant 32 : index
        %get3A_1111 = tpu.vector_load %arg9[%get3A_1109, %get3A_1110] {strides = array<i32>} : memref<112x128xf32, #tpu.memory_space<vmem>>, vector<1x16xf32>,
        %get3A_1112 = vector.shape_cast %get3A_1111 : vector<1x16xf32> to vector<16xf32>
        %mul3A_1113 = arith.mulf %get3A_1112, %get3A_1067 : vector<16xf32>
        %swap3A_1114 = arith.index_cast %scan3A_1062 : i32 to index
        %swap3A_1115 = arith.constant 32 : index
        %swap3A_1116 = tpu.vector_load %arg9[%swap3A_1114, %swap3A_1115] {strides = array<i32>} : memref<112x128xf32, #tpu.memory_space<vmem>>, vector<1x16xf32>,
        %swap3A_1117 = vector.shape_cast %swap3A_1116 : vector<1x16xf32> to vector<16xf32>
        %swap3A_1118 = vector.shape_cast %mul3A_1113 : vector<16xf32> to vector<1x16xf32>
        tpu.vector_store %arg9[%swap3A_1114, %swap3A_1115], %swap3A_1118 {strides = array<i32>} : memref<112x128xf32, #tpu.memory_space<vmem>>, vector<1x16xf32>,
        %get3A_1119 = arith.index_cast %scan3A_1062 : i32 to index
        %get3A_1120 = arith.constant 32 : index
        %get3A_1121 = tpu.vector_load %arg10[%get3A_1119, %get3A_1120] {strides = array<i32>} : memref<112x128xf32, #tpu.memory_space<vmem>>, vector<1x16xf32>,
        %get3A_1122 = vector.shape_cast %get3A_1121 : vector<1x16xf32> to vector<16xf32>
        %mul3A_1123 = arith.mulf %get3A_322, %mul3A_1113 : vector<16xf32>
        %add3A_1124 = arith.addf %get3A_1122, %mul3A_1123 : vector<16xf32>
        %swap3A_1125 = arith.index_cast %scan3A_1062 : i32 to index
        %swap3A_1126 = arith.constant 32 : index
        %swap3A_1127 = tpu.vector_load %arg10[%swap3A_1125, %swap3A_1126] {strides = array<i32>} : memref<112x128xf32, #tpu.memory_space<vmem>>, vector<1x16xf32>,
        %swap3A_1128 = vector.shape_cast %swap3A_1127 : vector<1x16xf32> to vector<16xf32>
        %swap3A_1129 = vector.shape_cast %add3A_1124 : vector<16xf32> to vector<1x16xf32>
        tpu.vector_store %arg10[%swap3A_1125, %swap3A_1126], %swap3A_1129 {strides = array<i32>} : memref<112x128xf32, #tpu.memory_space<vmem>>, vector<1x16xf32>,
        %get3A_1130 = arith.index_cast %scan3A_1062 : i32 to index
        %get3A_1131 = arith.constant 48 : index
        %get3A_1132 = tpu.vector_load %arg9[%get3A_1130, %get3A_1131] {strides = array<i32>} : memref<112x128xf32, #tpu.memory_space<vmem>>, vector<1x16xf32>,
        %get3A_1133 = vector.shape_cast %get3A_1132 : vector<1x16xf32> to vector<16xf32>
        %mul3A_1134 = arith.mulf %get3A_1133, %get3A_1067 : vector<16xf32>
        %swap3A_1135 = arith.index_cast %scan3A_1062 : i32 to index
        %swap3A_1136 = arith.constant 48 : index
        %swap3A_1137 = tpu.vector_load %arg9[%swap3A_1135, %swap3A_1136] {strides = array<i32>} : memref<112x128xf32, #tpu.memory_space<vmem>>, vector<1x16xf32>,
        %swap3A_1138 = vector.shape_cast %swap3A_1137 : vector<1x16xf32> to vector<16xf32>
        %swap3A_1139 = vector.shape_cast %mul3A_1134 : vector<16xf32> to vector<1x16xf32>
        tpu.vector_store %arg9[%swap3A_1135, %swap3A_1136], %swap3A_1139 {strides = array<i32>} : memref<112x128xf32, #tpu.memory_space<vmem>>, vector<1x16xf32>,
        %get3A_1140 = arith.index_cast %scan3A_1062 : i32 to index
        %get3A_1141 = arith.constant 48 : index
        %get3A_1142 = tpu.vector_load %arg10[%get3A_1140, %get3A_1141] {strides = array<i32>} : memref<112x128xf32, #tpu.memory_space<vmem>>, vector<1x16xf32>,
        %get3A_1143 = vector.shape_cast %get3A_1142 : vector<1x16xf32> to vector<16xf32>
        %mul3A_1144 = arith.mulf %get3A_322, %mul3A_1134 : vector<16xf32>
        %add3A_1145 = arith.addf %get3A_1143, %mul3A_1144 : vector<16xf32>
        %swap3A_1146 = arith.index_cast %scan3A_1062 : i32 to index
        %swap3A_1147 = arith.constant 48 : index
        %swap3A_1148 = tpu.vector_load %arg10[%swap3A_1146, %swap3A_1147] {strides = array<i32>} : memref<112x128xf32, #tpu.memory_space<vmem>>, vector<1x16xf32>,
        %swap3A_1149 = vector.shape_cast %swap3A_1148 : vector<1x16xf32> to vector<16xf32>
        %swap3A_1150 = vector.shape_cast %add3A_1145 : vector<16xf32> to vector<1x16xf32>
        tpu.vector_store %arg10[%swap3A_1146, %swap3A_1147], %swap3A_1150 {strides = array<i32>} : memref<112x128xf32, #tpu.memory_space<vmem>>, vector<1x16xf32>,
        %get3A_1151 = arith.index_cast %scan3A_1062 : i32 to index
        %get3A_1152 = arith.constant 64 : index
        %get3A_1153 = tpu.vector_load %arg9[%get3A_1151, %get3A_1152] {strides = array<i32>} : memref<112x128xf32, #tpu.memory_space<vmem>>, vector<1x16xf32>,
        %get3A_1154 = vector.shape_cast %get3A_1153 : vector<1x16xf32> to vector<16xf32>
        %mul3A_1155 = arith.mulf %get3A_1154, %get3A_1067 : vector<16xf32>
        %swap3A_1156 = arith.index_cast %scan3A_1062 : i32 to index
        %swap3A_1157 = arith.constant 64 : index
        %swap3A_1158 = tpu.vector_load %arg9[%swap3A_1156, %swap3A_1157] {strides = array<i32>} : memref<112x128xf32, #tpu.memory_space<vmem>>, vector<1x16xf32>,
        %swap3A_1159 = vector.shape_cast %swap3A_1158 : vector<1x16xf32> to vector<16xf32>
        %swap3A_1160 = vector.shape_cast %mul3A_1155 : vector<16xf32> to vector<1x16xf32>
        tpu.vector_store %arg9[%swap3A_1156, %swap3A_1157], %swap3A_1160 {strides = array<i32>} : memref<112x128xf32, #tpu.memory_space<vmem>>, vector<1x16xf32>,
        %get3A_1161 = arith.index_cast %scan3A_1062 : i32 to index
        %get3A_1162 = arith.constant 64 : index
        %get3A_1163 = tpu.vector_load %arg10[%get3A_1161, %get3A_1162] {strides = array<i32>} : memref<112x128xf32, #tpu.memory_space<vmem>>, vector<1x16xf32>,
        %get3A_1164 = vector.shape_cast %get3A_1163 : vector<1x16xf32> to vector<16xf32>
        %mul3A_1165 = arith.mulf %get3A_328, %mul3A_1155 : vector<16xf32>
        %add3A_1166 = arith.addf %get3A_1164, %mul3A_1165 : vector<16xf32>
        %swap3A_1167 = arith.index_cast %scan3A_1062 : i32 to index
        %swap3A_1168 = arith.constant 64 : index
        %swap3A_1169 = tpu.vector_load %arg10[%swap3A_1167, %swap3A_1168] {strides = array<i32>} : memref<112x128xf32, #tpu.memory_space<vmem>>, vector<1x16xf32>,
        %swap3A_1170 = vector.shape_cast %swap3A_1169 : vector<1x16xf32> to vector<16xf32>
        %swap3A_1171 = vector.shape_cast %add3A_1166 : vector<16xf32> to vector<1x16xf32>
        tpu.vector_store %arg10[%swap3A_1167, %swap3A_1168], %swap3A_1171 {strides = array<i32>} : memref<112x128xf32, #tpu.memory_space<vmem>>, vector<1x16xf32>,
        %get3A_1172 = arith.index_cast %scan3A_1062 : i32 to index
        %get3A_1173 = arith.constant 80 : index
        %get3A_1174 = tpu.vector_load %arg10[%get3A_1172, %get3A_1173] {strides = array<i32>} : memref<112x128xf32, #tpu.memory_space<vmem>>, vector<1x16xf32>,
        %get3A_1175 = vector.shape_cast %get3A_1174 : vector<1x16xf32> to vector<16xf32>
        %mul3A_1176 = arith.mulf %get3A_334, %mul3A_1155 : vector<16xf32>
        %add3A_1177 = arith.addf %get3A_1175, %mul3A_1176 : vector<16xf32>
        %swap3A_1178 = arith.index_cast %scan3A_1062 : i32 to index
        %swap3A_1179 = arith.constant 80 : index
        %swap3A_1180 = tpu.vector_load %arg10[%swap3A_1178, %swap3A_1179] {strides = array<i32>} : memref<112x128xf32, #tpu.memory_space<vmem>>, vector<1x16xf32>,
        %swap3A_1181 = vector.shape_cast %swap3A_1180 : vector<1x16xf32> to vector<16xf32>
        %swap3A_1182 = vector.shape_cast %add3A_1177 : vector<16xf32> to vector<1x16xf32>
        tpu.vector_store %arg10[%swap3A_1178, %swap3A_1179], %swap3A_1182 {strides = array<i32>} : memref<112x128xf32, #tpu.memory_space<vmem>>, vector<1x16xf32>,
        %scan3A_1183 = arith.constant 0 : i32
        scf.yield %scan3A_1183 : i32
      }
      %scan3A_516 = arith.constant 112 : i32
      %mul3A_517 = arith.constant 10112 : i32
      %mul3A_518 = arith.muli %arg0, %mul3A_517 : i32
      %add3A_519 = arith.addi %mul3A_518, %mul3A_0 : i32
      %add3A_520 = arith.constant 112 : i32
      %add3A_521 = arith.addi %add3A_519, %add3A_520 : i32
      %dma_start3A_522 = arith.constant 0 : i32
      %dma_start3A_523 = arith.constant 0 : i32
      %dma_start3A_524 = tpu.memref_slice %arg9[%dma_start3A_522, %dma_start3A_523] : memref<112x128xf32, #tpu.memory_space<vmem>> -> memref<112x128xf32, #tpu.memory_space<vmem>>
      %dma_start3A_525 = arith.constant 0 : i32
      %dma_start3A_526 = tpu.memref_slice %arg7[%add3A_521, %dma_start3A_525] : memref<20224x128xf32, #tpu.memory_space<hbm>> -> memref<112x128xf32, #tpu.memory_space<hbm>>
      %dma_start3A_527 = arith.constant 0 : i32
      %dma_start3A_528 = tpu.memref_slice %arg7[%add3A_521, %dma_start3A_527] : memref<20224x128xf32, #tpu.memory_space<hbm>> -> memref<112x128xf32, #tpu.memory_space<hbm>>
      %dma_start3A_529 = arith.constant 0 : i32
      %dma_start3A_530 = arith.constant 0 : i32
      %dma_start3A_531 = tpu.memref_slice %arg9[%dma_start3A_529, %dma_start3A_530] : memref<112x128xf32, #tpu.memory_space<vmem>> -> memref<112x128xf32, #tpu.memory_space<vmem>>
      tpu.enqueue_dma source(%dma_start3A_531 : memref<112x128xf32, #tpu.memory_space<vmem>>) target(%dma_start3A_528 : memref<112x128xf32, #tpu.memory_space<hbm>>) target_semaphore(%arg18 : memref<!tpu.dma_semaphore, #tpu.memory_space<semaphore_mem>>)
      %mul3A_532 = arith.constant 10112 : i32
      %mul3A_533 = arith.muli %arg0, %mul3A_532 : i32
      %add3A_534 = arith.addi %mul3A_533, %mul3A_0 : i32
      %add3A_535 = arith.constant 112 : i32
      %add3A_536 = arith.addi %add3A_534, %add3A_535 : i32
      %dma_start3A_537 = arith.constant 0 : i32
      %dma_start3A_538 = arith.constant 0 : i32
      %dma_start3A_539 = tpu.memref_slice %arg10[%dma_start3A_537, %dma_start3A_538] : memref<112x128xf32, #tpu.memory_space<vmem>> -> memref<112x128xf32, #tpu.memory_space<vmem>>
      %dma_start3A_540 = arith.constant 0 : i32
      %dma_start3A_541 = tpu.memref_slice %arg6[%add3A_536, %dma_start3A_540] : memref<20224x128xf32, #tpu.memory_space<hbm>> -> memref<112x128xf32, #tpu.memory_space<hbm>>
      %dma_start3A_542 = arith.constant 0 : i32
      %dma_start3A_543 = tpu.memref_slice %arg6[%add3A_536, %dma_start3A_542] : memref<20224x128xf32, #tpu.memory_space<hbm>> -> memref<112x128xf32, #tpu.memory_space<hbm>>
      %dma_start3A_544 = arith.constant 0 : i32
      %dma_start3A_545 = arith.constant 0 : i32
      %dma_start3A_546 = tpu.memref_slice %arg10[%dma_start3A_544, %dma_start3A_545] : memref<112x128xf32, #tpu.memory_space<vmem>> -> memref<112x128xf32, #tpu.memory_space<vmem>>
      tpu.enqueue_dma source(%dma_start3A_546 : memref<112x128xf32, #tpu.memory_space<vmem>>) target(%dma_start3A_543 : memref<112x128xf32, #tpu.memory_space<hbm>>) target_semaphore(%arg19 : memref<!tpu.dma_semaphore, #tpu.memory_space<semaphore_mem>>)
      %mul3A_547 = arith.constant 10112 : i32
      %mul3A_548 = arith.muli %arg0, %mul3A_547 : i32
      %add3A_549 = arith.addi %mul3A_548, %mul3A_0 : i32
      %add3A_550 = arith.constant 112 : i32
      %add3A_551 = arith.addi %add3A_549, %add3A_550 : i32
      %dma_wait3A_552 = arith.constant 0 : i32
      %dma_wait3A_553 = arith.constant 0 : i32
      %dma_wait3A_554 = tpu.memref_slice %arg9[%dma_wait3A_552, %dma_wait3A_553] : memref<112x128xf32, #tpu.memory_space<vmem>> -> memref<112x128xf32, #tpu.memory_space<vmem>>
      %dma_wait3A_555 = arith.constant 0 : i32
      %dma_wait3A_556 = tpu.memref_slice %arg7[%add3A_551, %dma_wait3A_555] : memref<20224x128xf32, #tpu.memory_space<hbm>> -> memref<112x128xf32, #tpu.memory_space<hbm>>
      %dma_wait3A_557 = arith.constant 0 : i32
      %dma_wait3A_558 = tpu.memref_slice %arg7[%add3A_551, %dma_wait3A_557] : memref<20224x128xf32, #tpu.memory_space<hbm>> -> memref<112x128xf32, #tpu.memory_space<hbm>>
      %dma_wait3A_559 = arith.constant 0 : i32
      %dma_wait3A_560 = arith.constant 0 : i32
      %dma_wait3A_561 = tpu.memref_slice %arg9[%dma_wait3A_559, %dma_wait3A_560] : memref<112x128xf32, #tpu.memory_space<vmem>> -> memref<112x128xf32, #tpu.memory_space<vmem>>
      tpu.wait_dma2 semaphore(%arg18 : memref<!tpu.dma_semaphore, #tpu.memory_space<semaphore_mem>>) src(%dma_wait3A_561 : memref<112x128xf32, #tpu.memory_space<vmem>>) dst(%dma_wait3A_558 : memref<112x128xf32, #tpu.memory_space<hbm>>)
      %mul3A_562 = arith.constant 10112 : i32
      %mul3A_563 = arith.muli %arg0, %mul3A_562 : i32
      %add3A_564 = arith.addi %mul3A_563, %mul3A_0 : i32
      %add3A_565 = arith.constant 112 : i32
      %add3A_566 = arith.addi %add3A_564, %add3A_565 : i32
      %dma_wait3A_567 = arith.constant 0 : i32
      %dma_wait3A_568 = arith.constant 0 : i32
      %dma_wait3A_569 = tpu.memref_slice %arg10[%dma_wait3A_567, %dma_wait3A_568] : memref<112x128xf32, #tpu.memory_space<vmem>> -> memref<112x128xf32, #tpu.memory_space<vmem>>
      %dma_wait3A_570 = arith.constant 0 : i32
      %dma_wait3A_571 = tpu.memref_slice %arg6[%add3A_566, %dma_wait3A_570] : memref<20224x128xf32, #tpu.memory_space<hbm>> -> memref<112x128xf32, #tpu.memory_space<hbm>>
      %dma_wait3A_572 = arith.constant 0 : i32
      %dma_wait3A_573 = tpu.memref_slice %arg6[%add3A_566, %dma_wait3A_572] : memref<20224x128xf32, #tpu.memory_space<hbm>> -> memref<112x128xf32, #tpu.memory_space<hbm>>
      %dma_wait3A_574 = arith.constant 0 : i32
      %dma_wait3A_575 = arith.constant 0 : i32
      %dma_wait3A_576 = tpu.memref_slice %arg10[%dma_wait3A_574, %dma_wait3A_575] : memref<112x128xf32, #tpu.memory_space<vmem>> -> memref<112x128xf32, #tpu.memory_space<vmem>>
      tpu.wait_dma2 semaphore(%arg19 : memref<!tpu.dma_semaphore, #tpu.memory_space<semaphore_mem>>) src(%dma_wait3A_576 : memref<112x128xf32, #tpu.memory_space<vmem>>) dst(%dma_wait3A_573 : memref<112x128xf32, #tpu.memory_space<hbm>>)
      %add3A_577 = arith.constant 224 : i32
      %add3A_578 = arith.addi %mul3A_0, %add3A_577 : i32
      %dma_start3A_579 = arith.constant 0 : i32
      %dma_start3A_580 = arith.constant 0 : i32
      %dma_start3A_581 = tpu.memref_slice %arg9[%dma_start3A_579, %dma_start3A_580] : memref<112x128xf32, #tpu.memory_space<vmem>> -> memref<112x128xf32, #tpu.memory_space<vmem>>
      %dma_start3A_582 = arith.constant 0 : i32
      %dma_start3A_583 = tpu.memref_slice %arg13[%add3A_578, %dma_start3A_582] : memref<10112x128xf32, #tpu.memory_space<vmem_shared>> -> memref<112x128xf32, #tpu.memory_space<vmem_shared>>
      %dma_start3A_584 = arith.constant 0 : i32
      %dma_start3A_585 = arith.constant 0 : i32
      %dma_start3A_586 = tpu.memref_slice %arg9[%dma_start3A_584, %dma_start3A_585] : memref<112x128xf32, #tpu.memory_space<vmem>> -> memref<112x128xf32, #tpu.memory_space<vmem>>
      %dma_start3A_587 = arith.constant 0 : i32
      %dma_start3A_588 = tpu.memref_slice %arg13[%add3A_578, %dma_start3A_587] : memref<10112x128xf32, #tpu.memory_space<vmem_shared>> -> memref<112x128xf32, #tpu.memory_space<vmem_shared>>
      tpu.enqueue_dma source(%dma_start3A_588 : memref<112x128xf32, #tpu.memory_space<vmem_shared>>) target(%dma_start3A_586 : memref<112x128xf32, #tpu.memory_space<vmem>>) target_semaphore(%arg15 : memref<!tpu.dma_semaphore, #tpu.memory_space<semaphore_mem>>)
      %mul3A_589 = arith.constant 10112 : i32
      %mul3A_590 = arith.muli %arg0, %mul3A_589 : i32
      %add3A_591 = arith.addi %mul3A_590, %mul3A_0 : i32
      %add3A_592 = arith.constant 224 : i32
      %add3A_593 = arith.addi %add3A_591, %add3A_592 : i32
      %dma_start3A_594 = arith.constant 0 : i32
      %dma_start3A_595 = arith.constant 0 : i32
      %dma_start3A_596 = tpu.memref_slice %arg10[%dma_start3A_594, %dma_start3A_595] : memref<112x128xf32, #tpu.memory_space<vmem>> -> memref<112x128xf32, #tpu.memory_space<vmem>>
      %dma_start3A_597 = arith.constant 0 : i32
      %dma_start3A_598 = tpu.memref_slice %arg6[%add3A_593, %dma_start3A_597] : memref<20224x128xf32, #tpu.memory_space<hbm>> -> memref<112x128xf32, #tpu.memory_space<hbm>>
      %dma_start3A_599 = arith.constant 0 : i32
      %dma_start3A_600 = arith.constant 0 : i32
      %dma_start3A_601 = tpu.memref_slice %arg10[%dma_start3A_599, %dma_start3A_600] : memref<112x128xf32, #tpu.memory_space<vmem>> -> memref<112x128xf32, #tpu.memory_space<vmem>>
      %dma_start3A_602 = arith.constant 0 : i32
      %dma_start3A_603 = tpu.memref_slice %arg6[%add3A_593, %dma_start3A_602] : memref<20224x128xf32, #tpu.memory_space<hbm>> -> memref<112x128xf32, #tpu.memory_space<hbm>>
      tpu.enqueue_dma source(%dma_start3A_603 : memref<112x128xf32, #tpu.memory_space<hbm>>) target(%dma_start3A_601 : memref<112x128xf32, #tpu.memory_space<vmem>>) target_semaphore(%arg16 : memref<!tpu.dma_semaphore, #tpu.memory_space<semaphore_mem>>)
      %add3A_604 = arith.constant 224 : i32
      %add3A_605 = arith.addi %mul3A_0, %add3A_604 : i32
      %dma_wait3A_606 = arith.constant 0 : i32
      %dma_wait3A_607 = arith.constant 0 : i32
      %dma_wait3A_608 = tpu.memref_slice %arg9[%dma_wait3A_606, %dma_wait3A_607] : memref<112x128xf32, #tpu.memory_space<vmem>> -> memref<112x128xf32, #tpu.memory_space<vmem>>
      %dma_wait3A_609 = arith.constant 0 : i32
      %dma_wait3A_610 = tpu.memref_slice %arg13[%add3A_605, %dma_wait3A_609] : memref<10112x128xf32, #tpu.memory_space<vmem_shared>> -> memref<112x128xf32, #tpu.memory_space<vmem_shared>>
      %dma_wait3A_611 = arith.constant 0 : i32
      %dma_wait3A_612 = arith.constant 0 : i32
      %dma_wait3A_613 = tpu.memref_slice %arg9[%dma_wait3A_611, %dma_wait3A_612] : memref<112x128xf32, #tpu.memory_space<vmem>> -> memref<112x128xf32, #tpu.memory_space<vmem>>
      %dma_wait3A_614 = arith.constant 0 : i32
      %dma_wait3A_615 = tpu.memref_slice %arg13[%add3A_605, %dma_wait3A_614] : memref<10112x128xf32, #tpu.memory_space<vmem_shared>> -> memref<112x128xf32, #tpu.memory_space<vmem_shared>>
      tpu.wait_dma2 semaphore(%arg15 : memref<!tpu.dma_semaphore, #tpu.memory_space<semaphore_mem>>) src(%dma_wait3A_615 : memref<112x128xf32, #tpu.memory_space<vmem_shared>>) dst(%dma_wait3A_613 : memref<112x128xf32, #tpu.memory_space<vmem>>)
      %mul3A_616 = arith.constant 10112 : i32
      %mul3A_617 = arith.muli %arg0, %mul3A_616 : i32
      %add3A_618 = arith.addi %mul3A_617, %mul3A_0 : i32
      %add3A_619 = arith.constant 224 : i32
      %add3A_620 = arith.addi %add3A_618, %add3A_619 : i32
      %dma_wait3A_621 = arith.constant 0 : i32
      %dma_wait3A_622 = arith.constant 0 : i32
      %dma_wait3A_623 = tpu.memref_slice %arg10[%dma_wait3A_621, %dma_wait3A_622] : memref<112x128xf32, #tpu.memory_space<vmem>> -> memref<112x128xf32, #tpu.memory_space<vmem>>
      %dma_wait3A_624 = arith.constant 0 : i32
      %dma_wait3A_625 = tpu.memref_slice %arg6[%add3A_620, %dma_wait3A_624] : memref<20224x128xf32, #tpu.memory_space<hbm>> -> memref<112x128xf32, #tpu.memory_space<hbm>>
      %dma_wait3A_626 = arith.constant 0 : i32
      %dma_wait3A_627 = arith.constant 0 : i32
      %dma_wait3A_628 = tpu.memref_slice %arg10[%dma_wait3A_626, %dma_wait3A_627] : memref<112x128xf32, #tpu.memory_space<vmem>> -> memref<112x128xf32, #tpu.memory_space<vmem>>
      %dma_wait3A_629 = arith.constant 0 : i32
      %dma_wait3A_630 = tpu.memref_slice %arg6[%add3A_620, %dma_wait3A_629] : memref<20224x128xf32, #tpu.memory_space<hbm>> -> memref<112x128xf32, #tpu.memory_space<hbm>>
      tpu.wait_dma2 semaphore(%arg16 : memref<!tpu.dma_semaphore, #tpu.memory_space<semaphore_mem>>) src(%dma_wait3A_630 : memref<112x128xf32, #tpu.memory_space<hbm>>) dst(%dma_wait3A_628 : memref<112x128xf32, #tpu.memory_space<vmem>>)
      %scan3A_631 = arith.constant 0 : i32
      %scan3A_632 = arith.constant 0 : i32
      %scan3A_633 = arith.constant 112 : i32
      %scan3A_634 = arith.addi %scan3A_632, %scan3A_633 : i32
      %scan3A_635 = arith.constant 1 : i32
      %scan3A_636 = scf.for %scan3A_1062 = %scan3A_632 to %scan3A_634 step %scan3A_635 iter_args(%scan3A_1063 = %scan3A_631) -> (i32)  : i32 {
        %get3A_1064 = arith.index_cast %scan3A_1062 : i32 to index
        %get3A_1065 = arith.constant 96 : index
        %get3A_1066 = tpu.vector_load %arg10[%get3A_1064, %get3A_1065] {strides = array<i32>} : memref<112x128xf32, #tpu.memory_space<vmem>>, vector<1x16xf32>,
        %get3A_1067 = vector.shape_cast %get3A_1066 : vector<1x16xf32> to vector<16xf32>
        %get3A_1068 = arith.index_cast %scan3A_1062 : i32 to index
        %get3A_1069 = arith.constant 0 : index
        %get3A_1070 = tpu.vector_load %arg9[%get3A_1068, %get3A_1069] {strides = array<i32>} : memref<112x128xf32, #tpu.memory_space<vmem>>, vector<1x16xf32>,
        %get3A_1071 = vector.shape_cast %get3A_1070 : vector<1x16xf32> to vector<16xf32>
        %mul3A_1072 = arith.mulf %get3A_1071, %get3A_1067 : vector<16xf32>
        %swap3A = arith.index_cast %scan3A_1062 : i32 to index
        %swap3A_1073 = arith.constant 0 : index
        %swap3A_1074 = tpu.vector_load %arg9[%swap3A, %swap3A_1073] {strides = array<i32>} : memref<112x128xf32, #tpu.memory_space<vmem>>, vector<1x16xf32>,
        %swap3A_1075 = vector.shape_cast %swap3A_1074 : vector<1x16xf32> to vector<16xf32>
        %swap3A_1076 = vector.shape_cast %mul3A_1072 : vector<16xf32> to vector<1x16xf32>
        tpu.vector_store %arg9[%swap3A, %swap3A_1073], %swap3A_1076 {strides = array<i32>} : memref<112x128xf32, #tpu.memory_space<vmem>>, vector<1x16xf32>,
        %get3A_1077 = arith.index_cast %scan3A_1062 : i32 to index
        %get3A_1078 = arith.constant 0 : index
        %get3A_1079 = tpu.vector_load %arg10[%get3A_1077, %get3A_1078] {strides = array<i32>} : memref<112x128xf32, #tpu.memory_space<vmem>>, vector<1x16xf32>,
        %get3A_1080 = vector.shape_cast %get3A_1079 : vector<1x16xf32> to vector<16xf32>
        %mul3A_1081 = arith.mulf %get3A_322, %mul3A_1072 : vector<16xf32>
        %add3A_1082 = arith.addf %get3A_1080, %mul3A_1081 : vector<16xf32>
        %swap3A_1083 = arith.index_cast %scan3A_1062 : i32 to index
        %swap3A_1084 = arith.constant 0 : index
        %swap3A_1085 = tpu.vector_load %arg10[%swap3A_1083, %swap3A_1084] {strides = array<i32>} : memref<112x128xf32, #tpu.memory_space<vmem>>, vector<1x16xf32>,
        %swap3A_1086 = vector.shape_cast %swap3A_1085 : vector<1x16xf32> to vector<16xf32>
        %swap3A_1087 = vector.shape_cast %add3A_1082 : vector<16xf32> to vector<1x16xf32>
        tpu.vector_store %arg10[%swap3A_1083, %swap3A_1084], %swap3A_1087 {strides = array<i32>} : memref<112x128xf32, #tpu.memory_space<vmem>>, vector<1x16xf32>,
        %get3A_1088 = arith.index_cast %scan3A_1062 : i32 to index
        %get3A_1089 = arith.constant 16 : index
        %get3A_1090 = tpu.vector_load %arg9[%get3A_1088, %get3A_1089] {strides = array<i32>} : memref<112x128xf32, #tpu.memory_space<vmem>>, vector<1x16xf32>,
        %get3A_1091 = vector.shape_cast %get3A_1090 : vector<1x16xf32> to vector<16xf32>
        %mul3A_1092 = arith.mulf %get3A_1091, %get3A_1067 : vector<16xf32>
        %swap3A_1093 = arith.index_cast %scan3A_1062 : i32 to index
        %swap3A_1094 = arith.constant 16 : index
        %swap3A_1095 = tpu.vector_load %arg9[%swap3A_1093, %swap3A_1094] {strides = array<i32>} : memref<112x128xf32, #tpu.memory_space<vmem>>, vector<1x16xf32>,
        %swap3A_1096 = vector.shape_cast %swap3A_1095 : vector<1x16xf32> to vector<16xf32>
        %swap3A_1097 = vector.shape_cast %mul3A_1092 : vector<16xf32> to vector<1x16xf32>
        tpu.vector_store %arg9[%swap3A_1093, %swap3A_1094], %swap3A_1097 {strides = array<i32>} : memref<112x128xf32, #tpu.memory_space<vmem>>, vector<1x16xf32>,
        %get3A_1098 = arith.index_cast %scan3A_1062 : i32 to index
        %get3A_1099 = arith.constant 16 : index
        %get3A_1100 = tpu.vector_load %arg10[%get3A_1098, %get3A_1099] {strides = array<i32>} : memref<112x128xf32, #tpu.memory_space<vmem>>, vector<1x16xf32>,
        %get3A_1101 = vector.shape_cast %get3A_1100 : vector<1x16xf32> to vector<16xf32>
        %mul3A_1102 = arith.mulf %get3A_322, %mul3A_1092 : vector<16xf32>
        %add3A_1103 = arith.addf %get3A_1101, %mul3A_1102 : vector<16xf32>
        %swap3A_1104 = arith.index_cast %scan3A_1062 : i32 to index
        %swap3A_1105 = arith.constant 16 : index
        %swap3A_1106 = tpu.vector_load %arg10[%swap3A_1104, %swap3A_1105] {strides = array<i32>} : memref<112x128xf32, #tpu.memory_space<vmem>>, vector<1x16xf32>,
        %swap3A_1107 = vector.shape_cast %swap3A_1106 : vector<1x16xf32> to vector<16xf32>
        %swap3A_1108 = vector.shape_cast %add3A_1103 : vector<16xf32> to vector<1x16xf32>
        tpu.vector_store %arg10[%swap3A_1104, %swap3A_1105], %swap3A_1108 {strides = array<i32>} : memref<112x128xf32, #tpu.memory_space<vmem>>, vector<1x16xf32>,
        %get3A_1109 = arith.index_cast %scan3A_1062 : i32 to index
        %get3A_1110 = arith.constant 32 : index
        %get3A_1111 = tpu.vector_load %arg9[%get3A_1109, %get3A_1110] {strides = array<i32>} : memref<112x128xf32, #tpu.memory_space<vmem>>, vector<1x16xf32>,
        %get3A_1112 = vector.shape_cast %get3A_1111 : vector<1x16xf32> to vector<16xf32>
        %mul3A_1113 = arith.mulf %get3A_1112, %get3A_1067 : vector<16xf32>
        %swap3A_1114 = arith.index_cast %scan3A_1062 : i32 to index
        %swap3A_1115 = arith.constant 32 : index
        %swap3A_1116 = tpu.vector_load %arg9[%swap3A_1114, %swap3A_1115] {strides = array<i32>} : memref<112x128xf32, #tpu.memory_space<vmem>>, vector<1x16xf32>,
        %swap3A_1117 = vector.shape_cast %swap3A_1116 : vector<1x16xf32> to vector<16xf32>
        %swap3A_1118 = vector.shape_cast %mul3A_1113 : vector<16xf32> to vector<1x16xf32>
        tpu.vector_store %arg9[%swap3A_1114, %swap3A_1115], %swap3A_1118 {strides = array<i32>} : memref<112x128xf32, #tpu.memory_space<vmem>>, vector<1x16xf32>,
        %get3A_1119 = arith.index_cast %scan3A_1062 : i32 to index
        %get3A_1120 = arith.constant 32 : index
        %get3A_1121 = tpu.vector_load %arg10[%get3A_1119, %get3A_1120] {strides = array<i32>} : memref<112x128xf32, #tpu.memory_space<vmem>>, vector<1x16xf32>,
        %get3A_1122 = vector.shape_cast %get3A_1121 : vector<1x16xf32> to vector<16xf32>
        %mul3A_1123 = arith.mulf %get3A_322, %mul3A_1113 : vector<16xf32>
        %add3A_1124 = arith.addf %get3A_1122, %mul3A_1123 : vector<16xf32>
        %swap3A_1125 = arith.index_cast %scan3A_1062 : i32 to index
        %swap3A_1126 = arith.constant 32 : index
        %swap3A_1127 = tpu.vector_load %arg10[%swap3A_1125, %swap3A_1126] {strides = array<i32>} : memref<112x128xf32, #tpu.memory_space<vmem>>, vector<1x16xf32>,
        %swap3A_1128 = vector.shape_cast %swap3A_1127 : vector<1x16xf32> to vector<16xf32>
        %swap3A_1129 = vector.shape_cast %add3A_1124 : vector<16xf32> to vector<1x16xf32>
        tpu.vector_store %arg10[%swap3A_1125, %swap3A_1126], %swap3A_1129 {strides = array<i32>} : memref<112x128xf32, #tpu.memory_space<vmem>>, vector<1x16xf32>,
        %get3A_1130 = arith.index_cast %scan3A_1062 : i32 to index
        %get3A_1131 = arith.constant 48 : index
        %get3A_1132 = tpu.vector_load %arg9[%get3A_1130, %get3A_1131] {strides = array<i32>} : memref<112x128xf32, #tpu.memory_space<vmem>>, vector<1x16xf32>,
        %get3A_1133 = vector.shape_cast %get3A_1132 : vector<1x16xf32> to vector<16xf32>
        %mul3A_1134 = arith.mulf %get3A_1133, %get3A_1067 : vector<16xf32>
        %swap3A_1135 = arith.index_cast %scan3A_1062 : i32 to index
        %swap3A_1136 = arith.constant 48 : index
        %swap3A_1137 = tpu.vector_load %arg9[%swap3A_1135, %swap3A_1136] {strides = array<i32>} : memref<112x128xf32, #tpu.memory_space<vmem>>, vector<1x16xf32>,
        %swap3A_1138 = vector.shape_cast %swap3A_1137 : vector<1x16xf32> to vector<16xf32>
        %swap3A_1139 = vector.shape_cast %mul3A_1134 : vector<16xf32> to vector<1x16xf32>
        tpu.vector_store %arg9[%swap3A_1135, %swap3A_1136], %swap3A_1139 {strides = array<i32>} : memref<112x128xf32, #tpu.memory_space<vmem>>, vector<1x16xf32>,
        %get3A_1140 = arith.index_cast %scan3A_1062 : i32 to index
        %get3A_1141 = arith.constant 48 : index
        %get3A_1142 = tpu.vector_load %arg10[%get3A_1140, %get3A_1141] {strides = array<i32>} : memref<112x128xf32, #tpu.memory_space<vmem>>, vector<1x16xf32>,
        %get3A_1143 = vector.shape_cast %get3A_1142 : vector<1x16xf32> to vector<16xf32>
        %mul3A_1144 = arith.mulf %get3A_322, %mul3A_1134 : vector<16xf32>
        %add3A_1145 = arith.addf %get3A_1143, %mul3A_1144 : vector<16xf32>
        %swap3A_1146 = arith.index_cast %scan3A_1062 : i32 to index
        %swap3A_1147 = arith.constant 48 : index
        %swap3A_1148 = tpu.vector_load %arg10[%swap3A_1146, %swap3A_1147] {strides = array<i32>} : memref<112x128xf32, #tpu.memory_space<vmem>>, vector<1x16xf32>,
        %swap3A_1149 = vector.shape_cast %swap3A_1148 : vector<1x16xf32> to vector<16xf32>
        %swap3A_1150 = vector.shape_cast %add3A_1145 : vector<16xf32> to vector<1x16xf32>
        tpu.vector_store %arg10[%swap3A_1146, %swap3A_1147], %swap3A_1150 {strides = array<i32>} : memref<112x128xf32, #tpu.memory_space<vmem>>, vector<1x16xf32>,
        %get3A_1151 = arith.index_cast %scan3A_1062 : i32 to index
        %get3A_1152 = arith.constant 64 : index
        %get3A_1153 = tpu.vector_load %arg9[%get3A_1151, %get3A_1152] {strides = array<i32>} : memref<112x128xf32, #tpu.memory_space<vmem>>, vector<1x16xf32>,
        %get3A_1154 = vector.shape_cast %get3A_1153 : vector<1x16xf32> to vector<16xf32>
        %mul3A_1155 = arith.mulf %get3A_1154, %get3A_1067 : vector<16xf32>
        %swap3A_1156 = arith.index_cast %scan3A_1062 : i32 to index
        %swap3A_1157 = arith.constant 64 : index
        %swap3A_1158 = tpu.vector_load %arg9[%swap3A_1156, %swap3A_1157] {strides = array<i32>} : memref<112x128xf32, #tpu.memory_space<vmem>>, vector<1x16xf32>,
        %swap3A_1159 = vector.shape_cast %swap3A_1158 : vector<1x16xf32> to vector<16xf32>
        %swap3A_1160 = vector.shape_cast %mul3A_1155 : vector<16xf32> to vector<1x16xf32>
        tpu.vector_store %arg9[%swap3A_1156, %swap3A_1157], %swap3A_1160 {strides = array<i32>} : memref<112x128xf32, #tpu.memory_space<vmem>>, vector<1x16xf32>,
        %get3A_1161 = arith.index_cast %scan3A_1062 : i32 to index
        %get3A_1162 = arith.constant 64 : index
        %get3A_1163 = tpu.vector_load %arg10[%get3A_1161, %get3A_1162] {strides = array<i32>} : memref<112x128xf32, #tpu.memory_space<vmem>>, vector<1x16xf32>,
        %get3A_1164 = vector.shape_cast %get3A_1163 : vector<1x16xf32> to vector<16xf32>
        %mul3A_1165 = arith.mulf %get3A_328, %mul3A_1155 : vector<16xf32>
        %add3A_1166 = arith.addf %get3A_1164, %mul3A_1165 : vector<16xf32>
        %swap3A_1167 = arith.index_cast %scan3A_1062 : i32 to index
        %swap3A_1168 = arith.constant 64 : index
        %swap3A_1169 = tpu.vector_load %arg10[%swap3A_1167, %swap3A_1168] {strides = array<i32>} : memref<112x128xf32, #tpu.memory_space<vmem>>, vector<1x16xf32>,
        %swap3A_1170 = vector.shape_cast %swap3A_1169 : vector<1x16xf32> to vector<16xf32>
        %swap3A_1171 = vector.shape_cast %add3A_1166 : vector<16xf32> to vector<1x16xf32>
        tpu.vector_store %arg10[%swap3A_1167, %swap3A_1168], %swap3A_1171 {strides = array<i32>} : memref<112x128xf32, #tpu.memory_space<vmem>>, vector<1x16xf32>,
        %get3A_1172 = arith.index_cast %scan3A_1062 : i32 to index
        %get3A_1173 = arith.constant 80 : index
        %get3A_1174 = tpu.vector_load %arg10[%get3A_1172, %get3A_1173] {strides = array<i32>} : memref<112x128xf32, #tpu.memory_space<vmem>>, vector<1x16xf32>,
        %get3A_1175 = vector.shape_cast %get3A_1174 : vector<1x16xf32> to vector<16xf32>
        %mul3A_1176 = arith.mulf %get3A_334, %mul3A_1155 : vector<16xf32>
        %add3A_1177 = arith.addf %get3A_1175, %mul3A_1176 : vector<16xf32>
        %swap3A_1178 = arith.index_cast %scan3A_1062 : i32 to index
        %swap3A_1179 = arith.constant 80 : index
        %swap3A_1180 = tpu.vector_load %arg10[%swap3A_1178, %swap3A_1179] {strides = array<i32>} : memref<112x128xf32, #tpu.memory_space<vmem>>, vector<1x16xf32>,
        %swap3A_1181 = vector.shape_cast %swap3A_1180 : vector<1x16xf32> to vector<16xf32>
        %swap3A_1182 = vector.shape_cast %add3A_1177 : vector<16xf32> to vector<1x16xf32>
        tpu.vector_store %arg10[%swap3A_1178, %swap3A_1179], %swap3A_1182 {strides = array<i32>} : memref<112x128xf32, #tpu.memory_space<vmem>>, vector<1x16xf32>,
        %scan3A_1183 = arith.constant 0 : i32
        scf.yield %scan3A_1183 : i32
      }
      %scan3A_637 = arith.constant 112 : i32
      %mul3A_638 = arith.constant 10112 : i32
      %mul3A_639 = arith.muli %arg0, %mul3A_638 : i32
      %add3A_640 = arith.addi %mul3A_639, %mul3A_0 : i32
      %add3A_641 = arith.constant 224 : i32
      %add3A_642 = arith.addi %add3A_640, %add3A_641 : i32
      %dma_start3A_643 = arith.constant 0 : i32
      %dma_start3A_644 = arith.constant 0 : i32
      %dma_start3A_645 = tpu.memref_slice %arg9[%dma_start3A_643, %dma_start3A_644] : memref<112x128xf32, #tpu.memory_space<vmem>> -> memref<112x128xf32, #tpu.memory_space<vmem>>
      %dma_start3A_646 = arith.constant 0 : i32
      %dma_start3A_647 = tpu.memref_slice %arg7[%add3A_642, %dma_start3A_646] : memref<20224x128xf32, #tpu.memory_space<hbm>> -> memref<112x128xf32, #tpu.memory_space<hbm>>
      %dma_start3A_648 = arith.constant 0 : i32
      %dma_start3A_649 = tpu.memref_slice %arg7[%add3A_642, %dma_start3A_648] : memref<20224x128xf32, #tpu.memory_space<hbm>> -> memref<112x128xf32, #tpu.memory_space<hbm>>
      %dma_start3A_650 = arith.constant 0 : i32
      %dma_start3A_651 = arith.constant 0 : i32
      %dma_start3A_652 = tpu.memref_slice %arg9[%dma_start3A_650, %dma_start3A_651] : memref<112x128xf32, #tpu.memory_space<vmem>> -> memref<112x128xf32, #tpu.memory_space<vmem>>
      tpu.enqueue_dma source(%dma_start3A_652 : memref<112x128xf32, #tpu.memory_space<vmem>>) target(%dma_start3A_649 : memref<112x128xf32, #tpu.memory_space<hbm>>) target_semaphore(%arg18 : memref<!tpu.dma_semaphore, #tpu.memory_space<semaphore_mem>>)
      %mul3A_653 = arith.constant 10112 : i32
      %mul3A_654 = arith.muli %arg0, %mul3A_653 : i32
      %add3A_655 = arith.addi %mul3A_654, %mul3A_0 : i32
      %add3A_656 = arith.constant 224 : i32
      %add3A_657 = arith.addi %add3A_655, %add3A_656 : i32
      %dma_start3A_658 = arith.constant 0 : i32
      %dma_start3A_659 = arith.constant 0 : i32
      %dma_start3A_660 = tpu.memref_slice %arg10[%dma_start3A_658, %dma_start3A_659] : memref<112x128xf32, #tpu.memory_space<vmem>> -> memref<112x128xf32, #tpu.memory_space<vmem>>
      %dma_start3A_661 = arith.constant 0 : i32
      %dma_start3A_662 = tpu.memref_slice %arg6[%add3A_657, %dma_start3A_661] : memref<20224x128xf32, #tpu.memory_space<hbm>> -> memref<112x128xf32, #tpu.memory_space<hbm>>
      %dma_start3A_663 = arith.constant 0 : i32
      %dma_start3A_664 = tpu.memref_slice %arg6[%add3A_657, %dma_start3A_663] : memref<20224x128xf32, #tpu.memory_space<hbm>> -> memref<112x128xf32, #tpu.memory_space<hbm>>
      %dma_start3A_665 = arith.constant 0 : i32
      %dma_start3A_666 = arith.constant 0 : i32
      %dma_start3A_667 = tpu.memref_slice %arg10[%dma_start3A_665, %dma_start3A_666] : memref<112x128xf32, #tpu.memory_space<vmem>> -> memref<112x128xf32, #tpu.memory_space<vmem>>
      tpu.enqueue_dma source(%dma_start3A_667 : memref<112x128xf32, #tpu.memory_space<vmem>>) target(%dma_start3A_664 : memref<112x128xf32, #tpu.memory_space<hbm>>) target_semaphore(%arg19 : memref<!tpu.dma_semaphore, #tpu.memory_space<semaphore_mem>>)
      %mul3A_668 = arith.constant 10112 : i32
      %mul3A_669 = arith.muli %arg0, %mul3A_668 : i32
      %add3A_670 = arith.addi %mul3A_669, %mul3A_0 : i32
      %add3A_671 = arith.constant 224 : i32
      %add3A_672 = arith.addi %add3A_670, %add3A_671 : i32
      %dma_wait3A_673 = arith.constant 0 : i32
      %dma_wait3A_674 = arith.constant 0 : i32
      %dma_wait3A_675 = tpu.memref_slice %arg9[%dma_wait3A_673, %dma_wait3A_674] : memref<112x128xf32, #tpu.memory_space<vmem>> -> memref<112x128xf32, #tpu.memory_space<vmem>>
      %dma_wait3A_676 = arith.constant 0 : i32
      %dma_wait3A_677 = tpu.memref_slice %arg7[%add3A_672, %dma_wait3A_676] : memref<20224x128xf32, #tpu.memory_space<hbm>> -> memref<112x128xf32, #tpu.memory_space<hbm>>
      %dma_wait3A_678 = arith.constant 0 : i32
      %dma_wait3A_679 = tpu.memref_slice %arg7[%add3A_672, %dma_wait3A_678] : memref<20224x128xf32, #tpu.memory_space<hbm>> -> memref<112x128xf32, #tpu.memory_space<hbm>>
      %dma_wait3A_680 = arith.constant 0 : i32
      %dma_wait3A_681 = arith.constant 0 : i32
      %dma_wait3A_682 = tpu.memref_slice %arg9[%dma_wait3A_680, %dma_wait3A_681] : memref<112x128xf32, #tpu.memory_space<vmem>> -> memref<112x128xf32, #tpu.memory_space<vmem>>
      tpu.wait_dma2 semaphore(%arg18 : memref<!tpu.dma_semaphore, #tpu.memory_space<semaphore_mem>>) src(%dma_wait3A_682 : memref<112x128xf32, #tpu.memory_space<vmem>>) dst(%dma_wait3A_679 : memref<112x128xf32, #tpu.memory_space<hbm>>)
      %mul3A_683 = arith.constant 10112 : i32
      %mul3A_684 = arith.muli %arg0, %mul3A_683 : i32
      %add3A_685 = arith.addi %mul3A_684, %mul3A_0 : i32
      %add3A_686 = arith.constant 224 : i32
      %add3A_687 = arith.addi %add3A_685, %add3A_686 : i32
      %dma_wait3A_688 = arith.constant 0 : i32
      %dma_wait3A_689 = arith.constant 0 : i32
      %dma_wait3A_690 = tpu.memref_slice %arg10[%dma_wait3A_688, %dma_wait3A_689] : memref<112x128xf32, #tpu.memory_space<vmem>> -> memref<112x128xf32, #tpu.memory_space<vmem>>
      %dma_wait3A_691 = arith.constant 0 : i32
      %dma_wait3A_692 = tpu.memref_slice %arg6[%add3A_687, %dma_wait3A_691] : memref<20224x128xf32, #tpu.memory_space<hbm>> -> memref<112x128xf32, #tpu.memory_space<hbm>>
      %dma_wait3A_693 = arith.constant 0 : i32
      %dma_wait3A_694 = tpu.memref_slice %arg6[%add3A_687, %dma_wait3A_693] : memref<20224x128xf32, #tpu.memory_space<hbm>> -> memref<112x128xf32, #tpu.memory_space<hbm>>
      %dma_wait3A_695 = arith.constant 0 : i32
      %dma_wait3A_696 = arith.constant 0 : i32
      %dma_wait3A_697 = tpu.memref_slice %arg10[%dma_wait3A_695, %dma_wait3A_696] : memref<112x128xf32, #tpu.memory_space<vmem>> -> memref<112x128xf32, #tpu.memory_space<vmem>>
      tpu.wait_dma2 semaphore(%arg19 : memref<!tpu.dma_semaphore, #tpu.memory_space<semaphore_mem>>) src(%dma_wait3A_697 : memref<112x128xf32, #tpu.memory_space<vmem>>) dst(%dma_wait3A_694 : memref<112x128xf32, #tpu.memory_space<hbm>>)
      %add3A_698 = arith.constant 336 : i32
      %add3A_699 = arith.addi %mul3A_0, %add3A_698 : i32
      %dma_start3A_700 = arith.constant 0 : i32
      %dma_start3A_701 = arith.constant 0 : i32
      %dma_start3A_702 = tpu.memref_slice %arg9[%dma_start3A_700, %dma_start3A_701] : memref<112x128xf32, #tpu.memory_space<vmem>> -> memref<112x128xf32, #tpu.memory_space<vmem>>
      %dma_start3A_703 = arith.constant 0 : i32
      %dma_start3A_704 = tpu.memref_slice %arg13[%add3A_699, %dma_start3A_703] : memref<10112x128xf32, #tpu.memory_space<vmem_shared>> -> memref<112x128xf32, #tpu.memory_space<vmem_shared>>
      %dma_start3A_705 = arith.constant 0 : i32
      %dma_start3A_706 = arith.constant 0 : i32
      %dma_start3A_707 = tpu.memref_slice %arg9[%dma_start3A_705, %dma_start3A_706] : memref<112x128xf32, #tpu.memory_space<vmem>> -> memref<112x128xf32, #tpu.memory_space<vmem>>
      %dma_start3A_708 = arith.constant 0 : i32
      %dma_start3A_709 = tpu.memref_slice %arg13[%add3A_699, %dma_start3A_708] : memref<10112x128xf32, #tpu.memory_space<vmem_shared>> -> memref<112x128xf32, #tpu.memory_space<vmem_shared>>
      tpu.enqueue_dma source(%dma_start3A_709 : memref<112x128xf32, #tpu.memory_space<vmem_shared>>) target(%dma_start3A_707 : memref<112x128xf32, #tpu.memory_space<vmem>>) target_semaphore(%arg15 : memref<!tpu.dma_semaphore, #tpu.memory_space<semaphore_mem>>)
      %mul3A_710 = arith.constant 10112 : i32
      %mul3A_711 = arith.muli %arg0, %mul3A_710 : i32
      %add3A_712 = arith.addi %mul3A_711, %mul3A_0 : i32
      %add3A_713 = arith.constant 336 : i32
      %add3A_714 = arith.addi %add3A_712, %add3A_713 : i32
      %dma_start3A_715 = arith.constant 0 : i32
      %dma_start3A_716 = arith.constant 0 : i32
      %dma_start3A_717 = tpu.memref_slice %arg10[%dma_start3A_715, %dma_start3A_716] : memref<112x128xf32, #tpu.memory_space<vmem>> -> memref<112x128xf32, #tpu.memory_space<vmem>>
      %dma_start3A_718 = arith.constant 0 : i32
      %dma_start3A_719 = tpu.memref_slice %arg6[%add3A_714, %dma_start3A_718] : memref<20224x128xf32, #tpu.memory_space<hbm>> -> memref<112x128xf32, #tpu.memory_space<hbm>>
      %dma_start3A_720 = arith.constant 0 : i32
      %dma_start3A_721 = arith.constant 0 : i32
      %dma_start3A_722 = tpu.memref_slice %arg10[%dma_start3A_720, %dma_start3A_721] : memref<112x128xf32, #tpu.memory_space<vmem>> -> memref<112x128xf32, #tpu.memory_space<vmem>>
      %dma_start3A_723 = arith.constant 0 : i32
      %dma_start3A_724 = tpu.memref_slice %arg6[%add3A_714, %dma_start3A_723] : memref<20224x128xf32, #tpu.memory_space<hbm>> -> memref<112x128xf32, #tpu.memory_space<hbm>>
      tpu.enqueue_dma source(%dma_start3A_724 : memref<112x128xf32, #tpu.memory_space<hbm>>) target(%dma_start3A_722 : memref<112x128xf32, #tpu.memory_space<vmem>>) target_semaphore(%arg16 : memref<!tpu.dma_semaphore, #tpu.memory_space<semaphore_mem>>)
      %add3A_725 = arith.constant 336 : i32
      %add3A_726 = arith.addi %mul3A_0, %add3A_725 : i32
      %dma_wait3A_727 = arith.constant 0 : i32
      %dma_wait3A_728 = arith.constant 0 : i32
      %dma_wait3A_729 = tpu.memref_slice %arg9[%dma_wait3A_727, %dma_wait3A_728] : memref<112x128xf32, #tpu.memory_space<vmem>> -> memref<112x128xf32, #tpu.memory_space<vmem>>
      %dma_wait3A_730 = arith.constant 0 : i32
      %dma_wait3A_731 = tpu.memref_slice %arg13[%add3A_726, %dma_wait3A_730] : memref<10112x128xf32, #tpu.memory_space<vmem_shared>> -> memref<112x128xf32, #tpu.memory_space<vmem_shared>>
      %dma_wait3A_732 = arith.constant 0 : i32
      %dma_wait3A_733 = arith.constant 0 : i32
      %dma_wait3A_734 = tpu.memref_slice %arg9[%dma_wait3A_732, %dma_wait3A_733] : memref<112x128xf32, #tpu.memory_space<vmem>> -> memref<112x128xf32, #tpu.memory_space<vmem>>
      %dma_wait3A_735 = arith.constant 0 : i32
      %dma_wait3A_736 = tpu.memref_slice %arg13[%add3A_726, %dma_wait3A_735] : memref<10112x128xf32, #tpu.memory_space<vmem_shared>> -> memref<112x128xf32, #tpu.memory_space<vmem_shared>>
      tpu.wait_dma2 semaphore(%arg15 : memref<!tpu.dma_semaphore, #tpu.memory_space<semaphore_mem>>) src(%dma_wait3A_736 : memref<112x128xf32, #tpu.memory_space<vmem_shared>>) dst(%dma_wait3A_734 : memref<112x128xf32, #tpu.memory_space<vmem>>)
      %mul3A_737 = arith.constant 10112 : i32
      %mul3A_738 = arith.muli %arg0, %mul3A_737 : i32
      %add3A_739 = arith.addi %mul3A_738, %mul3A_0 : i32
      %add3A_740 = arith.constant 336 : i32
      %add3A_741 = arith.addi %add3A_739, %add3A_740 : i32
      %dma_wait3A_742 = arith.constant 0 : i32
      %dma_wait3A_743 = arith.constant 0 : i32
      %dma_wait3A_744 = tpu.memref_slice %arg10[%dma_wait3A_742, %dma_wait3A_743] : memref<112x128xf32, #tpu.memory_space<vmem>> -> memref<112x128xf32, #tpu.memory_space<vmem>>
      %dma_wait3A_745 = arith.constant 0 : i32
      %dma_wait3A_746 = tpu.memref_slice %arg6[%add3A_741, %dma_wait3A_745] : memref<20224x128xf32, #tpu.memory_space<hbm>> -> memref<112x128xf32, #tpu.memory_space<hbm>>
      %dma_wait3A_747 = arith.constant 0 : i32
      %dma_wait3A_748 = arith.constant 0 : i32
      %dma_wait3A_749 = tpu.memref_slice %arg10[%dma_wait3A_747, %dma_wait3A_748] : memref<112x128xf32, #tpu.memory_space<vmem>> -> memref<112x128xf32, #tpu.memory_space<vmem>>
      %dma_wait3A_750 = arith.constant 0 : i32
      %dma_wait3A_751 = tpu.memref_slice %arg6[%add3A_741, %dma_wait3A_750] : memref<20224x128xf32, #tpu.memory_space<hbm>> -> memref<112x128xf32, #tpu.memory_space<hbm>>
      tpu.wait_dma2 semaphore(%arg16 : memref<!tpu.dma_semaphore, #tpu.memory_space<semaphore_mem>>) src(%dma_wait3A_751 : memref<112x128xf32, #tpu.memory_space<hbm>>) dst(%dma_wait3A_749 : memref<112x128xf32, #tpu.memory_space<vmem>>)
      %scan3A_752 = arith.constant 0 : i32
      %scan3A_753 = arith.constant 0 : i32
      %scan3A_754 = arith.constant 112 : i32
      %scan3A_755 = arith.addi %scan3A_753, %scan3A_754 : i32
      %scan3A_756 = arith.constant 1 : i32
      %scan3A_757 = scf.for %scan3A_1062 = %scan3A_753 to %scan3A_755 step %scan3A_756 iter_args(%scan3A_1063 = %scan3A_752) -> (i32)  : i32 {
        %get3A_1064 = arith.index_cast %scan3A_1062 : i32 to index
        %get3A_1065 = arith.constant 96 : index
        %get3A_1066 = tpu.vector_load %arg10[%get3A_1064, %get3A_1065] {strides = array<i32>} : memref<112x128xf32, #tpu.memory_space<vmem>>, vector<1x16xf32>,
        %get3A_1067 = vector.shape_cast %get3A_1066 : vector<1x16xf32> to vector<16xf32>
        %get3A_1068 = arith.index_cast %scan3A_1062 : i32 to index
        %get3A_1069 = arith.constant 0 : index
        %get3A_1070 = tpu.vector_load %arg9[%get3A_1068, %get3A_1069] {strides = array<i32>} : memref<112x128xf32, #tpu.memory_space<vmem>>, vector<1x16xf32>,
        %get3A_1071 = vector.shape_cast %get3A_1070 : vector<1x16xf32> to vector<16xf32>
        %mul3A_1072 = arith.mulf %get3A_1071, %get3A_1067 : vector<16xf32>
        %swap3A = arith.index_cast %scan3A_1062 : i32 to index
        %swap3A_1073 = arith.constant 0 : index
        %swap3A_1074 = tpu.vector_load %arg9[%swap3A, %swap3A_1073] {strides = array<i32>} : memref<112x128xf32, #tpu.memory_space<vmem>>, vector<1x16xf32>,
        %swap3A_1075 = vector.shape_cast %swap3A_1074 : vector<1x16xf32> to vector<16xf32>
        %swap3A_1076 = vector.shape_cast %mul3A_1072 : vector<16xf32> to vector<1x16xf32>
        tpu.vector_store %arg9[%swap3A, %swap3A_1073], %swap3A_1076 {strides = array<i32>} : memref<112x128xf32, #tpu.memory_space<vmem>>, vector<1x16xf32>,
        %get3A_1077 = arith.index_cast %scan3A_1062 : i32 to index
        %get3A_1078 = arith.constant 0 : index
        %get3A_1079 = tpu.vector_load %arg10[%get3A_1077, %get3A_1078] {strides = array<i32>} : memref<112x128xf32, #tpu.memory_space<vmem>>, vector<1x16xf32>,
        %get3A_1080 = vector.shape_cast %get3A_1079 : vector<1x16xf32> to vector<16xf32>
        %mul3A_1081 = arith.mulf %get3A_322, %mul3A_1072 : vector<16xf32>
        %add3A_1082 = arith.addf %get3A_1080, %mul3A_1081 : vector<16xf32>
        %swap3A_1083 = arith.index_cast %scan3A_1062 : i32 to index
        %swap3A_1084 = arith.constant 0 : index
        %swap3A_1085 = tpu.vector_load %arg10[%swap3A_1083, %swap3A_1084] {strides = array<i32>} : memref<112x128xf32, #tpu.memory_space<vmem>>, vector<1x16xf32>,
        %swap3A_1086 = vector.shape_cast %swap3A_1085 : vector<1x16xf32> to vector<16xf32>
        %swap3A_1087 = vector.shape_cast %add3A_1082 : vector<16xf32> to vector<1x16xf32>
        tpu.vector_store %arg10[%swap3A_1083, %swap3A_1084], %swap3A_1087 {strides = array<i32>} : memref<112x128xf32, #tpu.memory_space<vmem>>, vector<1x16xf32>,
        %get3A_1088 = arith.index_cast %scan3A_1062 : i32 to index
        %get3A_1089 = arith.constant 16 : index
        %get3A_1090 = tpu.vector_load %arg9[%get3A_1088, %get3A_1089] {strides = array<i32>} : memref<112x128xf32, #tpu.memory_space<vmem>>, vector<1x16xf32>,
        %get3A_1091 = vector.shape_cast %get3A_1090 : vector<1x16xf32> to vector<16xf32>
        %mul3A_1092 = arith.mulf %get3A_1091, %get3A_1067 : vector<16xf32>
        %swap3A_1093 = arith.index_cast %scan3A_1062 : i32 to index
        %swap3A_1094 = arith.constant 16 : index
        %swap3A_1095 = tpu.vector_load %arg9[%swap3A_1093, %swap3A_1094] {strides = array<i32>} : memref<112x128xf32, #tpu.memory_space<vmem>>, vector<1x16xf32>,
        %swap3A_1096 = vector.shape_cast %swap3A_1095 : vector<1x16xf32> to vector<16xf32>
        %swap3A_1097 = vector.shape_cast %mul3A_1092 : vector<16xf32> to vector<1x16xf32>
        tpu.vector_store %arg9[%swap3A_1093, %swap3A_1094], %swap3A_1097 {strides = array<i32>} : memref<112x128xf32, #tpu.memory_space<vmem>>, vector<1x16xf32>,
        %get3A_1098 = arith.index_cast %scan3A_1062 : i32 to index
        %get3A_1099 = arith.constant 16 : index
        %get3A_1100 = tpu.vector_load %arg10[%get3A_1098, %get3A_1099] {strides = array<i32>} : memref<112x128xf32, #tpu.memory_space<vmem>>, vector<1x16xf32>,
        %get3A_1101 = vector.shape_cast %get3A_1100 : vector<1x16xf32> to vector<16xf32>
        %mul3A_1102 = arith.mulf %get3A_322, %mul3A_1092 : vector<16xf32>
        %add3A_1103 = arith.addf %get3A_1101, %mul3A_1102 : vector<16xf32>
        %swap3A_1104 = arith.index_cast %scan3A_1062 : i32 to index
        %swap3A_1105 = arith.constant 16 : index
        %swap3A_1106 = tpu.vector_load %arg10[%swap3A_1104, %swap3A_1105] {strides = array<i32>} : memref<112x128xf32, #tpu.memory_space<vmem>>, vector<1x16xf32>,
        %swap3A_1107 = vector.shape_cast %swap3A_1106 : vector<1x16xf32> to vector<16xf32>
        %swap3A_1108 = vector.shape_cast %add3A_1103 : vector<16xf32> to vector<1x16xf32>
        tpu.vector_store %arg10[%swap3A_1104, %swap3A_1105], %swap3A_1108 {strides = array<i32>} : memref<112x128xf32, #tpu.memory_space<vmem>>, vector<1x16xf32>,
        %get3A_1109 = arith.index_cast %scan3A_1062 : i32 to index
        %get3A_1110 = arith.constant 32 : index
        %get3A_1111 = tpu.vector_load %arg9[%get3A_1109, %get3A_1110] {strides = array<i32>} : memref<112x128xf32, #tpu.memory_space<vmem>>, vector<1x16xf32>,
        %get3A_1112 = vector.shape_cast %get3A_1111 : vector<1x16xf32> to vector<16xf32>
        %mul3A_1113 = arith.mulf %get3A_1112, %get3A_1067 : vector<16xf32>
        %swap3A_1114 = arith.index_cast %scan3A_1062 : i32 to index
        %swap3A_1115 = arith.constant 32 : index
        %swap3A_1116 = tpu.vector_load %arg9[%swap3A_1114, %swap3A_1115] {strides = array<i32>} : memref<112x128xf32, #tpu.memory_space<vmem>>, vector<1x16xf32>,
        %swap3A_1117 = vector.shape_cast %swap3A_1116 : vector<1x16xf32> to vector<16xf32>
        %swap3A_1118 = vector.shape_cast %mul3A_1113 : vector<16xf32> to vector<1x16xf32>
        tpu.vector_store %arg9[%swap3A_1114, %swap3A_1115], %swap3A_1118 {strides = array<i32>} : memref<112x128xf32, #tpu.memory_space<vmem>>, vector<1x16xf32>,
        %get3A_1119 = arith.index_cast %scan3A_1062 : i32 to index
        %get3A_1120 = arith.constant 32 : index
        %get3A_1121 = tpu.vector_load %arg10[%get3A_1119, %get3A_1120] {strides = array<i32>} : memref<112x128xf32, #tpu.memory_space<vmem>>, vector<1x16xf32>,
        %get3A_1122 = vector.shape_cast %get3A_1121 : vector<1x16xf32> to vector<16xf32>
        %mul3A_1123 = arith.mulf %get3A_322, %mul3A_1113 : vector<16xf32>
        %add3A_1124 = arith.addf %get3A_1122, %mul3A_1123 : vector<16xf32>
        %swap3A_1125 = arith.index_cast %scan3A_1062 : i32 to index
        %swap3A_1126 = arith.constant 32 : index
        %swap3A_1127 = tpu.vector_load %arg10[%swap3A_1125, %swap3A_1126] {strides = array<i32>} : memref<112x128xf32, #tpu.memory_space<vmem>>, vector<1x16xf32>,
        %swap3A_1128 = vector.shape_cast %swap3A_1127 : vector<1x16xf32> to vector<16xf32>
        %swap3A_1129 = vector.shape_cast %add3A_1124 : vector<16xf32> to vector<1x16xf32>
        tpu.vector_store %arg10[%swap3A_1125, %swap3A_1126], %swap3A_1129 {strides = array<i32>} : memref<112x128xf32, #tpu.memory_space<vmem>>, vector<1x16xf32>,
        %get3A_1130 = arith.index_cast %scan3A_1062 : i32 to index
        %get3A_1131 = arith.constant 48 : index
        %get3A_1132 = tpu.vector_load %arg9[%get3A_1130, %get3A_1131] {strides = array<i32>} : memref<112x128xf32, #tpu.memory_space<vmem>>, vector<1x16xf32>,
        %get3A_1133 = vector.shape_cast %get3A_1132 : vector<1x16xf32> to vector<16xf32>
        %mul3A_1134 = arith.mulf %get3A_1133, %get3A_1067 : vector<16xf32>
        %swap3A_1135 = arith.index_cast %scan3A_1062 : i32 to index
        %swap3A_1136 = arith.constant 48 : index
        %swap3A_1137 = tpu.vector_load %arg9[%swap3A_1135, %swap3A_1136] {strides = array<i32>} : memref<112x128xf32, #tpu.memory_space<vmem>>, vector<1x16xf32>,
        %swap3A_1138 = vector.shape_cast %swap3A_1137 : vector<1x16xf32> to vector<16xf32>
        %swap3A_1139 = vector.shape_cast %mul3A_1134 : vector<16xf32> to vector<1x16xf32>
        tpu.vector_store %arg9[%swap3A_1135, %swap3A_1136], %swap3A_1139 {strides = array<i32>} : memref<112x128xf32, #tpu.memory_space<vmem>>, vector<1x16xf32>,
        %get3A_1140 = arith.index_cast %scan3A_1062 : i32 to index
        %get3A_1141 = arith.constant 48 : index
        %get3A_1142 = tpu.vector_load %arg10[%get3A_1140, %get3A_1141] {strides = array<i32>} : memref<112x128xf32, #tpu.memory_space<vmem>>, vector<1x16xf32>,
        %get3A_1143 = vector.shape_cast %get3A_1142 : vector<1x16xf32> to vector<16xf32>
        %mul3A_1144 = arith.mulf %get3A_322, %mul3A_1134 : vector<16xf32>
        %add3A_1145 = arith.addf %get3A_1143, %mul3A_1144 : vector<16xf32>
        %swap3A_1146 = arith.index_cast %scan3A_1062 : i32 to index
        %swap3A_1147 = arith.constant 48 : index
        %swap3A_1148 = tpu.vector_load %arg10[%swap3A_1146, %swap3A_1147] {strides = array<i32>} : memref<112x128xf32, #tpu.memory_space<vmem>>, vector<1x16xf32>,
        %swap3A_1149 = vector.shape_cast %swap3A_1148 : vector<1x16xf32> to vector<16xf32>
        %swap3A_1150 = vector.shape_cast %add3A_1145 : vector<16xf32> to vector<1x16xf32>
        tpu.vector_store %arg10[%swap3A_1146, %swap3A_1147], %swap3A_1150 {strides = array<i32>} : memref<112x128xf32, #tpu.memory_space<vmem>>, vector<1x16xf32>,
        %get3A_1151 = arith.index_cast %scan3A_1062 : i32 to index
        %get3A_1152 = arith.constant 64 : index
        %get3A_1153 = tpu.vector_load %arg9[%get3A_1151, %get3A_1152] {strides = array<i32>} : memref<112x128xf32, #tpu.memory_space<vmem>>, vector<1x16xf32>,
        %get3A_1154 = vector.shape_cast %get3A_1153 : vector<1x16xf32> to vector<16xf32>
        %mul3A_1155 = arith.mulf %get3A_1154, %get3A_1067 : vector<16xf32>
        %swap3A_1156 = arith.index_cast %scan3A_1062 : i32 to index
        %swap3A_1157 = arith.constant 64 : index
        %swap3A_1158 = tpu.vector_load %arg9[%swap3A_1156, %swap3A_1157] {strides = array<i32>} : memref<112x128xf32, #tpu.memory_space<vmem>>, vector<1x16xf32>,
        %swap3A_1159 = vector.shape_cast %swap3A_1158 : vector<1x16xf32> to vector<16xf32>
        %swap3A_1160 = vector.shape_cast %mul3A_1155 : vector<16xf32> to vector<1x16xf32>
        tpu.vector_store %arg9[%swap3A_1156, %swap3A_1157], %swap3A_1160 {strides = array<i32>} : memref<112x128xf32, #tpu.memory_space<vmem>>, vector<1x16xf32>,
        %get3A_1161 = arith.index_cast %scan3A_1062 : i32 to index
        %get3A_1162 = arith.constant 64 : index
        %get3A_1163 = tpu.vector_load %arg10[%get3A_1161, %get3A_1162] {strides = array<i32>} : memref<112x128xf32, #tpu.memory_space<vmem>>, vector<1x16xf32>,
        %get3A_1164 = vector.shape_cast %get3A_1163 : vector<1x16xf32> to vector<16xf32>
        %mul3A_1165 = arith.mulf %get3A_328, %mul3A_1155 : vector<16xf32>
        %add3A_1166 = arith.addf %get3A_1164, %mul3A_1165 : vector<16xf32>
        %swap3A_1167 = arith.index_cast %scan3A_1062 : i32 to index
        %swap3A_1168 = arith.constant 64 : index
        %swap3A_1169 = tpu.vector_load %arg10[%swap3A_1167, %swap3A_1168] {strides = array<i32>} : memref<112x128xf32, #tpu.memory_space<vmem>>, vector<1x16xf32>,
        %swap3A_1170 = vector.shape_cast %swap3A_1169 : vector<1x16xf32> to vector<16xf32>
        %swap3A_1171 = vector.shape_cast %add3A_1166 : vector<16xf32> to vector<1x16xf32>
        tpu.vector_store %arg10[%swap3A_1167, %swap3A_1168], %swap3A_1171 {strides = array<i32>} : memref<112x128xf32, #tpu.memory_space<vmem>>, vector<1x16xf32>,
        %get3A_1172 = arith.index_cast %scan3A_1062 : i32 to index
        %get3A_1173 = arith.constant 80 : index
        %get3A_1174 = tpu.vector_load %arg10[%get3A_1172, %get3A_1173] {strides = array<i32>} : memref<112x128xf32, #tpu.memory_space<vmem>>, vector<1x16xf32>,
        %get3A_1175 = vector.shape_cast %get3A_1174 : vector<1x16xf32> to vector<16xf32>
        %mul3A_1176 = arith.mulf %get3A_334, %mul3A_1155 : vector<16xf32>
        %add3A_1177 = arith.addf %get3A_1175, %mul3A_1176 : vector<16xf32>
        %swap3A_1178 = arith.index_cast %scan3A_1062 : i32 to index
        %swap3A_1179 = arith.constant 80 : index
        %swap3A_1180 = tpu.vector_load %arg10[%swap3A_1178, %swap3A_1179] {strides = array<i32>} : memref<112x128xf32, #tpu.memory_space<vmem>>, vector<1x16xf32>,
        %swap3A_1181 = vector.shape_cast %swap3A_1180 : vector<1x16xf32> to vector<16xf32>
        %swap3A_1182 = vector.shape_cast %add3A_1177 : vector<16xf32> to vector<1x16xf32>
        tpu.vector_store %arg10[%swap3A_1178, %swap3A_1179], %swap3A_1182 {strides = array<i32>} : memref<112x128xf32, #tpu.memory_space<vmem>>, vector<1x16xf32>,
        %scan3A_1183 = arith.constant 0 : i32
        scf.yield %scan3A_1183 : i32
      }
      %scan3A_758 = arith.constant 112 : i32
      %mul3A_759 = arith.constant 10112 : i32
      %mul3A_760 = arith.muli %arg0, %mul3A_759 : i32
      %add3A_761 = arith.addi %mul3A_760, %mul3A_0 : i32
      %add3A_762 = arith.constant 336 : i32
      %add3A_763 = arith.addi %add3A_761, %add3A_762 : i32
      %dma_start3A_764 = arith.constant 0 : i32
      %dma_start3A_765 = arith.constant 0 : i32
      %dma_start3A_766 = tpu.memref_slice %arg9[%dma_start3A_764, %dma_start3A_765] : memref<112x128xf32, #tpu.memory_space<vmem>> -> memref<112x128xf32, #tpu.memory_space<vmem>>
      %dma_start3A_767 = arith.constant 0 : i32
      %dma_start3A_768 = tpu.memref_slice %arg7[%add3A_763, %dma_start3A_767] : memref<20224x128xf32, #tpu.memory_space<hbm>> -> memref<112x128xf32, #tpu.memory_space<hbm>>
      %dma_start3A_769 = arith.constant 0 : i32
      %dma_start3A_770 = tpu.memref_slice %arg7[%add3A_763, %dma_start3A_769] : memref<20224x128xf32, #tpu.memory_space<hbm>> -> memref<112x128xf32, #tpu.memory_space<hbm>>
      %dma_start3A_771 = arith.constant 0 : i32
      %dma_start3A_772 = arith.constant 0 : i32
      %dma_start3A_773 = tpu.memref_slice %arg9[%dma_start3A_771, %dma_start3A_772] : memref<112x128xf32, #tpu.memory_space<vmem>> -> memref<112x128xf32, #tpu.memory_space<vmem>>
      tpu.enqueue_dma source(%dma_start3A_773 : memref<112x128xf32, #tpu.memory_space<vmem>>) target(%dma_start3A_770 : memref<112x128xf32, #tpu.memory_space<hbm>>) target_semaphore(%arg18 : memref<!tpu.dma_semaphore, #tpu.memory_space<semaphore_mem>>)
      %mul3A_774 = arith.constant 10112 : i32
      %mul3A_775 = arith.muli %arg0, %mul3A_774 : i32
      %add3A_776 = arith.addi %mul3A_775, %mul3A_0 : i32
      %add3A_777 = arith.constant 336 : i32
      %add3A_778 = arith.addi %add3A_776, %add3A_777 : i32
      %dma_start3A_779 = arith.constant 0 : i32
      %dma_start3A_780 = arith.constant 0 : i32
      %dma_start3A_781 = tpu.memref_slice %arg10[%dma_start3A_779, %dma_start3A_780] : memref<112x128xf32, #tpu.memory_space<vmem>> -> memref<112x128xf32, #tpu.memory_space<vmem>>
      %dma_start3A_782 = arith.constant 0 : i32
      %dma_start3A_783 = tpu.memref_slice %arg6[%add3A_778, %dma_start3A_782] : memref<20224x128xf32, #tpu.memory_space<hbm>> -> memref<112x128xf32, #tpu.memory_space<hbm>>
      %dma_start3A_784 = arith.constant 0 : i32
      %dma_start3A_785 = tpu.memref_slice %arg6[%add3A_778, %dma_start3A_784] : memref<20224x128xf32, #tpu.memory_space<hbm>> -> memref<112x128xf32, #tpu.memory_space<hbm>>
      %dma_start3A_786 = arith.constant 0 : i32
      %dma_start3A_787 = arith.constant 0 : i32
      %dma_start3A_788 = tpu.memref_slice %arg10[%dma_start3A_786, %dma_start3A_787] : memref<112x128xf32, #tpu.memory_space<vmem>> -> memref<112x128xf32, #tpu.memory_space<vmem>>
      tpu.enqueue_dma source(%dma_start3A_788 : memref<112x128xf32, #tpu.memory_space<vmem>>) target(%dma_start3A_785 : memref<112x128xf32, #tpu.memory_space<hbm>>) target_semaphore(%arg19 : memref<!tpu.dma_semaphore, #tpu.memory_space<semaphore_mem>>)
      %mul3A_789 = arith.constant 10112 : i32
      %mul3A_790 = arith.muli %arg0, %mul3A_789 : i32
      %add3A_791 = arith.addi %mul3A_790, %mul3A_0 : i32
      %add3A_792 = arith.constant 336 : i32
      %add3A_793 = arith.addi %add3A_791, %add3A_792 : i32
      %dma_wait3A_794 = arith.constant 0 : i32
      %dma_wait3A_795 = arith.constant 0 : i32
      %dma_wait3A_796 = tpu.memref_slice %arg9[%dma_wait3A_794, %dma_wait3A_795] : memref<112x128xf32, #tpu.memory_space<vmem>> -> memref<112x128xf32, #tpu.memory_space<vmem>>
      %dma_wait3A_797 = arith.constant 0 : i32
      %dma_wait3A_798 = tpu.memref_slice %arg7[%add3A_793, %dma_wait3A_797] : memref<20224x128xf32, #tpu.memory_space<hbm>> -> memref<112x128xf32, #tpu.memory_space<hbm>>
      %dma_wait3A_799 = arith.constant 0 : i32
      %dma_wait3A_800 = tpu.memref_slice %arg7[%add3A_793, %dma_wait3A_799] : memref<20224x128xf32, #tpu.memory_space<hbm>> -> memref<112x128xf32, #tpu.memory_space<hbm>>
      %dma_wait3A_801 = arith.constant 0 : i32
      %dma_wait3A_802 = arith.constant 0 : i32
      %dma_wait3A_803 = tpu.memref_slice %arg9[%dma_wait3A_801, %dma_wait3A_802] : memref<112x128xf32, #tpu.memory_space<vmem>> -> memref<112x128xf32, #tpu.memory_space<vmem>>
      tpu.wait_dma2 semaphore(%arg18 : memref<!tpu.dma_semaphore, #tpu.memory_space<semaphore_mem>>) src(%dma_wait3A_803 : memref<112x128xf32, #tpu.memory_space<vmem>>) dst(%dma_wait3A_800 : memref<112x128xf32, #tpu.memory_space<hbm>>)
      %mul3A_804 = arith.constant 10112 : i32
      %mul3A_805 = arith.muli %arg0, %mul3A_804 : i32
      %add3A_806 = arith.addi %mul3A_805, %mul3A_0 : i32
      %add3A_807 = arith.constant 336 : i32
      %add3A_808 = arith.addi %add3A_806, %add3A_807 : i32
      %dma_wait3A_809 = arith.constant 0 : i32
      %dma_wait3A_810 = arith.constant 0 : i32
      %dma_wait3A_811 = tpu.memref_slice %arg10[%dma_wait3A_809, %dma_wait3A_810] : memref<112x128xf32, #tpu.memory_space<vmem>> -> memref<112x128xf32, #tpu.memory_space<vmem>>
      %dma_wait3A_812 = arith.constant 0 : i32
      %dma_wait3A_813 = tpu.memref_slice %arg6[%add3A_808, %dma_wait3A_812] : memref<20224x128xf32, #tpu.memory_space<hbm>> -> memref<112x128xf32, #tpu.memory_space<hbm>>
      %dma_wait3A_814 = arith.constant 0 : i32
      %dma_wait3A_815 = tpu.memref_slice %arg6[%add3A_808, %dma_wait3A_814] : memref<20224x128xf32, #tpu.memory_space<hbm>> -> memref<112x128xf32, #tpu.memory_space<hbm>>
      %dma_wait3A_816 = arith.constant 0 : i32
      %dma_wait3A_817 = arith.constant 0 : i32
      %dma_wait3A_818 = tpu.memref_slice %arg10[%dma_wait3A_816, %dma_wait3A_817] : memref<112x128xf32, #tpu.memory_space<vmem>> -> memref<112x128xf32, #tpu.memory_space<vmem>>
      tpu.wait_dma2 semaphore(%arg19 : memref<!tpu.dma_semaphore, #tpu.memory_space<semaphore_mem>>) src(%dma_wait3A_818 : memref<112x128xf32, #tpu.memory_space<vmem>>) dst(%dma_wait3A_815 : memref<112x128xf32, #tpu.memory_space<hbm>>)
      %add3A_819 = arith.constant 448 : i32
      %add3A_820 = arith.addi %mul3A_0, %add3A_819 : i32
      %dma_start3A_821 = arith.constant 0 : i32
      %dma_start3A_822 = arith.constant 0 : i32
      %dma_start3A_823 = tpu.memref_slice %arg9[%dma_start3A_821, %dma_start3A_822] : memref<112x128xf32, #tpu.memory_space<vmem>> -> memref<112x128xf32, #tpu.memory_space<vmem>>
      %dma_start3A_824 = arith.constant 0 : i32
      %dma_start3A_825 = tpu.memref_slice %arg13[%add3A_820, %dma_start3A_824] : memref<10112x128xf32, #tpu.memory_space<vmem_shared>> -> memref<112x128xf32, #tpu.memory_space<vmem_shared>>
      %dma_start3A_826 = arith.constant 0 : i32
      %dma_start3A_827 = arith.constant 0 : i32
      %dma_start3A_828 = tpu.memref_slice %arg9[%dma_start3A_826, %dma_start3A_827] : memref<112x128xf32, #tpu.memory_space<vmem>> -> memref<112x128xf32, #tpu.memory_space<vmem>>
      %dma_start3A_829 = arith.constant 0 : i32
      %dma_start3A_830 = tpu.memref_slice %arg13[%add3A_820, %dma_start3A_829] : memref<10112x128xf32, #tpu.memory_space<vmem_shared>> -> memref<112x128xf32, #tpu.memory_space<vmem_shared>>
      tpu.enqueue_dma source(%dma_start3A_830 : memref<112x128xf32, #tpu.memory_space<vmem_shared>>) target(%dma_start3A_828 : memref<112x128xf32, #tpu.memory_space<vmem>>) target_semaphore(%arg15 : memref<!tpu.dma_semaphore, #tpu.memory_space<semaphore_mem>>)
      %mul3A_831 = arith.constant 10112 : i32
      %mul3A_832 = arith.muli %arg0, %mul3A_831 : i32
      %add3A_833 = arith.addi %mul3A_832, %mul3A_0 : i32
      %add3A_834 = arith.constant 448 : i32
      %add3A_835 = arith.addi %add3A_833, %add3A_834 : i32
      %dma_start3A_836 = arith.constant 0 : i32
      %dma_start3A_837 = arith.constant 0 : i32
      %dma_start3A_838 = tpu.memref_slice %arg10[%dma_start3A_836, %dma_start3A_837] : memref<112x128xf32, #tpu.memory_space<vmem>> -> memref<112x128xf32, #tpu.memory_space<vmem>>
      %dma_start3A_839 = arith.constant 0 : i32
      %dma_start3A_840 = tpu.memref_slice %arg6[%add3A_835, %dma_start3A_839] : memref<20224x128xf32, #tpu.memory_space<hbm>> -> memref<112x128xf32, #tpu.memory_space<hbm>>
      %dma_start3A_841 = arith.constant 0 : i32
      %dma_start3A_842 = arith.constant 0 : i32
      %dma_start3A_843 = tpu.memref_slice %arg10[%dma_start3A_841, %dma_start3A_842] : memref<112x128xf32, #tpu.memory_space<vmem>> -> memref<112x128xf32, #tpu.memory_space<vmem>>
      %dma_start3A_844 = arith.constant 0 : i32
      %dma_start3A_845 = tpu.memref_slice %arg6[%add3A_835, %dma_start3A_844] : memref<20224x128xf32, #tpu.memory_space<hbm>> -> memref<112x128xf32, #tpu.memory_space<hbm>>
      tpu.enqueue_dma source(%dma_start3A_845 : memref<112x128xf32, #tpu.memory_space<hbm>>) target(%dma_start3A_843 : memref<112x128xf32, #tpu.memory_space<vmem>>) target_semaphore(%arg16 : memref<!tpu.dma_semaphore, #tpu.memory_space<semaphore_mem>>)
      %add3A_846 = arith.constant 448 : i32
      %add3A_847 = arith.addi %mul3A_0, %add3A_846 : i32
      %dma_wait3A_848 = arith.constant 0 : i32
      %dma_wait3A_849 = arith.constant 0 : i32
      %dma_wait3A_850 = tpu.memref_slice %arg9[%dma_wait3A_848, %dma_wait3A_849] : memref<112x128xf32, #tpu.memory_space<vmem>> -> memref<112x128xf32, #tpu.memory_space<vmem>>
      %dma_wait3A_851 = arith.constant 0 : i32
      %dma_wait3A_852 = tpu.memref_slice %arg13[%add3A_847, %dma_wait3A_851] : memref<10112x128xf32, #tpu.memory_space<vmem_shared>> -> memref<112x128xf32, #tpu.memory_space<vmem_shared>>
      %dma_wait3A_853 = arith.constant 0 : i32
      %dma_wait3A_854 = arith.constant 0 : i32
      %dma_wait3A_855 = tpu.memref_slice %arg9[%dma_wait3A_853, %dma_wait3A_854] : memref<112x128xf32, #tpu.memory_space<vmem>> -> memref<112x128xf32, #tpu.memory_space<vmem>>
      %dma_wait3A_856 = arith.constant 0 : i32
      %dma_wait3A_857 = tpu.memref_slice %arg13[%add3A_847, %dma_wait3A_856] : memref<10112x128xf32, #tpu.memory_space<vmem_shared>> -> memref<112x128xf32, #tpu.memory_space<vmem_shared>>
      tpu.wait_dma2 semaphore(%arg15 : memref<!tpu.dma_semaphore, #tpu.memory_space<semaphore_mem>>) src(%dma_wait3A_857 : memref<112x128xf32, #tpu.memory_space<vmem_shared>>) dst(%dma_wait3A_855 : memref<112x128xf32, #tpu.memory_space<vmem>>)
      %mul3A_858 = arith.constant 10112 : i32
      %mul3A_859 = arith.muli %arg0, %mul3A_858 : i32
      %add3A_860 = arith.addi %mul3A_859, %mul3A_0 : i32
      %add3A_861 = arith.constant 448 : i32
      %add3A_862 = arith.addi %add3A_860, %add3A_861 : i32
      %dma_wait3A_863 = arith.constant 0 : i32
      %dma_wait3A_864 = arith.constant 0 : i32
      %dma_wait3A_865 = tpu.memref_slice %arg10[%dma_wait3A_863, %dma_wait3A_864] : memref<112x128xf32, #tpu.memory_space<vmem>> -> memref<112x128xf32, #tpu.memory_space<vmem>>
      %dma_wait3A_866 = arith.constant 0 : i32
      %dma_wait3A_867 = tpu.memref_slice %arg6[%add3A_862, %dma_wait3A_866] : memref<20224x128xf32, #tpu.memory_space<hbm>> -> memref<112x128xf32, #tpu.memory_space<hbm>>
      %dma_wait3A_868 = arith.constant 0 : i32
      %dma_wait3A_869 = arith.constant 0 : i32
      %dma_wait3A_870 = tpu.memref_slice %arg10[%dma_wait3A_868, %dma_wait3A_869] : memref<112x128xf32, #tpu.memory_space<vmem>> -> memref<112x128xf32, #tpu.memory_space<vmem>>
      %dma_wait3A_871 = arith.constant 0 : i32
      %dma_wait3A_872 = tpu.memref_slice %arg6[%add3A_862, %dma_wait3A_871] : memref<20224x128xf32, #tpu.memory_space<hbm>> -> memref<112x128xf32, #tpu.memory_space<hbm>>
      tpu.wait_dma2 semaphore(%arg16 : memref<!tpu.dma_semaphore, #tpu.memory_space<semaphore_mem>>) src(%dma_wait3A_872 : memref<112x128xf32, #tpu.memory_space<hbm>>) dst(%dma_wait3A_870 : memref<112x128xf32, #tpu.memory_space<vmem>>)
      %scan3A_873 = arith.constant 0 : i32
      %scan3A_874 = arith.constant 0 : i32
      %scan3A_875 = arith.constant 112 : i32
      %scan3A_876 = arith.addi %scan3A_874, %scan3A_875 : i32
      %scan3A_877 = arith.constant 1 : i32
      %scan3A_878 = scf.for %scan3A_1062 = %scan3A_874 to %scan3A_876 step %scan3A_877 iter_args(%scan3A_1063 = %scan3A_873) -> (i32)  : i32 {
        %get3A_1064 = arith.index_cast %scan3A_1062 : i32 to index
        %get3A_1065 = arith.constant 96 : index
        %get3A_1066 = tpu.vector_load %arg10[%get3A_1064, %get3A_1065] {strides = array<i32>} : memref<112x128xf32, #tpu.memory_space<vmem>>, vector<1x16xf32>,
        %get3A_1067 = vector.shape_cast %get3A_1066 : vector<1x16xf32> to vector<16xf32>
        %get3A_1068 = arith.index_cast %scan3A_1062 : i32 to index
        %get3A_1069 = arith.constant 0 : index
        %get3A_1070 = tpu.vector_load %arg9[%get3A_1068, %get3A_1069] {strides = array<i32>} : memref<112x128xf32, #tpu.memory_space<vmem>>, vector<1x16xf32>,
        %get3A_1071 = vector.shape_cast %get3A_1070 : vector<1x16xf32> to vector<16xf32>
        %mul3A_1072 = arith.mulf %get3A_1071, %get3A_1067 : vector<16xf32>
        %swap3A = arith.index_cast %scan3A_1062 : i32 to index
        %swap3A_1073 = arith.constant 0 : index
        %swap3A_1074 = tpu.vector_load %arg9[%swap3A, %swap3A_1073] {strides = array<i32>} : memref<112x128xf32, #tpu.memory_space<vmem>>, vector<1x16xf32>,
        %swap3A_1075 = vector.shape_cast %swap3A_1074 : vector<1x16xf32> to vector<16xf32>
        %swap3A_1076 = vector.shape_cast %mul3A_1072 : vector<16xf32> to vector<1x16xf32>
        tpu.vector_store %arg9[%swap3A, %swap3A_1073], %swap3A_1076 {strides = array<i32>} : memref<112x128xf32, #tpu.memory_space<vmem>>, vector<1x16xf32>,
        %get3A_1077 = arith.index_cast %scan3A_1062 : i32 to index
        %get3A_1078 = arith.constant 0 : index
        %get3A_1079 = tpu.vector_load %arg10[%get3A_1077, %get3A_1078] {strides = array<i32>} : memref<112x128xf32, #tpu.memory_space<vmem>>, vector<1x16xf32>,
        %get3A_1080 = vector.shape_cast %get3A_1079 : vector<1x16xf32> to vector<16xf32>
        %mul3A_1081 = arith.mulf %get3A_322, %mul3A_1072 : vector<16xf32>
        %add3A_1082 = arith.addf %get3A_1080, %mul3A_1081 : vector<16xf32>
        %swap3A_1083 = arith.index_cast %scan3A_1062 : i32 to index
        %swap3A_1084 = arith.constant 0 : index
        %swap3A_1085 = tpu.vector_load %arg10[%swap3A_1083, %swap3A_1084] {strides = array<i32>} : memref<112x128xf32, #tpu.memory_space<vmem>>, vector<1x16xf32>,
        %swap3A_1086 = vector.shape_cast %swap3A_1085 : vector<1x16xf32> to vector<16xf32>
        %swap3A_1087 = vector.shape_cast %add3A_1082 : vector<16xf32> to vector<1x16xf32>
        tpu.vector_store %arg10[%swap3A_1083, %swap3A_1084], %swap3A_1087 {strides = array<i32>} : memref<112x128xf32, #tpu.memory_space<vmem>>, vector<1x16xf32>,
        %get3A_1088 = arith.index_cast %scan3A_1062 : i32 to index
        %get3A_1089 = arith.constant 16 : index
        %get3A_1090 = tpu.vector_load %arg9[%get3A_1088, %get3A_1089] {strides = array<i32>} : memref<112x128xf32, #tpu.memory_space<vmem>>, vector<1x16xf32>,
        %get3A_1091 = vector.shape_cast %get3A_1090 : vector<1x16xf32> to vector<16xf32>
        %mul3A_1092 = arith.mulf %get3A_1091, %get3A_1067 : vector<16xf32>
        %swap3A_1093 = arith.index_cast %scan3A_1062 : i32 to index
        %swap3A_1094 = arith.constant 16 : index
        %swap3A_1095 = tpu.vector_load %arg9[%swap3A_1093, %swap3A_1094] {strides = array<i32>} : memref<112x128xf32, #tpu.memory_space<vmem>>, vector<1x16xf32>,
        %swap3A_1096 = vector.shape_cast %swap3A_1095 : vector<1x16xf32> to vector<16xf32>
        %swap3A_1097 = vector.shape_cast %mul3A_1092 : vector<16xf32> to vector<1x16xf32>
        tpu.vector_store %arg9[%swap3A_1093, %swap3A_1094], %swap3A_1097 {strides = array<i32>} : memref<112x128xf32, #tpu.memory_space<vmem>>, vector<1x16xf32>,
        %get3A_1098 = arith.index_cast %scan3A_1062 : i32 to index
        %get3A_1099 = arith.constant 16 : index
        %get3A_1100 = tpu.vector_load %arg10[%get3A_1098, %get3A_1099] {strides = array<i32>} : memref<112x128xf32, #tpu.memory_space<vmem>>, vector<1x16xf32>,
        %get3A_1101 = vector.shape_cast %get3A_1100 : vector<1x16xf32> to vector<16xf32>
        %mul3A_1102 = arith.mulf %get3A_322, %mul3A_1092 : vector<16xf32>
        %add3A_1103 = arith.addf %get3A_1101, %mul3A_1102 : vector<16xf32>
        %swap3A_1104 = arith.index_cast %scan3A_1062 : i32 to index
        %swap3A_1105 = arith.constant 16 : index
        %swap3A_1106 = tpu.vector_load %arg10[%swap3A_1104, %swap3A_1105] {strides = array<i32>} : memref<112x128xf32, #tpu.memory_space<vmem>>, vector<1x16xf32>,
        %swap3A_1107 = vector.shape_cast %swap3A_1106 : vector<1x16xf32> to vector<16xf32>
        %swap3A_1108 = vector.shape_cast %add3A_1103 : vector<16xf32> to vector<1x16xf32>
        tpu.vector_store %arg10[%swap3A_1104, %swap3A_1105], %swap3A_1108 {strides = array<i32>} : memref<112x128xf32, #tpu.memory_space<vmem>>, vector<1x16xf32>,
        %get3A_1109 = arith.index_cast %scan3A_1062 : i32 to index
        %get3A_1110 = arith.constant 32 : index
        %get3A_1111 = tpu.vector_load %arg9[%get3A_1109, %get3A_1110] {strides = array<i32>} : memref<112x128xf32, #tpu.memory_space<vmem>>, vector<1x16xf32>,
        %get3A_1112 = vector.shape_cast %get3A_1111 : vector<1x16xf32> to vector<16xf32>
        %mul3A_1113 = arith.mulf %get3A_1112, %get3A_1067 : vector<16xf32>
        %swap3A_1114 = arith.index_cast %scan3A_1062 : i32 to index
        %swap3A_1115 = arith.constant 32 : index
        %swap3A_1116 = tpu.vector_load %arg9[%swap3A_1114, %swap3A_1115] {strides = array<i32>} : memref<112x128xf32, #tpu.memory_space<vmem>>, vector<1x16xf32>,
        %swap3A_1117 = vector.shape_cast %swap3A_1116 : vector<1x16xf32> to vector<16xf32>
        %swap3A_1118 = vector.shape_cast %mul3A_1113 : vector<16xf32> to vector<1x16xf32>
        tpu.vector_store %arg9[%swap3A_1114, %swap3A_1115], %swap3A_1118 {strides = array<i32>} : memref<112x128xf32, #tpu.memory_space<vmem>>, vector<1x16xf32>,
        %get3A_1119 = arith.index_cast %scan3A_1062 : i32 to index
        %get3A_1120 = arith.constant 32 : index
        %get3A_1121 = tpu.vector_load %arg10[%get3A_1119, %get3A_1120] {strides = array<i32>} : memref<112x128xf32, #tpu.memory_space<vmem>>, vector<1x16xf32>,
        %get3A_1122 = vector.shape_cast %get3A_1121 : vector<1x16xf32> to vector<16xf32>
        %mul3A_1123 = arith.mulf %get3A_322, %mul3A_1113 : vector<16xf32>
        %add3A_1124 = arith.addf %get3A_1122, %mul3A_1123 : vector<16xf32>
        %swap3A_1125 = arith.index_cast %scan3A_1062 : i32 to index
        %swap3A_1126 = arith.constant 32 : index
        %swap3A_1127 = tpu.vector_load %arg10[%swap3A_1125, %swap3A_1126] {strides = array<i32>} : memref<112x128xf32, #tpu.memory_space<vmem>>, vector<1x16xf32>,
        %swap3A_1128 = vector.shape_cast %swap3A_1127 : vector<1x16xf32> to vector<16xf32>
        %swap3A_1129 = vector.shape_cast %add3A_1124 : vector<16xf32> to vector<1x16xf32>
        tpu.vector_store %arg10[%swap3A_1125, %swap3A_1126], %swap3A_1129 {strides = array<i32>} : memref<112x128xf32, #tpu.memory_space<vmem>>, vector<1x16xf32>,
        %get3A_1130 = arith.index_cast %scan3A_1062 : i32 to index
        %get3A_1131 = arith.constant 48 : index
        %get3A_1132 = tpu.vector_load %arg9[%get3A_1130, %get3A_1131] {strides = array<i32>} : memref<112x128xf32, #tpu.memory_space<vmem>>, vector<1x16xf32>,
        %get3A_1133 = vector.shape_cast %get3A_1132 : vector<1x16xf32> to vector<16xf32>
        %mul3A_1134 = arith.mulf %get3A_1133, %get3A_1067 : vector<16xf32>
        %swap3A_1135 = arith.index_cast %scan3A_1062 : i32 to index
        %swap3A_1136 = arith.constant 48 : index
        %swap3A_1137 = tpu.vector_load %arg9[%swap3A_1135, %swap3A_1136] {strides = array<i32>} : memref<112x128xf32, #tpu.memory_space<vmem>>, vector<1x16xf32>,
        %swap3A_1138 = vector.shape_cast %swap3A_1137 : vector<1x16xf32> to vector<16xf32>
        %swap3A_1139 = vector.shape_cast %mul3A_1134 : vector<16xf32> to vector<1x16xf32>
        tpu.vector_store %arg9[%swap3A_1135, %swap3A_1136], %swap3A_1139 {strides = array<i32>} : memref<112x128xf32, #tpu.memory_space<vmem>>, vector<1x16xf32>,
        %get3A_1140 = arith.index_cast %scan3A_1062 : i32 to index
        %get3A_1141 = arith.constant 48 : index
        %get3A_1142 = tpu.vector_load %arg10[%get3A_1140, %get3A_1141] {strides = array<i32>} : memref<112x128xf32, #tpu.memory_space<vmem>>, vector<1x16xf32>,
        %get3A_1143 = vector.shape_cast %get3A_1142 : vector<1x16xf32> to vector<16xf32>
        %mul3A_1144 = arith.mulf %get3A_322, %mul3A_1134 : vector<16xf32>
        %add3A_1145 = arith.addf %get3A_1143, %mul3A_1144 : vector<16xf32>
        %swap3A_1146 = arith.index_cast %scan3A_1062 : i32 to index
        %swap3A_1147 = arith.constant 48 : index
        %swap3A_1148 = tpu.vector_load %arg10[%swap3A_1146, %swap3A_1147] {strides = array<i32>} : memref<112x128xf32, #tpu.memory_space<vmem>>, vector<1x16xf32>,
        %swap3A_1149 = vector.shape_cast %swap3A_1148 : vector<1x16xf32> to vector<16xf32>
        %swap3A_1150 = vector.shape_cast %add3A_1145 : vector<16xf32> to vector<1x16xf32>
        tpu.vector_store %arg10[%swap3A_1146, %swap3A_1147], %swap3A_1150 {strides = array<i32>} : memref<112x128xf32, #tpu.memory_space<vmem>>, vector<1x16xf32>,
        %get3A_1151 = arith.index_cast %scan3A_1062 : i32 to index
        %get3A_1152 = arith.constant 64 : index
        %get3A_1153 = tpu.vector_load %arg9[%get3A_1151, %get3A_1152] {strides = array<i32>} : memref<112x128xf32, #tpu.memory_space<vmem>>, vector<1x16xf32>,
        %get3A_1154 = vector.shape_cast %get3A_1153 : vector<1x16xf32> to vector<16xf32>
        %mul3A_1155 = arith.mulf %get3A_1154, %get3A_1067 : vector<16xf32>
        %swap3A_1156 = arith.index_cast %scan3A_1062 : i32 to index
        %swap3A_1157 = arith.constant 64 : index
        %swap3A_1158 = tpu.vector_load %arg9[%swap3A_1156, %swap3A_1157] {strides = array<i32>} : memref<112x128xf32, #tpu.memory_space<vmem>>, vector<1x16xf32>,
        %swap3A_1159 = vector.shape_cast %swap3A_1158 : vector<1x16xf32> to vector<16xf32>
        %swap3A_1160 = vector.shape_cast %mul3A_1155 : vector<16xf32> to vector<1x16xf32>
        tpu.vector_store %arg9[%swap3A_1156, %swap3A_1157], %swap3A_1160 {strides = array<i32>} : memref<112x128xf32, #tpu.memory_space<vmem>>, vector<1x16xf32>,
        %get3A_1161 = arith.index_cast %scan3A_1062 : i32 to index
        %get3A_1162 = arith.constant 64 : index
        %get3A_1163 = tpu.vector_load %arg10[%get3A_1161, %get3A_1162] {strides = array<i32>} : memref<112x128xf32, #tpu.memory_space<vmem>>, vector<1x16xf32>,
        %get3A_1164 = vector.shape_cast %get3A_1163 : vector<1x16xf32> to vector<16xf32>
        %mul3A_1165 = arith.mulf %get3A_328, %mul3A_1155 : vector<16xf32>
        %add3A_1166 = arith.addf %get3A_1164, %mul3A_1165 : vector<16xf32>
        %swap3A_1167 = arith.index_cast %scan3A_1062 : i32 to index
        %swap3A_1168 = arith.constant 64 : index
        %swap3A_1169 = tpu.vector_load %arg10[%swap3A_1167, %swap3A_1168] {strides = array<i32>} : memref<112x128xf32, #tpu.memory_space<vmem>>, vector<1x16xf32>,
        %swap3A_1170 = vector.shape_cast %swap3A_1169 : vector<1x16xf32> to vector<16xf32>
        %swap3A_1171 = vector.shape_cast %add3A_1166 : vector<16xf32> to vector<1x16xf32>
        tpu.vector_store %arg10[%swap3A_1167, %swap3A_1168], %swap3A_1171 {strides = array<i32>} : memref<112x128xf32, #tpu.memory_space<vmem>>, vector<1x16xf32>,
        %get3A_1172 = arith.index_cast %scan3A_1062 : i32 to index
        %get3A_1173 = arith.constant 80 : index
        %get3A_1174 = tpu.vector_load %arg10[%get3A_1172, %get3A_1173] {strides = array<i32>} : memref<112x128xf32, #tpu.memory_space<vmem>>, vector<1x16xf32>,
        %get3A_1175 = vector.shape_cast %get3A_1174 : vector<1x16xf32> to vector<16xf32>
        %mul3A_1176 = arith.mulf %get3A_334, %mul3A_1155 : vector<16xf32>
        %add3A_1177 = arith.addf %get3A_1175, %mul3A_1176 : vector<16xf32>
        %swap3A_1178 = arith.index_cast %scan3A_1062 : i32 to index
        %swap3A_1179 = arith.constant 80 : index
        %swap3A_1180 = tpu.vector_load %arg10[%swap3A_1178, %swap3A_1179] {strides = array<i32>} : memref<112x128xf32, #tpu.memory_space<vmem>>, vector<1x16xf32>,
        %swap3A_1181 = vector.shape_cast %swap3A_1180 : vector<1x16xf32> to vector<16xf32>
        %swap3A_1182 = vector.shape_cast %add3A_1177 : vector<16xf32> to vector<1x16xf32>
        tpu.vector_store %arg10[%swap3A_1178, %swap3A_1179], %swap3A_1182 {strides = array<i32>} : memref<112x128xf32, #tpu.memory_space<vmem>>, vector<1x16xf32>,
        %scan3A_1183 = arith.constant 0 : i32
        scf.yield %scan3A_1183 : i32
      }
      %scan3A_879 = arith.constant 112 : i32
      %mul3A_880 = arith.constant 10112 : i32
      %mul3A_881 = arith.muli %arg0, %mul3A_880 : i32
      %add3A_882 = arith.addi %mul3A_881, %mul3A_0 : i32
      %add3A_883 = arith.constant 448 : i32
      %add3A_884 = arith.addi %add3A_882, %add3A_883 : i32
      %dma_start3A_885 = arith.constant 0 : i32
      %dma_start3A_886 = arith.constant 0 : i32
      %dma_start3A_887 = tpu.memref_slice %arg9[%dma_start3A_885, %dma_start3A_886] : memref<112x128xf32, #tpu.memory_space<vmem>> -> memref<112x128xf32, #tpu.memory_space<vmem>>
      %dma_start3A_888 = arith.constant 0 : i32
      %dma_start3A_889 = tpu.memref_slice %arg7[%add3A_884, %dma_start3A_888] : memref<20224x128xf32, #tpu.memory_space<hbm>> -> memref<112x128xf32, #tpu.memory_space<hbm>>
      %dma_start3A_890 = arith.constant 0 : i32
      %dma_start3A_891 = tpu.memref_slice %arg7[%add3A_884, %dma_start3A_890] : memref<20224x128xf32, #tpu.memory_space<hbm>> -> memref<112x128xf32, #tpu.memory_space<hbm>>
      %dma_start3A_892 = arith.constant 0 : i32
      %dma_start3A_893 = arith.constant 0 : i32
      %dma_start3A_894 = tpu.memref_slice %arg9[%dma_start3A_892, %dma_start3A_893] : memref<112x128xf32, #tpu.memory_space<vmem>> -> memref<112x128xf32, #tpu.memory_space<vmem>>
      tpu.enqueue_dma source(%dma_start3A_894 : memref<112x128xf32, #tpu.memory_space<vmem>>) target(%dma_start3A_891 : memref<112x128xf32, #tpu.memory_space<hbm>>) target_semaphore(%arg18 : memref<!tpu.dma_semaphore, #tpu.memory_space<semaphore_mem>>)
      %mul3A_895 = arith.constant 10112 : i32
      %mul3A_896 = arith.muli %arg0, %mul3A_895 : i32
      %add3A_897 = arith.addi %mul3A_896, %mul3A_0 : i32
      %add3A_898 = arith.constant 448 : i32
      %add3A_899 = arith.addi %add3A_897, %add3A_898 : i32
      %dma_start3A_900 = arith.constant 0 : i32
      %dma_start3A_901 = arith.constant 0 : i32
      %dma_start3A_902 = tpu.memref_slice %arg10[%dma_start3A_900, %dma_start3A_901] : memref<112x128xf32, #tpu.memory_space<vmem>> -> memref<112x128xf32, #tpu.memory_space<vmem>>
      %dma_start3A_903 = arith.constant 0 : i32
      %dma_start3A_904 = tpu.memref_slice %arg6[%add3A_899, %dma_start3A_903] : memref<20224x128xf32, #tpu.memory_space<hbm>> -> memref<112x128xf32, #tpu.memory_space<hbm>>
      %dma_start3A_905 = arith.constant 0 : i32
      %dma_start3A_906 = tpu.memref_slice %arg6[%add3A_899, %dma_start3A_905] : memref<20224x128xf32, #tpu.memory_space<hbm>> -> memref<112x128xf32, #tpu.memory_space<hbm>>
      %dma_start3A_907 = arith.constant 0 : i32
      %dma_start3A_908 = arith.constant 0 : i32
      %dma_start3A_909 = tpu.memref_slice %arg10[%dma_start3A_907, %dma_start3A_908] : memref<112x128xf32, #tpu.memory_space<vmem>> -> memref<112x128xf32, #tpu.memory_space<vmem>>
      tpu.enqueue_dma source(%dma_start3A_909 : memref<112x128xf32, #tpu.memory_space<vmem>>) target(%dma_start3A_906 : memref<112x128xf32, #tpu.memory_space<hbm>>) target_semaphore(%arg19 : memref<!tpu.dma_semaphore, #tpu.memory_space<semaphore_mem>>)
      %mul3A_910 = arith.constant 10112 : i32
      %mul3A_911 = arith.muli %arg0, %mul3A_910 : i32
      %add3A_912 = arith.addi %mul3A_911, %mul3A_0 : i32
      %add3A_913 = arith.constant 448 : i32
      %add3A_914 = arith.addi %add3A_912, %add3A_913 : i32
      %dma_wait3A_915 = arith.constant 0 : i32
      %dma_wait3A_916 = arith.constant 0 : i32
      %dma_wait3A_917 = tpu.memref_slice %arg9[%dma_wait3A_915, %dma_wait3A_916] : memref<112x128xf32, #tpu.memory_space<vmem>> -> memref<112x128xf32, #tpu.memory_space<vmem>>
      %dma_wait3A_918 = arith.constant 0 : i32
      %dma_wait3A_919 = tpu.memref_slice %arg7[%add3A_914, %dma_wait3A_918] : memref<20224x128xf32, #tpu.memory_space<hbm>> -> memref<112x128xf32, #tpu.memory_space<hbm>>
      %dma_wait3A_920 = arith.constant 0 : i32
      %dma_wait3A_921 = tpu.memref_slice %arg7[%add3A_914, %dma_wait3A_920] : memref<20224x128xf32, #tpu.memory_space<hbm>> -> memref<112x128xf32, #tpu.memory_space<hbm>>
      %dma_wait3A_922 = arith.constant 0 : i32
      %dma_wait3A_923 = arith.constant 0 : i32
      %dma_wait3A_924 = tpu.memref_slice %arg9[%dma_wait3A_922, %dma_wait3A_923] : memref<112x128xf32, #tpu.memory_space<vmem>> -> memref<112x128xf32, #tpu.memory_space<vmem>>
      tpu.wait_dma2 semaphore(%arg18 : memref<!tpu.dma_semaphore, #tpu.memory_space<semaphore_mem>>) src(%dma_wait3A_924 : memref<112x128xf32, #tpu.memory_space<vmem>>) dst(%dma_wait3A_921 : memref<112x128xf32, #tpu.memory_space<hbm>>)
      %mul3A_925 = arith.constant 10112 : i32
      %mul3A_926 = arith.muli %arg0, %mul3A_925 : i32
      %add3A_927 = arith.addi %mul3A_926, %mul3A_0 : i32
      %add3A_928 = arith.constant 448 : i32
      %add3A_929 = arith.addi %add3A_927, %add3A_928 : i32
      %dma_wait3A_930 = arith.constant 0 : i32
      %dma_wait3A_931 = arith.constant 0 : i32
      %dma_wait3A_932 = tpu.memref_slice %arg10[%dma_wait3A_930, %dma_wait3A_931] : memref<112x128xf32, #tpu.memory_space<vmem>> -> memref<112x128xf32, #tpu.memory_space<vmem>>
      %dma_wait3A_933 = arith.constant 0 : i32
      %dma_wait3A_934 = tpu.memref_slice %arg6[%add3A_929, %dma_wait3A_933] : memref<20224x128xf32, #tpu.memory_space<hbm>> -> memref<112x128xf32, #tpu.memory_space<hbm>>
      %dma_wait3A_935 = arith.constant 0 : i32
      %dma_wait3A_936 = tpu.memref_slice %arg6[%add3A_929, %dma_wait3A_935] : memref<20224x128xf32, #tpu.memory_space<hbm>> -> memref<112x128xf32, #tpu.memory_space<hbm>>
      %dma_wait3A_937 = arith.constant 0 : i32
      %dma_wait3A_938 = arith.constant 0 : i32
      %dma_wait3A_939 = tpu.memref_slice %arg10[%dma_wait3A_937, %dma_wait3A_938] : memref<112x128xf32, #tpu.memory_space<vmem>> -> memref<112x128xf32, #tpu.memory_space<vmem>>
      tpu.wait_dma2 semaphore(%arg19 : memref<!tpu.dma_semaphore, #tpu.memory_space<semaphore_mem>>) src(%dma_wait3A_939 : memref<112x128xf32, #tpu.memory_space<vmem>>) dst(%dma_wait3A_936 : memref<112x128xf32, #tpu.memory_space<hbm>>)
      %add3A_940 = arith.constant 560 : i32
      %add3A_941 = arith.addi %mul3A_0, %add3A_940 : i32
      %dma_start3A_942 = arith.constant 0 : i32
      %dma_start3A_943 = arith.constant 0 : i32
      %dma_start3A_944 = tpu.memref_slice %arg9[%dma_start3A_942, %dma_start3A_943] : memref<112x128xf32, #tpu.memory_space<vmem>> -> memref<72x128xf32, #tpu.memory_space<vmem>>
      %dma_start3A_945 = arith.constant 0 : i32
      %dma_start3A_946 = tpu.memref_slice %arg13[%add3A_941, %dma_start3A_945] : memref<10112x128xf32, #tpu.memory_space<vmem_shared>> -> memref<72x128xf32, #tpu.memory_space<vmem_shared>>
      %dma_start3A_947 = arith.constant 0 : i32
      %dma_start3A_948 = arith.constant 0 : i32
      %dma_start3A_949 = tpu.memref_slice %arg9[%dma_start3A_947, %dma_start3A_948] : memref<112x128xf32, #tpu.memory_space<vmem>> -> memref<72x128xf32, #tpu.memory_space<vmem>>
      %dma_start3A_950 = arith.constant 0 : i32
      %dma_start3A_951 = tpu.memref_slice %arg13[%add3A_941, %dma_start3A_950] : memref<10112x128xf32, #tpu.memory_space<vmem_shared>> -> memref<72x128xf32, #tpu.memory_space<vmem_shared>>
      tpu.enqueue_dma source(%dma_start3A_951 : memref<72x128xf32, #tpu.memory_space<vmem_shared>>) target(%dma_start3A_949 : memref<72x128xf32, #tpu.memory_space<vmem>>) target_semaphore(%arg15 : memref<!tpu.dma_semaphore, #tpu.memory_space<semaphore_mem>>)
      %mul3A_952 = arith.constant 10112 : i32
      %mul3A_953 = arith.muli %arg0, %mul3A_952 : i32
      %add3A_954 = arith.addi %mul3A_953, %mul3A_0 : i32
      %add3A_955 = arith.constant 560 : i32
      %add3A_956 = arith.addi %add3A_954, %add3A_955 : i32
      %dma_start3A_957 = arith.constant 0 : i32
      %dma_start3A_958 = arith.constant 0 : i32
      %dma_start3A_959 = tpu.memref_slice %arg10[%dma_start3A_957, %dma_start3A_958] : memref<112x128xf32, #tpu.memory_space<vmem>> -> memref<72x128xf32, #tpu.memory_space<vmem>>
      %dma_start3A_960 = arith.constant 0 : i32
      %dma_start3A_961 = tpu.memref_slice %arg6[%add3A_956, %dma_start3A_960] : memref<20224x128xf32, #tpu.memory_space<hbm>> -> memref<72x128xf32, #tpu.memory_space<hbm>>
      %dma_start3A_962 = arith.constant 0 : i32
      %dma_start3A_963 = arith.constant 0 : i32
      %dma_start3A_964 = tpu.memref_slice %arg10[%dma_start3A_962, %dma_start3A_963] : memref<112x128xf32, #tpu.memory_space<vmem>> -> memref<72x128xf32, #tpu.memory_space<vmem>>
      %dma_start3A_965 = arith.constant 0 : i32
      %dma_start3A_966 = tpu.memref_slice %arg6[%add3A_956, %dma_start3A_965] : memref<20224x128xf32, #tpu.memory_space<hbm>> -> memref<72x128xf32, #tpu.memory_space<hbm>>
      tpu.enqueue_dma source(%dma_start3A_966 : memref<72x128xf32, #tpu.memory_space<hbm>>) target(%dma_start3A_964 : memref<72x128xf32, #tpu.memory_space<vmem>>) target_semaphore(%arg16 : memref<!tpu.dma_semaphore, #tpu.memory_space<semaphore_mem>>)
      %add3A_967 = arith.constant 560 : i32
      %add3A_968 = arith.addi %mul3A_0, %add3A_967 : i32
      %dma_wait3A_969 = arith.constant 0 : i32
      %dma_wait3A_970 = arith.constant 0 : i32
      %dma_wait3A_971 = tpu.memref_slice %arg9[%dma_wait3A_969, %dma_wait3A_970] : memref<112x128xf32, #tpu.memory_space<vmem>> -> memref<72x128xf32, #tpu.memory_space<vmem>>
      %dma_wait3A_972 = arith.constant 0 : i32
      %dma_wait3A_973 = tpu.memref_slice %arg13[%add3A_968, %dma_wait3A_972] : memref<10112x128xf32, #tpu.memory_space<vmem_shared>> -> memref<72x128xf32, #tpu.memory_space<vmem_shared>>
      %dma_wait3A_974 = arith.constant 0 : i32
      %dma_wait3A_975 = arith.constant 0 : i32
      %dma_wait3A_976 = tpu.memref_slice %arg9[%dma_wait3A_974, %dma_wait3A_975] : memref<112x128xf32, #tpu.memory_space<vmem>> -> memref<72x128xf32, #tpu.memory_space<vmem>>
      %dma_wait3A_977 = arith.constant 0 : i32
      %dma_wait3A_978 = tpu.memref_slice %arg13[%add3A_968, %dma_wait3A_977] : memref<10112x128xf32, #tpu.memory_space<vmem_shared>> -> memref<72x128xf32, #tpu.memory_space<vmem_shared>>
      tpu.wait_dma2 semaphore(%arg15 : memref<!tpu.dma_semaphore, #tpu.memory_space<semaphore_mem>>) src(%dma_wait3A_978 : memref<72x128xf32, #tpu.memory_space<vmem_shared>>) dst(%dma_wait3A_976 : memref<72x128xf32, #tpu.memory_space<vmem>>)
      %mul3A_979 = arith.constant 10112 : i32
      %mul3A_980 = arith.muli %arg0, %mul3A_979 : i32
      %add3A_981 = arith.addi %mul3A_980, %mul3A_0 : i32
      %add3A_982 = arith.constant 560 : i32
      %add3A_983 = arith.addi %add3A_981, %add3A_982 : i32
      %dma_wait3A_984 = arith.constant 0 : i32
      %dma_wait3A_985 = arith.constant 0 : i32
      %dma_wait3A_986 = tpu.memref_slice %arg10[%dma_wait3A_984, %dma_wait3A_985] : memref<112x128xf32, #tpu.memory_space<vmem>> -> memref<72x128xf32, #tpu.memory_space<vmem>>
      %dma_wait3A_987 = arith.constant 0 : i32
      %dma_wait3A_988 = tpu.memref_slice %arg6[%add3A_983, %dma_wait3A_987] : memref<20224x128xf32, #tpu.memory_space<hbm>> -> memref<72x128xf32, #tpu.memory_space<hbm>>
      %dma_wait3A_989 = arith.constant 0 : i32
      %dma_wait3A_990 = arith.constant 0 : i32
      %dma_wait3A_991 = tpu.memref_slice %arg10[%dma_wait3A_989, %dma_wait3A_990] : memref<112x128xf32, #tpu.memory_space<vmem>> -> memref<72x128xf32, #tpu.memory_space<vmem>>
      %dma_wait3A_992 = arith.constant 0 : i32
      %dma_wait3A_993 = tpu.memref_slice %arg6[%add3A_983, %dma_wait3A_992] : memref<20224x128xf32, #tpu.memory_space<hbm>> -> memref<72x128xf32, #tpu.memory_space<hbm>>
      tpu.wait_dma2 semaphore(%arg16 : memref<!tpu.dma_semaphore, #tpu.memory_space<semaphore_mem>>) src(%dma_wait3A_993 : memref<72x128xf32, #tpu.memory_space<hbm>>) dst(%dma_wait3A_991 : memref<72x128xf32, #tpu.memory_space<vmem>>)
      %scan3A_994 = arith.constant 0 : i32
      %scan3A_995 = arith.constant 0 : i32
      %scan3A_996 = arith.constant 72 : i32
      %scan3A_997 = arith.addi %scan3A_995, %scan3A_996 : i32
      %scan3A_998 = arith.constant 1 : i32
      %scan3A_999 = scf.for %scan3A_1062 = %scan3A_995 to %scan3A_997 step %scan3A_998 iter_args(%scan3A_1063 = %scan3A_994) -> (i32)  : i32 {
        %get3A_1064 = arith.index_cast %scan3A_1062 : i32 to index
        %get3A_1065 = arith.constant 96 : index
        %get3A_1066 = tpu.vector_load %arg10[%get3A_1064, %get3A_1065] {strides = array<i32>} : memref<112x128xf32, #tpu.memory_space<vmem>>, vector<1x16xf32>,
        %get3A_1067 = vector.shape_cast %get3A_1066 : vector<1x16xf32> to vector<16xf32>
        %get3A_1068 = arith.index_cast %scan3A_1062 : i32 to index
        %get3A_1069 = arith.constant 0 : index
        %get3A_1070 = tpu.vector_load %arg9[%get3A_1068, %get3A_1069] {strides = array<i32>} : memref<112x128xf32, #tpu.memory_space<vmem>>, vector<1x16xf32>,
        %get3A_1071 = vector.shape_cast %get3A_1070 : vector<1x16xf32> to vector<16xf32>
        %mul3A_1072 = arith.mulf %get3A_1071, %get3A_1067 : vector<16xf32>
        %swap3A = arith.index_cast %scan3A_1062 : i32 to index
        %swap3A_1073 = arith.constant 0 : index
        %swap3A_1074 = tpu.vector_load %arg9[%swap3A, %swap3A_1073] {strides = array<i32>} : memref<112x128xf32, #tpu.memory_space<vmem>>, vector<1x16xf32>,
        %swap3A_1075 = vector.shape_cast %swap3A_1074 : vector<1x16xf32> to vector<16xf32>
        %swap3A_1076 = vector.shape_cast %mul3A_1072 : vector<16xf32> to vector<1x16xf32>
        tpu.vector_store %arg9[%swap3A, %swap3A_1073], %swap3A_1076 {strides = array<i32>} : memref<112x128xf32, #tpu.memory_space<vmem>>, vector<1x16xf32>,
        %get3A_1077 = arith.index_cast %scan3A_1062 : i32 to index
        %get3A_1078 = arith.constant 0 : index
        %get3A_1079 = tpu.vector_load %arg10[%get3A_1077, %get3A_1078] {strides = array<i32>} : memref<112x128xf32, #tpu.memory_space<vmem>>, vector<1x16xf32>,
        %get3A_1080 = vector.shape_cast %get3A_1079 : vector<1x16xf32> to vector<16xf32>
        %mul3A_1081 = arith.mulf %get3A_322, %mul3A_1072 : vector<16xf32>
        %add3A_1082 = arith.addf %get3A_1080, %mul3A_1081 : vector<16xf32>
        %swap3A_1083 = arith.index_cast %scan3A_1062 : i32 to index
        %swap3A_1084 = arith.constant 0 : index
        %swap3A_1085 = tpu.vector_load %arg10[%swap3A_1083, %swap3A_1084] {strides = array<i32>} : memref<112x128xf32, #tpu.memory_space<vmem>>, vector<1x16xf32>,
        %swap3A_1086 = vector.shape_cast %swap3A_1085 : vector<1x16xf32> to vector<16xf32>
        %swap3A_1087 = vector.shape_cast %add3A_1082 : vector<16xf32> to vector<1x16xf32>
        tpu.vector_store %arg10[%swap3A_1083, %swap3A_1084], %swap3A_1087 {strides = array<i32>} : memref<112x128xf32, #tpu.memory_space<vmem>>, vector<1x16xf32>,
        %get3A_1088 = arith.index_cast %scan3A_1062 : i32 to index
        %get3A_1089 = arith.constant 16 : index
        %get3A_1090 = tpu.vector_load %arg9[%get3A_1088, %get3A_1089] {strides = array<i32>} : memref<112x128xf32, #tpu.memory_space<vmem>>, vector<1x16xf32>,
        %get3A_1091 = vector.shape_cast %get3A_1090 : vector<1x16xf32> to vector<16xf32>
        %mul3A_1092 = arith.mulf %get3A_1091, %get3A_1067 : vector<16xf32>
        %swap3A_1093 = arith.index_cast %scan3A_1062 : i32 to index
        %swap3A_1094 = arith.constant 16 : index
        %swap3A_1095 = tpu.vector_load %arg9[%swap3A_1093, %swap3A_1094] {strides = array<i32>} : memref<112x128xf32, #tpu.memory_space<vmem>>, vector<1x16xf32>,
        %swap3A_1096 = vector.shape_cast %swap3A_1095 : vector<1x16xf32> to vector<16xf32>
        %swap3A_1097 = vector.shape_cast %mul3A_1092 : vector<16xf32> to vector<1x16xf32>
        tpu.vector_store %arg9[%swap3A_1093, %swap3A_1094], %swap3A_1097 {strides = array<i32>} : memref<112x128xf32, #tpu.memory_space<vmem>>, vector<1x16xf32>,
        %get3A_1098 = arith.index_cast %scan3A_1062 : i32 to index
        %get3A_1099 = arith.constant 16 : index
        %get3A_1100 = tpu.vector_load %arg10[%get3A_1098, %get3A_1099] {strides = array<i32>} : memref<112x128xf32, #tpu.memory_space<vmem>>, vector<1x16xf32>,
        %get3A_1101 = vector.shape_cast %get3A_1100 : vector<1x16xf32> to vector<16xf32>
        %mul3A_1102 = arith.mulf %get3A_322, %mul3A_1092 : vector<16xf32>
        %add3A_1103 = arith.addf %get3A_1101, %mul3A_1102 : vector<16xf32>
        %swap3A_1104 = arith.index_cast %scan3A_1062 : i32 to index
        %swap3A_1105 = arith.constant 16 : index
        %swap3A_1106 = tpu.vector_load %arg10[%swap3A_1104, %swap3A_1105] {strides = array<i32>} : memref<112x128xf32, #tpu.memory_space<vmem>>, vector<1x16xf32>,
        %swap3A_1107 = vector.shape_cast %swap3A_1106 : vector<1x16xf32> to vector<16xf32>
        %swap3A_1108 = vector.shape_cast %add3A_1103 : vector<16xf32> to vector<1x16xf32>
        tpu.vector_store %arg10[%swap3A_1104, %swap3A_1105], %swap3A_1108 {strides = array<i32>} : memref<112x128xf32, #tpu.memory_space<vmem>>, vector<1x16xf32>,
        %get3A_1109 = arith.index_cast %scan3A_1062 : i32 to index
        %get3A_1110 = arith.constant 32 : index
        %get3A_1111 = tpu.vector_load %arg9[%get3A_1109, %get3A_1110] {strides = array<i32>} : memref<112x128xf32, #tpu.memory_space<vmem>>, vector<1x16xf32>,
        %get3A_1112 = vector.shape_cast %get3A_1111 : vector<1x16xf32> to vector<16xf32>
        %mul3A_1113 = arith.mulf %get3A_1112, %get3A_1067 : vector<16xf32>
        %swap3A_1114 = arith.index_cast %scan3A_1062 : i32 to index
        %swap3A_1115 = arith.constant 32 : index
        %swap3A_1116 = tpu.vector_load %arg9[%swap3A_1114, %swap3A_1115] {strides = array<i32>} : memref<112x128xf32, #tpu.memory_space<vmem>>, vector<1x16xf32>,
        %swap3A_1117 = vector.shape_cast %swap3A_1116 : vector<1x16xf32> to vector<16xf32>
        %swap3A_1118 = vector.shape_cast %mul3A_1113 : vector<16xf32> to vector<1x16xf32>
        tpu.vector_store %arg9[%swap3A_1114, %swap3A_1115], %swap3A_1118 {strides = array<i32>} : memref<112x128xf32, #tpu.memory_space<vmem>>, vector<1x16xf32>,
        %get3A_1119 = arith.index_cast %scan3A_1062 : i32 to index
        %get3A_1120 = arith.constant 32 : index
        %get3A_1121 = tpu.vector_load %arg10[%get3A_1119, %get3A_1120] {strides = array<i32>} : memref<112x128xf32, #tpu.memory_space<vmem>>, vector<1x16xf32>,
        %get3A_1122 = vector.shape_cast %get3A_1121 : vector<1x16xf32> to vector<16xf32>
        %mul3A_1123 = arith.mulf %get3A_322, %mul3A_1113 : vector<16xf32>
        %add3A_1124 = arith.addf %get3A_1122, %mul3A_1123 : vector<16xf32>
        %swap3A_1125 = arith.index_cast %scan3A_1062 : i32 to index
        %swap3A_1126 = arith.constant 32 : index
        %swap3A_1127 = tpu.vector_load %arg10[%swap3A_1125, %swap3A_1126] {strides = array<i32>} : memref<112x128xf32, #tpu.memory_space<vmem>>, vector<1x16xf32>,
        %swap3A_1128 = vector.shape_cast %swap3A_1127 : vector<1x16xf32> to vector<16xf32>
        %swap3A_1129 = vector.shape_cast %add3A_1124 : vector<16xf32> to vector<1x16xf32>
        tpu.vector_store %arg10[%swap3A_1125, %swap3A_1126], %swap3A_1129 {strides = array<i32>} : memref<112x128xf32, #tpu.memory_space<vmem>>, vector<1x16xf32>,
        %get3A_1130 = arith.index_cast %scan3A_1062 : i32 to index
        %get3A_1131 = arith.constant 48 : index
        %get3A_1132 = tpu.vector_load %arg9[%get3A_1130, %get3A_1131] {strides = array<i32>} : memref<112x128xf32, #tpu.memory_space<vmem>>, vector<1x16xf32>,
        %get3A_1133 = vector.shape_cast %get3A_1132 : vector<1x16xf32> to vector<16xf32>
        %mul3A_1134 = arith.mulf %get3A_1133, %get3A_1067 : vector<16xf32>
        %swap3A_1135 = arith.index_cast %scan3A_1062 : i32 to index
        %swap3A_1136 = arith.constant 48 : index
        %swap3A_1137 = tpu.vector_load %arg9[%swap3A_1135, %swap3A_1136] {strides = array<i32>} : memref<112x128xf32, #tpu.memory_space<vmem>>, vector<1x16xf32>,
        %swap3A_1138 = vector.shape_cast %swap3A_1137 : vector<1x16xf32> to vector<16xf32>
        %swap3A_1139 = vector.shape_cast %mul3A_1134 : vector<16xf32> to vector<1x16xf32>
        tpu.vector_store %arg9[%swap3A_1135, %swap3A_1136], %swap3A_1139 {strides = array<i32>} : memref<112x128xf32, #tpu.memory_space<vmem>>, vector<1x16xf32>,
        %get3A_1140 = arith.index_cast %scan3A_1062 : i32 to index
        %get3A_1141 = arith.constant 48 : index
        %get3A_1142 = tpu.vector_load %arg10[%get3A_1140, %get3A_1141] {strides = array<i32>} : memref<112x128xf32, #tpu.memory_space<vmem>>, vector<1x16xf32>,
        %get3A_1143 = vector.shape_cast %get3A_1142 : vector<1x16xf32> to vector<16xf32>
        %mul3A_1144 = arith.mulf %get3A_322, %mul3A_1134 : vector<16xf32>
        %add3A_1145 = arith.addf %get3A_1143, %mul3A_1144 : vector<16xf32>
        %swap3A_1146 = arith.index_cast %scan3A_1062 : i32 to index
        %swap3A_1147 = arith.constant 48 : index
        %swap3A_1148 = tpu.vector_load %arg10[%swap3A_1146, %swap3A_1147] {strides = array<i32>} : memref<112x128xf32, #tpu.memory_space<vmem>>, vector<1x16xf32>,
        %swap3A_1149 = vector.shape_cast %swap3A_1148 : vector<1x16xf32> to vector<16xf32>
        %swap3A_1150 = vector.shape_cast %add3A_1145 : vector<16xf32> to vector<1x16xf32>
        tpu.vector_store %arg10[%swap3A_1146, %swap3A_1147], %swap3A_1150 {strides = array<i32>} : memref<112x128xf32, #tpu.memory_space<vmem>>, vector<1x16xf32>,
        %get3A_1151 = arith.index_cast %scan3A_1062 : i32 to index
        %get3A_1152 = arith.constant 64 : index
        %get3A_1153 = tpu.vector_load %arg9[%get3A_1151, %get3A_1152] {strides = array<i32>} : memref<112x128xf32, #tpu.memory_space<vmem>>, vector<1x16xf32>,
        %get3A_1154 = vector.shape_cast %get3A_1153 : vector<1x16xf32> to vector<16xf32>
        %mul3A_1155 = arith.mulf %get3A_1154, %get3A_1067 : vector<16xf32>
        %swap3A_1156 = arith.index_cast %scan3A_1062 : i32 to index
        %swap3A_1157 = arith.constant 64 : index
        %swap3A_1158 = tpu.vector_load %arg9[%swap3A_1156, %swap3A_1157] {strides = array<i32>} : memref<112x128xf32, #tpu.memory_space<vmem>>, vector<1x16xf32>,
        %swap3A_1159 = vector.shape_cast %swap3A_1158 : vector<1x16xf32> to vector<16xf32>
        %swap3A_1160 = vector.shape_cast %mul3A_1155 : vector<16xf32> to vector<1x16xf32>
        tpu.vector_store %arg9[%swap3A_1156, %swap3A_1157], %swap3A_1160 {strides = array<i32>} : memref<112x128xf32, #tpu.memory_space<vmem>>, vector<1x16xf32>,
        %get3A_1161 = arith.index_cast %scan3A_1062 : i32 to index
        %get3A_1162 = arith.constant 64 : index
        %get3A_1163 = tpu.vector_load %arg10[%get3A_1161, %get3A_1162] {strides = array<i32>} : memref<112x128xf32, #tpu.memory_space<vmem>>, vector<1x16xf32>,
        %get3A_1164 = vector.shape_cast %get3A_1163 : vector<1x16xf32> to vector<16xf32>
        %mul3A_1165 = arith.mulf %get3A_328, %mul3A_1155 : vector<16xf32>
        %add3A_1166 = arith.addf %get3A_1164, %mul3A_1165 : vector<16xf32>
        %swap3A_1167 = arith.index_cast %scan3A_1062 : i32 to index
        %swap3A_1168 = arith.constant 64 : index
        %swap3A_1169 = tpu.vector_load %arg10[%swap3A_1167, %swap3A_1168] {strides = array<i32>} : memref<112x128xf32, #tpu.memory_space<vmem>>, vector<1x16xf32>,
        %swap3A_1170 = vector.shape_cast %swap3A_1169 : vector<1x16xf32> to vector<16xf32>
        %swap3A_1171 = vector.shape_cast %add3A_1166 : vector<16xf32> to vector<1x16xf32>
        tpu.vector_store %arg10[%swap3A_1167, %swap3A_1168], %swap3A_1171 {strides = array<i32>} : memref<112x128xf32, #tpu.memory_space<vmem>>, vector<1x16xf32>,
        %get3A_1172 = arith.index_cast %scan3A_1062 : i32 to index
        %get3A_1173 = arith.constant 80 : index
        %get3A_1174 = tpu.vector_load %arg10[%get3A_1172, %get3A_1173] {strides = array<i32>} : memref<112x128xf32, #tpu.memory_space<vmem>>, vector<1x16xf32>,
        %get3A_1175 = vector.shape_cast %get3A_1174 : vector<1x16xf32> to vector<16xf32>
        %mul3A_1176 = arith.mulf %get3A_334, %mul3A_1155 : vector<16xf32>
        %add3A_1177 = arith.addf %get3A_1175, %mul3A_1176 : vector<16xf32>
        %swap3A_1178 = arith.index_cast %scan3A_1062 : i32 to index
        %swap3A_1179 = arith.constant 80 : index
        %swap3A_1180 = tpu.vector_load %arg10[%swap3A_1178, %swap3A_1179] {strides = array<i32>} : memref<112x128xf32, #tpu.memory_space<vmem>>, vector<1x16xf32>,
        %swap3A_1181 = vector.shape_cast %swap3A_1180 : vector<1x16xf32> to vector<16xf32>
        %swap3A_1182 = vector.shape_cast %add3A_1177 : vector<16xf32> to vector<1x16xf32>
        tpu.vector_store %arg10[%swap3A_1178, %swap3A_1179], %swap3A_1182 {strides = array<i32>} : memref<112x128xf32, #tpu.memory_space<vmem>>, vector<1x16xf32>,
        %scan3A_1183 = arith.constant 0 : i32
        scf.yield %scan3A_1183 : i32
      }
      %scan3A_1000 = arith.constant 72 : i32
      %mul3A_1001 = arith.constant 10112 : i32
      %mul3A_1002 = arith.muli %arg0, %mul3A_1001 : i32
      %add3A_1003 = arith.addi %mul3A_1002, %mul3A_0 : i32
      %add3A_1004 = arith.constant 560 : i32
      %add3A_1005 = arith.addi %add3A_1003, %add3A_1004 : i32
      %dma_start3A_1006 = arith.constant 0 : i32
      %dma_start3A_1007 = arith.constant 0 : i32
      %dma_start3A_1008 = tpu.memref_slice %arg9[%dma_start3A_1006, %dma_start3A_1007] : memref<112x128xf32, #tpu.memory_space<vmem>> -> memref<72x128xf32, #tpu.memory_space<vmem>>
      %dma_start3A_1009 = arith.constant 0 : i32
      %dma_start3A_1010 = tpu.memref_slice %arg7[%add3A_1005, %dma_start3A_1009] : memref<20224x128xf32, #tpu.memory_space<hbm>> -> memref<72x128xf32, #tpu.memory_space<hbm>>
      %dma_start3A_1011 = arith.constant 0 : i32
      %dma_start3A_1012 = tpu.memref_slice %arg7[%add3A_1005, %dma_start3A_1011] : memref<20224x128xf32, #tpu.memory_space<hbm>> -> memref<72x128xf32, #tpu.memory_space<hbm>>
      %dma_start3A_1013 = arith.constant 0 : i32
      %dma_start3A_1014 = arith.constant 0 : i32
      %dma_start3A_1015 = tpu.memref_slice %arg9[%dma_start3A_1013, %dma_start3A_1014] : memref<112x128xf32, #tpu.memory_space<vmem>> -> memref<72x128xf32, #tpu.memory_space<vmem>>
      tpu.enqueue_dma source(%dma_start3A_1015 : memref<72x128xf32, #tpu.memory_space<vmem>>) target(%dma_start3A_1012 : memref<72x128xf32, #tpu.memory_space<hbm>>) target_semaphore(%arg18 : memref<!tpu.dma_semaphore, #tpu.memory_space<semaphore_mem>>)
      %mul3A_1016 = arith.constant 10112 : i32
      %mul3A_1017 = arith.muli %arg0, %mul3A_1016 : i32
      %add3A_1018 = arith.addi %mul3A_1017, %mul3A_0 : i32
      %add3A_1019 = arith.constant 560 : i32
      %add3A_1020 = arith.addi %add3A_1018, %add3A_1019 : i32
      %dma_start3A_1021 = arith.constant 0 : i32
      %dma_start3A_1022 = arith.constant 0 : i32
      %dma_start3A_1023 = tpu.memref_slice %arg10[%dma_start3A_1021, %dma_start3A_1022] : memref<112x128xf32, #tpu.memory_space<vmem>> -> memref<72x128xf32, #tpu.memory_space<vmem>>
      %dma_start3A_1024 = arith.constant 0 : i32
      %dma_start3A_1025 = tpu.memref_slice %arg6[%add3A_1020, %dma_start3A_1024] : memref<20224x128xf32, #tpu.memory_space<hbm>> -> memref<72x128xf32, #tpu.memory_space<hbm>>
      %dma_start3A_1026 = arith.constant 0 : i32
      %dma_start3A_1027 = tpu.memref_slice %arg6[%add3A_1020, %dma_start3A_1026] : memref<20224x128xf32, #tpu.memory_space<hbm>> -> memref<72x128xf32, #tpu.memory_space<hbm>>
      %dma_start3A_1028 = arith.constant 0 : i32
      %dma_start3A_1029 = arith.constant 0 : i32
      %dma_start3A_1030 = tpu.memref_slice %arg10[%dma_start3A_1028, %dma_start3A_1029] : memref<112x128xf32, #tpu.memory_space<vmem>> -> memref<72x128xf32, #tpu.memory_space<vmem>>
      tpu.enqueue_dma source(%dma_start3A_1030 : memref<72x128xf32, #tpu.memory_space<vmem>>) target(%dma_start3A_1027 : memref<72x128xf32, #tpu.memory_space<hbm>>) target_semaphore(%arg19 : memref<!tpu.dma_semaphore, #tpu.memory_space<semaphore_mem>>)
      %mul3A_1031 = arith.constant 10112 : i32
      %mul3A_1032 = arith.muli %arg0, %mul3A_1031 : i32
      %add3A_1033 = arith.addi %mul3A_1032, %mul3A_0 : i32
      %add3A_1034 = arith.constant 560 : i32
      %add3A_1035 = arith.addi %add3A_1033, %add3A_1034 : i32
      %dma_wait3A_1036 = arith.constant 0 : i32
      %dma_wait3A_1037 = arith.constant 0 : i32
      %dma_wait3A_1038 = tpu.memref_slice %arg9[%dma_wait3A_1036, %dma_wait3A_1037] : memref<112x128xf32, #tpu.memory_space<vmem>> -> memref<72x128xf32, #tpu.memory_space<vmem>>
      %dma_wait3A_1039 = arith.constant 0 : i32
      %dma_wait3A_1040 = tpu.memref_slice %arg7[%add3A_1035, %dma_wait3A_1039] : memref<20224x128xf32, #tpu.memory_space<hbm>> -> memref<72x128xf32, #tpu.memory_space<hbm>>
      %dma_wait3A_1041 = arith.constant 0 : i32
      %dma_wait3A_1042 = tpu.memref_slice %arg7[%add3A_1035, %dma_wait3A_1041] : memref<20224x128xf32, #tpu.memory_space<hbm>> -> memref<72x128xf32, #tpu.memory_space<hbm>>
      %dma_wait3A_1043 = arith.constant 0 : i32
      %dma_wait3A_1044 = arith.constant 0 : i32
      %dma_wait3A_1045 = tpu.memref_slice %arg9[%dma_wait3A_1043, %dma_wait3A_1044] : memref<112x128xf32, #tpu.memory_space<vmem>> -> memref<72x128xf32, #tpu.memory_space<vmem>>
      tpu.wait_dma2 semaphore(%arg18 : memref<!tpu.dma_semaphore, #tpu.memory_space<semaphore_mem>>) src(%dma_wait3A_1045 : memref<72x128xf32, #tpu.memory_space<vmem>>) dst(%dma_wait3A_1042 : memref<72x128xf32, #tpu.memory_space<hbm>>)
      %mul3A_1046 = arith.constant 10112 : i32
      %mul3A_1047 = arith.muli %arg0, %mul3A_1046 : i32
      %add3A_1048 = arith.addi %mul3A_1047, %mul3A_0 : i32
      %add3A_1049 = arith.constant 560 : i32
      %add3A_1050 = arith.addi %add3A_1048, %add3A_1049 : i32
      %dma_wait3A_1051 = arith.constant 0 : i32
      %dma_wait3A_1052 = arith.constant 0 : i32
      %dma_wait3A_1053 = tpu.memref_slice %arg10[%dma_wait3A_1051, %dma_wait3A_1052] : memref<112x128xf32, #tpu.memory_space<vmem>> -> memref<72x128xf32, #tpu.memory_space<vmem>>
      %dma_wait3A_1054 = arith.constant 0 : i32
      %dma_wait3A_1055 = tpu.memref_slice %arg6[%add3A_1050, %dma_wait3A_1054] : memref<20224x128xf32, #tpu.memory_space<hbm>> -> memref<72x128xf32, #tpu.memory_space<hbm>>
      %dma_wait3A_1056 = arith.constant 0 : i32
      %dma_wait3A_1057 = tpu.memref_slice %arg6[%add3A_1050, %dma_wait3A_1056] : memref<20224x128xf32, #tpu.memory_space<hbm>> -> memref<72x128xf32, #tpu.memory_space<hbm>>
      %dma_wait3A_1058 = arith.constant 0 : i32
      %dma_wait3A_1059 = arith.constant 0 : i32
      %dma_wait3A_1060 = tpu.memref_slice %arg10[%dma_wait3A_1058, %dma_wait3A_1059] : memref<112x128xf32, #tpu.memory_space<vmem>> -> memref<72x128xf32, #tpu.memory_space<vmem>>
      tpu.wait_dma2 semaphore(%arg19 : memref<!tpu.dma_semaphore, #tpu.memory_space<semaphore_mem>>) src(%dma_wait3A_1060 : memref<72x128xf32, #tpu.memory_space<vmem>>) dst(%dma_wait3A_1057 : memref<72x128xf32, #tpu.memory_space<hbm>>)
      %scan3A_1061 = arith.constant 0 : i32
      scf.yield %scan3A_1061 : i32
    }
    %scan3A_126 = arith.constant 20 : i32
    return
  }
}

module attributes {stable_mosaic.version = 14 : i64} {
  func.func @_tc1_body(%arg0: memref<10112x128xf32, #tpu.memory_space<vmem>>, %arg1: memref<128x128xf32, #tpu.memory_space<vmem>>, %arg2: memref<1x128xf32, #tpu.memory_space<vmem>>, %arg3: memref<10112x128xf32, #tpu.memory_space<vmem>>, %arg4: memref<20224x128xf32, #tpu.memory_space<vmem>>, %arg5: memref<20224x128xf32, #tpu.memory_space<vmem>>) attributes {dimension_semantics = [], scalar_prefetch = 0 : i64, scratch_operands = 0 : i64, tpu.core_type = #tpu.core_type<tc>} {
    %get3A = arith.constant 0 : index
    %get3A_0 = arith.constant 0 : index
    %get3A_1 = vector.load %arg0[%get3A, %get3A_0] : memref<10112x128xf32, #tpu.memory_space<vmem>>, vector<10112x128xf32>
    %get3A_2 = arith.constant 0 : index
    %get3A_3 = arith.constant 0 : index
    %get3A_4 = vector.load %arg1[%get3A_2, %get3A_3] : memref<128x128xf32, #tpu.memory_space<vmem>>, vector<128x128xf32>
    %dot_general3A = arith.constant dense<0.000000e+00> : vector<10112x128xf32>
    %dot_general3A_5 = tpu.matmul %get3A_1, %get3A_4, %dot_general3A {dimension_numbers = #tpu.dot_dimension_numbers<[1], [1], [0], [0], [0, 0, 1, 0], [], []>, transpose_lhs_hint = false} : vector<10112x128xf32>, vector<128x128xf32>, vector<10112x128xf32> -> vector<10112x128xf32>
    %get3A_6 = arith.constant 0 : index
    %get3A_7 = arith.constant 0 : index
    %get3A_8 = vector.load %arg2[%get3A_6, %get3A_7] : memref<1x128xf32, #tpu.memory_space<vmem>>, vector<1x128xf32>
    %add3A = vector.broadcast %get3A_8 : vector<1x128xf32> to vector<10112x128xf32>
    %add3A_9 = arith.addf %dot_general3A_5, %add3A : vector<10112x128xf32>
    %get3A_10 = arith.constant 0 : index
    %get3A_11 = arith.constant 0 : index
    %get3A_12 = vector.load %arg3[%get3A_10, %get3A_11] : memref<10112x128xf32, #tpu.memory_space<vmem>>, vector<10112x1xf32>
    %max3A = arith.constant 1.000000e+00 : f32
    %max3A_13 = vector.broadcast %max3A : f32 to vector<10112x1xf32>
    %max3A_14 = arith.maximumf %get3A_12, %max3A_13 : vector<10112x1xf32>
    %rsqrt3A = math.rsqrt %max3A_14 : vector<10112x1xf32>
    %div3A = arith.constant 1.000000e+00 : f32
    %div3A_15 = vector.broadcast %div3A : f32 to vector<10112x1xf32>
    %div3A_16 = arith.divf %div3A_15, %max3A_14 : vector<10112x1xf32>
    %broadcast_in_dim3A = vector.shape_cast %div3A_16 : vector<10112x1xf32> to vector<10112x1xf32>
    %broadcast_in_dim3A_17 = vector.broadcast %broadcast_in_dim3A : vector<10112x1xf32> to vector<10112x16xf32>
    %broadcast_in_dim3A_18 = vector.shape_cast %rsqrt3A : vector<10112x1xf32> to vector<10112x1xf32>
    %broadcast_in_dim3A_19 = vector.broadcast %broadcast_in_dim3A_18 : vector<10112x1xf32> to vector<10112x16xf32>
    %broadcast_in_dim3A_20 = arith.constant 0.000000e+00 : f32
    %broadcast_in_dim3A_21 = vector.broadcast %broadcast_in_dim3A_20 : f32 to vector<10112x48xf32>
    %broadcast_in_dim3A_22 = arith.constant 0.000000e+00 : f32
    %broadcast_in_dim3A_23 = vector.broadcast %broadcast_in_dim3A_22 : f32 to vector<10112x16xf32>
    %slice3A = vector.extract_strided_slice %add3A_9 {offsets = [0, 0], sizes = [10112, 64], strides = [1, 1]} : vector<10112x128xf32> to vector<10112x64xf32>
    %mul3A = vector.broadcast %rsqrt3A : vector<10112x1xf32> to vector<10112x64xf32>
    %mul3A_24 = arith.mulf %slice3A, %mul3A : vector<10112x64xf32>
    %swap3A = arith.constant 0 : index
    %swap3A_25 = arith.constant 0 : index
    %swap3A_26 = vector.load %arg4[%swap3A, %swap3A_25] : memref<20224x128xf32, #tpu.memory_space<vmem>>, vector<10112x64xf32>
    tpu.vector_store %arg4[%swap3A, %swap3A_25], %mul3A_24 {strides = array<i32>} : memref<20224x128xf32, #tpu.memory_space<vmem>>, vector<10112x64xf32>,
    %swap3A_27 = arith.constant 0 : index
    %swap3A_28 = arith.constant 64 : index
    %swap3A_29 = vector.load %arg4[%swap3A_27, %swap3A_28] : memref<20224x128xf32, #tpu.memory_space<vmem>>, vector<10112x16xf32>
    tpu.vector_store %arg4[%swap3A_27, %swap3A_28], %broadcast_in_dim3A_19 {strides = array<i32>} : memref<20224x128xf32, #tpu.memory_space<vmem>>, vector<10112x16xf32>,
    %swap3A_30 = arith.constant 0 : index
    %swap3A_31 = arith.constant 80 : index
    %swap3A_32 = vector.load %arg4[%swap3A_30, %swap3A_31] : memref<20224x128xf32, #tpu.memory_space<vmem>>, vector<10112x48xf32>
    tpu.vector_store %arg4[%swap3A_30, %swap3A_31], %broadcast_in_dim3A_21 {strides = array<i32>} : memref<20224x128xf32, #tpu.memory_space<vmem>>, vector<10112x48xf32>,
    %swap3A_33 = arith.constant 0 : index
    %swap3A_34 = arith.constant 0 : index
    %swap3A_35 = vector.load %arg5[%swap3A_33, %swap3A_34] : memref<20224x128xf32, #tpu.memory_space<vmem>>, vector<10112x64xf32>
    tpu.vector_store %arg5[%swap3A_33, %swap3A_34], %mul3A_24 {strides = array<i32>} : memref<20224x128xf32, #tpu.memory_space<vmem>>, vector<10112x64xf32>,
    %swap3A_36 = arith.constant 0 : index
    %swap3A_37 = arith.constant 64 : index
    %swap3A_38 = vector.load %arg5[%swap3A_36, %swap3A_37] : memref<20224x128xf32, #tpu.memory_space<vmem>>, vector<10112x16xf32>
    tpu.vector_store %arg5[%swap3A_36, %swap3A_37], %broadcast_in_dim3A_19 {strides = array<i32>} : memref<20224x128xf32, #tpu.memory_space<vmem>>, vector<10112x16xf32>,
    %swap3A_39 = arith.constant 0 : index
    %swap3A_40 = arith.constant 80 : index
    %swap3A_41 = vector.load %arg5[%swap3A_39, %swap3A_40] : memref<20224x128xf32, #tpu.memory_space<vmem>>, vector<10112x16xf32>
    tpu.vector_store %arg5[%swap3A_39, %swap3A_40], %broadcast_in_dim3A_19 {strides = array<i32>} : memref<20224x128xf32, #tpu.memory_space<vmem>>, vector<10112x16xf32>,
    %swap3A_42 = arith.constant 0 : index
    %swap3A_43 = arith.constant 96 : index
    %swap3A_44 = vector.load %arg5[%swap3A_42, %swap3A_43] : memref<20224x128xf32, #tpu.memory_space<vmem>>, vector<10112x16xf32>
    tpu.vector_store %arg5[%swap3A_42, %swap3A_43], %broadcast_in_dim3A_17 {strides = array<i32>} : memref<20224x128xf32, #tpu.memory_space<vmem>>, vector<10112x16xf32>,
    %swap3A_45 = arith.constant 0 : index
    %swap3A_46 = arith.constant 112 : index
    %swap3A_47 = vector.load %arg5[%swap3A_45, %swap3A_46] : memref<20224x128xf32, #tpu.memory_space<vmem>>, vector<10112x16xf32>
    tpu.vector_store %arg5[%swap3A_45, %swap3A_46], %broadcast_in_dim3A_23 {strides = array<i32>} : memref<20224x128xf32, #tpu.memory_space<vmem>>, vector<10112x16xf32>,
    %slice3A_48 = vector.extract_strided_slice %add3A_9 {offsets = [0, 64], sizes = [10112, 64], strides = [1, 1]} : vector<10112x128xf32> to vector<10112x64xf32>
    %mul3A_49 = vector.broadcast %rsqrt3A : vector<10112x1xf32> to vector<10112x64xf32>
    %mul3A_50 = arith.mulf %slice3A_48, %mul3A_49 : vector<10112x64xf32>
    %swap3A_51 = arith.constant 10112 : index
    %swap3A_52 = arith.constant 0 : index
    %swap3A_53 = vector.load %arg4[%swap3A_51, %swap3A_52] : memref<20224x128xf32, #tpu.memory_space<vmem>>, vector<10112x64xf32>
    tpu.vector_store %arg4[%swap3A_51, %swap3A_52], %mul3A_50 {strides = array<i32>} : memref<20224x128xf32, #tpu.memory_space<vmem>>, vector<10112x64xf32>,
    %swap3A_54 = arith.constant 10112 : index
    %swap3A_55 = arith.constant 64 : index
    %swap3A_56 = vector.load %arg4[%swap3A_54, %swap3A_55] : memref<20224x128xf32, #tpu.memory_space<vmem>>, vector<10112x16xf32>
    tpu.vector_store %arg4[%swap3A_54, %swap3A_55], %broadcast_in_dim3A_19 {strides = array<i32>} : memref<20224x128xf32, #tpu.memory_space<vmem>>, vector<10112x16xf32>,
    %swap3A_57 = arith.constant 10112 : index
    %swap3A_58 = arith.constant 80 : index
    %swap3A_59 = vector.load %arg4[%swap3A_57, %swap3A_58] : memref<20224x128xf32, #tpu.memory_space<vmem>>, vector<10112x48xf32>
    tpu.vector_store %arg4[%swap3A_57, %swap3A_58], %broadcast_in_dim3A_21 {strides = array<i32>} : memref<20224x128xf32, #tpu.memory_space<vmem>>, vector<10112x48xf32>,
    %swap3A_60 = arith.constant 10112 : index
    %swap3A_61 = arith.constant 0 : index
    %swap3A_62 = vector.load %arg5[%swap3A_60, %swap3A_61] : memref<20224x128xf32, #tpu.memory_space<vmem>>, vector<10112x64xf32>
    tpu.vector_store %arg5[%swap3A_60, %swap3A_61], %mul3A_50 {strides = array<i32>} : memref<20224x128xf32, #tpu.memory_space<vmem>>, vector<10112x64xf32>,
    %swap3A_63 = arith.constant 10112 : index
    %swap3A_64 = arith.constant 64 : index
    %swap3A_65 = vector.load %arg5[%swap3A_63, %swap3A_64] : memref<20224x128xf32, #tpu.memory_space<vmem>>, vector<10112x16xf32>
    tpu.vector_store %arg5[%swap3A_63, %swap3A_64], %broadcast_in_dim3A_19 {strides = array<i32>} : memref<20224x128xf32, #tpu.memory_space<vmem>>, vector<10112x16xf32>,
    %swap3A_66 = arith.constant 10112 : index
    %swap3A_67 = arith.constant 80 : index
    %swap3A_68 = vector.load %arg5[%swap3A_66, %swap3A_67] : memref<20224x128xf32, #tpu.memory_space<vmem>>, vector<10112x16xf32>
    tpu.vector_store %arg5[%swap3A_66, %swap3A_67], %broadcast_in_dim3A_19 {strides = array<i32>} : memref<20224x128xf32, #tpu.memory_space<vmem>>, vector<10112x16xf32>,
    %swap3A_69 = arith.constant 10112 : index
    %swap3A_70 = arith.constant 96 : index
    %swap3A_71 = vector.load %arg5[%swap3A_69, %swap3A_70] : memref<20224x128xf32, #tpu.memory_space<vmem>>, vector<10112x16xf32>
    tpu.vector_store %arg5[%swap3A_69, %swap3A_70], %broadcast_in_dim3A_17 {strides = array<i32>} : memref<20224x128xf32, #tpu.memory_space<vmem>>, vector<10112x16xf32>,
    %swap3A_72 = arith.constant 10112 : index
    %swap3A_73 = arith.constant 112 : index
    %swap3A_74 = vector.load %arg5[%swap3A_72, %swap3A_73] : memref<20224x128xf32, #tpu.memory_space<vmem>>, vector<10112x16xf32>
    tpu.vector_store %arg5[%swap3A_72, %swap3A_73], %broadcast_in_dim3A_23 {strides = array<i32>} : memref<20224x128xf32, #tpu.memory_space<vmem>>, vector<10112x16xf32>,
    return
  }
}

module attributes {stable_mosaic.version = 14 : i64} {
  func.func @_tc2_body(%arg0: i32, %arg1: memref<400x128xf32, #tpu.memory_space<vmem>>, %arg2: memref<400x128xf32, #tpu.memory_space<vmem>>, %arg3: memref<128x128xf32, #tpu.memory_space<vmem>>, %arg4: memref<128x128xf32, #tpu.memory_space<vmem>>, %arg5: memref<1x128xf32, #tpu.memory_space<vmem>>, %arg6: memref<1x128xf32, #tpu.memory_space<vmem>>, %arg7: memref<128x128xf32, #tpu.memory_space<vmem>>, %arg8: memref<1x128xf32, #tpu.memory_space<vmem>>, %arg9: memref<128x128xf32, #tpu.memory_space<vmem>>, %arg10: memref<1x128xf32, #tpu.memory_space<vmem>>, %arg11: memref<128x128xf32, #tpu.memory_space<vmem>>, %arg12: memref<1x128xf32, #tpu.memory_space<vmem>>, %arg13: memref<40x128xf32, #tpu.memory_space<vmem>>, %arg14: memref<1x40xf32, #tpu.memory_space<vmem>>, %arg15: memref<400x40xf32, #tpu.memory_space<vmem>>) attributes {dimension_semantics = [#tpu.dimension_semantics<arbitrary>], iteration_bounds = array<i64: 25>, scalar_prefetch = 0 : i64, scratch_operands = 0 : i64, tpu.core_type = #tpu.core_type<tc>, window_params = [{transform_indices = @transform_0, window_bounds = array<i64: 400, 128>}, {transform_indices = @transform_1, window_bounds = array<i64: 400, 128>}, {pipeline_mode = #tpu.pipeline_mode<synchronous>, transform_indices = @transform_2, window_bounds = array<i64: 128, 128>}, {pipeline_mode = #tpu.pipeline_mode<synchronous>, transform_indices = @transform_3, window_bounds = array<i64: 128, 128>}, {pipeline_mode = #tpu.pipeline_mode<synchronous>, transform_indices = @transform_4, window_bounds = array<i64: 1, 128>}, {pipeline_mode = #tpu.pipeline_mode<synchronous>, transform_indices = @transform_5, window_bounds = array<i64: 1, 128>}, {pipeline_mode = #tpu.pipeline_mode<synchronous>, transform_indices = @transform_6, window_bounds = array<i64: 128, 128>}, {pipeline_mode = #tpu.pipeline_mode<synchronous>, transform_indices = @transform_7, window_bounds = array<i64: 1, 128>}, {pipeline_mode = #tpu.pipeline_mode<synchronous>, transform_indices = @transform_8, window_bounds = array<i64: 128, 128>}, {pipeline_mode = #tpu.pipeline_mode<synchronous>, transform_indices = @transform_9, window_bounds = array<i64: 1, 128>}, {pipeline_mode = #tpu.pipeline_mode<synchronous>, transform_indices = @transform_10, window_bounds = array<i64: 128, 128>}, {pipeline_mode = #tpu.pipeline_mode<synchronous>, transform_indices = @transform_11, window_bounds = array<i64: 1, 128>}, {pipeline_mode = #tpu.pipeline_mode<synchronous>, transform_indices = @transform_12, window_bounds = array<i64: 40, 128>}, {pipeline_mode = #tpu.pipeline_mode<synchronous>, transform_indices = @transform_13, window_bounds = array<i64: 1, 40>}, {transform_indices = @transform_14, window_bounds = array<i64: 400, 40>}]} {
    %get3A = arith.constant 0 : index
    %get3A_0 = arith.constant 0 : index
    %get3A_1 = vector.load %arg1[%get3A, %get3A_0] : memref<400x128xf32, #tpu.memory_space<vmem>>, vector<400x128xf32>
    %get3A_2 = arith.constant 0 : index
    %get3A_3 = arith.constant 0 : index
    %get3A_4 = vector.load %arg2[%get3A_2, %get3A_3] : memref<400x128xf32, #tpu.memory_space<vmem>>, vector<400x128xf32>
    %slice3A = vector.extract_strided_slice %get3A_1 {offsets = [0, 96], sizes = [400, 1], strides = [1, 1]} : vector<400x128xf32> to vector<400x1xf32>
    %rsqrt3A = math.rsqrt %slice3A : vector<400x1xf32>
    %slice3A_5 = vector.extract_strided_slice %get3A_1 {offsets = [0, 0], sizes = [400, 64], strides = [1, 1]} : vector<400x128xf32> to vector<400x64xf32>
    %slice3A_6 = vector.extract_strided_slice %get3A_4 {offsets = [0, 0], sizes = [400, 64], strides = [1, 1]} : vector<400x128xf32> to vector<400x64xf32>
    %concatenate3A = tpu.concatenate %slice3A_5, %slice3A_6 in 1 : vector<400x64xf32>, vector<400x64xf32> -> vector<400x128xf32>
    %mul3A = vector.broadcast %rsqrt3A : vector<400x1xf32> to vector<400x128xf32>
    %mul3A_7 = arith.mulf %concatenate3A, %mul3A : vector<400x128xf32>
    %get3A_8 = arith.constant 0 : index
    %get3A_9 = arith.constant 0 : index
    %get3A_10 = vector.load %arg3[%get3A_8, %get3A_9] : memref<128x128xf32, #tpu.memory_space<vmem>>, vector<128x128xf32>
    %dot_general3A = arith.constant dense<0.000000e+00> : vector<400x128xf32>
    %dot_general3A_11 = tpu.matmul %mul3A_7, %get3A_10, %dot_general3A {dimension_numbers = #tpu.dot_dimension_numbers<[1], [1], [0], [0], [0, 0, 1, 0], [], []>, transpose_lhs_hint = false} : vector<400x128xf32>, vector<128x128xf32>, vector<400x128xf32> -> vector<400x128xf32>
    %get3A_12 = arith.constant 0 : index
    %get3A_13 = arith.constant 0 : index
    %get3A_14 = vector.load %arg4[%get3A_12, %get3A_13] : memref<128x128xf32, #tpu.memory_space<vmem>>, vector<128x128xf32>
    %dot_general3A_15 = arith.constant dense<0.000000e+00> : vector<400x128xf32>
    %dot_general3A_16 = tpu.matmul %dot_general3A_11, %get3A_14, %dot_general3A_15 {dimension_numbers = #tpu.dot_dimension_numbers<[1], [1], [0], [0], [0, 0, 1, 0], [], []>, transpose_lhs_hint = false} : vector<400x128xf32>, vector<128x128xf32>, vector<400x128xf32> -> vector<400x128xf32>
    %get3A_17 = arith.constant 0 : index
    %get3A_18 = arith.constant 0 : index
    %get3A_19 = vector.load %arg5[%get3A_17, %get3A_18] : memref<1x128xf32, #tpu.memory_space<vmem>>, vector<1x128xf32>
    %get3A_20 = arith.constant 0 : index
    %get3A_21 = arith.constant 0 : index
    %get3A_22 = vector.load %arg4[%get3A_20, %get3A_21] : memref<128x128xf32, #tpu.memory_space<vmem>>, vector<128x128xf32>
    %dot_general3A_23 = arith.constant dense<0.000000e+00> : vector<1x128xf32>
    %dot_general3A_24 = tpu.matmul %get3A_19, %get3A_22, %dot_general3A_23 {dimension_numbers = #tpu.dot_dimension_numbers<[1], [1], [0], [0], [0, 0, 1, 0], [], []>, transpose_lhs_hint = false} : vector<1x128xf32>, vector<128x128xf32>, vector<1x128xf32> -> vector<1x128xf32>
    %slice3A_25 = vector.extract_strided_slice %get3A_1 {offsets = [0, 64], sizes = [400, 1], strides = [1, 1]} : vector<400x128xf32> to vector<400x1xf32>
    %mul3A_26 = arith.mulf %slice3A_25, %rsqrt3A : vector<400x1xf32>
    %mul3A_27 = vector.broadcast %mul3A_26 : vector<400x1xf32> to vector<400x128xf32>
    %mul3A_28 = vector.broadcast %dot_general3A_24 : vector<1x128xf32> to vector<400x128xf32>
    %mul3A_29 = arith.mulf %mul3A_27, %mul3A_28 : vector<400x128xf32>
    %add3A = arith.addf %dot_general3A_16, %mul3A_29 : vector<400x128xf32>
    %slice3A_30 = vector.extract_strided_slice %get3A_1 {offsets = [0, 80], sizes = [400, 1], strides = [1, 1]} : vector<400x128xf32> to vector<400x1xf32>
    %mul3A_31 = arith.mulf %slice3A_30, %rsqrt3A : vector<400x1xf32>
    %get3A_32 = arith.constant 0 : index
    %get3A_33 = arith.constant 0 : index
    %get3A_34 = vector.load %arg6[%get3A_32, %get3A_33] : memref<1x128xf32, #tpu.memory_space<vmem>>, vector<1x128xf32>
    %mul3A_35 = vector.broadcast %mul3A_31 : vector<400x1xf32> to vector<400x128xf32>
    %mul3A_36 = vector.broadcast %get3A_34 : vector<1x128xf32> to vector<400x128xf32>
    %mul3A_37 = arith.mulf %mul3A_35, %mul3A_36 : vector<400x128xf32>
    %add3A_38 = arith.addf %add3A, %mul3A_37 : vector<400x128xf32>
    %get3A_39 = arith.constant 0 : index
    %get3A_40 = arith.constant 0 : index
    %get3A_41 = vector.load %arg7[%get3A_39, %get3A_40] : memref<128x128xf32, #tpu.memory_space<vmem>>, vector<128x128xf32>
    %dot_general3A_42 = arith.constant dense<0.000000e+00> : vector<400x128xf32>
    %dot_general3A_43 = tpu.matmul %add3A_38, %get3A_41, %dot_general3A_42 {dimension_numbers = #tpu.dot_dimension_numbers<[1], [1], [0], [0], [0, 0, 1, 0], [], []>, transpose_lhs_hint = false} : vector<400x128xf32>, vector<128x128xf32>, vector<400x128xf32> -> vector<400x128xf32>
    %get3A_44 = arith.constant 0 : index
    %get3A_45 = arith.constant 0 : index
    %get3A_46 = vector.load %arg8[%get3A_44, %get3A_45] : memref<1x128xf32, #tpu.memory_space<vmem>>, vector<1x128xf32>
    %add3A_47 = vector.broadcast %get3A_46 : vector<1x128xf32> to vector<400x128xf32>
    %add3A_48 = arith.addf %dot_general3A_43, %add3A_47 : vector<400x128xf32>
    %max3A = arith.constant 0.000000e+00 : f32
    %max3A_49 = vector.broadcast %max3A : f32 to vector<400x128xf32>
    %max3A_50 = arith.maximumf %add3A_48, %max3A_49 : vector<400x128xf32>
    %get3A_51 = arith.constant 0 : index
    %get3A_52 = arith.constant 0 : index
    %get3A_53 = vector.load %arg9[%get3A_51, %get3A_52] : memref<128x128xf32, #tpu.memory_space<vmem>>, vector<128x128xf32>
    %dot_general3A_54 = arith.constant dense<0.000000e+00> : vector<400x128xf32>
    %dot_general3A_55 = tpu.matmul %max3A_50, %get3A_53, %dot_general3A_54 {dimension_numbers = #tpu.dot_dimension_numbers<[1], [1], [0], [0], [0, 0, 1, 0], [], []>, transpose_lhs_hint = false} : vector<400x128xf32>, vector<128x128xf32>, vector<400x128xf32> -> vector<400x128xf32>
    %get3A_56 = arith.constant 0 : index
    %get3A_57 = arith.constant 0 : index
    %get3A_58 = vector.load %arg10[%get3A_56, %get3A_57] : memref<1x128xf32, #tpu.memory_space<vmem>>, vector<1x128xf32>
    %add3A_59 = vector.broadcast %get3A_58 : vector<1x128xf32> to vector<400x128xf32>
    %add3A_60 = arith.addf %dot_general3A_55, %add3A_59 : vector<400x128xf32>
    %max3A_61 = arith.constant 0.000000e+00 : f32
    %max3A_62 = vector.broadcast %max3A_61 : f32 to vector<400x128xf32>
    %max3A_63 = arith.maximumf %add3A_60, %max3A_62 : vector<400x128xf32>
    %get3A_64 = arith.constant 0 : index
    %get3A_65 = arith.constant 0 : index
    %get3A_66 = vector.load %arg11[%get3A_64, %get3A_65] : memref<128x128xf32, #tpu.memory_space<vmem>>, vector<128x128xf32>
    %dot_general3A_67 = arith.constant dense<0.000000e+00> : vector<400x128xf32>
    %dot_general3A_68 = tpu.matmul %max3A_63, %get3A_66, %dot_general3A_67 {dimension_numbers = #tpu.dot_dimension_numbers<[1], [1], [0], [0], [0, 0, 1, 0], [], []>, transpose_lhs_hint = false} : vector<400x128xf32>, vector<128x128xf32>, vector<400x128xf32> -> vector<400x128xf32>
    %get3A_69 = arith.constant 0 : index
    %get3A_70 = arith.constant 0 : index
    %get3A_71 = vector.load %arg12[%get3A_69, %get3A_70] : memref<1x128xf32, #tpu.memory_space<vmem>>, vector<1x128xf32>
    %add3A_72 = vector.broadcast %get3A_71 : vector<1x128xf32> to vector<400x128xf32>
    %add3A_73 = arith.addf %dot_general3A_68, %add3A_72 : vector<400x128xf32>
    %max3A_74 = arith.constant 0.000000e+00 : f32
    %max3A_75 = vector.broadcast %max3A_74 : f32 to vector<400x128xf32>
    %max3A_76 = arith.maximumf %add3A_73, %max3A_75 : vector<400x128xf32>
    %get3A_77 = arith.constant 0 : index
    %get3A_78 = arith.constant 0 : index
    %get3A_79 = vector.load %arg13[%get3A_77, %get3A_78] : memref<40x128xf32, #tpu.memory_space<vmem>>, vector<40x128xf32>
    %dot_general3A_80 = arith.constant dense<0.000000e+00> : vector<400x40xf32>
    %dot_general3A_81 = tpu.matmul %max3A_76, %get3A_79, %dot_general3A_80 {dimension_numbers = #tpu.dot_dimension_numbers<[1], [1], [0], [0], [0, 0, 1, 0], [], []>, transpose_lhs_hint = false} : vector<400x128xf32>, vector<40x128xf32>, vector<400x40xf32> -> vector<400x40xf32>
    %get3A_82 = arith.constant 0 : index
    %get3A_83 = arith.constant 0 : index
    %get3A_84 = vector.load %arg14[%get3A_82, %get3A_83] : memref<1x40xf32, #tpu.memory_space<vmem>>, vector<1x40xf32>
    %add3A_85 = vector.broadcast %get3A_84 : vector<1x40xf32> to vector<400x40xf32>
    %add3A_86 = arith.addf %dot_general3A_81, %add3A_85 : vector<400x40xf32>
    %reduce_max3A = arith.constant dense<0xFF800000> : vector<400xf32>
    %reduce_max3A_87 = vector.multi_reduction <maximumf>, %add3A_86, %reduce_max3A [1] : vector<400x40xf32> to vector<400xf32>
    %broadcast_in_dim3A = vector.shape_cast %reduce_max3A_87 : vector<400xf32> to vector<400x1xf32>
    %sub3A = vector.broadcast %broadcast_in_dim3A : vector<400x1xf32> to vector<400x40xf32>
    %sub3A_88 = arith.subf %add3A_86, %sub3A : vector<400x40xf32>
    %exp3A = math.exp %sub3A_88 : vector<400x40xf32>
    %reduce_sum3A = arith.constant dense<0.000000e+00> : vector<400xf32>
    %reduce_sum3A_89 = vector.multi_reduction <add>, %exp3A, %reduce_sum3A [1] : vector<400x40xf32> to vector<400xf32>
    %broadcast_in_dim3A_90 = vector.shape_cast %reduce_sum3A_89 : vector<400xf32> to vector<400x1xf32>
    %sub3A_91 = vector.broadcast %broadcast_in_dim3A : vector<400x1xf32> to vector<400x40xf32>
    %sub3A_92 = arith.subf %add3A_86, %sub3A_91 : vector<400x40xf32>
    %log3A = math.log %broadcast_in_dim3A_90 : vector<400x1xf32>
    %sub3A_93 = vector.broadcast %log3A : vector<400x1xf32> to vector<400x40xf32>
    %sub3A_94 = arith.subf %sub3A_92, %sub3A_93 : vector<400x40xf32>
    %swap3A = arith.constant 0 : index
    %swap3A_95 = arith.constant 0 : index
    %swap3A_96 = vector.load %arg15[%swap3A, %swap3A_95] : memref<400x40xf32, #tpu.memory_space<vmem>>, vector<400x40xf32>
    tpu.vector_store %arg15[%swap3A, %swap3A_95], %sub3A_94 {strides = array<i32>} : memref<400x40xf32, #tpu.memory_space<vmem>>, vector<400x40xf32>,
    return
  }
  func.func @transform_0(%arg0: i32) -> (i32, i32) {
    %c0_i32 = arith.constant 0 : i32
    %c0_i32_0 = arith.constant 0 : i32
    return %arg0, %c0_i32 : i32, i32
  }
  func.func @transform_1(%arg0: i32) -> (i32, i32) {
    %c0_i32 = arith.constant 0 : i32
    %c0_i32_0 = arith.constant 0 : i32
    return %arg0, %c0_i32 : i32, i32
  }
  func.func @transform_2(%arg0: i32) -> (i32, i32) {
    %c0_i32 = arith.constant 0 : i32
    %c0_i32_0 = arith.constant 0 : i32
    %c0_i32_1 = arith.constant 0 : i32
    return %c0_i32, %c0_i32_0 : i32, i32
  }
  func.func @transform_3(%arg0: i32) -> (i32, i32) {
    %c0_i32 = arith.constant 0 : i32
    %c0_i32_0 = arith.constant 0 : i32
    %c0_i32_1 = arith.constant 0 : i32
    return %c0_i32, %c0_i32_0 : i32, i32
  }
  func.func @transform_4(%arg0: i32) -> (i32, i32) {
    %c0_i32 = arith.constant 0 : i32
    %c0_i32_0 = arith.constant 0 : i32
    %c0_i32_1 = arith.constant 0 : i32
    return %c0_i32, %c0_i32_0 : i32, i32
  }
  func.func @transform_5(%arg0: i32) -> (i32, i32) {
    %c0_i32 = arith.constant 0 : i32
    %c0_i32_0 = arith.constant 0 : i32
    %c0_i32_1 = arith.constant 0 : i32
    return %c0_i32, %c0_i32_0 : i32, i32
  }
  func.func @transform_6(%arg0: i32) -> (i32, i32) {
    %c0_i32 = arith.constant 0 : i32
    %c0_i32_0 = arith.constant 0 : i32
    %c0_i32_1 = arith.constant 0 : i32
    return %c0_i32, %c0_i32_0 : i32, i32
  }
  func.func @transform_7(%arg0: i32) -> (i32, i32) {
    %c0_i32 = arith.constant 0 : i32
    %c0_i32_0 = arith.constant 0 : i32
    %c0_i32_1 = arith.constant 0 : i32
    return %c0_i32, %c0_i32_0 : i32, i32
  }
  func.func @transform_8(%arg0: i32) -> (i32, i32) {
    %c0_i32 = arith.constant 0 : i32
    %c0_i32_0 = arith.constant 0 : i32
    %c0_i32_1 = arith.constant 0 : i32
    return %c0_i32, %c0_i32_0 : i32, i32
  }
  func.func @transform_9(%arg0: i32) -> (i32, i32) {
    %c0_i32 = arith.constant 0 : i32
    %c0_i32_0 = arith.constant 0 : i32
    %c0_i32_1 = arith.constant 0 : i32
    return %c0_i32, %c0_i32_0 : i32, i32
  }
  func.func @transform_10(%arg0: i32) -> (i32, i32) {
    %c0_i32 = arith.constant 0 : i32
    %c0_i32_0 = arith.constant 0 : i32
    %c0_i32_1 = arith.constant 0 : i32
    return %c0_i32, %c0_i32_0 : i32, i32
  }
  func.func @transform_11(%arg0: i32) -> (i32, i32) {
    %c0_i32 = arith.constant 0 : i32
    %c0_i32_0 = arith.constant 0 : i32
    %c0_i32_1 = arith.constant 0 : i32
    return %c0_i32, %c0_i32_0 : i32, i32
  }
  func.func @transform_12(%arg0: i32) -> (i32, i32) {
    %c0_i32 = arith.constant 0 : i32
    %c0_i32_0 = arith.constant 0 : i32
    %c0_i32_1 = arith.constant 0 : i32
    return %c0_i32, %c0_i32_0 : i32, i32
  }
  func.func @transform_13(%arg0: i32) -> (i32, i32) {
    %c0_i32 = arith.constant 0 : i32
    %c0_i32_0 = arith.constant 0 : i32
    %c0_i32_1 = arith.constant 0 : i32
    return %c0_i32, %c0_i32_0 : i32, i32
  }
  func.func @transform_14(%arg0: i32) -> (i32, i32) {
    %c0_i32 = arith.constant 0 : i32
    %c0_i32_0 = arith.constant 0 : i32
    return %arg0, %c0_i32 : i32, i32
  }
}

</mosaic_0001>

<sc_bundles>
// kernel: kernel.6.cloned.1.call-start
scs
__scs_entry_jumppad:
0x0: {  	(pc) =	sbr.rel $0x88, $3  }
0x1: {  	(tag) =	ssettag $0x0;
	lr =	simm.s32 $0x1  }
0x2: {  	[smem:$0x3F91] =	sst lr;
	_ =	strace $0xD0000000  }
0x3: {  	_ = 	snop  }
0x4: {  	_ = 	snop  }
0x5: {  	_ = 	snop  }
0x6: {  	_ = 	snop  }
0x7: {  	_ = 	snop  }
__scs_overlays_trampoline_lowered:
0x8: {  	[smem:$0x3FA0] =	sst s0  }
0x9: {  	[smem:$0x3FA1] =	sst s1  }
0xa: {  	[smem:$0x3FA2] =	sst s2  }
0xb: {  	[smem:$0x3FA3] =	sst s3  }
0xc: {  	[smem:$0x3FA4] =	sst s4  }
0xd: {  	[smem:$0x3FA5] =	sst s5  }
0xe: {  	[smem:$0x3FA6] =	sst s6  }
0xf: {  	[smem:$0x3FA7] =	sst s7  }
0x10: {  	[smem:$0x3FA8] =	sst s8  }
0x11: {  	[smem:$0x3FA9] =	sst s9;
	s0 =	simm.s32 @!p0 $0x0  }
0x12: {  	s1 =	sld [smem:$0x3F8F];
	s0 =	simm.s32 @p0 $0x1  }
0x13: {  	[smem:$0x3FAA] =	sst s0;
	s0 =	simm.s32 @!p1 $0x0  }
0x14: {  	s2 =	sld [smem:$0x3F8E];
	s0 =	simm.s32 @p1 $0x1  }
0x15: {  	[smem:$0x3FAB] =	sst s0;
	s0 =	simm.s32 @!p2 $0x0  }
0x16: {  	s3 =	sld [smem:$0x3FDB];
	s0 =	simm.s32 @p2 $0x1  }
0x17: {  	s4 =	simm.s32 $0x1BF5;
	[smem:$0x3FAD] =	sst s0  }
0x18: {  	s0 =	sld [smem:$0x3F90];
	_ =	swait.ge [sflag:s4], $0x0  }
0x19: {  	s7 =	sld [smem:$0x3F91]  }
0x1a: {  	s8 =	sadd.s32 $0xFFFFE003, lr  }
0x1b: {  	s9 =	sadd.s32 $0xFFFFFEF7, lr;
	s5 =	simm.s32 $0xFFFFFFFF;
	p2 =	slt.u32 s8, $0xFFFFF086  }
0x1c: {  	p1 =	slt.u32 s9, $0xF7A;
	s5 =	simm.s32 @!p2 $0x0  }
0x1d: {  	s5 =	simm.s32 @p1 $0x1;
	p0 =	seq.s32 s7, s2  }
0x1e: {  	s7 =	smul.u32 @!p0 $0xF7A, s2;
	p2 =	seq.s32 @!p0 s5, $0x0  }
0x1f: {  	s9 =	smul.u32 $0xF7A, s1;
	s8 =	simm.s32 @!p0 $0x1BF5;
	p2 =	por !p2, p0  }
0x20: {  	[sflag:s8] =	ssyncset.s32 @!p0 $0xFFFFF086;
	s6 =	sadd.s32 @!p0 s3, s7;
	s7 =	simm.s32 @!p0 $0x108  }
0x21: {  	s3 =	sadd.s32 s3, s9;
	s6 =	sadd.s32 @!p0 $0x88, s6;
	s7 =	simm.s32 @p2 $0x1082  }
0x22: {  	[simem:s7], [sflag:s8] =	dma.local @!p0 [hbm:s6], $0xF7A  }
0x23: {  	s9 =	sor.u32 $0xD0000000, s2;
	s6 =	simm.s32 $0x108;
	_ =	swait.ge @!p0 [sflag:s8], $0x0  }
0x24: {  	s3 =	sadd.s32 $0x88, s3;
	s6 =	simm.s32 @!p1 $0x1082;
	[sflag:s4] =	ssyncset.s32 $0xFFFFF086  }
0x25: {  	[simem:s6], [sflag:s4] =	dma.local [hbm:s3], $0xF7A  }
0x26: {  	[smem:$0x3F91] =	sst s1;
	(tag) =	ssettag s2;
	_ =	strace s9  }
0x27: {  	s1 =	sld [smem:$0x3FA1]  }
0x28: {  	s2 =	sld [smem:$0x3FA2]  }
0x29: {  	s4 =	sld [smem:$0x3FA4]  }
0x2a: {  	p0 =	seq.s32 s5, $0x0;
	s5 =	sld [smem:$0x3FA5]  }
0x2b: {  	s6 =	sld [smem:$0x3FA6]  }
0x2c: {  	s7 =	sld [smem:$0x3FA7]  }
0x2d: {  	s3 =	simm.s32 $0x108;
	s8 =	sld [smem:$0x3FA8]  }
0x2e: {  	s3 =	simm.s32 @!p0 $0x1082;
	s9 =	sld [smem:$0x3FA9]  }
0x2f: {  	lr =	sadd.s32 s0, s3;
	s0 =	sld [smem:$0x3FA0]  }
0x30: {  	s3 =	sld [smem:$0x3FA3]  }
0x31: {  	[smem:$0x3FAC] =	sst s10  }
0x32: {  	s10 =	sld [smem:$0x3FAA];
	_ =	sdelay $0x3  }
0x33: {  	p0 =	seq.s32 s10, $0x1;
	s10 =	sld [smem:$0x3FAC];
	_ =	sdelay $0x3  }
0x34: {  	[smem:$0x3FAC] =	sst s10  }
0x35: {  	s10 =	sld [smem:$0x3FAB];
	_ =	sdelay $0x3  }
0x36: {  	p1 =	seq.s32 s10, $0x1;
	s10 =	sld [smem:$0x3FAC];
	_ =	sdelay $0x3  }
0x37: {  	[smem:$0x3FAC] =	sst s10  }
0x38: {  	s10 =	sld [smem:$0x3FAD]  }
0x39: {  	_ = 	snop;
	(pc) =	sbr.ind lr, $3  }
0x3a: {  	_ = 	snop  }
0x3b: {  	_ = 	snop  }
0x3c: {  	p2 =	seq.s32 s10, $0x1;
	s10 =	sld [smem:$0x3FAC]  }
0x3d: {  	_ =	shalt  }
0x3e: {  	_ =	shalt  }
0x3f: {  	_ =	shalt  }
0x40: {  	_ =	shalt  }
0x41: {  	_ =	shalt  }
0x42: {  	_ =	shalt  }
0x43: {  	_ =	shalt  }
0x44: {  	_ =	shalt  }
0x45: {  	_ =	shalt  }
0x46: {  	_ =	shalt  }
0x47: {  	_ =	shalt  }
0x48: {  	_ =	shalt  }
0x49: {  	_ =	shalt  }
0x4a: {  	_ =	shalt  }
0x4b: {  	_ =	shalt  }
0x4c: {  	_ =	shalt  }
0x4d: {  	_ =	shalt  }
0x4e: {  	_ =	shalt  }
0x4f: {  	_ =	shalt  }
0x50: {  	_ =	shalt  }
0x51: {  	_ =	shalt  }
0x52: {  	_ =	shalt  }
0x53: {  	_ =	shalt  }
0x54: {  	_ =	shalt  }
0x55: {  	_ =	shalt  }
0x56: {  	_ =	shalt  }
0x57: {  	_ =	shalt  }
0x58: {  	_ =	shalt  }
0x59: {  	_ =	shalt  }
0x5a: {  	_ =	shalt  }
0x5b: {  	_ =	shalt  }
0x5c: {  	_ =	shalt  }
0x5d: {  	_ =	shalt  }
0x5e: {  	_ =	shalt  }
0x5f: {  	_ =	shalt  }
0x60: {  	_ =	shalt  }
0x61: {  	_ =	shalt  }
0x62: {  	_ =	shalt  }
0x63: {  	_ =	shalt  }
0x64: {  	_ =	shalt  }
0x65: {  	_ =	shalt  }
0x66: {  	_ =	shalt  }
0x67: {  	_ =	shalt  }
0x68: {  	_ =	shalt  }
0x69: {  	_ =	shalt  }
0x6a: {  	_ =	shalt  }
0x6b: {  	_ =	shalt  }
0x6c: {  	_ =	shalt  }
0x6d: {  	_ =	shalt  }
0x6e: {  	_ =	shalt  }
0x6f: {  	_ =	shalt  }
0x70: {  	_ =	shalt  }
0x71: {  	_ =	shalt  }
0x72: {  	_ =	shalt  }
0x73: {  	_ =	shalt  }
0x74: {  	_ =	shalt  }
0x75: {  	_ =	shalt  }
0x76: {  	_ =	shalt  }
0x77: {  	_ =	shalt  }
0x78: {  	_ =	shalt  }
0x79: {  	_ =	shalt  }
0x7a: {  	_ =	shalt  }
0x7b: {  	_ =	shalt  }
0x7c: {  	_ =	shalt  }
0x7d: {  	_ =	shalt  }
0x7e: {  	_ =	shalt  }
0x7f: {  	_ =	shalt  }
0x80: {  	_ =	shalt  }
0x81: {  	_ =	shalt  }
0x82: {  	_ =	shalt  }
0x83: {  	_ =	shalt  }
0x84: {  	_ =	shalt  }
0x85: {  	_ =	shalt  }
0x86: {  	_ =	shalt  }
0x87: {  	_ =	shalt  }
.Lfunc_end0:
.L_simem_size_0:
called_computation_lowered:
.L_overlay_start_0:
0x88: {  	s2 =	sld [smem:$0x3FD9]  }
0x89: {  	s3 =	sld [smem:$0x3FFE];
	_ =	sdelay $0x1  }
0x8a: {  	s1 =	srdreg.scid  }
0x8b: {  	s0 =	sand.u32 $0x1, s1  }
0x8c: {  	s16 =	sshll.u32 s0, $0xA;
	s2 =	sadd.s32 s3, s2  }
0x8d: {  	s2 =	sadd.s32 s2, s16  }
0x8e: {  	[smem:$0x3FB8] =	sst s2  }
0x8f: {  	_ = 	snop  }
0x90: {  	(tm) =	ssettm $0x1  }
0x91: {  	s17 =	sld [smem:$0x3FFB];
	_ =	sdelay $0x3  }
0x92: {  	_ =	strace s17  }
0x93: {  	s2 =	sld [smem:$0x3FFC];
	_ =	sdelay $0x3  }
0x94: {  	_ =	strace s2  }
0x95: {  	s2 =	sld [smem:$0x3FFD];
	_ =	sdelay $0x3  }
0x96: {  	_ =	strace s2  }
0x97: {  	_ =	strace $0x8FFFFFFF  }
0x98: {  	s18 =	sld [smem:$0x3FDB];
	_ =	sdelay $0x1  }
0x99: {  	s19 =	simm.s32 $_scs_section_size  }
0x9a: {  	s4 =	simm.s32 $_size__tile_overlayer_lowered;
	s5 =	simm.s32 $_tile_overlayer_lowered  }
0x9b: {  	s22 =	simm.s32 $0x1BFF;
	s21 =	sshll.u32 s5, $0x1;
	s2 =	sadd.s32 s19, s18  }
0x9c: {  	s6 =	simm.s32 $0x0;
	s20 =	sshll.u32 s4, $0x1;
	s4 =	sadd.s32 s21, s2  }
0x9d: {  	[timem:s6], [sflag:s22] =	dma.local [hbm:s4], s20  }
0x9e: {  	_ =	swait.ge [sflag:s22], s20  }
0x9f: {  	s3 =	ssub.s32 $0x0, s20;
	[sflag:s22] =	ssyncset.done $0x0  }
0xa0: {  	[sflag:s22] =	ssyncadd.s32 s3;
	_ =	sdelay $0x1  }
0xa1: {  	s23 =	simm.s32 $0x1B8B  }
0xa2: {  	_ =	swait.ge [sflag:s23], $0x1  }
0xa3: {  	[sflag:s23] =	ssyncset.done $0x0  }
0xa4: {  	s25 =	simm.s32 $0x1B8E;
	s24 =	sld [smem:$0x3FFE];
	[sflag:s23] =	ssyncadd.s32 $0xFFFFFFFF  }
0xa5: {  	s26 =	simm.s32 $execute0_lowered;
	[smem:$0x3FD2] =	sst s25  }
0xa6: {  	s4 =	sshll.u32 s26, $0x1;
	_ =	strace $0x80000046;
	[dreg:$0x1] =	wrdreg $0xFFFFFFFF  }
0xa7: {  	s28 =	simm.s32 $_size_execute0_lowered;
	s2 =	sadd.s32 s2, s4;
	[dreg:$0x0] =	wrdreg $0x0  }
0xa8: {  	s4 =	sshll.u32 s28, $0x1;
	[dreg:$0x2] =	wrdreg s2  }
0xa9: {  	[dreg:$0x3] =	wrdreg s4  }
0xaa: {  	[dreg:$0x4] =	wrdreg $0xC0  }
0xab: {  	_ =	task [dreg:s6], $0x5FFFF  }
0xac: {  	[dreg:$0x1] =	wrdreg $0xFFFFFFFF  }
0xad: {  	[dreg:$0x0] =	wrdreg $0x60  }
0xae: {  	[dreg:$0x2] =	wrdreg s24  }
0xaf: {  	[dreg:$0x3] =	wrdreg $0x88000  }
0xb0: {  	[dreg:$0x4] =	wrdreg $0x9  }
0xb1: {  	_ =	task.clear_ibuf [dreg:s6], $0x5FFFF;
	_ =	strace $0x90000046  }
0xb2: {  	s29 =	simm.s32 $0x9;
	_ =	strace $0x80000048  }
0xb3: {  	_ =	swait.ge [sflag:s29], $0x1  }
0xb4: {  	[sflag:s29] =	ssyncadd.s32 $0xFFFFFFFF  }
0xb5: {  	_ =	strace $0x90000048  }
0xb6: {  	_ =	sfence  }
0xb7: {  	s30 =	sld [smem:$0x0];
	_ =	sdelay $0x2  }
0xb8: {  	s31 =	sshll.u32 s1, $0xD;
	s1 =	sshrl.u32 s1, $0x2  }
0xb9: {  	s3 =	sand.u32 $0x4000, s31;
	s1 =	sadd.s32 s1, s30  }
0xba: {  	s0 =	sor.u32 s3, s0;
	s1 =	sshll.u32 s1, $0x11  }
0xbb: {  	s0 =	sor.u32 s1, s0  }
0xbc: {  	s0 =	sadd.s32 $0x8F2B, s0  }
0xbd: {  	[sflag:s0] =	ssyncadd.remote.s32 $0x1  }
0xbe: {  	_ =	sfence.sel $0xFFFF  }
0xbf: {  	[dreg:$0x0] =	wrdreg $0xFFFFFFFF;
	(pc) =	sbr.abs _section_cstart, $3  }
0xc0: {  	[dreg:$0x1] =	wrdreg $0xFFFFFFFF  }
0xc1: {  	_ =	task.clear_ibuf [dreg:s6], $0x2FFFF;
	_ =	strace $0x9FFFFFFF  }
0xc2: {  	(tm) =	ssettm $0x7FFFFFFF  }
0xc3: {  	_ =	shalt  }
tec
execute0_lowered:
.L_overlay_start_1:
0x0: {  	(tag) =	ssettag $0x1  }
0x1: {  	s0 =	rddreg [dreg:$0x0]  }
0x2: {  	s2 =	rddreg [dreg:$0x1]  }
0x3: {  	s3 =	simm.s32 $0x0;
	s16 =	stileid.u32;
	s1 =	srdreg.scid  }
0x4: {  	s28 =	simm.s32 $0x300;
	s29 =	simm.s32 $0x380;
	s4 =	smul.u32 $0x1800, s16  }
0x5: {  	s30 =	simm.s32 $0x400;
	s31 =	simm.s32 $0x480;
	s6 =	smul.u32 $0x4F000, s16  }
0x6: {  	[smem:$0x7FF] =	sst s3;
	s1 =	sand.u32 $0x1, s1;
	s8 =	smul.u32 $0x278, s16  }
0x7: {  	s16 =	smul.u32 $0x2780, s16;
	_ =	strace $0x80000047;
	s5 =	ssub.s32 $0x2, s1  }
0x8: {  	p0 =	sne.s32 s1, $0x0;
	s1 =	simm.s32 $0x580;
	s4 =	sadd.s32 s4, s0  }
0x9: {  	s7 =	sshrl.u32 s5, $0x1;
	s0 =	sadd.s32 $0x1B400, s0;
	s23 =	sshrl.u32 s6, $0x2  }
0xa: {  	s11 =	sadd.s32 $0x70, s8;
	s12 =	sadd.s32 $0xE0, s8;
	s13 =	sadd.s32 $0x150, s8  }
0xb: {  	s14 =	sadd.s32 $0x1C0, s8;
	s15 =	sadd.s32 $0x230, s8;
	s10 =	ssub.s32 s5, s7  }
0xc: {  	s5 =	sadd.s32 s23, s2;
	s24 =	sshll.u32 s11, $0x7;
	s25 =	sshll.u32 s12, $0x7  }
0xd: {  	s26 =	sshll.u32 s13, $0x7;
	s9 =	sshll.u32 s15, $0x7;
	s11 =	sshll.u32 s11, $0x4  }
0xe: {  	s17 =	sadd.s32 s0, s16;
	s19 =	sshll.u32 s12, $0x4;
	s21 =	sshll.u32 s13, $0x4  }
0xf: {  	s22 =	sshll.u32 s14, $0x4;
	s12 =	simm.s32 $0x700;
	s13 =	simm.s32 $0x780  }
0x10: {  	[dreg:$0x3] =	wrdreg s5;
	s5 =	sadd.s32 s24, s2;
	s6 =	sadd.s32 s25, s2  }
0x11: {  	s7 =	sadd.s32 s26, s2;
	s9 =	sadd.s32 s9, s2;
	[dreg:$0x5] =	wrdreg s17  }
0x12: {  	s18 =	sadd.s32 s0, s11;
	s20 =	sadd.s32 s0, s19;
	s23 =	sadd.s32 s0, s21  }
0x13: {  	s24 =	sadd.s32 s0, s22;
	s25 =	sshll.u32 s15, $0x4;
	[dreg:$0x4] =	wrdreg s5  }
0x14: {  	s26 =	smax.u32 s10, $0x1;
	s17 =	sadd.s32 $0x3400, s4;
	[dreg:$0x6] =	wrdreg s18  }
0x15: {  	s19 =	simm.s32 $0x1;
	s21 =	simm.s32 $0x800;
	[dreg:$0x7] =	wrdreg s20  }
0x16: {  	s22 =	simm.s32 $0x80;
	s10 =	simm.s32 $0x600;
	[dreg:$0x8] =	wrdreg s23  }
0x17: {  	s11 =	simm.s32 $0x680;
	s5 =	sshll.u32 s14, $0x7;
	[dreg:$0x9] =	wrdreg s24  }
0x18: {  	s0 =	sadd.s32 s0, s25;
	[dreg:$0xb] =	wrdreg s26;
	s18 =	simm.s32 $0x4800  }
0x19: {  	s20 =	simm.s32 $0x70;
	s23 =	simm.s32 $0x100;
	s24 =	simm.s32 $0x180  }
0x1a: {  	s25 =	simm.s32 $0x200;
	s26 =	simm.s32 $0x280;
	s14 =	simm.s32 $0x0  }
0x1b: {  	v0 =	vimm.f32 $1.000000000e+00;
	v1 =	vimm.f32 $0.0e+00;
	s8 =	sadd.s32 s5, s2;
	[dreg:$0xa] =	wrdreg s0;
	s0 =	simm.s32 $0x500  }
.LBB2_1:
0x1c: {  	s15 =	simm.s32 $0x0;
	s16 =	simm.s32 $0x200  }
.LBB2_2:
0x1d: {  	p1 =	sne.s32 s16, $0xFE00;
	[tilespmem:s15+$0x4870] =	vst v1  }
0x1e: {  	[tilespmem:s15+$0x800] =	vst v0  }
0x1f: {  	[tilespmem:s15+$0x4800] =	vst v1  }
0x20: {  	[tilespmem:s15+$0x810] =	vst v0  }
0x21: {  	[tilespmem:s15+$0x4810] =	vst v1  }
0x22: {  	[tilespmem:s15+$0x820] =	vst v0  }
0x23: {  	[tilespmem:s15+$0x4820] =	vst v1  }
0x24: {  	[tilespmem:s15+$0x830] =	vst v0  }
0x25: {  	[tilespmem:s15+$0x4830] =	vst v1  }
0x26: {  	[tilespmem:s15+$0x840] =	vst v0  }
0x27: {  	[tilespmem:s15+$0x4840] =	vst v1  }
.Ltmp0:
0x28: {  	[tilespmem:s15+$0x850] =	vst v0;
	(pc) =	sbr.rel @p1 .LBB2_2-.Ltmp0, $4  }
0x29: {  	[tilespmem:s15+$0x4850] =	vst v1  }
0x2a: {  	[tilespmem:s15+$0x860] =	vst v0  }
0x2b: {  	[tilespmem:s15+$0x4860] =	vst v1  }
0x2c: {  	[tilespmem:s15+$0x870] =	vst v0;
	s15 =	sshra.s32 s16, $0x2;
	s16 =	sadd.s32 $0x200, s16  }
0x2d: {  	[tilespmem:s15+$0x4870] =	vst v1  }
0x2e: {  	[tilespmem:s15+$0x800] =	vst v0  }
0x2f: {  	[tilespmem:s15+$0x4800] =	vst v1  }
0x30: {  	[tilespmem:s15+$0x810] =	vst v0  }
0x31: {  	[tilespmem:s15+$0x4810] =	vst v1  }
0x32: {  	[tilespmem:s15+$0x820] =	vst v0  }
0x33: {  	[tilespmem:s15+$0x4820] =	vst v1  }
0x34: {  	[tilespmem:s15+$0x830] =	vst v0  }
0x35: {  	[tilespmem:s15+$0x4830] =	vst v1  }
0x36: {  	[tilespmem:s15+$0x840] =	vst v0  }
0x37: {  	[tilespmem:s15+$0x4840] =	vst v1  }
0x38: {  	[tilespmem:s15+$0x850] =	vst v0  }
0x39: {  	[tilespmem:s15+$0x4850] =	vst v1  }
0x3a: {  	[tilespmem:s15+$0x860] =	vst v0  }
0x3b: {  	[tilespmem:s15+$0x4860] =	vst v1  }
0x3c: {  	[tilespmem:s15+$0x870] =	vst v0;
	s4 =	rddreg [dreg:$0x3]  }
0x3d: {  	[spmem:s4] =	stream.linear.scatter [tilespmem:s18], [sflag:$0x1], $0x3800, $0x38;
	[tilespmem:$0x1C400] =	vst v63  }
0x3e: {  	_ =	swait.ge [sflag:s19], $0x3800  }
0x3f: {  	[sflag:s19] =	ssyncset.done $0x0  }
0x40: {  	s15 =	rddreg [dreg:$0x4];
	[sflag:s19] =	ssyncadd.s32 $0xFFFFC800  }
0x41: {  	[spmem:s15] =	stream.linear.scatter [tilespmem:s18], [sflag:$0x1], $0x3800, $0x38;
	[tilespmem:$0x1C400] =	vst v63  }
0x42: {  	_ =	swait.ge [sflag:s19], $0x3800  }
0x43: {  	[sflag:s19] =	ssyncset.done $0x0  }
0x44: {  	[sflag:s19] =	ssyncadd.s32 $0xFFFFC800  }
0x45: {  	[spmem:s6] =	stream.linear.scatter [tilespmem:s18], [sflag:$0x1], $0x3800, $0x38;
	[tilespmem:$0x1C400] =	vst v63  }
0x46: {  	_ =	swait.ge [sflag:s19], $0x3800  }
0x47: {  	[sflag:s19] =	ssyncset.done $0x0  }
0x48: {  	[sflag:s19] =	ssyncadd.s32 $0xFFFFC800  }
0x49: {  	[spmem:s7] =	stream.linear.scatter [tilespmem:s18], [sflag:$0x1], $0x3800, $0x38;
	[tilespmem:$0x1C400] =	vst v63  }
0x4a: {  	_ =	swait.ge [sflag:s19], $0x3800  }
0x4b: {  	[sflag:s19] =	ssyncset.done $0x0  }
0x4c: {  	[sflag:s19] =	ssyncadd.s32 $0xFFFFC800  }
0x4d: {  	[spmem:s8] =	stream.linear.scatter [tilespmem:s18], [sflag:$0x1], $0x3800, $0x38;
	[tilespmem:$0x1C400] =	vst v63  }
0x4e: {  	_ =	swait.ge [sflag:s19], $0x3800  }
0x4f: {  	[sflag:s19] =	ssyncset.done $0x0  }
0x50: {  	[sflag:s19] =	ssyncadd.s32 $0xFFFFC800  }
0x51: {  	[spmem:s9] =	stream.linear.scatter [tilespmem:s18], [sflag:$0x1], $0x2400, $0x38;
	[tilespmem:$0x1C400] =	vst v63  }
0x52: {  	_ =	swait.ge [sflag:s19], $0x2400  }
0x53: {  	[sflag:s19] =	ssyncset.done $0x0  }
0x54: {  	[sflag:s19] =	ssyncadd.s32 $0xFFFFDC00  }
0x55: {  	s16 =	sadd.s32 $0x100, s17;
	[bflag:$0x0] =	sbarrier.arrive $0xFFFF  }
0x56: {  	[tilespmem:s3], [sflag:$0x1] =	stream.linear.gather [hbm4b:s16+s3], $0x800, $0x38;
	[tilespmem:$0x1C400] =	vst v63  }
0x57: {  	_ =	swait.ge [sflag:s19], $0x800  }
0x58: {  	[sflag:s19] =	ssyncset.done $0x0  }
0x59: {  	[sflag:s19] =	ssyncadd.s32 $0xFFFFF800  }
0x5a: {  	[spmem:s2] =	stream.indirect.scatter.add.f32 [tilespmem:s21], [sflag:$0x1], $0x80, s3, s20, $0xb8;
	[tilespmem:$0x1C400] =	vst v63  }
0x5b: {  	_ =	swait.ge [sflag:s19], $0x3800  }
0x5c: {  	[sflag:s19] =	ssyncset.done $0x0  }
0x5d: {  	[sflag:s19] =	ssyncadd.s32 $0xFFFFC800  }
0x5e: {  	[spmem:s2] =	stream.indirect.scatter.add.f32 [tilespmem:s21], [sflag:$0x1], $0x80, s22, s20, $0xb8;
	[tilespmem:$0x1C400] =	vst v63  }
0x5f: {  	_ =	swait.ge [sflag:s19], $0x3800  }
0x60: {  	[sflag:s19] =	ssyncset.done $0x0  }
0x61: {  	[sflag:s19] =	ssyncadd.s32 $0xFFFFC800  }
0x62: {  	[spmem:s2] =	stream.indirect.scatter.add.f32 [tilespmem:s21], [sflag:$0x1], $0x80, s23, s20, $0xb8;
	[tilespmem:$0x1C400] =	vst v63  }
0x63: {  	_ =	swait.ge [sflag:s19], $0x3800  }
0x64: {  	[sflag:s19] =	ssyncset.done $0x0  }
0x65: {  	[sflag:s19] =	ssyncadd.s32 $0xFFFFC800  }
0x66: {  	[spmem:s2] =	stream.indirect.scatter.add.f32 [tilespmem:s21], [sflag:$0x1], $0x80, s24, s20, $0xb8;
	[tilespmem:$0x1C400] =	vst v63  }
0x67: {  	_ =	swait.ge [sflag:s19], $0x3800  }
0x68: {  	[sflag:s19] =	ssyncset.done $0x0  }
0x69: {  	[sflag:s19] =	ssyncadd.s32 $0xFFFFC800  }
0x6a: {  	[spmem:s2] =	stream.indirect.scatter.add.f32 [tilespmem:s21], [sflag:$0x1], $0x80, s25, s20, $0xb8;
	[tilespmem:$0x1C400] =	vst v63  }
0x6b: {  	_ =	swait.ge [sflag:s19], $0x3800  }
0x6c: {  	[sflag:s19] =	ssyncset.done $0x0  }
0x6d: {  	[sflag:s19] =	ssyncadd.s32 $0xFFFFC800  }
0x6e: {  	[spmem:s2] =	stream.indirect.scatter.add.f32 [tilespmem:s21], [sflag:$0x1], $0x80, s26, s20, $0xb8;
	[tilespmem:$0x1C400] =	vst v63  }
0x6f: {  	_ =	swait.ge [sflag:s19], $0x3800  }
0x70: {  	[sflag:s19] =	ssyncset.done $0x0  }
0x71: {  	[sflag:s19] =	ssyncadd.s32 $0xFFFFC800  }
0x72: {  	[spmem:s2] =	stream.indirect.scatter.add.f32 [tilespmem:s21], [sflag:$0x1], $0x80, s28, s20, $0xb8;
	[tilespmem:$0x1C400] =	vst v63  }
0x73: {  	_ =	swait.ge [sflag:s19], $0x3800  }
0x74: {  	[sflag:s19] =	ssyncset.done $0x0  }
0x75: {  	[sflag:s19] =	ssyncadd.s32 $0xFFFFC800  }
0x76: {  	[spmem:s2] =	stream.indirect.scatter.add.f32 [tilespmem:s21], [sflag:$0x1], $0x80, s29, s20, $0xb8;
	[tilespmem:$0x1C400] =	vst v63  }
0x77: {  	_ =	swait.ge [sflag:s19], $0x3800  }
0x78: {  	[sflag:s19] =	ssyncset.done $0x0  }
0x79: {  	[sflag:s19] =	ssyncadd.s32 $0xFFFFC800  }
0x7a: {  	[spmem:s2] =	stream.indirect.scatter.add.f32 [tilespmem:s21], [sflag:$0x1], $0x80, s30, s20, $0xb8;
	[tilespmem:$0x1C400] =	vst v63  }
0x7b: {  	_ =	swait.ge [sflag:s19], $0x3800  }
0x7c: {  	[sflag:s19] =	ssyncset.done $0x0  }
0x7d: {  	[sflag:s19] =	ssyncadd.s32 $0xFFFFC800  }
0x7e: {  	[spmem:s2] =	stream.indirect.scatter.add.f32 [tilespmem:s21], [sflag:$0x1], $0x80, s31, s20, $0xb8;
	[tilespmem:$0x1C400] =	vst v63  }
0x7f: {  	_ =	swait.ge [sflag:s19], $0x3800  }
0x80: {  	[sflag:s19] =	ssyncset.done $0x0  }
0x81: {  	[sflag:s19] =	ssyncadd.s32 $0xFFFFC800  }
0x82: {  	[spmem:s2] =	stream.indirect.scatter.add.f32 [tilespmem:s21], [sflag:$0x1], $0x80, s0, s20, $0xb8;
	[tilespmem:$0x1C400] =	vst v63  }
0x83: {  	_ =	swait.ge [sflag:s19], $0x3800  }
0x84: {  	[sflag:s19] =	ssyncset.done $0x0  }
0x85: {  	[sflag:s19] =	ssyncadd.s32 $0xFFFFC800  }
0x86: {  	[spmem:s2] =	stream.indirect.scatter.add.f32 [tilespmem:s21], [sflag:$0x1], $0x80, s1, s20, $0xb8;
	[tilespmem:$0x1C400] =	vst v63  }
0x87: {  	_ =	swait.ge [sflag:s19], $0x3800  }
0x88: {  	[sflag:s19] =	ssyncset.done $0x0  }
0x89: {  	[sflag:s19] =	ssyncadd.s32 $0xFFFFC800  }
0x8a: {  	[spmem:s2] =	stream.indirect.scatter.add.f32 [tilespmem:s21], [sflag:$0x1], $0x80, s10, s20, $0xb8;
	[tilespmem:$0x1C400] =	vst v63  }
0x8b: {  	_ =	swait.ge [sflag:s19], $0x3800  }
0x8c: {  	[sflag:s19] =	ssyncset.done $0x0  }
0x8d: {  	[sflag:s19] =	ssyncadd.s32 $0xFFFFC800  }
0x8e: {  	[spmem:s2] =	stream.indirect.scatter.add.f32 [tilespmem:s21], [sflag:$0x1], $0x80, s11, s20, $0xb8;
	[tilespmem:$0x1C400] =	vst v63  }
0x8f: {  	_ =	swait.ge [sflag:s19], $0x3800  }
0x90: {  	[sflag:s19] =	ssyncset.done $0x0  }
0x91: {  	[sflag:s19] =	ssyncadd.s32 $0xFFFFC800  }
0x92: {  	[spmem:s2] =	stream.indirect.scatter.add.f32 [tilespmem:s21], [sflag:$0x1], $0x80, s12, s20, $0xb8;
	[tilespmem:$0x1C400] =	vst v63  }
0x93: {  	_ =	swait.ge [sflag:s19], $0x3800  }
0x94: {  	[sflag:s19] =	ssyncset.done $0x0  }
0x95: {  	[sflag:s19] =	ssyncadd.s32 $0xFFFFC800  }
0x96: {  	[spmem:s2] =	stream.indirect.scatter.add.f32 [tilespmem:s21], [sflag:$0x1], $0x80, s13, s20, $0xb8;
	[tilespmem:$0x1C400] =	vst v63  }
0x97: {  	_ =	swait.ge [sflag:s19], $0x3800  }
0x98: {  	s15 =	simm.s32 $0x300;
	s16 =	simm.s32 $0x500;
	[sflag:s19] =	ssyncset.done $0x0  }
.LBB2_4:
0x99: {  	s5 =	sadd.s32 s15, s17  }
0x9a: {  	[sflag:s19] =	ssyncadd.s32 $0xFFFFC800;
	s15 =	smov.u32 s16;
	s4 =	sadd.s32 $0x200, s16  }
0x9b: {  	[tilespmem:s3], [sflag:$0x1] =	stream.linear.gather [hbm4b:s5+s3], $0x800, $0x38;
	[tilespmem:$0x1C400] =	vst v63  }
0x9c: {  	p1 =	sne.s32 s16, $0x1700;
	_ =	swait.ge [sflag:s19], $0x800  }
0x9d: {  	[sflag:s19] =	ssyncset.done $0x0  }
0x9e: {  	[sflag:s19] =	ssyncadd.s32 $0xFFFFF800  }
0x9f: {  	[spmem:s2] =	stream.indirect.scatter.add.f32 [tilespmem:s21], [sflag:$0x1], $0x80, s3, s20, $0xb8;
	[tilespmem:$0x1C400] =	vst v63  }
0xa0: {  	_ =	swait.ge [sflag:s19], $0x3800  }
0xa1: {  	[sflag:s19] =	ssyncset.done $0x0  }
0xa2: {  	[sflag:s19] =	ssyncadd.s32 $0xFFFFC800  }
0xa3: {  	[spmem:s2] =	stream.indirect.scatter.add.f32 [tilespmem:s21], [sflag:$0x1], $0x80, s22, s20, $0xb8;
	[tilespmem:$0x1C400] =	vst v63  }
0xa4: {  	_ =	swait.ge [sflag:s19], $0x3800  }
0xa5: {  	[sflag:s19] =	ssyncset.done $0x0  }
0xa6: {  	[sflag:s19] =	ssyncadd.s32 $0xFFFFC800  }
0xa7: {  	[spmem:s2] =	stream.indirect.scatter.add.f32 [tilespmem:s21], [sflag:$0x1], $0x80, s23, s20, $0xb8;
	[tilespmem:$0x1C400] =	vst v63  }
0xa8: {  	_ =	swait.ge [sflag:s19], $0x3800  }
0xa9: {  	[sflag:s19] =	ssyncset.done $0x0  }
0xaa: {  	[sflag:s19] =	ssyncadd.s32 $0xFFFFC800  }
0xab: {  	[spmem:s2] =	stream.indirect.scatter.add.f32 [tilespmem:s21], [sflag:$0x1], $0x80, s24, s20, $0xb8;
	[tilespmem:$0x1C400] =	vst v63  }
0xac: {  	_ =	swait.ge [sflag:s19], $0x3800  }
0xad: {  	[sflag:s19] =	ssyncset.done $0x0  }
0xae: {  	[sflag:s19] =	ssyncadd.s32 $0xFFFFC800  }
0xaf: {  	[spmem:s2] =	stream.indirect.scatter.add.f32 [tilespmem:s21], [sflag:$0x1], $0x80, s25, s20, $0xb8;
	[tilespmem:$0x1C400] =	vst v63  }
0xb0: {  	_ =	swait.ge [sflag:s19], $0x3800  }
0xb1: {  	[sflag:s19] =	ssyncset.done $0x0  }
0xb2: {  	[sflag:s19] =	ssyncadd.s32 $0xFFFFC800  }
0xb3: {  	[spmem:s2] =	stream.indirect.scatter.add.f32 [tilespmem:s21], [sflag:$0x1], $0x80, s26, s20, $0xb8;
	[tilespmem:$0x1C400] =	vst v63  }
0xb4: {  	_ =	swait.ge [sflag:s19], $0x3800  }
0xb5: {  	[sflag:s19] =	ssyncset.done $0x0  }
0xb6: {  	[sflag:s19] =	ssyncadd.s32 $0xFFFFC800  }
0xb7: {  	[spmem:s2] =	stream.indirect.scatter.add.f32 [tilespmem:s21], [sflag:$0x1], $0x80, s28, s20, $0xb8;
	[tilespmem:$0x1C400] =	vst v63  }
0xb8: {  	_ =	swait.ge [sflag:s19], $0x3800  }
0xb9: {  	[sflag:s19] =	ssyncset.done $0x0  }
0xba: {  	[sflag:s19] =	ssyncadd.s32 $0xFFFFC800  }
0xbb: {  	[spmem:s2] =	stream.indirect.scatter.add.f32 [tilespmem:s21], [sflag:$0x1], $0x80, s29, s20, $0xb8;
	[tilespmem:$0x1C400] =	vst v63  }
0xbc: {  	_ =	swait.ge [sflag:s19], $0x3800  }
0xbd: {  	[sflag:s19] =	ssyncset.done $0x0  }
0xbe: {  	[sflag:s19] =	ssyncadd.s32 $0xFFFFC800  }
0xbf: {  	[spmem:s2] =	stream.indirect.scatter.add.f32 [tilespmem:s21], [sflag:$0x1], $0x80, s30, s20, $0xb8;
	[tilespmem:$0x1C400] =	vst v63  }
0xc0: {  	_ =	swait.ge [sflag:s19], $0x3800  }
0xc1: {  	[sflag:s19] =	ssyncset.done $0x0  }
0xc2: {  	[sflag:s19] =	ssyncadd.s32 $0xFFFFC800  }
0xc3: {  	[spmem:s2] =	stream.indirect.scatter.add.f32 [tilespmem:s21], [sflag:$0x1], $0x80, s31, s20, $0xb8;
	[tilespmem:$0x1C400] =	vst v63  }
0xc4: {  	_ =	swait.ge [sflag:s19], $0x3800  }
0xc5: {  	[sflag:s19] =	ssyncset.done $0x0  }
0xc6: {  	[sflag:s19] =	ssyncadd.s32 $0xFFFFC800  }
0xc7: {  	[spmem:s2] =	stream.indirect.scatter.add.f32 [tilespmem:s21], [sflag:$0x1], $0x80, s0, s20, $0xb8;
	[tilespmem:$0x1C400] =	vst v63  }
0xc8: {  	_ =	swait.ge [sflag:s19], $0x3800  }
0xc9: {  	[sflag:s19] =	ssyncset.done $0x0  }
0xca: {  	[sflag:s19] =	ssyncadd.s32 $0xFFFFC800  }
0xcb: {  	[spmem:s2] =	stream.indirect.scatter.add.f32 [tilespmem:s21], [sflag:$0x1], $0x80, s1, s20, $0xb8;
	[tilespmem:$0x1C400] =	vst v63  }
0xcc: {  	_ =	swait.ge [sflag:s19], $0x3800  }
0xcd: {  	[sflag:s19] =	ssyncset.done $0x0  }
0xce: {  	[sflag:s19] =	ssyncadd.s32 $0xFFFFC800  }
0xcf: {  	[spmem:s2] =	stream.indirect.scatter.add.f32 [tilespmem:s21], [sflag:$0x1], $0x80, s10, s20, $0xb8;
	[tilespmem:$0x1C400] =	vst v63  }
0xd0: {  	_ =	swait.ge [sflag:s19], $0x3800  }
0xd1: {  	[sflag:s19] =	ssyncset.done $0x0  }
0xd2: {  	[sflag:s19] =	ssyncadd.s32 $0xFFFFC800  }
0xd3: {  	[spmem:s2] =	stream.indirect.scatter.add.f32 [tilespmem:s21], [sflag:$0x1], $0x80, s11, s20, $0xb8;
	[tilespmem:$0x1C400] =	vst v63  }
0xd4: {  	_ =	swait.ge [sflag:s19], $0x3800  }
0xd5: {  	[sflag:s19] =	ssyncset.done $0x0  }
0xd6: {  	[sflag:s19] =	ssyncadd.s32 $0xFFFFC800  }
0xd7: {  	[spmem:s2] =	stream.indirect.scatter.add.f32 [tilespmem:s21], [sflag:$0x1], $0x80, s12, s20, $0xb8;
	[tilespmem:$0x1C400] =	vst v63  }
0xd8: {  	_ =	swait.ge [sflag:s19], $0x3800  }
.Ltmp1:
0xd9: {  	[sflag:s19] =	ssyncset.done $0x0;
	(pc) =	sbr.rel @p1 .LBB2_4-.Ltmp1, $4  }
0xda: {  	[sflag:s19] =	ssyncadd.s32 $0xFFFFC800  }
0xdb: {  	[spmem:s2] =	stream.indirect.scatter.add.f32 [tilespmem:s21], [sflag:$0x1], $0x80, s13, s20, $0xb8;
	[tilespmem:$0x1C400] =	vst v63  }
0xdc: {  	_ =	swait.ge [sflag:s19], $0x3800  }
0xdd: {  	s16 =	smov.u32 s4;
	[sflag:s19] =	ssyncset.done $0x0  }
0xde: {  	s4 =	sadd.s32 s15, s17;
	[sflag:s19] =	ssyncadd.s32 $0xFFFFC800  }
0xdf: {  	[tilespmem:s3], [sflag:$0x1] =	stream.linear.gather [hbm4b:s4+s3], $0x800, $0x38;
	[tilespmem:$0x1C400] =	vst v63  }
0xe0: {  	_ =	swait.ge [sflag:s19], $0x800  }
0xe1: {  	[sflag:s19] =	ssyncset.done $0x0  }
0xe2: {  	[sflag:s19] =	ssyncadd.s32 $0xFFFFF800  }
0xe3: {  	[spmem:s2] =	stream.indirect.scatter.add.f32 [tilespmem:s21], [sflag:$0x1], $0x80, s3, s20, $0xb8;
	[tilespmem:$0x1C400] =	vst v63  }
0xe4: {  	_ =	swait.ge [sflag:s19], $0x3800  }
0xe5: {  	[sflag:s19] =	ssyncset.done $0x0  }
0xe6: {  	[sflag:s19] =	ssyncadd.s32 $0xFFFFC800  }
0xe7: {  	[spmem:s2] =	stream.indirect.scatter.add.f32 [tilespmem:s21], [sflag:$0x1], $0x80, s22, s20, $0xb8;
	[tilespmem:$0x1C400] =	vst v63  }
0xe8: {  	_ =	swait.ge [sflag:s19], $0x3800  }
0xe9: {  	[sflag:s19] =	ssyncset.done $0x0  }
0xea: {  	[sflag:s19] =	ssyncadd.s32 $0xFFFFC800  }
0xeb: {  	[spmem:s2] =	stream.indirect.scatter.add.f32 [tilespmem:s21], [sflag:$0x1], $0x80, s23, s20, $0xb8;
	[tilespmem:$0x1C400] =	vst v63  }
0xec: {  	_ =	swait.ge [sflag:s19], $0x3800  }
0xed: {  	[sflag:s19] =	ssyncset.done $0x0  }
0xee: {  	[sflag:s19] =	ssyncadd.s32 $0xFFFFC800  }
0xef: {  	[spmem:s2] =	stream.indirect.scatter.add.f32 [tilespmem:s21], [sflag:$0x1], $0x80, s24, s20, $0xb8;
	[tilespmem:$0x1C400] =	vst v63  }
0xf0: {  	_ =	swait.ge [sflag:s19], $0x3800  }
0xf1: {  	[sflag:s19] =	ssyncset.done $0x0  }
0xf2: {  	[sflag:s19] =	ssyncadd.s32 $0xFFFFC800  }
0xf3: {  	[spmem:s2] =	stream.indirect.scatter.add.f32 [tilespmem:s21], [sflag:$0x1], $0x80, s25, s20, $0xb8;
	[tilespmem:$0x1C400] =	vst v63  }
0xf4: {  	_ =	swait.ge [sflag:s19], $0x3800  }
0xf5: {  	[sflag:s19] =	ssyncset.done $0x0  }
0xf6: {  	[sflag:s19] =	ssyncadd.s32 $0xFFFFC800  }
0xf7: {  	[spmem:s2] =	stream.indirect.scatter.add.f32 [tilespmem:s21], [sflag:$0x1], $0x80, s26, s20, $0xb8;
	[tilespmem:$0x1C400] =	vst v63  }
0xf8: {  	_ =	swait.ge [sflag:s19], $0x3800  }
0xf9: {  	[sflag:s19] =	ssyncset.done $0x0  }
0xfa: {  	[sflag:s19] =	ssyncadd.s32 $0xFFFFC800  }
0xfb: {  	[spmem:s2] =	stream.indirect.scatter.add.f32 [tilespmem:s21], [sflag:$0x1], $0x80, s28, s20, $0xb8;
	[tilespmem:$0x1C400] =	vst v63  }
0xfc: {  	_ =	swait.ge [sflag:s19], $0x3800  }
0xfd: {  	[sflag:s19] =	ssyncset.done $0x0  }
0xfe: {  	[sflag:s19] =	ssyncadd.s32 $0xFFFFC800  }
0xff: {  	[spmem:s2] =	stream.indirect.scatter.add.f32 [tilespmem:s21], [sflag:$0x1], $0x80, s29, s20, $0xb8;
	[tilespmem:$0x1C400] =	vst v63  }
0x100: {  	_ =	swait.ge [sflag:s19], $0x3800  }
0x101: {  	[sflag:s19] =	ssyncset.done $0x0  }
0x102: {  	[sflag:s19] =	ssyncadd.s32 $0xFFFFC800  }
0x103: {  	[spmem:s2] =	stream.indirect.scatter.add.f32 [tilespmem:s21], [sflag:$0x1], $0x80, s30, s20, $0xb8;
	[tilespmem:$0x1C400] =	vst v63  }
0x104: {  	_ =	swait.ge [sflag:s19], $0x3800  }
0x105: {  	[sflag:s19] =	ssyncset.done $0x0  }
0x106: {  	[sflag:s19] =	ssyncadd.s32 $0xFFFFC800  }
0x107: {  	[spmem:s2] =	stream.indirect.scatter.add.f32 [tilespmem:s21], [sflag:$0x1], $0x80, s31, s20, $0xb8;
	[tilespmem:$0x1C400] =	vst v63  }
0x108: {  	_ =	swait.ge [sflag:s19], $0x3800  }
0x109: {  	[sflag:s19] =	ssyncset.done $0x0  }
0x10a: {  	[sflag:s19] =	ssyncadd.s32 $0xFFFFC800  }
0x10b: {  	[spmem:s2] =	stream.indirect.scatter.add.f32 [tilespmem:s21], [sflag:$0x1], $0x80, s0, s20, $0xb8;
	[tilespmem:$0x1C400] =	vst v63  }
0x10c: {  	_ =	swait.ge [sflag:s19], $0x3800  }
0x10d: {  	[sflag:s19] =	ssyncset.done $0x0  }
0x10e: {  	[sflag:s19] =	ssyncadd.s32 $0xFFFFC800  }
0x10f: {  	[spmem:s2] =	stream.indirect.scatter.add.f32 [tilespmem:s21], [sflag:$0x1], $0x80, s1, s20, $0xb8;
	[tilespmem:$0x1C400] =	vst v63  }
0x110: {  	_ =	swait.ge [sflag:s19], $0x3800  }
0x111: {  	[sflag:s19] =	ssyncset.done $0x0  }
0x112: {  	[sflag:s19] =	ssyncadd.s32 $0xFFFFC800  }
0x113: {  	[spmem:s2] =	stream.indirect.scatter.add.f32 [tilespmem:s21], [sflag:$0x1], $0x80, s10, s20, $0xb8;
	[tilespmem:$0x1C400] =	vst v63  }
0x114: {  	_ =	swait.ge [sflag:s19], $0x3800  }
0x115: {  	[sflag:s19] =	ssyncset.done $0x0  }
0x116: {  	[sflag:s19] =	ssyncadd.s32 $0xFFFFC800  }
0x117: {  	[spmem:s2] =	stream.indirect.scatter.add.f32 [tilespmem:s21], [sflag:$0x1], $0x80, s11, s20, $0xb8;
	[tilespmem:$0x1C400] =	vst v63  }
0x118: {  	_ =	swait.ge [sflag:s19], $0x3800  }
0x119: {  	[sflag:s19] =	ssyncset.done $0x0  }
0x11a: {  	[sflag:s19] =	ssyncadd.s32 $0xFFFFC800  }
0x11b: {  	[spmem:s2] =	stream.indirect.scatter.add.f32 [tilespmem:s21], [sflag:$0x1], $0x80, s12, s20, $0xb8;
	[tilespmem:$0x1C400] =	vst v63  }
0x11c: {  	_ =	swait.ge [sflag:s19], $0x3800  }
0x11d: {  	[sflag:s19] =	ssyncset.done $0x0  }
0x11e: {  	[sflag:s19] =	ssyncadd.s32 $0xFFFFC800  }
0x11f: {  	[spmem:s2] =	stream.indirect.scatter.add.f32 [tilespmem:s21], [sflag:$0x1], $0x80, s13, s20, $0xb8;
	[tilespmem:$0x1C400] =	vst v63  }
0x120: {  	_ =	swait.ge [sflag:s19], $0x3800  }
0x121: {  	[sflag:s19] =	ssyncset.done $0x0  }
0x122: {  	[sflag:s19] =	ssyncadd.s32 $0xFFFFC800  }
0x123: {  	[bflag:$0x0] =	sbarrier.arrive $0xFFFF  }
0x124: {  	s4 =	simm.s32 @!p0 $0x4800;
	s5 =	rddreg [dreg:$0x3]  }
0x125: {  	[tilespmem:s4], [sflag:$0x1] =	stream.linear.gather @!p0 [spmem:s5], $0x3800, $0x38;
	[tilespmem:$0x1C400] =	vst v63  }
0x126: {  	s5 =	simm.s32 @!p0 $0x1  }
0x127: {  	_ =	swait.ge @!p0 [sflag:s5], $0x3800  }
0x128: {  	[sflag:s5] =	ssyncset.done @!p0 $0x0  }
0x129: {  	s15 =	simm.s32 @!p0 $0x0;
	s16 =	rddreg [dreg:$0x5];
	[sflag:s5] =	ssyncadd.s32 @!p0 $0xFFFFC800  }
0x12a: {  	[hbm4b:s16+s15] =	stream.linear.scatter @!p0 [tilespmem:s4], [sflag:$0x1], $0x3800, $0x38;
	[tilespmem:$0x1C400] =	vst v63  }
0x12b: {  	_ =	swait.ge @!p0 [sflag:s5], $0x3800  }
0x12c: {  	[sflag:s5] =	ssyncset.done @!p0 $0x0  }
0x12d: {  	s16 =	rddreg [dreg:$0x4];
	[sflag:s5] =	ssyncadd.s32 @!p0 $0xFFFFC800  }
0x12e: {  	[tilespmem:s4], [sflag:$0x1] =	stream.linear.gather @!p0 [spmem:s16], $0x3800, $0x38;
	[tilespmem:$0x1C400] =	vst v63  }
0x12f: {  	_ =	swait.ge @!p0 [sflag:s5], $0x3800  }
0x130: {  	[sflag:s5] =	ssyncset.done @!p0 $0x0  }
0x131: {  	s16 =	rddreg [dreg:$0x6];
	[sflag:s5] =	ssyncadd.s32 @!p0 $0xFFFFC800  }
0x132: {  	[hbm4b:s16+s15] =	stream.linear.scatter @!p0 [tilespmem:s4], [sflag:$0x1], $0x3800, $0x38;
	[tilespmem:$0x1C400] =	vst v63  }
0x133: {  	_ =	swait.ge @!p0 [sflag:s5], $0x3800  }
0x134: {  	[sflag:s5] =	ssyncset.done @!p0 $0x0  }
0x135: {  	[sflag:s5] =	ssyncadd.s32 @!p0 $0xFFFFC800  }
0x136: {  	[tilespmem:s4], [sflag:$0x1] =	stream.linear.gather @!p0 [spmem:s6], $0x3800, $0x38;
	[tilespmem:$0x1C400] =	vst v63  }
0x137: {  	_ =	swait.ge @!p0 [sflag:s5], $0x3800  }
0x138: {  	[sflag:s5] =	ssyncset.done @!p0 $0x0  }
0x139: {  	s16 =	rddreg [dreg:$0x7];
	[sflag:s5] =	ssyncadd.s32 @!p0 $0xFFFFC800  }
0x13a: {  	[hbm4b:s16+s15] =	stream.linear.scatter @!p0 [tilespmem:s4], [sflag:$0x1], $0x3800, $0x38;
	[tilespmem:$0x1C400] =	vst v63  }
0x13b: {  	_ =	swait.ge @!p0 [sflag:s5], $0x3800  }
0x13c: {  	[sflag:s5] =	ssyncset.done @!p0 $0x0  }
0x13d: {  	[sflag:s5] =	ssyncadd.s32 @!p0 $0xFFFFC800  }
0x13e: {  	[tilespmem:s4], [sflag:$0x1] =	stream.linear.gather @!p0 [spmem:s7], $0x3800, $0x38;
	[tilespmem:$0x1C400] =	vst v63  }
0x13f: {  	_ =	swait.ge @!p0 [sflag:s5], $0x3800  }
0x140: {  	[sflag:s5] =	ssyncset.done @!p0 $0x0  }
0x141: {  	s16 =	rddreg [dreg:$0x8];
	[sflag:s5] =	ssyncadd.s32 @!p0 $0xFFFFC800  }
0x142: {  	[hbm4b:s16+s15] =	stream.linear.scatter @!p0 [tilespmem:s4], [sflag:$0x1], $0x3800, $0x38;
	[tilespmem:$0x1C400] =	vst v63  }
0x143: {  	_ =	swait.ge @!p0 [sflag:s5], $0x3800  }
0x144: {  	[sflag:s5] =	ssyncset.done @!p0 $0x0  }
0x145: {  	[sflag:s5] =	ssyncadd.s32 @!p0 $0xFFFFC800  }
0x146: {  	[tilespmem:s4], [sflag:$0x1] =	stream.linear.gather @!p0 [spmem:s8], $0x3800, $0x38;
	[tilespmem:$0x1C400] =	vst v63  }
0x147: {  	_ =	swait.ge @!p0 [sflag:s5], $0x3800  }
0x148: {  	[sflag:s5] =	ssyncset.done @!p0 $0x0  }
0x149: {  	s16 =	rddreg [dreg:$0x9];
	[sflag:s5] =	ssyncadd.s32 @!p0 $0xFFFFC800  }
0x14a: {  	[hbm4b:s16+s15] =	stream.linear.scatter @!p0 [tilespmem:s4], [sflag:$0x1], $0x3800, $0x38;
	[tilespmem:$0x1C400] =	vst v63  }
0x14b: {  	_ =	swait.ge @!p0 [sflag:s5], $0x3800  }
0x14c: {  	[sflag:s5] =	ssyncset.done @!p0 $0x0  }
0x14d: {  	[sflag:s5] =	ssyncadd.s32 @!p0 $0xFFFFC800  }
0x14e: {  	[tilespmem:s4], [sflag:$0x1] =	stream.linear.gather @!p0 [spmem:s9], $0x2400, $0x38;
	[tilespmem:$0x1C400] =	vst v63  }
0x14f: {  	_ =	swait.ge @!p0 [sflag:s5], $0x2400  }
0x150: {  	[sflag:s5] =	ssyncset.done @!p0 $0x0  }
0x151: {  	s16 =	rddreg [dreg:$0xa];
	[sflag:s5] =	ssyncadd.s32 @!p0 $0xFFFFDC00  }
0x152: {  	[hbm4b:s16+s15] =	stream.linear.scatter @!p0 [tilespmem:s4], [sflag:$0x1], $0x2400, $0x38;
	[tilespmem:$0x1C400] =	vst v63  }
0x153: {  	_ =	swait.ge @!p0 [sflag:s5], $0x2400  }
0x154: {  	s14 =	sadd.s32 $0x1, s14;
	s16 =	rddreg [dreg:$0xb]  }
0x155: {  	p1 =	sne.s32 s14, s16  }
.Ltmp2:
0x156: {  	_ = 	snop;
	(pc) =	sbr.rel @p1 .LBB2_1-.Ltmp2, $3  }
0x157: {  	_ =	sdelay $0x1  }
0x158: {  	[sflag:s5] =	ssyncset.done @!p0 $0x0  }
0x159: {  	[sflag:s5] =	ssyncadd.s32 @!p0 $0xFFFFDC00  }
0x15a: {  	_ =	sfence.sel $0x180000  }
0x15b: {  	[bflag:$0x0] =	sbarrier.arrive $0xFFFF  }
0x15c: {  	_ =	strace $0x90000047  }
0x15d: {  	s0 =	stileid.u32;
	[bflag:$0x2] =	sbarrier.arrive $0xFFFF  }
0x15e: {  	p0 =	sne.s32 s0, $0x0;
	s0 =	rddreg [dreg:$0x2]  }
0x15f: {  	s0 =	sadd.s32 @!p0 $0x100000, s0  }
0x160: {  	[sflag:s0] =	ssyncadd.tile.s32 @!p0 $0x1;
	_ =	shalt  }
.Lfunc_end2:
_tile_overlayer_lowered:
.L_overlay_start_2:
0x161: {  	(tag) =	ssettag $0x2  }
0x162: {  	s0 =	rddreg [dreg:$0x0];
	s2 =	stileid.u32  }
0x163: {  	s1 =	rddreg [dreg:$0x1];
	p0 =	sne.s32 s2, $0x0  }
0x164: {  	s3 =	rddreg [dreg:$0x2];
	[bflag:$0x3] =	sbarrier.arrive $0xFFFF;
	s2 =	simm.s32 @!p0 $0x1C01  }
0x165: {  	[timem:s3], [sflag:s2] =	dma.local @!p0 [hbm:s0], s1  }
0x166: {  	s0 =	simm.s32 @!p0 $0x1  }
0x167: {  	_ =	swait.ge @!p0 [sflag:s0], s1  }
0x168: {  	s1 =	ssub.s32 @!p0 $0x0, s1;
	[sflag:s0] =	ssyncset.done @!p0 $0x0  }
0x169: {  	[sflag:s0] =	ssyncadd.s32 @!p0 s1  }
0x16a: {  	[bflag:$0x3] =	sbarrier.arrive $0xFFFF  }
0x16b: {  	_ =	shalt  }

// kernel: kernel.9.cloned.1.call-start
scs
__scs_entry_jumppad:
0x0: {  	(pc) =	sbr.rel $0x88, $3  }
0x1: {  	(tag) =	ssettag $0x0;
	lr =	simm.s32 $0x1  }
0x2: {  	[smem:$0x3F91] =	sst lr;
	_ =	strace $0xD0000000  }
0x3: {  	_ = 	snop  }
0x4: {  	_ = 	snop  }
0x5: {  	_ = 	snop  }
0x6: {  	_ = 	snop  }
0x7: {  	_ = 	snop  }
__scs_overlays_trampoline_lowered:
0x8: {  	[smem:$0x3FA0] =	sst s0  }
0x9: {  	[smem:$0x3FA1] =	sst s1  }
0xa: {  	[smem:$0x3FA2] =	sst s2  }
0xb: {  	[smem:$0x3FA3] =	sst s3  }
0xc: {  	[smem:$0x3FA4] =	sst s4  }
0xd: {  	[smem:$0x3FA5] =	sst s5  }
0xe: {  	[smem:$0x3FA6] =	sst s6  }
0xf: {  	[smem:$0x3FA7] =	sst s7  }
0x10: {  	[smem:$0x3FA8] =	sst s8  }
0x11: {  	[smem:$0x3FA9] =	sst s9;
	s0 =	simm.s32 @!p0 $0x0  }
0x12: {  	s1 =	sld [smem:$0x3F8F];
	s0 =	simm.s32 @p0 $0x1  }
0x13: {  	[smem:$0x3FAA] =	sst s0;
	s0 =	simm.s32 @!p1 $0x0  }
0x14: {  	s2 =	sld [smem:$0x3F8E];
	s0 =	simm.s32 @p1 $0x1  }
0x15: {  	[smem:$0x3FAB] =	sst s0;
	s0 =	simm.s32 @!p2 $0x0  }
0x16: {  	s3 =	sld [smem:$0x3FDB];
	s0 =	simm.s32 @p2 $0x1  }
0x17: {  	s4 =	simm.s32 $0x1BF5;
	[smem:$0x3FAD] =	sst s0  }
0x18: {  	s0 =	sld [smem:$0x3F90];
	_ =	swait.ge [sflag:s4], $0x0  }
0x19: {  	s7 =	sld [smem:$0x3F91]  }
0x1a: {  	s8 =	sadd.s32 $0xFFFFE003, lr  }
0x1b: {  	s9 =	sadd.s32 $0xFFFFFEF7, lr;
	s5 =	simm.s32 $0xFFFFFFFF;
	p2 =	slt.u32 s8, $0xFFFFF086  }
0x1c: {  	p1 =	slt.u32 s9, $0xF7A;
	s5 =	simm.s32 @!p2 $0x0  }
0x1d: {  	s5 =	simm.s32 @p1 $0x1;
	p0 =	seq.s32 s7, s2  }
0x1e: {  	s7 =	smul.u32 @!p0 $0xF7A, s2;
	p2 =	seq.s32 @!p0 s5, $0x0  }
0x1f: {  	s9 =	smul.u32 $0xF7A, s1;
	s8 =	simm.s32 @!p0 $0x1BF5;
	p2 =	por !p2, p0  }
0x20: {  	[sflag:s8] =	ssyncset.s32 @!p0 $0xFFFFF086;
	s6 =	sadd.s32 @!p0 s3, s7;
	s7 =	simm.s32 @!p0 $0x108  }
0x21: {  	s3 =	sadd.s32 s3, s9;
	s6 =	sadd.s32 @!p0 $0x88, s6;
	s7 =	simm.s32 @p2 $0x1082  }
0x22: {  	[simem:s7], [sflag:s8] =	dma.local @!p0 [hbm:s6], $0xF7A  }
0x23: {  	s9 =	sor.u32 $0xD0000000, s2;
	s6 =	simm.s32 $0x108;
	_ =	swait.ge @!p0 [sflag:s8], $0x0  }
0x24: {  	s3 =	sadd.s32 $0x88, s3;
	s6 =	simm.s32 @!p1 $0x1082;
	[sflag:s4] =	ssyncset.s32 $0xFFFFF086  }
0x25: {  	[simem:s6], [sflag:s4] =	dma.local [hbm:s3], $0xF7A  }
0x26: {  	[smem:$0x3F91] =	sst s1;
	(tag) =	ssettag s2;
	_ =	strace s9  }
0x27: {  	s1 =	sld [smem:$0x3FA1]  }
0x28: {  	s2 =	sld [smem:$0x3FA2]  }
0x29: {  	s4 =	sld [smem:$0x3FA4]  }
0x2a: {  	p0 =	seq.s32 s5, $0x0;
	s5 =	sld [smem:$0x3FA5]  }
0x2b: {  	s6 =	sld [smem:$0x3FA6]  }
0x2c: {  	s7 =	sld [smem:$0x3FA7]  }
0x2d: {  	s3 =	simm.s32 $0x108;
	s8 =	sld [smem:$0x3FA8]  }
0x2e: {  	s3 =	simm.s32 @!p0 $0x1082;
	s9 =	sld [smem:$0x3FA9]  }
0x2f: {  	lr =	sadd.s32 s0, s3;
	s0 =	sld [smem:$0x3FA0]  }
0x30: {  	s3 =	sld [smem:$0x3FA3]  }
0x31: {  	[smem:$0x3FAC] =	sst s10  }
0x32: {  	s10 =	sld [smem:$0x3FAA];
	_ =	sdelay $0x3  }
0x33: {  	p0 =	seq.s32 s10, $0x1;
	s10 =	sld [smem:$0x3FAC];
	_ =	sdelay $0x3  }
0x34: {  	[smem:$0x3FAC] =	sst s10  }
0x35: {  	s10 =	sld [smem:$0x3FAB];
	_ =	sdelay $0x3  }
0x36: {  	p1 =	seq.s32 s10, $0x1;
	s10 =	sld [smem:$0x3FAC];
	_ =	sdelay $0x3  }
0x37: {  	[smem:$0x3FAC] =	sst s10  }
0x38: {  	s10 =	sld [smem:$0x3FAD]  }
0x39: {  	_ = 	snop;
	(pc) =	sbr.ind lr, $3  }
0x3a: {  	_ = 	snop  }
0x3b: {  	_ = 	snop  }
0x3c: {  	p2 =	seq.s32 s10, $0x1;
	s10 =	sld [smem:$0x3FAC]  }
0x3d: {  	_ =	shalt  }
0x3e: {  	_ =	shalt  }
0x3f: {  	_ =	shalt  }
0x40: {  	_ =	shalt  }
0x41: {  	_ =	shalt  }
0x42: {  	_ =	shalt  }
0x43: {  	_ =	shalt  }
0x44: {  	_ =	shalt  }
0x45: {  	_ =	shalt  }
0x46: {  	_ =	shalt  }
0x47: {  	_ =	shalt  }
0x48: {  	_ =	shalt  }
0x49: {  	_ =	shalt  }
0x4a: {  	_ =	shalt  }
0x4b: {  	_ =	shalt  }
0x4c: {  	_ =	shalt  }
0x4d: {  	_ =	shalt  }
0x4e: {  	_ =	shalt  }
0x4f: {  	_ =	shalt  }
0x50: {  	_ =	shalt  }
0x51: {  	_ =	shalt  }
0x52: {  	_ =	shalt  }
0x53: {  	_ =	shalt  }
0x54: {  	_ =	shalt  }
0x55: {  	_ =	shalt  }
0x56: {  	_ =	shalt  }
0x57: {  	_ =	shalt  }
0x58: {  	_ =	shalt  }
0x59: {  	_ =	shalt  }
0x5a: {  	_ =	shalt  }
0x5b: {  	_ =	shalt  }
0x5c: {  	_ =	shalt  }
0x5d: {  	_ =	shalt  }
0x5e: {  	_ =	shalt  }
0x5f: {  	_ =	shalt  }
0x60: {  	_ =	shalt  }
0x61: {  	_ =	shalt  }
0x62: {  	_ =	shalt  }
0x63: {  	_ =	shalt  }
0x64: {  	_ =	shalt  }
0x65: {  	_ =	shalt  }
0x66: {  	_ =	shalt  }
0x67: {  	_ =	shalt  }
0x68: {  	_ =	shalt  }
0x69: {  	_ =	shalt  }
0x6a: {  	_ =	shalt  }
0x6b: {  	_ =	shalt  }
0x6c: {  	_ =	shalt  }
0x6d: {  	_ =	shalt  }
0x6e: {  	_ =	shalt  }
0x6f: {  	_ =	shalt  }
0x70: {  	_ =	shalt  }
0x71: {  	_ =	shalt  }
0x72: {  	_ =	shalt  }
0x73: {  	_ =	shalt  }
0x74: {  	_ =	shalt  }
0x75: {  	_ =	shalt  }
0x76: {  	_ =	shalt  }
0x77: {  	_ =	shalt  }
0x78: {  	_ =	shalt  }
0x79: {  	_ =	shalt  }
0x7a: {  	_ =	shalt  }
0x7b: {  	_ =	shalt  }
0x7c: {  	_ =	shalt  }
0x7d: {  	_ =	shalt  }
0x7e: {  	_ =	shalt  }
0x7f: {  	_ =	shalt  }
0x80: {  	_ =	shalt  }
0x81: {  	_ =	shalt  }
0x82: {  	_ =	shalt  }
0x83: {  	_ =	shalt  }
0x84: {  	_ =	shalt  }
0x85: {  	_ =	shalt  }
0x86: {  	_ =	shalt  }
0x87: {  	_ =	shalt  }
.Lfunc_end0:
.L_simem_size_0:
called_computation.1_lowered:
.L_overlay_start_0:
0x88: {  	s2 =	sld [smem:$0x3FD9]  }
0x89: {  	s3 =	sld [smem:$0x3FFE];
	_ =	sdelay $0x1  }
0x8a: {  	s1 =	srdreg.scid  }
0x8b: {  	s0 =	sand.u32 $0x1, s1  }
0x8c: {  	s17 =	sshll.u32 s0, $0xA;
	s2 =	sadd.s32 s3, s2  }
0x8d: {  	s2 =	sadd.s32 s2, s17  }
0x8e: {  	[smem:$0x3FB8] =	sst s2  }
0x8f: {  	_ = 	snop  }
0x90: {  	s2 =	sld [smem:$0x3FD0];
	(tm) =	ssettm $0x1  }
0x91: {  	s18 =	sld [smem:$0x3FFB];
	_ =	sdelay $0x3  }
0x92: {  	_ =	strace s18  }
0x93: {  	s3 =	sld [smem:$0x3FFC];
	_ =	sdelay $0x3  }
0x94: {  	_ =	strace s3  }
0x95: {  	s3 =	sld [smem:$0x3FFD];
	_ =	sdelay $0x3  }
0x96: {  	_ =	strace s3  }
0x97: {  	_ =	strace $0x8FFFFFFF  }
0x98: {  	s19 =	sld [smem:$0x3FDB];
	_ =	sdelay $0x1  }
0x99: {  	s4 =	simm.s32 $_scs_section_size  }
0x9a: {  	s5 =	simm.s32 $_size__tile_overlayer_lowered;
	s6 =	simm.s32 $_tile_overlayer_lowered  }
0x9b: {  	s22 =	simm.s32 $0x1BFF;
	s21 =	sshll.u32 s6, $0x1;
	s3 =	sadd.s32 s4, s19  }
0x9c: {  	s7 =	simm.s32 $0x0;
	s20 =	sshll.u32 s5, $0x1;
	s5 =	sadd.s32 s21, s3  }
0x9d: {  	[timem:s7], [sflag:s22] =	dma.local [hbm:s5], s20  }
0x9e: {  	_ =	swait.ge [sflag:s22], s20  }
0x9f: {  	s4 =	ssub.s32 $0x0, s20;
	[sflag:s22] =	ssyncset.done $0x0  }
0xa0: {  	[sflag:s22] =	ssyncadd.s32 s4;
	_ =	sdelay $0x1  }
0xa1: {  	s23 =	simm.s32 $0x1B8B  }
0xa2: {  	_ =	swait.ge [sflag:s23], $0x1  }
0xa3: {  	[sflag:s23] =	ssyncset.done $0x0  }
0xa4: {  	s25 =	simm.s32 $0x1B8E;
	s24 =	sld [smem:$0x3FFE];
	[sflag:s23] =	ssyncadd.s32 $0xFFFFFFFF  }
0xa5: {  	s26 =	simm.s32 $execute0_lowered;
	[smem:$0x3FD2] =	sst s25  }
0xa6: {  	s5 =	sshll.u32 s26, $0x1;
	_ =	strace $0x80000049;
	[dreg:$0x1] =	wrdreg $0xFFFFFFFF  }
0xa7: {  	s28 =	simm.s32 $_size_execute0_lowered;
	s3 =	sadd.s32 s3, s5;
	[dreg:$0x0] =	wrdreg $0x0  }
0xa8: {  	s5 =	sshll.u32 s28, $0x1;
	[dreg:$0x2] =	wrdreg s3  }
0xa9: {  	[dreg:$0x3] =	wrdreg s5  }
0xaa: {  	[dreg:$0x4] =	wrdreg $0xC0  }
0xab: {  	_ =	task [dreg:s7], $0x5FFFF  }
0xac: {  	[dreg:$0x1] =	wrdreg $0xFFFFFFFF  }
0xad: {  	[dreg:$0x0] =	wrdreg $0x60  }
0xae: {  	[dreg:$0x2] =	wrdreg s24  }
0xaf: {  	[dreg:$0x3] =	wrdreg s2  }
0xb0: {  	[dreg:$0x4] =	wrdreg $0xC0000  }
0xb1: {  	[dreg:$0x5] =	wrdreg $0x9  }
0xb2: {  	_ =	task.clear_ibuf [dreg:s7], $0x6FFFF;
	_ =	strace $0x90000049  }
0xb3: {  	s29 =	simm.s32 $0x9;
	_ =	strace $0x8000004B  }
0xb4: {  	_ =	swait.ge [sflag:s29], $0x1  }
0xb5: {  	[sflag:s29] =	ssyncadd.s32 $0xFFFFFFFF  }
0xb6: {  	_ =	strace $0x9000004B  }
0xb7: {  	_ =	sfence  }
0xb8: {  	s30 =	sld [smem:$0x0];
	_ =	sdelay $0x2  }
0xb9: {  	s31 =	sshll.u32 s1, $0xD;
	s1 =	sshrl.u32 s1, $0x2  }
0xba: {  	s3 =	sand.u32 $0x4000, s31;
	s1 =	sadd.s32 s1, s30  }
0xbb: {  	s0 =	sor.u32 s3, s0;
	s1 =	sshll.u32 s1, $0x11  }
0xbc: {  	s0 =	sor.u32 s1, s0  }
0xbd: {  	s0 =	sadd.s32 $0x8F2B, s0  }
0xbe: {  	[sflag:s0] =	ssyncadd.remote.s32 $0x1  }
0xbf: {  	_ =	sfence.sel $0xFFFF  }
0xc0: {  	[dreg:$0x0] =	wrdreg $0xFFFFFFFF;
	(pc) =	sbr.abs _section_cstart, $3  }
0xc1: {  	[dreg:$0x1] =	wrdreg $0xFFFFFFFF  }
0xc2: {  	_ =	task.clear_ibuf [dreg:s7], $0x2FFFF;
	_ =	strace $0x9FFFFFFF  }
0xc3: {  	(tm) =	ssettm $0x7FFFFFFF  }
tec
execute0_lowered:
.L_overlay_start_1:
0x0: {  	(tag) =	ssettag $0x1  }
0x1: {  	s1 =	srdreg.scid;
	s12 =	stileid.u32  }
0x2: {  	s0 =	rddreg [dreg:$0x0];
	s2 =	sand.u32 $0x1, s1;
	s6 =	smul.u32 $0x278, s12  }
0x3: {  	s3 =	rddreg [dreg:$0x2];
	s4 =	simm.s32 $0x0;
	s1 =	smul.u32 $0x2780, s2  }
0x4: {  	[smem:$0x7FF] =	sst s4;
	s7 =	sadd.s32 $0x6A400, s0;
	s8 =	sadd.s32 $0x1B400, s0  }
0x5: {  	s5 =	sadd.s32 $0x3400, s0;
	s9 =	sadd.s32 $0x108400, s0;
	s6 =	sadd.s32 s6, s1  }
0x6: {  	_ =	strace $0x8000004A;
	s2 =	ssub.s32 $0x2, s2;
	s10 =	sshll.u32 s6, $0x4  }
0x7: {  	s23 =	sshrl.u32 s2, $0x1;
	s6 =	sadd.s32 $0xB9400, s0;
	s24 =	sadd.s32 s7, s10  }
0x8: {  	s0 =	ssub.s32 s2, s23;
	s23 =	sadd.s32 s6, s10;
	[dreg:$0x4] =	wrdreg s24  }
0x9: {  	s11 =	sadd.s32 $0x700, s10;
	s0 =	smax.u32 s0, $0x1;
	[dreg:$0x11] =	wrdreg s23  }
0xa: {  	s25 =	sadd.s32 s7, s11;
	[dreg:$0x1d] =	wrdreg s0  }
0xb: {  	s26 =	sadd.s32 s6, s11;
	[dreg:$0x5] =	wrdreg s25  }
0xc: {  	s14 =	sadd.s32 $0xE00, s10;
	s13 =	sadd.s32 s8, s11;
	[dreg:$0x6] =	wrdreg s26  }
0xd: {  	s15 =	sadd.s32 s7, s14;
	[dreg:$0x7] =	wrdreg s13  }
0xe: {  	s16 =	sadd.s32 s6, s14;
	[dreg:$0x9] =	wrdreg s15  }
0xf: {  	s18 =	sadd.s32 $0x1500, s10;
	s17 =	sadd.s32 s8, s14;
	[dreg:$0xa] =	wrdreg s16  }
0x10: {  	s19 =	sadd.s32 s7, s18;
	[dreg:$0xb] =	wrdreg s17  }
0x11: {  	s21 =	sadd.s32 s6, s18;
	[dreg:$0xd] =	wrdreg s19  }
0x12: {  	s22 =	sadd.s32 s8, s18;
	[dreg:$0xe] =	wrdreg s21  }
0x13: {  	s29 =	simm.s32 $0x2;
	s2 =	sadd.s32 s9, s18;
	[dreg:$0xf] =	wrdreg s22  }
0x14: {  	s30 =	simm.s32 $0x780;
	s24 =	sadd.s32 s8, s10;
	[dreg:$0x10] =	wrdreg s2  }
0x15: {  	s28 =	simm.s32 $0xF80;
	s20 =	sadd.s32 s9, s11;
	[dreg:$0x12] =	wrdreg s24  }
0x16: {  	s31 =	sadd.s32 s9, s14;
	s11 =	simm.s32 $0x4;
	[dreg:$0x8] =	wrdreg s20  }
0x17: {  	s25 =	sadd.s32 s9, s10;
	s26 =	sadd.s32 $0x1C00, s10;
	[dreg:$0xc] =	wrdreg s31  }
0x18: {  	s0 =	simm.s32 $0x600;
	[dreg:$0x13] =	wrdreg s25;
	s13 =	sadd.s32 s7, s26  }
0x19: {  	s10 =	sadd.s32 $0x2300, s10;
	s14 =	sadd.s32 s6, s26;
	[dreg:$0x14] =	wrdreg s13  }
0x1a: {  	s15 =	smul.u32 $0x4F000, s12;
	s2 =	sadd.s32 s9, s26;
	[dreg:$0x15] =	wrdreg s14  }
0x1b: {  	s16 =	sadd.s32 s7, s10;
	s17 =	sadd.s32 s8, s10;
	[dreg:$0x17] =	wrdreg s2  }
0x1c: {  	s18 =	sadd.s32 s9, s10;
	s21 =	sadd.s32 s6, s10;
	[dreg:$0x18] =	wrdreg s16  }
0x1d: {  	s7 =	simm.s32 $0x7;
	s10 =	simm.s32 $0x680;
	[dreg:$0x19] =	wrdreg s17  }
0x1e: {  	s9 =	simm.s32 $0x0;
	s13 =	sadd.s32 s8, s26;
	[dreg:$0x1a] =	wrdreg s18  }
0x1f: {  	s19 =	sshrl.u32 s15, $0x2;
	[dreg:$0x1b] =	wrdreg s21;
	s14 =	smul.u32 $0xC, s12  }
0x20: {  	s16 =	simm.s32 $0x8;
	s18 =	simm.s32 $0x1000;
	s21 =	simm.s32 $0x4800  }
0x21: {  	s17 =	simm.s32 $0x3;
	[dreg:$0x16] =	wrdreg s13;
	s2 =	sadd.s32 s19, s3  }
0x22: {  	s8 =	simm.s32 $0xD80;
	s22 =	sadd.s32 $0x3800, s2;
	[dreg:$0x1c] =	wrdreg s2  }
0x23: {  	s12 =	simm.s32 $0x700;
	s23 =	sadd.s32 $0x7000, s2;
	[dreg:$0x1e] =	wrdreg s22  }
0x24: {  	s13 =	simm.s32 $0x8000;
	s24 =	sadd.s32 $0xA800, s2;
	[dreg:$0x1f] =	wrdreg s23  }
0x25: {  	s19 =	simm.s32 $0xD00;
	s25 =	sadd.s32 $0xE000, s2;
	[smem:$0x7FB] =	sst s24  }
0x26: {  	s26 =	sadd.s32 $0x11800, s2;
	s2 =	simm.s32 $0x6;
	[smem:$0x7FC] =	sst s25  }
0x27: {  	[smem:$0x7FD] =	sst s26;
	s25 =	simm.s32 $0x70;
	s24 =	simm.s32 $0x5  }
0x28: {  	v1 =	vimm.f32 $0.0e+00;
	v0 =	vmov s1;
	s22 =	simm.s32 $0xE00;
	s26 =	simm.s32 $0xE80;
	s23 =	simm.s32 $0xF00  }
.LBB2_1:
0x29: {  	[smem:$0x7F9] =	sst s9  }
0x2a: {  	s1 =	rddreg [dreg:$0x1];
	s15 =	simm.s32 $0xB800  }
0x2b: {  	[tilespmem:s15], [sflag:$0x8] =	stream.linear.gather [hbm4b:s1+s4], $0x800, $0x38;
	[tilespmem:$0x1FC00] =	vst v63  }
0x2c: {  	_ =	swait.ge [sflag:s16], $0x800  }
0x2d: {  	[sflag:s16] =	ssyncset.done $0x0  }
0x2e: {  	s15 =	rddreg [dreg:$0x4];
	[sflag:s16] =	ssyncadd.s32 $0xFFFFF800  }
0x2f: {  	[tilespmem:s18], [sflag:$0x8] =	stream.linear.gather [hbm4b:s15+s4], $0x3800, $0x38;
	[tilespmem:$0x1FC00] =	vst v63  }
0x30: {  	_ =	swait.ge [sflag:s16], $0x3800  }
0x31: {  	[sflag:s16] =	ssyncset.done $0x0  }
0x32: {  	s9 =	rddreg [dreg:$0x11];
	[sflag:s16] =	ssyncadd.s32 $0xFFFFC800  }
0x33: {  	[hbm4b:s9+s4] =	stream.linear.scatter [tilespmem:s18], [sflag:$0x8], $0x3800, $0x38;
	[tilespmem:$0x1FC00] =	vst v63  }
0x34: {  	_ =	swait.ge [sflag:s16], $0x3800  }
0x35: {  	[sflag:s16] =	ssyncset.done $0x0  }
0x36: {  	s15 =	rddreg [dreg:$0x12];
	[sflag:s16] =	ssyncadd.s32 $0xFFFFC800  }
0x37: {  	[tilespmem:s21], [sflag:$0x8] =	stream.linear.gather [hbm4b:s15+s4], $0x3800, $0x38;
	[tilespmem:$0x1FC00] =	vst v63  }
0x38: {  	_ =	swait.ge [sflag:s16], $0x3800  }
0x39: {  	[sflag:s16] =	ssyncset.done $0x0  }
0x3a: {  	s9 =	rddreg [dreg:$0x13];
	[sflag:s16] =	ssyncadd.s32 $0xFFFFC800  }
0x3b: {  	[hbm4b:s9+s4] =	stream.linear.scatter [tilespmem:s21], [sflag:$0x8], $0x3800, $0x38;
	[tilespmem:$0x1FC00] =	vst v63  }
0x3c: {  	_ =	swait.ge [sflag:s16], $0x3800  }
0x3d: {  	[sflag:s16] =	ssyncset.done $0x0  }
0x3e: {  	s15 =	rddreg [dreg:$0x5];
	[sflag:s16] =	ssyncadd.s32 $0xFFFFC800  }
0x3f: {  	[tilespmem:s18], [sflag:$0x8] =	stream.linear.gather [hbm4b:s15+s4], $0x3800, $0x38;
	[tilespmem:$0x1FC00] =	vst v63  }
0x40: {  	_ =	swait.ge [sflag:s16], $0x3800  }
0x41: {  	[sflag:s16] =	ssyncset.done $0x0  }
0x42: {  	s9 =	rddreg [dreg:$0x6];
	[sflag:s16] =	ssyncadd.s32 $0xFFFFC800  }
0x43: {  	[hbm4b:s9+s4] =	stream.linear.scatter [tilespmem:s18], [sflag:$0x8], $0x3800, $0x38;
	[tilespmem:$0x1FC00] =	vst v63  }
0x44: {  	_ =	swait.ge [sflag:s16], $0x3800  }
0x45: {  	[sflag:s16] =	ssyncset.done $0x0  }
0x46: {  	s15 =	rddreg [dreg:$0x7];
	[sflag:s16] =	ssyncadd.s32 $0xFFFFC800  }
0x47: {  	[tilespmem:s21], [sflag:$0x8] =	stream.linear.gather [hbm4b:s15+s4], $0x3800, $0x38;
	[tilespmem:$0x1FC00] =	vst v63  }
0x48: {  	_ =	swait.ge [sflag:s16], $0x3800  }
0x49: {  	[sflag:s16] =	ssyncset.done $0x0  }
0x4a: {  	[sflag:s16] =	ssyncadd.s32 $0xFFFFC800  }
0x4b: {  	[hbm4b:s20+s4] =	stream.linear.scatter [tilespmem:s21], [sflag:$0x8], $0x3800, $0x38;
	[tilespmem:$0x1FC00] =	vst v63  }
0x4c: {  	_ =	swait.ge [sflag:s16], $0x3800  }
0x4d: {  	[sflag:s16] =	ssyncset.done $0x0  }
0x4e: {  	s9 =	rddreg [dreg:$0x9];
	[sflag:s16] =	ssyncadd.s32 $0xFFFFC800  }
0x4f: {  	[tilespmem:s18], [sflag:$0x8] =	stream.linear.gather [hbm4b:s9+s4], $0x3800, $0x38;
	[tilespmem:$0x1FC00] =	vst v63  }
0x50: {  	_ =	swait.ge [sflag:s16], $0x3800  }
0x51: {  	[sflag:s16] =	ssyncset.done $0x0  }
0x52: {  	s15 =	rddreg [dreg:$0xa];
	[sflag:s16] =	ssyncadd.s32 $0xFFFFC800  }
0x53: {  	[hbm4b:s15+s4] =	stream.linear.scatter [tilespmem:s18], [sflag:$0x8], $0x3800, $0x38;
	[tilespmem:$0x1FC00] =	vst v63  }
0x54: {  	_ =	swait.ge [sflag:s16], $0x3800  }
0x55: {  	[sflag:s16] =	ssyncset.done $0x0  }
0x56: {  	s20 =	rddreg [dreg:$0xb];
	[sflag:s16] =	ssyncadd.s32 $0xFFFFC800  }
0x57: {  	[tilespmem:s21], [sflag:$0x8] =	stream.linear.gather [hbm4b:s20+s4], $0x3800, $0x38;
	[tilespmem:$0x1FC00] =	vst v63  }
0x58: {  	_ =	swait.ge [sflag:s16], $0x3800  }
0x59: {  	[sflag:s16] =	ssyncset.done $0x0  }
0x5a: {  	[sflag:s16] =	ssyncadd.s32 $0xFFFFC800  }
0x5b: {  	[hbm4b:s31+s4] =	stream.linear.scatter [tilespmem:s21], [sflag:$0x8], $0x3800, $0x38;
	[tilespmem:$0x1FC00] =	vst v63  }
0x5c: {  	_ =	swait.ge [sflag:s16], $0x3800  }
0x5d: {  	[sflag:s16] =	ssyncset.done $0x0  }
0x5e: {  	s31 =	rddreg [dreg:$0xd];
	[sflag:s16] =	ssyncadd.s32 $0xFFFFC800  }
0x5f: {  	[tilespmem:s18], [sflag:$0x8] =	stream.linear.gather [hbm4b:s31+s4], $0x3800, $0x38;
	[tilespmem:$0x1FC00] =	vst v63  }
0x60: {  	_ =	swait.ge [sflag:s16], $0x3800  }
0x61: {  	[sflag:s16] =	ssyncset.done $0x0  }
0x62: {  	s9 =	rddreg [dreg:$0xe];
	[sflag:s16] =	ssyncadd.s32 $0xFFFFC800  }
0x63: {  	[hbm4b:s9+s4] =	stream.linear.scatter [tilespmem:s18], [sflag:$0x8], $0x3800, $0x38;
	[tilespmem:$0x1FC00] =	vst v63  }
0x64: {  	_ =	swait.ge [sflag:s16], $0x3800  }
0x65: {  	[sflag:s16] =	ssyncset.done $0x0  }
0x66: {  	s15 =	rddreg [dreg:$0xf];
	[sflag:s16] =	ssyncadd.s32 $0xFFFFC800  }
0x67: {  	[tilespmem:s21], [sflag:$0x8] =	stream.linear.gather [hbm4b:s15+s4], $0x3800, $0x38;
	[tilespmem:$0x1FC00] =	vst v63  }
0x68: {  	_ =	swait.ge [sflag:s16], $0x3800  }
0x69: {  	[sflag:s16] =	ssyncset.done $0x0  }
0x6a: {  	s20 =	rddreg [dreg:$0x10];
	[sflag:s16] =	ssyncadd.s32 $0xFFFFC800  }
0x6b: {  	[hbm4b:s20+s4] =	stream.linear.scatter [tilespmem:s21], [sflag:$0x8], $0x3800, $0x38;
	[tilespmem:$0x1FC00] =	vst v63  }
0x6c: {  	_ =	swait.ge [sflag:s16], $0x3800  }
0x6d: {  	[sflag:s16] =	ssyncset.done $0x0  }
0x6e: {  	s31 =	rddreg [dreg:$0x14];
	[sflag:s16] =	ssyncadd.s32 $0xFFFFC800  }
0x6f: {  	[tilespmem:s18], [sflag:$0x8] =	stream.linear.gather [hbm4b:s31+s4], $0x3800, $0x38;
	[tilespmem:$0x1FC00] =	vst v63  }
0x70: {  	_ =	swait.ge [sflag:s16], $0x3800  }
0x71: {  	[sflag:s16] =	ssyncset.done $0x0  }
0x72: {  	s9 =	rddreg [dreg:$0x15];
	[sflag:s16] =	ssyncadd.s32 $0xFFFFC800  }
0x73: {  	[hbm4b:s9+s4] =	stream.linear.scatter [tilespmem:s18], [sflag:$0x8], $0x3800, $0x38;
	[tilespmem:$0x1FC00] =	vst v63  }
0x74: {  	_ =	swait.ge [sflag:s16], $0x3800  }
0x75: {  	[sflag:s16] =	ssyncset.done $0x0  }
0x76: {  	s15 =	rddreg [dreg:$0x16];
	[sflag:s16] =	ssyncadd.s32 $0xFFFFC800  }
0x77: {  	[tilespmem:s21], [sflag:$0x8] =	stream.linear.gather [hbm4b:s15+s4], $0x3800, $0x38;
	[tilespmem:$0x1FC00] =	vst v63  }
0x78: {  	_ =	swait.ge [sflag:s16], $0x3800  }
0x79: {  	[sflag:s16] =	ssyncset.done $0x0  }
0x7a: {  	s20 =	rddreg [dreg:$0x17];
	[sflag:s16] =	ssyncadd.s32 $0xFFFFC800  }
0x7b: {  	[hbm4b:s20+s4] =	stream.linear.scatter [tilespmem:s21], [sflag:$0x8], $0x3800, $0x38;
	[tilespmem:$0x1FC00] =	vst v63  }
0x7c: {  	_ =	swait.ge [sflag:s16], $0x3800  }
0x7d: {  	[sflag:s16] =	ssyncset.done $0x0  }
0x7e: {  	s31 =	rddreg [dreg:$0x18];
	[sflag:s16] =	ssyncadd.s32 $0xFFFFC800  }
0x7f: {  	[tilespmem:s18], [sflag:$0x8] =	stream.linear.gather [hbm4b:s31+s4], $0x2400, $0x38;
	[tilespmem:$0x1FC00] =	vst v63  }
0x80: {  	_ =	swait.ge [sflag:s16], $0x2400  }
0x81: {  	[sflag:s16] =	ssyncset.done $0x0  }
0x82: {  	s9 =	rddreg [dreg:$0x1b];
	[sflag:s16] =	ssyncadd.s32 $0xFFFFDC00  }
0x83: {  	[hbm4b:s9+s4] =	stream.linear.scatter [tilespmem:s18], [sflag:$0x8], $0x2400, $0x38;
	[tilespmem:$0x1FC00] =	vst v63  }
0x84: {  	_ =	swait.ge [sflag:s16], $0x2400  }
0x85: {  	[sflag:s16] =	ssyncset.done $0x0  }
0x86: {  	s15 =	rddreg [dreg:$0x19];
	[sflag:s16] =	ssyncadd.s32 $0xFFFFDC00  }
0x87: {  	[tilespmem:s21], [sflag:$0x8] =	stream.linear.gather [hbm4b:s15+s4], $0x2400, $0x38;
	[tilespmem:$0x1FC00] =	vst v63  }
0x88: {  	_ =	swait.ge [sflag:s16], $0x2400  }
0x89: {  	[sflag:s16] =	ssyncset.done $0x0  }
0x8a: {  	s20 =	rddreg [dreg:$0x1a];
	[sflag:s16] =	ssyncadd.s32 $0xFFFFDC00  }
0x8b: {  	[hbm4b:s20+s4] =	stream.linear.scatter [tilespmem:s21], [sflag:$0x8], $0x2400, $0x38;
	[tilespmem:$0x1FC00] =	vst v63  }
0x8c: {  	_ =	swait.ge [sflag:s16], $0x2400  }
0x8d: {  	s31 =	simm.s32 $0x1;
	[sflag:s16] =	ssyncset.done $0x0  }
0x8e: {  	[smem:$0x7FA] =	sst s31;
	[sflag:s16] =	ssyncadd.s32 $0xFFFFDC00  }
.LBB2_2:
0x8f: {  	s1 =	simm.s32 $0x0;
	s9 =	simm.s32 $0x200  }
.LBB2_3:
0x90: {  	p0 =	sne.s32 s9, $0xDE00;
	[tilespmem:s1+$0x1070] =	vst v1  }
0x91: {  	[tilespmem:s1+$0x1000] =	vst v1  }
0x92: {  	[tilespmem:s1+$0x1010] =	vst v1  }
.Ltmp0:
0x93: {  	[tilespmem:s1+$0x1020] =	vst v1;
	(pc) =	sbr.rel @p0 .LBB2_3-.Ltmp0, $4  }
0x94: {  	[tilespmem:s1+$0x1030] =	vst v1  }
0x95: {  	[tilespmem:s1+$0x1040] =	vst v1  }
0x96: {  	[tilespmem:s1+$0x1050] =	vst v1  }
0x97: {  	[tilespmem:s1+$0x1060] =	vst v1;
	s1 =	sshra.s32 s9, $0x2;
	s9 =	sadd.s32 $0x200, s9  }
0x98: {  	[tilespmem:s1+$0x1070] =	vst v1  }
0x99: {  	[tilespmem:s1+$0x1000] =	vst v1  }
0x9a: {  	[tilespmem:s1+$0x1010] =	vst v1  }
0x9b: {  	[tilespmem:s1+$0x1020] =	vst v1  }
0x9c: {  	[tilespmem:s1+$0x1030] =	vst v1  }
0x9d: {  	[tilespmem:s1+$0x1040] =	vst v1  }
0x9e: {  	[tilespmem:s1+$0x1050] =	vst v1;
	s15 =	rddreg [dreg:$0x1c]  }
0x9f: {  	[tilespmem:s1+$0x1060] =	vst v1;
	s20 =	rddreg [dreg:$0x1e]  }
0xa0: {  	[spmem:s15] =	stream.linear.scatter [tilespmem:s18], [sflag:$0x1], $0x3800, $0x38;
	[tilespmem:$0x1FC00] =	vst v63  }
0xa1: {  	s31 =	rddreg [dreg:$0x1f]  }
0xa2: {  	[spmem:s20] =	stream.linear.scatter [tilespmem:s18], [sflag:$0x1], $0x3800, $0x38;
	[tilespmem:$0x1FC00] =	vst v63  }
0xa3: {  	s9 =	sld [smem:$0x7FB]  }
0xa4: {  	[spmem:s31] =	stream.linear.scatter [tilespmem:s18], [sflag:$0x1], $0x3800, $0x38;
	[tilespmem:$0x1FC00] =	vst v63  }
0xa5: {  	s15 =	sld [smem:$0x7FC]  }
0xa6: {  	[spmem:s9] =	stream.linear.scatter [tilespmem:s18], [sflag:$0x1], $0x3800, $0x38;
	[tilespmem:$0x1FC00] =	vst v63  }
0xa7: {  	s20 =	sld [smem:$0x7FD]  }
0xa8: {  	[spmem:s15] =	stream.linear.scatter [tilespmem:s18], [sflag:$0x1], $0x3800, $0x38;
	[tilespmem:$0x1FC00] =	vst v63  }
0xa9: {  	s31 =	simm.s32 $0x1  }
0xaa: {  	[spmem:s20] =	stream.linear.scatter [tilespmem:s18], [sflag:$0x1], $0x2400, $0x38;
	[tilespmem:$0x1FC00] =	vst v63  }
0xab: {  	_ =	swait.ge [sflag:s31], $0x3800  }
0xac: {  	[sflag:s31] =	ssyncset.done $0x0  }
0xad: {  	[sflag:s31] =	ssyncadd.s32 $0xFFFFC800  }
0xae: {  	_ =	swait.ge [sflag:s31], $0x3800  }
0xaf: {  	[sflag:s31] =	ssyncset.done $0x0  }
0xb0: {  	[sflag:s31] =	ssyncadd.s32 $0xFFFFC800  }
0xb1: {  	_ =	swait.ge [sflag:s31], $0x3800  }
0xb2: {  	[sflag:s31] =	ssyncset.done $0x0  }
0xb3: {  	[sflag:s31] =	ssyncadd.s32 $0xFFFFC800  }
0xb4: {  	_ =	swait.ge [sflag:s31], $0x3800  }
0xb5: {  	[sflag:s31] =	ssyncset.done $0x0  }
0xb6: {  	[sflag:s31] =	ssyncadd.s32 $0xFFFFC800  }
0xb7: {  	_ =	swait.ge [sflag:s31], $0x3800  }
0xb8: {  	[sflag:s31] =	ssyncset.done $0x0  }
0xb9: {  	[sflag:s31] =	ssyncadd.s32 $0xFFFFC800  }
0xba: {  	_ =	swait.ge [sflag:s31], $0x2400  }
0xbb: {  	[sflag:s31] =	ssyncset.done $0x0  }
0xbc: {  	[sflag:s31] =	ssyncadd.s32 $0xFFFFDC00  }
0xbd: {  	s1 =	simm.s32 $0x0;
	s9 =	simm.s32 $0x0;
	[bflag:$0x0] =	sbarrier.arrive $0xFFFF  }
.LBB2_5:
0xbe: {  	s20 =	sadd.s32 s14, s9  }
0xbf: {  	s20 =	sshll.u32 s20, $0x9  }
0xc0: {  	s20 =	sadd.s32 s5, s20  }
0xc1: {  	[tilespmem:s1], [sflag:$0x8] =	stream.linear.gather [hbm4b:s20+s1], $0x1000, $0x38;
	[tilespmem:$0x1FC00] =	vst v63  }
0xc2: {  	_ =	swait.ge [sflag:s16], $0x1000  }
0xc3: {  	[sflag:s16] =	ssyncset.done $0x0  }
0xc4: {  	s20 =	simm.s32 $0x0;
	[sflag:s16] =	ssyncadd.s32 $0xFFFFF000  }
0xc5: {  	v4 =	vld [tilespmem:s20+$0x0]  }
0xc6: {  	v6 =	vld [tilespmem:s20+$0x10]  }
0xc7: {  	v5 =	vld [tilespmem:s20+$0x20]  }
0xc8: {  	v3 =	vld [tilespmem:s20+$0x30]  }
0xc9: {  	v2 =	vld [tilespmem:s20+$0x40]  }
0xca: {  	s31 =	simm.s32 $0x200;
	v7 =	vadd.s32 v0, v4;
	v4 =	vld [tilespmem:s20+$0x50]  }
.LBB2_6:
0xcb: {  	s15 =	sshra.s32 s31, $0x2;
	p0 =	sne.s32 s31, $0x1E00;
	[tilespmem:s20+$0x0] =	vst v7;
	v6 =	vadd.s32 v0, v6;
	v7 =	vld [tilespmem:s20+$0x60]  }
0xcc: {  	v8 =	vld [tilespmem:s15+$0x0];
	[tilespmem:s20+$0x10] =	vst v6;
	v5 =	vadd.s32 v0, v5  }
.Ltmp1:
0xcd: {  	v6 =	vld [tilespmem:s15+$0x10];
	[tilespmem:s20+$0x20] =	vst v5;
	v3 =	vadd.s32 v0, v3;
	(pc) =	sbr.rel @p0 .LBB2_6-.Ltmp1, $4  }
0xce: {  	v5 =	vld [tilespmem:s15+$0x20];
	[tilespmem:s20+$0x30] =	vst v3;
	v2 =	vadd.s32 v0, v2  }
0xcf: {  	v3 =	vld [tilespmem:s15+$0x30];
	[tilespmem:s20+$0x40] =	vst v2;
	v4 =	vadd.s32 v0, v4  }
0xd0: {  	v2 =	vld [tilespmem:s15+$0x40];
	[tilespmem:s20+$0x50] =	vst v4;
	v9 =	vadd.s32 v0, v7  }
0xd1: {  	s31 =	sadd.s32 $0x200, s31;
	v7 =	vadd.s32 v0, v8;
	v4 =	vld [tilespmem:s15+$0x50];
	[tilespmem:s20+$0x60] =	vst v9;
	s20 =	smov.u32 s15  }
0xd2: {  	[tilespmem:s20+$0x0] =	vst v7;
	v6 =	vadd.s32 v0, v6;
	v63 =	vld [tilespmem:s20+$0x60]  }
0xd3: {  	[tilespmem:s20+$0x10] =	vst v6;
	v5 =	vadd.s32 v0, v5  }
0xd4: {  	[tilespmem:s20+$0x20] =	vst v5;
	v3 =	vadd.s32 v0, v3  }
0xd5: {  	[tilespmem:s20+$0x30] =	vst v3;
	v2 =	vadd.s32 v0, v2  }
0xd6: {  	[tilespmem:s20+$0x40] =	vst v2;
	v2 =	vadd.s32 v0, v4  }
0xd7: {  	[tilespmem:s20+$0x50] =	vst v2;
	v2 =	vadd.s32 v0, v63  }
0xd8: {  	[tilespmem:s20+$0x60] =	vst v2  }
0xd9: {  	[tilespmem:s18], [sflag:$0x2] =	stream.indirect.gather [hbm4b:s6+s25], $0x80, s4, s25, $0xb8;
	[tilespmem:$0x1FC00] =	vst v63  }
0xda: {  	s15 =	simm.s32 $0x80  }
0xdb: {  	[tilespmem:s21], [sflag:$0x3] =	stream.indirect.gather [hbm4b:s6+s25], $0x80, s15, s25, $0xb8;
	[tilespmem:$0x1FC00] =	vst v63  }
0xdc: {  	_ =	swait.ge [sflag:s29], $0x3800  }
0xdd: {  	[sflag:s29] =	ssyncset.done $0x0  }
0xde: {  	s20 =	simm.s32 $0x800;
	[sflag:s29] =	ssyncadd.s32 $0xFFFFC800  }
0xdf: {  	[spmem:s3] =	stream.indirect.scatter.add.f32 [tilespmem:s18], [sflag:$0x5], $0x80, s20, s25, $0xb8;
	[tilespmem:$0x1FC00] =	vst v63  }
0xe0: {  	s31 =	simm.s32 $0x100  }
0xe1: {  	[tilespmem:s13], [sflag:$0x4] =	stream.indirect.gather [hbm4b:s6+s25], $0x80, s31, s25, $0xb8;
	[tilespmem:$0x1FC00] =	vst v63  }
0xe2: {  	_ =	swait.ge [sflag:s17], $0x3800  }
0xe3: {  	[sflag:s17] =	ssyncset.done $0x0  }
0xe4: {  	s20 =	simm.s32 $0x880;
	[sflag:s17] =	ssyncadd.s32 $0xFFFFC800  }
0xe5: {  	[spmem:s3] =	stream.indirect.scatter.add.f32 [tilespmem:s21], [sflag:$0x6], $0x80, s20, s25, $0xb8;
	[tilespmem:$0x1FC00] =	vst v63  }
0xe6: {  	_ =	swait.ge [sflag:s24], $0x3800  }
0xe7: {  	[sflag:s24] =	ssyncset.done $0x0  }
0xe8: {  	s31 =	simm.s32 $0x180;
	[sflag:s24] =	ssyncadd.s32 $0xFFFFC800  }
0xe9: {  	[tilespmem:s18], [sflag:$0x2] =	stream.indirect.gather [hbm4b:s6+s25], $0x80, s31, s25, $0xb8;
	[tilespmem:$0x1FC00] =	vst v63  }
0xea: {  	_ =	swait.ge [sflag:s11], $0x3800  }
0xeb: {  	[sflag:s11] =	ssyncset.done $0x0  }
0xec: {  	s20 =	simm.s32 $0x900;
	[sflag:s11] =	ssyncadd.s32 $0xFFFFC800  }
0xed: {  	[spmem:s3] =	stream.indirect.scatter.add.f32 [tilespmem:s13], [sflag:$0x7], $0x80, s20, s25, $0xb8;
	[tilespmem:$0x1FC00] =	vst v63  }
0xee: {  	_ =	swait.ge [sflag:s2], $0x3800  }
0xef: {  	[sflag:s2] =	ssyncset.done $0x0  }
0xf0: {  	s31 =	simm.s32 $0x200;
	[sflag:s2] =	ssyncadd.s32 $0xFFFFC800  }
0xf1: {  	[tilespmem:s21], [sflag:$0x3] =	stream.indirect.gather [hbm4b:s6+s25], $0x80, s31, s25, $0xb8;
	[tilespmem:$0x1FC00] =	vst v63  }
0xf2: {  	_ =	swait.ge [sflag:s29], $0x3800  }
0xf3: {  	[sflag:s29] =	ssyncset.done $0x0  }
0xf4: {  	s20 =	simm.s32 $0x980;
	[sflag:s29] =	ssyncadd.s32 $0xFFFFC800  }
0xf5: {  	[spmem:s3] =	stream.indirect.scatter.add.f32 [tilespmem:s18], [sflag:$0x5], $0x80, s20, s25, $0xb8;
	[tilespmem:$0x1FC00] =	vst v63  }
0xf6: {  	_ =	swait.ge [sflag:s7], $0x3800  }
0xf7: {  	[sflag:s7] =	ssyncset.done $0x0  }
0xf8: {  	s31 =	simm.s32 $0x280;
	[sflag:s7] =	ssyncadd.s32 $0xFFFFC800  }
0xf9: {  	[tilespmem:s13], [sflag:$0x4] =	stream.indirect.gather [hbm4b:s6+s25], $0x80, s31, s25, $0xb8;
	[tilespmem:$0x1FC00] =	vst v63  }
0xfa: {  	_ =	swait.ge [sflag:s17], $0x3800  }
0xfb: {  	[sflag:s17] =	ssyncset.done $0x0  }
0xfc: {  	s20 =	simm.s32 $0xA00;
	[sflag:s17] =	ssyncadd.s32 $0xFFFFC800  }
0xfd: {  	[spmem:s3] =	stream.indirect.scatter.add.f32 [tilespmem:s21], [sflag:$0x6], $0x80, s20, s25, $0xb8;
	[tilespmem:$0x1FC00] =	vst v63  }
0xfe: {  	_ =	swait.ge [sflag:s24], $0x3800  }
0xff: {  	[sflag:s24] =	ssyncset.done $0x0  }
0x100: {  	s31 =	simm.s32 $0x300;
	[sflag:s24] =	ssyncadd.s32 $0xFFFFC800  }
0x101: {  	[tilespmem:s18], [sflag:$0x2] =	stream.indirect.gather [hbm4b:s6+s25], $0x80, s31, s25, $0xb8;
	[tilespmem:$0x1FC00] =	vst v63  }
0x102: {  	_ =	swait.ge [sflag:s11], $0x3800  }
0x103: {  	[sflag:s11] =	ssyncset.done $0x0  }
0x104: {  	s20 =	simm.s32 $0xA80;
	[sflag:s11] =	ssyncadd.s32 $0xFFFFC800  }
0x105: {  	[spmem:s3] =	stream.indirect.scatter.add.f32 [tilespmem:s13], [sflag:$0x7], $0x80, s20, s25, $0xb8;
	[tilespmem:$0x1FC00] =	vst v63  }
0x106: {  	_ =	swait.ge [sflag:s2], $0x3800  }
0x107: {  	[sflag:s2] =	ssyncset.done $0x0  }
0x108: {  	s31 =	simm.s32 $0x380;
	[sflag:s2] =	ssyncadd.s32 $0xFFFFC800  }
0x109: {  	[tilespmem:s21], [sflag:$0x3] =	stream.indirect.gather [hbm4b:s6+s25], $0x80, s31, s25, $0xb8;
	[tilespmem:$0x1FC00] =	vst v63  }
0x10a: {  	_ =	swait.ge [sflag:s29], $0x3800  }
0x10b: {  	[sflag:s29] =	ssyncset.done $0x0  }
0x10c: {  	s20 =	simm.s32 $0xB00;
	[sflag:s29] =	ssyncadd.s32 $0xFFFFC800  }
0x10d: {  	[spmem:s3] =	stream.indirect.scatter.add.f32 [tilespmem:s18], [sflag:$0x5], $0x80, s20, s25, $0xb8;
	[tilespmem:$0x1FC00] =	vst v63  }
0x10e: {  	_ =	swait.ge [sflag:s7], $0x3800  }
0x10f: {  	[sflag:s7] =	ssyncset.done $0x0  }
0x110: {  	s31 =	simm.s32 $0x400;
	[sflag:s7] =	ssyncadd.s32 $0xFFFFC800  }
0x111: {  	[tilespmem:s13], [sflag:$0x4] =	stream.indirect.gather [hbm4b:s6+s25], $0x80, s31, s25, $0xb8;
	[tilespmem:$0x1FC00] =	vst v63  }
0x112: {  	_ =	swait.ge [sflag:s17], $0x3800  }
0x113: {  	[sflag:s17] =	ssyncset.done $0x0  }
0x114: {  	s20 =	simm.s32 $0xB80;
	[sflag:s17] =	ssyncadd.s32 $0xFFFFC800  }
0x115: {  	[spmem:s3] =	stream.indirect.scatter.add.f32 [tilespmem:s21], [sflag:$0x6], $0x80, s20, s25, $0xb8;
	[tilespmem:$0x1FC00] =	vst v63  }
0x116: {  	_ =	swait.ge [sflag:s24], $0x3800  }
0x117: {  	[sflag:s24] =	ssyncset.done $0x0  }
0x118: {  	s31 =	simm.s32 $0x480;
	[sflag:s24] =	ssyncadd.s32 $0xFFFFC800  }
0x119: {  	[tilespmem:s18], [sflag:$0x2] =	stream.indirect.gather [hbm4b:s6+s25], $0x80, s31, s25, $0xb8;
	[tilespmem:$0x1FC00] =	vst v63  }
0x11a: {  	_ =	swait.ge [sflag:s11], $0x3800  }
0x11b: {  	[sflag:s11] =	ssyncset.done $0x0  }
0x11c: {  	s20 =	simm.s32 $0xC00;
	[sflag:s11] =	ssyncadd.s32 $0xFFFFC800  }
0x11d: {  	[spmem:s3] =	stream.indirect.scatter.add.f32 [tilespmem:s13], [sflag:$0x7], $0x80, s20, s25, $0xb8;
	[tilespmem:$0x1FC00] =	vst v63  }
0x11e: {  	_ =	swait.ge [sflag:s2], $0x3800  }
0x11f: {  	[sflag:s2] =	ssyncset.done $0x0  }
0x120: {  	s31 =	simm.s32 $0x500;
	[sflag:s2] =	ssyncadd.s32 $0xFFFFC800  }
0x121: {  	[tilespmem:s21], [sflag:$0x3] =	stream.indirect.gather [hbm4b:s6+s25], $0x80, s31, s25, $0xb8;
	[tilespmem:$0x1FC00] =	vst v63  }
0x122: {  	_ =	swait.ge [sflag:s29], $0x3800  }
0x123: {  	[sflag:s29] =	ssyncset.done $0x0  }
0x124: {  	s20 =	simm.s32 $0xC80;
	[sflag:s29] =	ssyncadd.s32 $0xFFFFC800  }
0x125: {  	[spmem:s3] =	stream.indirect.scatter.add.f32 [tilespmem:s18], [sflag:$0x5], $0x80, s20, s25, $0xb8;
	[tilespmem:$0x1FC00] =	vst v63  }
0x126: {  	_ =	swait.ge [sflag:s7], $0x3800  }
0x127: {  	[sflag:s7] =	ssyncset.done $0x0  }
0x128: {  	s31 =	simm.s32 $0x580;
	[sflag:s7] =	ssyncadd.s32 $0xFFFFC800  }
0x129: {  	[tilespmem:s13], [sflag:$0x4] =	stream.indirect.gather [hbm4b:s6+s25], $0x80, s31, s25, $0xb8;
	[tilespmem:$0x1FC00] =	vst v63  }
0x12a: {  	_ =	swait.ge [sflag:s17], $0x3800  }
0x12b: {  	[sflag:s17] =	ssyncset.done $0x0  }
0x12c: {  	[sflag:s17] =	ssyncadd.s32 $0xFFFFC800  }
0x12d: {  	[spmem:s3] =	stream.indirect.scatter.add.f32 [tilespmem:s21], [sflag:$0x6], $0x80, s19, s25, $0xb8;
	[tilespmem:$0x1FC00] =	vst v63  }
0x12e: {  	_ =	swait.ge [sflag:s24], $0x3800  }
0x12f: {  	[sflag:s24] =	ssyncset.done $0x0  }
0x130: {  	[sflag:s24] =	ssyncadd.s32 $0xFFFFC800  }
0x131: {  	[tilespmem:s18], [sflag:$0x2] =	stream.indirect.gather [hbm4b:s6+s25], $0x80, s0, s25, $0xb8;
	[tilespmem:$0x1FC00] =	vst v63  }
0x132: {  	_ =	swait.ge [sflag:s11], $0x3800  }
0x133: {  	[sflag:s11] =	ssyncset.done $0x0  }
0x134: {  	[sflag:s11] =	ssyncadd.s32 $0xFFFFC800  }
0x135: {  	[spmem:s3] =	stream.indirect.scatter.add.f32 [tilespmem:s13], [sflag:$0x7], $0x80, s8, s25, $0xb8;
	[tilespmem:$0x1FC00] =	vst v63  }
0x136: {  	_ =	swait.ge [sflag:s2], $0x3800  }
0x137: {  	[sflag:s2] =	ssyncset.done $0x0  }
0x138: {  	[sflag:s2] =	ssyncadd.s32 $0xFFFFC800  }
0x139: {  	[tilespmem:s21], [sflag:$0x3] =	stream.indirect.gather [hbm4b:s6+s25], $0x80, s10, s25, $0xb8;
	[tilespmem:$0x1FC00] =	vst v63  }
0x13a: {  	_ =	swait.ge [sflag:s29], $0x3800  }
0x13b: {  	[sflag:s29] =	ssyncset.done $0x0  }
0x13c: {  	[sflag:s29] =	ssyncadd.s32 $0xFFFFC800  }
0x13d: {  	[spmem:s3] =	stream.indirect.scatter.add.f32 [tilespmem:s18], [sflag:$0x5], $0x80, s22, s25, $0xb8;
	[tilespmem:$0x1FC00] =	vst v63  }
0x13e: {  	_ =	swait.ge [sflag:s7], $0x3800  }
0x13f: {  	[sflag:s7] =	ssyncset.done $0x0  }
0x140: {  	[sflag:s7] =	ssyncadd.s32 $0xFFFFC800  }
0x141: {  	[tilespmem:s13], [sflag:$0x4] =	stream.indirect.gather [hbm4b:s6+s25], $0x80, s12, s25, $0xb8;
	[tilespmem:$0x1FC00] =	vst v63  }
0x142: {  	_ =	swait.ge [sflag:s17], $0x3800  }
0x143: {  	[sflag:s17] =	ssyncset.done $0x0  }
0x144: {  	[sflag:s17] =	ssyncadd.s32 $0xFFFFC800  }
0x145: {  	[spmem:s3] =	stream.indirect.scatter.add.f32 [tilespmem:s21], [sflag:$0x6], $0x80, s26, s25, $0xb8;
	[tilespmem:$0x1FC00] =	vst v63  }
0x146: {  	_ =	swait.ge [sflag:s24], $0x3800  }
0x147: {  	[sflag:s24] =	ssyncset.done $0x0  }
0x148: {  	[sflag:s24] =	ssyncadd.s32 $0xFFFFC800  }
0x149: {  	[tilespmem:s18], [sflag:$0x2] =	stream.indirect.gather [hbm4b:s6+s25], $0x80, s30, s25, $0xb8;
	[tilespmem:$0x1FC00] =	vst v63  }
0x14a: {  	_ =	swait.ge [sflag:s11], $0x3800  }
0x14b: {  	[sflag:s11] =	ssyncset.done $0x0  }
0x14c: {  	[sflag:s11] =	ssyncadd.s32 $0xFFFFC800  }
0x14d: {  	[spmem:s3] =	stream.indirect.scatter.add.f32 [tilespmem:s13], [sflag:$0x7], $0x80, s23, s25, $0xb8;
	[tilespmem:$0x1FC00] =	vst v63  }
0x14e: {  	_ =	swait.ge [sflag:s2], $0x3800  }
0x14f: {  	[sflag:s2] =	ssyncset.done $0x0  }
0x150: {  	[sflag:s2] =	ssyncadd.s32 $0xFFFFC800  }
0x151: {  	_ =	swait.ge [sflag:s29], $0x3800  }
0x152: {  	[sflag:s29] =	ssyncset.done $0x0  }
0x153: {  	s9 =	sadd.s32 $0x1, s9;
	[sflag:s29] =	ssyncadd.s32 $0xFFFFC800  }
0x154: {  	[spmem:s3] =	stream.indirect.scatter.add.f32 [tilespmem:s18], [sflag:$0x5], $0x80, s28, s25, $0xb8;
	[tilespmem:$0x1FC00] =	vst v63  }
0x155: {  	p0 =	sne.s32 s9, $0xC;
	_ =	swait.ge [sflag:s7], $0x3800  }
.Ltmp2:
0x156: {  	[sflag:s7] =	ssyncset.done $0x0;
	(pc) =	sbr.rel @p0 .LBB2_5-.Ltmp2, $4  }
0x157: {  	[sflag:s7] =	ssyncadd.s32 $0xFFFFC800  }
0x158: {  	_ =	swait.ge [sflag:s24], $0x3800  }
0x159: {  	[sflag:s24] =	ssyncset.done $0x0  }
0x15a: {  	[sflag:s24] =	ssyncadd.s32 $0xFFFFC800  }
0x15b: {  	s9 =	sld [smem:$0x7FA];
	_ =	sdelay $0x2  }
0x15c: {  	s1 =	sshrl.u32 s9, $0x4  }
0x15d: {  	s1 =	smul.u32 $0xC0, s1  }
0x15e: {  	s9 =	sshll.u32 s9, $0x7  }
0x15f: {  	s9 =	sand.u32 $0x780, s9;
	s1 =	sshra.s32 s1, $0x2  }
0x160: {  	[bflag:$0x0] =	sbarrier.arrive $0xFFFF;
	s1 =	sadd.s32 s1, s9  }
0x161: {  	v2 =	vld [tilespmem:s1+$0xB800]  }
0x162: {  	s15 =	rddreg [dreg:$0x1c];
	v3 =	vld [tilespmem:s1+$0xB810]  }
0x163: {  	v4 =	vld [tilespmem:s1+$0xB820];
	[tilespmem:s18], [sflag:$0x2] =	stream.linear.gather [spmem:s15], $0x3800, $0x38  }
0x164: {  	s20 =	simm.s32 $0x0;
	s31 =	rddreg [dreg:$0x13]  }
0x165: {  	[tilespmem:s21], [sflag:$0x3] =	stream.linear.gather [hbm4b:s31+s20], $0x3800, $0x38;
	[tilespmem:$0x1FC00] =	vst v63  }
0x166: {  	_ =	swait.ge [sflag:s29], $0x3800  }
0x167: {  	[sflag:s29] =	ssyncset.done $0x0  }
0x168: {  	[sflag:s29] =	ssyncadd.s32 $0xFFFFC800  }
0x169: {  	_ =	swait.ge [sflag:s17], $0x3800  }
0x16a: {  	[sflag:s17] =	ssyncset.done $0x0  }
0x16b: {  	s1 =	simm.s32 $0x0;
	[sflag:s17] =	ssyncadd.s32 $0xFFFFC800  }
0x16c: {  	v6 =	vld [tilespmem:s1+$0x1010]  }
0x16d: {  	v7 =	vld [tilespmem:s1+$0x1000]  }
0x16e: {  	v5 =	vld [tilespmem:s1+$0x4860]  }
0x16f: {  	v9 =	vld [tilespmem:s1+$0x1020]  }
0x170: {  	v11 =	vld [tilespmem:s1+$0x1030]  }
0x171: {  	v8 =	vld [tilespmem:s1+$0x4830]  }
0x172: {  	v13 =	vld [tilespmem:s1+$0x4800]  }
0x173: {  	v12 =	vld [tilespmem:s1+$0x1040];
	v14 =	vmul.f32 v7, v5  }
0x174: {  	v7 =	vld [tilespmem:s1+$0x4840];
	v10 =	vmul.f32 v6, v5  }
0x175: {  	v6 =	vld [tilespmem:s1+$0x4820];
	v9 =	vmul.f32 v9, v5;
	[tilespmem:s1+$0x1000] =	vst v14;
	v15 =	vmul.f32 v14, v2  }
0x176: {  	s9 =	simm.s32 $0x200;
	v11 =	vmul.f32 v11, v5;
	[tilespmem:s1+$0x1010] =	vst v10;
	v14 =	vld [tilespmem:s1+$0x4810]  }
.LBB2_9:
0x177: {  	s15 =	sshra.s32 s9, $0x2;
	p0 =	sne.s32 s9, $0xDE00;
	s9 =	sadd.s32 $0x200, s9;
	v13 =	vadd.f32 v15, v13;
	[tilespmem:s1+$0x1020] =	vst v9;
	v15 =	vld [tilespmem:s1+$0x4850]  }
0x178: {  	v17 =	vmul.f32 v11, v2;
	v16 =	vld [tilespmem:s15+$0x1010];
	v12 =	vmul.f32 v12, v5  }
0x179: {  	v10 =	vmul.f32 v10, v2;
	v18 =	vld [tilespmem:s15+$0x1000];
	[tilespmem:s1+$0x4800] =	vst v13  }
0x17a: {  	v8 =	vadd.f32 v17, v8;
	v5 =	vld [tilespmem:s15+$0x4860];
	[tilespmem:s1+$0x1040] =	vst v12;
	v13 =	vmul.f32 v12, v3;
	v12 =	vmul.f32 v12, v4  }
0x17b: {  	v17 =	vld [tilespmem:s15+$0x1020];
	v10 =	vadd.f32 v10, v14;
	[tilespmem:s1+$0x1030] =	vst v11  }
0x17c: {  	v9 =	vmul.f32 v9, v2;
	v11 =	vld [tilespmem:s15+$0x1030];
	[tilespmem:s1+$0x4830] =	vst v8;
	v7 =	vadd.f32 v13, v7;
	v14 =	vadd.f32 v15, v12  }
0x17d: {  	v8 =	vld [tilespmem:s15+$0x4830];
	[tilespmem:s1+$0x4810] =	vst v10  }
.Ltmp3:
0x17e: {  	v6 =	vadd.f32 v9, v6;
	v13 =	vld [tilespmem:s15+$0x4800];
	[tilespmem:s1+$0x4840] =	vst v7;
	(pc) =	sbr.rel @p0 .LBB2_9-.Ltmp3, $4  }
0x17f: {  	v15 =	vmul.f32 v18, v5;
	v10 =	vmul.f32 v16, v5;
	v12 =	vld [tilespmem:s15+$0x1040];
	[tilespmem:s1+$0x4850] =	vst v14  }
0x180: {  	v9 =	vmul.f32 v17, v5;
	v7 =	vld [tilespmem:s15+$0x4840];
	[tilespmem:s1+$0x4820] =	vst v6;
	s1 =	smov.u32 s15  }
0x181: {  	[tilespmem:s1+$0x1000] =	vst v15;
	v15 =	vmul.f32 v15, v2;
	v6 =	vld [tilespmem:s1+$0x4820];
	v11 =	vmul.f32 v11, v5  }
0x182: {  	[tilespmem:s1+$0x1010] =	vst v10;
	v14 =	vld [tilespmem:s1+$0x4810]  }
0x183: {  	v13 =	vadd.f32 v15, v13;
	[tilespmem:s1+$0x1020] =	vst v9;
	v16 =	vmul.f32 v11, v2  }
0x184: {  	v15 =	vld [tilespmem:s1+$0x4850];
	[tilespmem:s1+$0x1030] =	vst v11;
	v9 =	vmul.f32 v9, v2;
	v5 =	vmul.f32 v12, v5  }
0x185: {  	v10 =	vmul.f32 v10, v2;
	[tilespmem:s1+$0x4800] =	vst v13;
	v8 =	vadd.f32 v16, v8  }
0x186: {  	[tilespmem:s1+$0x1040] =	vst v5;
	v12 =	vmul.f32 v5, v3;
	v6 =	vadd.f32 v9, v6  }
0x187: {  	v5 =	vmul.f32 v5, v4;
	v10 =	vadd.f32 v10, v14;
	[tilespmem:s1+$0x4830] =	vst v8  }
0x188: {  	v7 =	vadd.f32 v12, v7;
	[tilespmem:s1+$0x4820] =	vst v6  }
0x189: {  	v5 =	vadd.f32 v15, v5;
	[tilespmem:s1+$0x4810] =	vst v10  }
0x18a: {  	[tilespmem:s1+$0x4840] =	vst v7  }
0x18b: {  	s9 =	rddreg [dreg:$0x11];
	[tilespmem:s1+$0x4850] =	vst v5;
	s1 =	simm.s32 $0x0  }
0x18c: {  	[hbm4b:s9+s1] =	stream.linear.scatter [tilespmem:s18], [sflag:$0x5], $0x3800, $0x38;
	[tilespmem:$0x1FC00] =	vst v63  }
0x18d: {  	s15 =	rddreg [dreg:$0x13]  }
0x18e: {  	[hbm4b:s15+s1] =	stream.linear.scatter [tilespmem:s21], [sflag:$0x6], $0x3800, $0x38;
	[tilespmem:$0x1FC00] =	vst v63  }
0x18f: {  	_ =	swait.ge [sflag:s24], $0x3800  }
0x190: {  	[sflag:s24] =	ssyncset.done $0x0  }
0x191: {  	[sflag:s24] =	ssyncadd.s32 $0xFFFFC800  }
0x192: {  	_ =	swait.ge [sflag:s2], $0x3800  }
0x193: {  	[sflag:s2] =	ssyncset.done $0x0  }
0x194: {  	s20 =	rddreg [dreg:$0x1e];
	[sflag:s2] =	ssyncadd.s32 $0xFFFFC800  }
0x195: {  	[tilespmem:s18], [sflag:$0x2] =	stream.linear.gather [spmem:s20], $0x3800, $0x38;
	[tilespmem:$0x1FC00] =	vst v63  }
0x196: {  	s20 =	rddreg [dreg:$0x8]  }
0x197: {  	[tilespmem:s21], [sflag:$0x3] =	stream.linear.gather [hbm4b:s20+s1], $0x3800, $0x38;
	[tilespmem:$0x1FC00] =	vst v63  }
0x198: {  	_ =	swait.ge [sflag:s29], $0x3800  }
0x199: {  	[sflag:s29] =	ssyncset.done $0x0  }
0x19a: {  	[sflag:s29] =	ssyncadd.s32 $0xFFFFC800  }
0x19b: {  	_ =	swait.ge [sflag:s17], $0x3800  }
0x19c: {  	[sflag:s17] =	ssyncset.done $0x0  }
0x19d: {  	s1 =	simm.s32 $0x0;
	[sflag:s17] =	ssyncadd.s32 $0xFFFFC800  }
0x19e: {  	v6 =	vld [tilespmem:s1+$0x1010]  }
0x19f: {  	v7 =	vld [tilespmem:s1+$0x1000]  }
0x1a0: {  	v5 =	vld [tilespmem:s1+$0x4860]  }
0x1a1: {  	v9 =	vld [tilespmem:s1+$0x1020]  }
0x1a2: {  	v11 =	vld [tilespmem:s1+$0x1030]  }
0x1a3: {  	v8 =	vld [tilespmem:s1+$0x4830]  }
0x1a4: {  	v13 =	vld [tilespmem:s1+$0x4800]  }
0x1a5: {  	v12 =	vld [tilespmem:s1+$0x1040];
	v14 =	vmul.f32 v7, v5  }
0x1a6: {  	v7 =	vld [tilespmem:s1+$0x4840];
	v10 =	vmul.f32 v6, v5  }
0x1a7: {  	v6 =	vld [tilespmem:s1+$0x4820];
	v9 =	vmul.f32 v9, v5;
	[tilespmem:s1+$0x1000] =	vst v14;
	v15 =	vmul.f32 v14, v2  }
0x1a8: {  	s9 =	simm.s32 $0x200;
	s31 =	rddreg [dreg:$0xc];
	v11 =	vmul.f32 v11, v5;
	[tilespmem:s1+$0x1010] =	vst v10;
	v14 =	vld [tilespmem:s1+$0x4810]  }
.LBB2_11:
0x1a9: {  	s15 =	sshra.s32 s9, $0x2;
	p0 =	sne.s32 s9, $0xDE00;
	s9 =	sadd.s32 $0x200, s9;
	v13 =	vadd.f32 v15, v13;
	[tilespmem:s1+$0x1020] =	vst v9;
	v15 =	vld [tilespmem:s1+$0x4850]  }
0x1aa: {  	v17 =	vmul.f32 v11, v2;
	v16 =	vld [tilespmem:s15+$0x1010];
	v12 =	vmul.f32 v12, v5  }
0x1ab: {  	v10 =	vmul.f32 v10, v2;
	v18 =	vld [tilespmem:s15+$0x1000];
	[tilespmem:s1+$0x4800] =	vst v13  }
0x1ac: {  	v8 =	vadd.f32 v17, v8;
	v5 =	vld [tilespmem:s15+$0x4860];
	[tilespmem:s1+$0x1040] =	vst v12;
	v13 =	vmul.f32 v12, v3;
	v12 =	vmul.f32 v12, v4  }
0x1ad: {  	v17 =	vld [tilespmem:s15+$0x1020];
	v10 =	vadd.f32 v10, v14;
	[tilespmem:s1+$0x1030] =	vst v11  }
0x1ae: {  	v9 =	vmul.f32 v9, v2;
	v11 =	vld [tilespmem:s15+$0x1030];
	[tilespmem:s1+$0x4830] =	vst v8;
	v7 =	vadd.f32 v13, v7;
	v14 =	vadd.f32 v15, v12  }
0x1af: {  	v8 =	vld [tilespmem:s15+$0x4830];
	[tilespmem:s1+$0x4810] =	vst v10  }
.Ltmp4:
0x1b0: {  	v6 =	vadd.f32 v9, v6;
	v13 =	vld [tilespmem:s15+$0x4800];
	[tilespmem:s1+$0x4840] =	vst v7;
	(pc) =	sbr.rel @p0 .LBB2_11-.Ltmp4, $4  }
0x1b1: {  	v15 =	vmul.f32 v18, v5;
	v10 =	vmul.f32 v16, v5;
	v12 =	vld [tilespmem:s15+$0x1040];
	[tilespmem:s1+$0x4850] =	vst v14  }
0x1b2: {  	v9 =	vmul.f32 v17, v5;
	v7 =	vld [tilespmem:s15+$0x4840];
	[tilespmem:s1+$0x4820] =	vst v6;
	s1 =	smov.u32 s15  }
0x1b3: {  	[tilespmem:s1+$0x1000] =	vst v15;
	v15 =	vmul.f32 v15, v2;
	v6 =	vld [tilespmem:s1+$0x4820];
	v11 =	vmul.f32 v11, v5  }
0x1b4: {  	[tilespmem:s1+$0x1010] =	vst v10;
	v14 =	vld [tilespmem:s1+$0x4810]  }
0x1b5: {  	v13 =	vadd.f32 v15, v13;
	[tilespmem:s1+$0x1020] =	vst v9;
	v16 =	vmul.f32 v11, v2  }
0x1b6: {  	v15 =	vld [tilespmem:s1+$0x4850];
	[tilespmem:s1+$0x1030] =	vst v11;
	v9 =	vmul.f32 v9, v2;
	v5 =	vmul.f32 v12, v5  }
0x1b7: {  	v10 =	vmul.f32 v10, v2;
	[tilespmem:s1+$0x4800] =	vst v13;
	v8 =	vadd.f32 v16, v8  }
0x1b8: {  	[tilespmem:s1+$0x1040] =	vst v5;
	v12 =	vmul.f32 v5, v3;
	v6 =	vadd.f32 v9, v6  }
0x1b9: {  	v5 =	vmul.f32 v5, v4;
	v10 =	vadd.f32 v10, v14;
	[tilespmem:s1+$0x4830] =	vst v8  }
0x1ba: {  	v7 =	vadd.f32 v12, v7;
	[tilespmem:s1+$0x4820] =	vst v6  }
0x1bb: {  	v5 =	vadd.f32 v15, v5;
	[tilespmem:s1+$0x4810] =	vst v10  }
0x1bc: {  	[tilespmem:s1+$0x4840] =	vst v7  }
0x1bd: {  	s9 =	rddreg [dreg:$0x6];
	[tilespmem:s1+$0x4850] =	vst v5;
	s1 =	simm.s32 $0x0  }
0x1be: {  	[hbm4b:s9+s1] =	stream.linear.scatter [tilespmem:s18], [sflag:$0x5], $0x3800, $0x38;
	[tilespmem:$0x1FC00] =	vst v63  }
0x1bf: {  	_ = 	snop  }
0x1c0: {  	[hbm4b:s20+s1] =	stream.linear.scatter [tilespmem:s21], [sflag:$0x6], $0x3800, $0x38;
	[tilespmem:$0x1FC00] =	vst v63  }
0x1c1: {  	_ =	swait.ge [sflag:s24], $0x3800  }
0x1c2: {  	[sflag:s24] =	ssyncset.done $0x0  }
0x1c3: {  	[sflag:s24] =	ssyncadd.s32 $0xFFFFC800  }
0x1c4: {  	_ =	swait.ge [sflag:s2], $0x3800  }
0x1c5: {  	[sflag:s2] =	ssyncset.done $0x0  }
0x1c6: {  	s15 =	rddreg [dreg:$0x1f];
	[sflag:s2] =	ssyncadd.s32 $0xFFFFC800  }
0x1c7: {  	[tilespmem:s18], [sflag:$0x2] =	stream.linear.gather [spmem:s15], $0x3800, $0x38;
	[tilespmem:$0x1FC00] =	vst v63  }
0x1c8: {  	_ = 	snop  }
0x1c9: {  	[tilespmem:s21], [sflag:$0x3] =	stream.linear.gather [hbm4b:s31+s1], $0x3800, $0x38;
	[tilespmem:$0x1FC00] =	vst v63  }
0x1ca: {  	_ =	swait.ge [sflag:s29], $0x3800  }
0x1cb: {  	[sflag:s29] =	ssyncset.done $0x0  }
0x1cc: {  	[sflag:s29] =	ssyncadd.s32 $0xFFFFC800  }
0x1cd: {  	_ =	swait.ge [sflag:s17], $0x3800  }
0x1ce: {  	[sflag:s17] =	ssyncset.done $0x0  }
0x1cf: {  	s1 =	simm.s32 $0x0;
	[sflag:s17] =	ssyncadd.s32 $0xFFFFC800  }
0x1d0: {  	v6 =	vld [tilespmem:s1+$0x1010]  }
0x1d1: {  	v7 =	vld [tilespmem:s1+$0x1000]  }
0x1d2: {  	v5 =	vld [tilespmem:s1+$0x4860]  }
0x1d3: {  	v9 =	vld [tilespmem:s1+$0x1020]  }
0x1d4: {  	v11 =	vld [tilespmem:s1+$0x1030]  }
0x1d5: {  	v8 =	vld [tilespmem:s1+$0x4830]  }
0x1d6: {  	v13 =	vld [tilespmem:s1+$0x4800]  }
0x1d7: {  	v12 =	vld [tilespmem:s1+$0x1040];
	v14 =	vmul.f32 v7, v5  }
0x1d8: {  	v7 =	vld [tilespmem:s1+$0x4840];
	v10 =	vmul.f32 v6, v5  }
0x1d9: {  	v6 =	vld [tilespmem:s1+$0x4820];
	v9 =	vmul.f32 v9, v5;
	[tilespmem:s1+$0x1000] =	vst v14;
	v15 =	vmul.f32 v14, v2  }
0x1da: {  	s9 =	simm.s32 $0x200;
	v11 =	vmul.f32 v11, v5;
	[tilespmem:s1+$0x1010] =	vst v10;
	v14 =	vld [tilespmem:s1+$0x4810]  }
.LBB2_13:
0x1db: {  	s15 =	sshra.s32 s9, $0x2;
	p0 =	sne.s32 s9, $0xDE00;
	s9 =	sadd.s32 $0x200, s9;
	v13 =	vadd.f32 v15, v13;
	[tilespmem:s1+$0x1020] =	vst v9;
	v15 =	vld [tilespmem:s1+$0x4850]  }
0x1dc: {  	v17 =	vmul.f32 v11, v2;
	v16 =	vld [tilespmem:s15+$0x1010];
	v12 =	vmul.f32 v12, v5  }
0x1dd: {  	v10 =	vmul.f32 v10, v2;
	v18 =	vld [tilespmem:s15+$0x1000];
	[tilespmem:s1+$0x4800] =	vst v13  }
0x1de: {  	v8 =	vadd.f32 v17, v8;
	v5 =	vld [tilespmem:s15+$0x4860];
	[tilespmem:s1+$0x1040] =	vst v12;
	v13 =	vmul.f32 v12, v3;
	v12 =	vmul.f32 v12, v4  }
0x1df: {  	v17 =	vld [tilespmem:s15+$0x1020];
	v10 =	vadd.f32 v10, v14;
	[tilespmem:s1+$0x1030] =	vst v11  }
0x1e0: {  	v9 =	vmul.f32 v9, v2;
	v11 =	vld [tilespmem:s15+$0x1030];
	[tilespmem:s1+$0x4830] =	vst v8;
	v7 =	vadd.f32 v13, v7;
	v14 =	vadd.f32 v15, v12  }
0x1e1: {  	v8 =	vld [tilespmem:s15+$0x4830];
	[tilespmem:s1+$0x4810] =	vst v10  }
.Ltmp5:
0x1e2: {  	v6 =	vadd.f32 v9, v6;
	v13 =	vld [tilespmem:s15+$0x4800];
	[tilespmem:s1+$0x4840] =	vst v7;
	(pc) =	sbr.rel @p0 .LBB2_13-.Ltmp5, $4  }
0x1e3: {  	v15 =	vmul.f32 v18, v5;
	v10 =	vmul.f32 v16, v5;
	v12 =	vld [tilespmem:s15+$0x1040];
	[tilespmem:s1+$0x4850] =	vst v14  }
0x1e4: {  	v9 =	vmul.f32 v17, v5;
	v7 =	vld [tilespmem:s15+$0x4840];
	[tilespmem:s1+$0x4820] =	vst v6;
	s1 =	smov.u32 s15  }
0x1e5: {  	[tilespmem:s1+$0x1000] =	vst v15;
	v15 =	vmul.f32 v15, v2;
	v6 =	vld [tilespmem:s1+$0x4820];
	v11 =	vmul.f32 v11, v5  }
0x1e6: {  	[tilespmem:s1+$0x1010] =	vst v10;
	v14 =	vld [tilespmem:s1+$0x4810]  }
0x1e7: {  	v13 =	vadd.f32 v15, v13;
	[tilespmem:s1+$0x1020] =	vst v9;
	v16 =	vmul.f32 v11, v2  }
0x1e8: {  	v15 =	vld [tilespmem:s1+$0x4850];
	[tilespmem:s1+$0x1030] =	vst v11;
	v9 =	vmul.f32 v9, v2;
	v5 =	vmul.f32 v12, v5  }
0x1e9: {  	v10 =	vmul.f32 v10, v2;
	[tilespmem:s1+$0x4800] =	vst v13;
	v8 =	vadd.f32 v16, v8  }
0x1ea: {  	[tilespmem:s1+$0x1040] =	vst v5;
	v12 =	vmul.f32 v5, v3;
	v6 =	vadd.f32 v9, v6  }
0x1eb: {  	v5 =	vmul.f32 v5, v4;
	v10 =	vadd.f32 v10, v14;
	[tilespmem:s1+$0x4830] =	vst v8  }
0x1ec: {  	v7 =	vadd.f32 v12, v7;
	[tilespmem:s1+$0x4820] =	vst v6  }
0x1ed: {  	v5 =	vadd.f32 v15, v5;
	[tilespmem:s1+$0x4810] =	vst v10  }
0x1ee: {  	[tilespmem:s1+$0x4840] =	vst v7  }
0x1ef: {  	s9 =	rddreg [dreg:$0xa];
	[tilespmem:s1+$0x4850] =	vst v5;
	s1 =	simm.s32 $0x0  }
0x1f0: {  	[hbm4b:s9+s1] =	stream.linear.scatter [tilespmem:s18], [sflag:$0x5], $0x3800, $0x38;
	[tilespmem:$0x1FC00] =	vst v63  }
0x1f1: {  	_ = 	snop  }
0x1f2: {  	[hbm4b:s31+s1] =	stream.linear.scatter [tilespmem:s21], [sflag:$0x6], $0x3800, $0x38;
	[tilespmem:$0x1FC00] =	vst v63  }
0x1f3: {  	_ =	swait.ge [sflag:s24], $0x3800  }
0x1f4: {  	[sflag:s24] =	ssyncset.done $0x0  }
0x1f5: {  	[sflag:s24] =	ssyncadd.s32 $0xFFFFC800  }
0x1f6: {  	_ =	swait.ge [sflag:s2], $0x3800  }
0x1f7: {  	s15 =	sld [smem:$0x7FB]  }
0x1f8: {  	[sflag:s2] =	ssyncset.done $0x0  }
0x1f9: {  	[sflag:s2] =	ssyncadd.s32 $0xFFFFC800  }
0x1fa: {  	[tilespmem:s18], [sflag:$0x2] =	stream.linear.gather [spmem:s15], $0x3800, $0x38;
	[tilespmem:$0x1FC00] =	vst v63  }
0x1fb: {  	s15 =	rddreg [dreg:$0x10]  }
0x1fc: {  	[tilespmem:s21], [sflag:$0x3] =	stream.linear.gather [hbm4b:s15+s1], $0x3800, $0x38;
	[tilespmem:$0x1FC00] =	vst v63  }
0x1fd: {  	_ =	swait.ge [sflag:s29], $0x3800  }
0x1fe: {  	[sflag:s29] =	ssyncset.done $0x0  }
0x1ff: {  	[sflag:s29] =	ssyncadd.s32 $0xFFFFC800  }
0x200: {  	_ =	swait.ge [sflag:s17], $0x3800  }
0x201: {  	[sflag:s17] =	ssyncset.done $0x0  }
0x202: {  	s1 =	simm.s32 $0x0;
	[sflag:s17] =	ssyncadd.s32 $0xFFFFC800  }
0x203: {  	v6 =	vld [tilespmem:s1+$0x1010]  }
0x204: {  	v7 =	vld [tilespmem:s1+$0x1000]  }
0x205: {  	v5 =	vld [tilespmem:s1+$0x4860]  }
0x206: {  	v9 =	vld [tilespmem:s1+$0x1020]  }
0x207: {  	v11 =	vld [tilespmem:s1+$0x1030]  }
0x208: {  	v8 =	vld [tilespmem:s1+$0x4830]  }
0x209: {  	v13 =	vld [tilespmem:s1+$0x4800]  }
0x20a: {  	v12 =	vld [tilespmem:s1+$0x1040];
	v14 =	vmul.f32 v7, v5  }
0x20b: {  	v7 =	vld [tilespmem:s1+$0x4840];
	v10 =	vmul.f32 v6, v5  }
0x20c: {  	v6 =	vld [tilespmem:s1+$0x4820];
	v9 =	vmul.f32 v9, v5;
	[tilespmem:s1+$0x1000] =	vst v14;
	v15 =	vmul.f32 v14, v2  }
0x20d: {  	s9 =	simm.s32 $0x200;
	v11 =	vmul.f32 v11, v5;
	[tilespmem:s1+$0x1010] =	vst v10;
	v14 =	vld [tilespmem:s1+$0x4810]  }
.LBB2_15:
0x20e: {  	s15 =	sshra.s32 s9, $0x2;
	p0 =	sne.s32 s9, $0xDE00;
	s9 =	sadd.s32 $0x200, s9;
	v13 =	vadd.f32 v15, v13;
	[tilespmem:s1+$0x1020] =	vst v9;
	v15 =	vld [tilespmem:s1+$0x4850]  }
0x20f: {  	v17 =	vmul.f32 v11, v2;
	v16 =	vld [tilespmem:s15+$0x1010];
	v12 =	vmul.f32 v12, v5  }
0x210: {  	v10 =	vmul.f32 v10, v2;
	v18 =	vld [tilespmem:s15+$0x1000];
	[tilespmem:s1+$0x4800] =	vst v13  }
0x211: {  	v8 =	vadd.f32 v17, v8;
	v5 =	vld [tilespmem:s15+$0x4860];
	[tilespmem:s1+$0x1040] =	vst v12;
	v13 =	vmul.f32 v12, v3;
	v12 =	vmul.f32 v12, v4  }
0x212: {  	v17 =	vld [tilespmem:s15+$0x1020];
	v10 =	vadd.f32 v10, v14;
	[tilespmem:s1+$0x1030] =	vst v11  }
0x213: {  	v9 =	vmul.f32 v9, v2;
	v11 =	vld [tilespmem:s15+$0x1030];
	[tilespmem:s1+$0x4830] =	vst v8;
	v7 =	vadd.f32 v13, v7;
	v14 =	vadd.f32 v15, v12  }
0x214: {  	v8 =	vld [tilespmem:s15+$0x4830];
	[tilespmem:s1+$0x4810] =	vst v10  }
.Ltmp6:
0x215: {  	v6 =	vadd.f32 v9, v6;
	v13 =	vld [tilespmem:s15+$0x4800];
	[tilespmem:s1+$0x4840] =	vst v7;
	(pc) =	sbr.rel @p0 .LBB2_15-.Ltmp6, $4  }
0x216: {  	v15 =	vmul.f32 v18, v5;
	v10 =	vmul.f32 v16, v5;
	v12 =	vld [tilespmem:s15+$0x1040];
	[tilespmem:s1+$0x4850] =	vst v14  }
0x217: {  	v9 =	vmul.f32 v17, v5;
	v7 =	vld [tilespmem:s15+$0x4840];
	[tilespmem:s1+$0x4820] =	vst v6;
	s1 =	smov.u32 s15  }
0x218: {  	[tilespmem:s1+$0x1000] =	vst v15;
	v15 =	vmul.f32 v15, v2;
	v6 =	vld [tilespmem:s1+$0x4820];
	v11 =	vmul.f32 v11, v5  }
0x219: {  	[tilespmem:s1+$0x1010] =	vst v10;
	v14 =	vld [tilespmem:s1+$0x4810]  }
0x21a: {  	v13 =	vadd.f32 v15, v13;
	[tilespmem:s1+$0x1020] =	vst v9;
	v16 =	vmul.f32 v11, v2  }
0x21b: {  	v15 =	vld [tilespmem:s1+$0x4850];
	[tilespmem:s1+$0x1030] =	vst v11;
	v9 =	vmul.f32 v9, v2;
	v5 =	vmul.f32 v12, v5  }
0x21c: {  	v10 =	vmul.f32 v10, v2;
	[tilespmem:s1+$0x4800] =	vst v13;
	v8 =	vadd.f32 v16, v8  }
0x21d: {  	[tilespmem:s1+$0x1040] =	vst v5;
	v12 =	vmul.f32 v5, v3;
	v6 =	vadd.f32 v9, v6  }
0x21e: {  	v5 =	vmul.f32 v5, v4;
	v10 =	vadd.f32 v10, v14;
	[tilespmem:s1+$0x4830] =	vst v8  }
0x21f: {  	v7 =	vadd.f32 v12, v7;
	[tilespmem:s1+$0x4820] =	vst v6  }
0x220: {  	v5 =	vadd.f32 v15, v5;
	[tilespmem:s1+$0x4810] =	vst v10  }
0x221: {  	[tilespmem:s1+$0x4840] =	vst v7  }
0x222: {  	s9 =	rddreg [dreg:$0xe];
	[tilespmem:s1+$0x4850] =	vst v5;
	s1 =	simm.s32 $0x0  }
0x223: {  	[hbm4b:s9+s1] =	stream.linear.scatter [tilespmem:s18], [sflag:$0x5], $0x3800, $0x38;
	[tilespmem:$0x1FC00] =	vst v63  }
0x224: {  	s15 =	rddreg [dreg:$0x10]  }
0x225: {  	[hbm4b:s15+s1] =	stream.linear.scatter [tilespmem:s21], [sflag:$0x6], $0x3800, $0x38;
	[tilespmem:$0x1FC00] =	vst v63  }
0x226: {  	_ =	swait.ge [sflag:s24], $0x3800  }
0x227: {  	[sflag:s24] =	ssyncset.done $0x0  }
0x228: {  	[sflag:s24] =	ssyncadd.s32 $0xFFFFC800  }
0x229: {  	_ =	swait.ge [sflag:s2], $0x3800  }
0x22a: {  	s15 =	sld [smem:$0x7FC]  }
0x22b: {  	[sflag:s2] =	ssyncset.done $0x0  }
0x22c: {  	[sflag:s2] =	ssyncadd.s32 $0xFFFFC800  }
0x22d: {  	[tilespmem:s18], [sflag:$0x2] =	stream.linear.gather [spmem:s15], $0x3800, $0x38;
	[tilespmem:$0x1FC00] =	vst v63  }
0x22e: {  	s15 =	rddreg [dreg:$0x17]  }
0x22f: {  	[tilespmem:s21], [sflag:$0x3] =	stream.linear.gather [hbm4b:s15+s1], $0x3800, $0x38;
	[tilespmem:$0x1FC00] =	vst v63  }
0x230: {  	_ =	swait.ge [sflag:s29], $0x3800  }
0x231: {  	[sflag:s29] =	ssyncset.done $0x0  }
0x232: {  	[sflag:s29] =	ssyncadd.s32 $0xFFFFC800  }
0x233: {  	_ =	swait.ge [sflag:s17], $0x3800  }
0x234: {  	[sflag:s17] =	ssyncset.done $0x0  }
0x235: {  	s1 =	simm.s32 $0x0;
	[sflag:s17] =	ssyncadd.s32 $0xFFFFC800  }
0x236: {  	v6 =	vld [tilespmem:s1+$0x1010]  }
0x237: {  	v7 =	vld [tilespmem:s1+$0x1000]  }
0x238: {  	v5 =	vld [tilespmem:s1+$0x4860]  }
0x239: {  	v9 =	vld [tilespmem:s1+$0x1020]  }
0x23a: {  	v11 =	vld [tilespmem:s1+$0x1030]  }
0x23b: {  	v8 =	vld [tilespmem:s1+$0x4830]  }
0x23c: {  	v13 =	vld [tilespmem:s1+$0x4800]  }
0x23d: {  	v12 =	vld [tilespmem:s1+$0x1040];
	v14 =	vmul.f32 v7, v5  }
0x23e: {  	v7 =	vld [tilespmem:s1+$0x4840];
	v10 =	vmul.f32 v6, v5  }
0x23f: {  	v6 =	vld [tilespmem:s1+$0x4820];
	v9 =	vmul.f32 v9, v5;
	[tilespmem:s1+$0x1000] =	vst v14;
	v15 =	vmul.f32 v14, v2  }
0x240: {  	s9 =	simm.s32 $0x200;
	v11 =	vmul.f32 v11, v5;
	[tilespmem:s1+$0x1010] =	vst v10;
	v14 =	vld [tilespmem:s1+$0x4810]  }
.LBB2_17:
0x241: {  	s15 =	sshra.s32 s9, $0x2;
	p0 =	sne.s32 s9, $0xDE00;
	s9 =	sadd.s32 $0x200, s9;
	v13 =	vadd.f32 v15, v13;
	[tilespmem:s1+$0x1020] =	vst v9;
	v15 =	vld [tilespmem:s1+$0x4850]  }
0x242: {  	v17 =	vmul.f32 v11, v2;
	v16 =	vld [tilespmem:s15+$0x1010];
	v12 =	vmul.f32 v12, v5  }
0x243: {  	v10 =	vmul.f32 v10, v2;
	v18 =	vld [tilespmem:s15+$0x1000];
	[tilespmem:s1+$0x4800] =	vst v13  }
0x244: {  	v8 =	vadd.f32 v17, v8;
	v5 =	vld [tilespmem:s15+$0x4860];
	[tilespmem:s1+$0x1040] =	vst v12;
	v13 =	vmul.f32 v12, v3;
	v12 =	vmul.f32 v12, v4  }
0x245: {  	v17 =	vld [tilespmem:s15+$0x1020];
	v10 =	vadd.f32 v10, v14;
	[tilespmem:s1+$0x1030] =	vst v11  }
0x246: {  	v9 =	vmul.f32 v9, v2;
	v11 =	vld [tilespmem:s15+$0x1030];
	[tilespmem:s1+$0x4830] =	vst v8;
	v7 =	vadd.f32 v13, v7;
	v14 =	vadd.f32 v15, v12  }
0x247: {  	v8 =	vld [tilespmem:s15+$0x4830];
	[tilespmem:s1+$0x4810] =	vst v10  }
.Ltmp7:
0x248: {  	v6 =	vadd.f32 v9, v6;
	v13 =	vld [tilespmem:s15+$0x4800];
	[tilespmem:s1+$0x4840] =	vst v7;
	(pc) =	sbr.rel @p0 .LBB2_17-.Ltmp7, $4  }
0x249: {  	v15 =	vmul.f32 v18, v5;
	v10 =	vmul.f32 v16, v5;
	v12 =	vld [tilespmem:s15+$0x1040];
	[tilespmem:s1+$0x4850] =	vst v14  }
0x24a: {  	v9 =	vmul.f32 v17, v5;
	v7 =	vld [tilespmem:s15+$0x4840];
	[tilespmem:s1+$0x4820] =	vst v6;
	s1 =	smov.u32 s15  }
0x24b: {  	[tilespmem:s1+$0x1000] =	vst v15;
	v15 =	vmul.f32 v15, v2;
	v6 =	vld [tilespmem:s1+$0x4820];
	v11 =	vmul.f32 v11, v5  }
0x24c: {  	[tilespmem:s1+$0x1010] =	vst v10;
	v14 =	vld [tilespmem:s1+$0x4810]  }
0x24d: {  	v13 =	vadd.f32 v15, v13;
	[tilespmem:s1+$0x1020] =	vst v9;
	v16 =	vmul.f32 v11, v2  }
0x24e: {  	v15 =	vld [tilespmem:s1+$0x4850];
	[tilespmem:s1+$0x1030] =	vst v11;
	v9 =	vmul.f32 v9, v2;
	v5 =	vmul.f32 v12, v5  }
0x24f: {  	v10 =	vmul.f32 v10, v2;
	[tilespmem:s1+$0x4800] =	vst v13;
	v8 =	vadd.f32 v16, v8  }
0x250: {  	[tilespmem:s1+$0x1040] =	vst v5;
	v12 =	vmul.f32 v5, v3;
	v6 =	vadd.f32 v9, v6  }
0x251: {  	v5 =	vmul.f32 v5, v4;
	v10 =	vadd.f32 v10, v14;
	[tilespmem:s1+$0x4830] =	vst v8  }
0x252: {  	v7 =	vadd.f32 v12, v7;
	[tilespmem:s1+$0x4820] =	vst v6  }
0x253: {  	v5 =	vadd.f32 v15, v5;
	[tilespmem:s1+$0x4810] =	vst v10  }
0x254: {  	[tilespmem:s1+$0x4840] =	vst v7  }
0x255: {  	s9 =	rddreg [dreg:$0x15];
	[tilespmem:s1+$0x4850] =	vst v5;
	s1 =	simm.s32 $0x0  }
0x256: {  	[hbm4b:s9+s1] =	stream.linear.scatter [tilespmem:s18], [sflag:$0x5], $0x3800, $0x38;
	[tilespmem:$0x1FC00] =	vst v63  }
0x257: {  	s15 =	rddreg [dreg:$0x17]  }
0x258: {  	[hbm4b:s15+s1] =	stream.linear.scatter [tilespmem:s21], [sflag:$0x6], $0x3800, $0x38;
	[tilespmem:$0x1FC00] =	vst v63  }
0x259: {  	_ =	swait.ge [sflag:s24], $0x3800  }
0x25a: {  	[sflag:s24] =	ssyncset.done $0x0  }
0x25b: {  	[sflag:s24] =	ssyncadd.s32 $0xFFFFC800  }
0x25c: {  	_ =	swait.ge [sflag:s2], $0x3800  }
0x25d: {  	s15 =	sld [smem:$0x7FD]  }
0x25e: {  	[sflag:s2] =	ssyncset.done $0x0  }
0x25f: {  	[sflag:s2] =	ssyncadd.s32 $0xFFFFC800  }
0x260: {  	[tilespmem:s18], [sflag:$0x2] =	stream.linear.gather [spmem:s15], $0x2400, $0x38;
	[tilespmem:$0x1FC00] =	vst v63  }
0x261: {  	s15 =	rddreg [dreg:$0x1a]  }
0x262: {  	[tilespmem:s21], [sflag:$0x3] =	stream.linear.gather [hbm4b:s15+s1], $0x2400, $0x38;
	[tilespmem:$0x1FC00] =	vst v63  }
0x263: {  	_ =	swait.ge [sflag:s29], $0x2400  }
0x264: {  	[sflag:s29] =	ssyncset.done $0x0  }
0x265: {  	[sflag:s29] =	ssyncadd.s32 $0xFFFFDC00  }
0x266: {  	_ =	swait.ge [sflag:s17], $0x2400  }
0x267: {  	[sflag:s17] =	ssyncset.done $0x0  }
0x268: {  	s1 =	simm.s32 $0x0;
	[sflag:s17] =	ssyncadd.s32 $0xFFFFDC00  }
0x269: {  	v6 =	vld [tilespmem:s1+$0x1010]  }
0x26a: {  	v7 =	vld [tilespmem:s1+$0x1000]  }
0x26b: {  	v5 =	vld [tilespmem:s1+$0x4860]  }
0x26c: {  	v9 =	vld [tilespmem:s1+$0x1020]  }
0x26d: {  	v11 =	vld [tilespmem:s1+$0x1030]  }
0x26e: {  	v8 =	vld [tilespmem:s1+$0x4830]  }
0x26f: {  	v13 =	vld [tilespmem:s1+$0x4800]  }
0x270: {  	v12 =	vld [tilespmem:s1+$0x1040];
	v14 =	vmul.f32 v7, v5  }
0x271: {  	v7 =	vld [tilespmem:s1+$0x4840];
	v10 =	vmul.f32 v6, v5  }
0x272: {  	v6 =	vld [tilespmem:s1+$0x4820];
	v9 =	vmul.f32 v9, v5;
	[tilespmem:s1+$0x1000] =	vst v14;
	v15 =	vmul.f32 v14, v2  }
0x273: {  	s9 =	simm.s32 $0x200;
	v11 =	vmul.f32 v11, v5;
	[tilespmem:s1+$0x1010] =	vst v10;
	v14 =	vld [tilespmem:s1+$0x4810]  }
.LBB2_19:
0x274: {  	s15 =	sshra.s32 s9, $0x2;
	p0 =	sne.s32 s9, $0x8E00;
	s9 =	sadd.s32 $0x200, s9;
	v13 =	vadd.f32 v15, v13;
	[tilespmem:s1+$0x1020] =	vst v9;
	v15 =	vld [tilespmem:s1+$0x4850]  }
0x275: {  	v17 =	vmul.f32 v11, v2;
	v16 =	vld [tilespmem:s15+$0x1010];
	v12 =	vmul.f32 v12, v5  }
0x276: {  	v10 =	vmul.f32 v10, v2;
	v18 =	vld [tilespmem:s15+$0x1000];
	[tilespmem:s1+$0x4800] =	vst v13  }
0x277: {  	v8 =	vadd.f32 v17, v8;
	v5 =	vld [tilespmem:s15+$0x4860];
	[tilespmem:s1+$0x1040] =	vst v12;
	v13 =	vmul.f32 v12, v3;
	v12 =	vmul.f32 v12, v4  }
0x278: {  	v17 =	vld [tilespmem:s15+$0x1020];
	v10 =	vadd.f32 v10, v14;
	[tilespmem:s1+$0x1030] =	vst v11  }
0x279: {  	v9 =	vmul.f32 v9, v2;
	v11 =	vld [tilespmem:s15+$0x1030];
	[tilespmem:s1+$0x4830] =	vst v8;
	v7 =	vadd.f32 v13, v7;
	v14 =	vadd.f32 v15, v12  }
0x27a: {  	v8 =	vld [tilespmem:s15+$0x4830];
	[tilespmem:s1+$0x4810] =	vst v10  }
.Ltmp8:
0x27b: {  	v6 =	vadd.f32 v9, v6;
	v13 =	vld [tilespmem:s15+$0x4800];
	[tilespmem:s1+$0x4840] =	vst v7;
	(pc) =	sbr.rel @p0 .LBB2_19-.Ltmp8, $4  }
0x27c: {  	v15 =	vmul.f32 v18, v5;
	v10 =	vmul.f32 v16, v5;
	v12 =	vld [tilespmem:s15+$0x1040];
	[tilespmem:s1+$0x4850] =	vst v14  }
0x27d: {  	v9 =	vmul.f32 v17, v5;
	v7 =	vld [tilespmem:s15+$0x4840];
	[tilespmem:s1+$0x4820] =	vst v6;
	s1 =	smov.u32 s15  }
0x27e: {  	[tilespmem:s1+$0x1000] =	vst v15;
	v15 =	vmul.f32 v15, v2;
	v6 =	vld [tilespmem:s1+$0x4820];
	v11 =	vmul.f32 v11, v5  }
0x27f: {  	[tilespmem:s1+$0x1010] =	vst v10;
	v14 =	vld [tilespmem:s1+$0x4810]  }
0x280: {  	v13 =	vadd.f32 v15, v13;
	[tilespmem:s1+$0x1020] =	vst v9;
	v16 =	vmul.f32 v11, v2;
	v10 =	vmul.f32 v10, v2  }
0x281: {  	v62 =	vld [tilespmem:s1+$0x4850];
	[tilespmem:s1+$0x1030] =	vst v11;
	v2 =	vmul.f32 v9, v2;
	v5 =	vmul.f32 v12, v5  }
0x282: {  	[tilespmem:s1+$0x4800] =	vst v13;
	v8 =	vadd.f32 v16, v8  }
0x283: {  	[tilespmem:s1+$0x1040] =	vst v5;
	v3 =	vmul.f32 v5, v3;
	v2 =	vadd.f32 v2, v6  }
0x284: {  	v4 =	vmul.f32 v5, v4;
	v63 =	vadd.f32 v10, v14;
	[tilespmem:s1+$0x4830] =	vst v8  }
0x285: {  	v3 =	vadd.f32 v3, v7;
	[tilespmem:s1+$0x4820] =	vst v2  }
0x286: {  	v4 =	vadd.f32 v62, v4;
	[tilespmem:s1+$0x4810] =	vst v63  }
0x287: {  	[tilespmem:s1+$0x4840] =	vst v3  }
0x288: {  	s15 =	rddreg [dreg:$0x1b];
	[tilespmem:s1+$0x4850] =	vst v4  }
0x289: {  	[hbm4b:s15+s4] =	stream.linear.scatter [tilespmem:s18], [sflag:$0x5], $0x2400, $0x38;
	[tilespmem:$0x1FC00] =	vst v63  }
0x28a: {  	s9 =	rddreg [dreg:$0x1a]  }
0x28b: {  	[hbm4b:s9+s4] =	stream.linear.scatter [tilespmem:s21], [sflag:$0x6], $0x2400, $0x38;
	[tilespmem:$0x1FC00] =	vst v63  }
0x28c: {  	_ =	swait.ge [sflag:s24], $0x2400  }
0x28d: {  	[sflag:s24] =	ssyncset.done $0x0  }
0x28e: {  	[sflag:s24] =	ssyncadd.s32 $0xFFFFDC00  }
0x28f: {  	_ =	swait.ge [sflag:s2], $0x2400  }
0x290: {  	s15 =	sld [smem:$0x7FA];
	_ =	sdelay $0x2  }
0x291: {  	s1 =	sadd.s32 $0x1, s15  }
0x292: {  	p0 =	sne.s32 s1, $0x15  }
.Ltmp9:
0x293: {  	_ = 	snop;
	(pc) =	sbr.rel @p0 .LBB2_2-.Ltmp9, $3  }
0x294: {  	_ =	sdelay $0x1  }
0x295: {  	[sflag:s2] =	ssyncset.done $0x0  }
0x296: {  	[sflag:s2] =	ssyncadd.s32 $0xFFFFDC00;
	[smem:$0x7FA] =	sst s1  }
0x297: {  	s9 =	sld [smem:$0x7F9];
	_ =	sdelay $0x2  }
0x298: {  	s1 =	rddreg [dreg:$0x1d];
	s9 =	sadd.s32 $0x1, s9  }
0x299: {  	p0 =	sne.s32 s9, s1  }
.Ltmp10:
0x29a: {  	_ = 	snop;
	(pc) =	sbr.rel @p0 .LBB2_1-.Ltmp10, $1  }
0x29b: {  	_ =	sdelay $0x3  }
0x29c: {  	_ =	sfence.sel $0x180000  }
0x29d: {  	[bflag:$0x0] =	sbarrier.arrive $0xFFFF  }
0x29e: {  	_ =	strace $0x9000004A  }
0x29f: {  	s0 =	stileid.u32;
	[bflag:$0x2] =	sbarrier.arrive $0xFFFF  }
0x2a0: {  	p0 =	sne.s32 s0, $0x0;
	s0 =	rddreg [dreg:$0x3]  }
0x2a1: {  	s0 =	sadd.s32 @!p0 $0x100000, s0  }
0x2a2: {  	[sflag:s0] =	ssyncadd.tile.s32 @!p0 $0x1;
	_ =	shalt  }
.Lfunc_end2:
_tile_overlayer_lowered:
.L_overlay_start_2:
0x2a3: {  	(tag) =	ssettag $0x2  }
0x2a4: {  	s0 =	rddreg [dreg:$0x0];
	s2 =	stileid.u32  }
0x2a5: {  	s1 =	rddreg [dreg:$0x1];
	p0 =	sne.s32 s2, $0x0  }
0x2a6: {  	s3 =	rddreg [dreg:$0x2];
	[bflag:$0x3] =	sbarrier.arrive $0xFFFF;
	s2 =	simm.s32 @!p0 $0x1C08  }
0x2a7: {  	[timem:s3], [sflag:s2] =	dma.local @!p0 [hbm:s0], s1  }
0x2a8: {  	s0 =	simm.s32 @!p0 $0x8  }
0x2a9: {  	_ =	swait.ge @!p0 [sflag:s0], s1  }
0x2aa: {  	s1 =	ssub.s32 @!p0 $0x0, s1;
	[sflag:s0] =	ssyncset.done @!p0 $0x0  }
0x2ab: {  	[sflag:s0] =	ssyncadd.s32 @!p0 s1  }
0x2ac: {  	[bflag:$0x3] =	sbarrier.arrive $0xFFFF  }
0x2ad: {  	_ =	shalt  }

</sc_bundles>
